<compile_context>
chip_gen: v7x
topology: tpu7x:2x2x1
jax: 0.10.2.dev20260603
libtpu: 0.0.44.dev20260713+nightly
codegen_flags: <defaults>
</compile_context>

<pallas_src>
import functools

import jax
import jax.numpy as jnp
from jax import lax
from jax.experimental import pallas as pl
from jax.experimental.pallas import tpu as pltpu
from jax.experimental.pallas import tpu_sc as plsc

N = 10000
E = 320000
D = 128
C = 64

NC = 2
NS = 16
NW = NC * NS
EPW = E // NW
CH1 = 80
NCH1 = EPW // CH1
CH2 = 80
NCH2 = EPW // CH2
RPT = N // NS
RBLK = 2000
L = 16


def _seg_sum_build(with_deg, chunk, nchunk):
    mesh = plsc.VectorSubcoreMesh(core_axis_name="c", subcore_axis_name="s")
    out_type = [jax.ShapeDtypeStruct((NC * N, D), jnp.float32)]
    scratch = [
        pltpu.VMEM_SHARED((N, D), jnp.float32),
        pltpu.VMEM((3, chunk), jnp.int32),
        pltpu.VMEM((3, chunk), jnp.int32),
        pltpu.VMEM((3, chunk, D), jnp.float32),
        pltpu.SemaphoreType.DMA,
        pltpu.SemaphoreType.DMA,
        pltpu.SemaphoreType.DMA,
        pltpu.SemaphoreType.DMA,
        pltpu.SemaphoreType.DMA,
        pltpu.SemaphoreType.DMA,
        pltpu.SemaphoreType.DMA,
    ]
    if with_deg:
        out_type.append(
            jax.ShapeDtypeStruct((N // RBLK, NW, RBLK), jnp.float32))
        scratch.append(pltpu.VMEM((N,), jnp.float32))

    @functools.partial(
        pl.kernel,
        mesh=mesh,
        out_type=out_type,
        compiler_params=pltpu.CompilerParams(use_tc_tiling_on_sc=False,
                                             needs_layout_passes=False),
        scratch_types=scratch,
    )
    def seg_sum(src_hbm, dst_hbm, table_hbm, zeros_hbm, out_hbm, *rest):
        if with_deg:
            (deg_hbm, acc_sh, sidx_v, didx_v, rows_v, sem_g,
             sem_s0, sem_s1, sem_s2, sem_i0, sem_i1, sem_i2, deg_v) = rest
        else:
            (acc_sh, sidx_v, didx_v, rows_v, sem_g,
             sem_s0, sem_s1, sem_s2, sem_i0, sem_i1, sem_i2) = rest
        sem_s = [sem_s0, sem_s1, sem_s2]
        sem_i = [sem_i0, sem_i1, sem_i2]
        c = lax.axis_index("c")
        s = lax.axis_index("s")
        wid = s * NC + c

        r0 = s * RPT
        pltpu.sync_copy(zeros_hbm.at[pl.ds(r0, RPT)],
                        acc_sh.at[pl.ds(r0, RPT)])
        if with_deg:
            zv = jnp.zeros((L,), jnp.float32)

            def zero_body(i, carry):
                deg_v[pl.ds(i * L, L)] = zv
                return carry
            lax.fori_loop(0, N // L, zero_body, 0)
        plsc.subcore_barrier()

        def idx_load(i, b):
            pltpu.async_copy(src_hbm.at[wid].at[i], sidx_v.at[b], sem_i[b])
            pltpu.async_copy(dst_hbm.at[wid].at[i], didx_v.at[b], sem_i[b])

        def idx_wait(i, b):
            pltpu.make_async_copy(src_hbm.at[wid].at[i], sidx_v.at[b],
                                  sem_i[b]).wait()
            pltpu.make_async_copy(dst_hbm.at[wid].at[i], didx_v.at[b],
                                  sem_i[b]).wait()

        def gather(b):
            pltpu.async_copy(table_hbm.at[sidx_v.at[b]], rows_v.at[b],
                             sem_g)

        def gather_wait(b):
            pltpu.make_async_copy(table_hbm.at[sidx_v.at[b]], rows_v.at[b],
                                  sem_g).wait()

        def scatter(b):
            pltpu.async_copy(rows_v.at[b], acc_sh.at[didx_v.at[b]],
                             sem_s[b], add=True)

        def scatter_wait(b):
            pltpu.make_async_copy(rows_v.at[b], acc_sh.at[didx_v.at[b]],
                                  sem_s[b]).wait()

        if with_deg:
            ones = jnp.ones((L,), jnp.float32)

            def count(b):
                for j in range(chunk // L):
                    dv = didx_v[b, pl.ds(j * L, L)]
                    plsc.addupdate_scatter(deg_v, [dv], ones)
        else:
            def count(b):
                pass

        def step(i, b, do_sw, il_i, iw_g_i):
            gather_wait(b)
            scatter(b)
            if do_sw:
                scatter_wait((b + 2) % 3)
            if il_i is not None:
                idx_load(il_i, (b + 2) % 3)
            if iw_g_i is not None:
                idx_wait(iw_g_i, (b + 1) % 3)
                gather((b + 1) % 3)
            count(b)

        idx_load(0, 0)
        idx_load(1, 1)
        idx_wait(0, 0)
        gather(0)
        step(0, 0, False, 2, 1)

        def tri(t, carry):
            i0 = 3 * t + 1
            step(i0, 1, True, i0 + 2, i0 + 1)
            step(i0 + 1, 2, True, i0 + 3, i0 + 2)
            step(i0 + 2, 0, True, i0 + 4, i0 + 3)
            return carry

        lax.fori_loop(0, (nchunk - 5) // 3, tri, 0)

        last = nchunk - 1
        b0 = (last - 3) % 3
        step(last - 3, b0, True, last - 1, last - 2)
        step(last - 2, (b0 + 1) % 3, True, last, last - 1)
        step(last - 1, (b0 + 2) % 3, True, None, last)
        step(last, b0, True, None, None)
        scatter_wait(b0)

        plsc.subcore_barrier()
        pltpu.sync_copy(acc_sh.at[pl.ds(r0, RPT)],
                        out_hbm.at[pl.ds(c * N + r0, RPT)])
        if with_deg:
            for k in range(N // RBLK):
                pltpu.sync_copy(deg_v.at[pl.ds(k * RBLK, RBLK)],
                                deg_hbm.at[k].at[wid])

    return seg_sum


_seg_sum1 = _seg_sum_build(True, CH1, NCH1)
_seg_sum2 = _seg_sum_build(False, CH2, NCH2)


def _post1_body(p_ref, dp_ref, x_ref, wl_ref, wr_ref, b_ref, wr2_ref, b2_ref,
                h_ref, hr_ref, deg_ref):
    agg = p_ref[0] + p_ref[1]
    deg = jnp.sum(dp_ref[0], axis=0).reshape(RBLK, 1)
    mean = agg * (1.0 / jnp.maximum(deg, 1.0))
    h = jnp.dot(mean, wl_ref[...], preferred_element_type=jnp.float32)
    h = h + jnp.dot(x_ref[...], wr_ref[...],
                    preferred_element_type=jnp.float32) + b_ref[...]
    h = jnp.maximum(h, 0.0)
    h_ref[...] = h
    hr_ref[...] = (jnp.dot(h, wr2_ref[...],
                           preferred_element_type=jnp.float32) + b2_ref[...])
    deg_ref[...] = jnp.broadcast_to(deg, (RBLK, 8))


def _post2_body(p_ref, hr_ref, deg_ref, wl_ref,
                w1_ref, bl1_ref, w2_ref, bl2_ref, o_ref):
    agg = p_ref[0] + p_ref[1]
    deg = deg_ref[...][:, :1]
    mean = agg * (1.0 / jnp.maximum(deg, 1.0))
    h = jnp.dot(mean, wl_ref[...], preferred_element_type=jnp.float32)
    h = jnp.maximum(h + hr_ref[...], 0.0)
    h = jnp.maximum(
        jnp.dot(h, w1_ref[...], preferred_element_type=jnp.float32)
        + bl1_ref[...], 0.0)
    o_ref[...] = (jnp.dot(h, w2_ref[...], preferred_element_type=jnp.float32)
                  + bl2_ref[...])


_mat_spec = pl.BlockSpec((D, D), lambda i: (0, 0))
_vec_spec = pl.BlockSpec((1, D), lambda i: (0, 0))
_h_spec = pl.BlockSpec((RBLK, D), lambda i: (i, 0))
_deg_spec = pl.BlockSpec((RBLK, 8), lambda i: (i, 0))
_p_spec = pl.BlockSpec((NC, RBLK, D), lambda i: (0, i, 0))

_post1 = pl.pallas_call(
    _post1_body,
    grid=(N // RBLK,),
    in_specs=[_p_spec,
              pl.BlockSpec((1, NW, RBLK), lambda i: (i, 0, 0)),
              _h_spec,
              _mat_spec, _mat_spec, _vec_spec, _mat_spec, _vec_spec],
    out_specs=[_h_spec, _h_spec, _deg_spec],
    out_shape=[jax.ShapeDtypeStruct((N, D), jnp.float32),
               jax.ShapeDtypeStruct((N, D), jnp.float32),
               jax.ShapeDtypeStruct((N, 8), jnp.float32)],
)

_post2 = pl.pallas_call(
    _post2_body,
    grid=(N // RBLK,),
    in_specs=[_p_spec,
              _h_spec, _deg_spec,
              _mat_spec,
              _mat_spec, _vec_spec,
              pl.BlockSpec((D, C), lambda i: (0, 0)),
              pl.BlockSpec((1, C), lambda i: (0, 0))],
    out_specs=pl.BlockSpec((RBLK, C), lambda i: (i, 0)),
    out_shape=jax.ShapeDtypeStruct((N, C), jnp.float32),
)


def kernel(x, edge_index, Wl1, Wr1, b1, Wl2, Wr2, b2, W1, bl1, W2, bl2):
    src = edge_index[0]
    dst = edge_index[1]
    src1 = src.reshape(NW, NCH1, CH1)
    dst1 = dst.reshape(NW, NCH1, CH1)
    src2 = src.reshape(NW, NCH2, CH2)
    dst2 = dst.reshape(NW, NCH2, CH2)
    zeros = jnp.zeros((N, D), jnp.float32)

    p1, dp = _seg_sum1(src1, dst1, x, zeros)
    h1, hr, deg = _post1(p1.reshape(NC, N, D), dp, x,
                         Wl1, Wr1, b1.reshape(1, D), Wr2, b2.reshape(1, D))
    p2, = _seg_sum2(src2, dst2, h1, zeros)
    out = _post2(p2.reshape(NC, N, D), hr, deg, Wl2,
                 W1, bl1.reshape(1, D), W2, bl2.reshape(1, C))
    return out

# --- scband reference (transcript-rebuilt; emitter-appended) ---
"""Pipeline reference for scband-graph-sage-62423054680566 (READ-ONLY COPY).

The authoritative reference and input builder live on the scoring server;
editing this copy changes nothing except your own understanding.
"""

import jax, jax.numpy as jnp
import numpy as np

N = 10000
E = 320000
D = 128
H = 128
C = 64


def setup_inputs(seed: int = 0) -> dict:
    key = jax.random.key(seed)
    ks = jax.random.split(key, 16)
    x = jax.random.normal(ks[0], (N, D), dtype=jnp.float32)
    edge_index = jax.random.randint(ks[1], (2, E), 0, N, dtype=jnp.int32)
    s = 0.05
    # SAGEConv layer 1: lin_l (applied to aggregated neighbors, has bias), lin_r (applied to self)
    Wl1 = jax.random.normal(ks[2], (D, H), dtype=jnp.float32) * s
    Wr1 = jax.random.normal(ks[3], (D, H), dtype=jnp.float32) * s
    b1 = jnp.zeros((H,), dtype=jnp.float32)
    # SAGEConv layer 2 (num_layers=2 -> one extra conv)
    Wl2 = jax.random.normal(ks[4], (H, H), dtype=jnp.float32) * s
    Wr2 = jax.random.normal(ks[5], (H, H), dtype=jnp.float32) * s
    b2 = jnp.zeros((H,), dtype=jnp.float32)
    # lin1, lin2
    W1 = jax.random.normal(ks[6], (H, H), dtype=jnp.float32) * s
    bl1 = jnp.zeros((H,), dtype=jnp.float32)
    W2 = jax.random.normal(ks[7], (H, C), dtype=jnp.float32) * s
    bl2 = jnp.zeros((C,), dtype=jnp.float32)
    return {
        "x": x, "edge_index": edge_index,
        "Wl1": Wl1, "Wr1": Wr1, "b1": b1,
        "Wl2": Wl2, "Wr2": Wr2, "b2": b2,
        "W1": W1, "bl1": bl1, "W2": W2, "bl2": bl2,
    }


def _sage_conv(x, edge_index, Wl, Wr, b):
    # PyG SAGEConv with mean aggregation:
    #   out = lin_l(mean_{j in N(i)} x_j) + lin_r(x_i)
    src = edge_index[0]
    dst = edge_index[1]
    msgs = jnp.take(x, src, axis=0)                      # gather source features
    agg = jax.ops.segment_sum(msgs, dst, num_segments=N) # scatter-add by destination
    deg = jax.ops.segment_sum(jnp.ones((msgs.shape[0],), x.dtype), dst, num_segments=N)
    mean = agg / jnp.maximum(deg, 1.0)[:, None]
    return mean @ Wl + b + x @ Wr


def reference(x, edge_index, Wl1, Wr1, b1, Wl2, Wr2, b2, W1, bl1, W2, bl2):
    h = jax.nn.relu(_sage_conv(x, edge_index, Wl1, Wr1, b1))
    h = jax.nn.relu(_sage_conv(h, edge_index, Wl2, Wr2, b2))
    h = jax.nn.relu(h @ W1 + bl1)
    # dropout p=0.5 is identity in eval mode
    out = h @ W2 + bl2
    return out

if __name__ == "__main__":
    import jax
    _d = setup_inputs()
    print(jax.jit(kernel)(*tuple(_d.values())))

</pallas_src>

<mosaic_0001>
#map = affine_map<(d0, d1) -> (0, 0, 0)>
#map1 = affine_map<(d0, d1) -> (0, 0)>
module attributes {stable_mosaic.version = 14 : i64} {
  func.func @seg_sum(%arg0: i32, %arg1: i32, %arg2: memref<32x125x80xi32, #tpu.memory_space<hbm>>, %arg3: memref<32x125x80xi32, #tpu.memory_space<hbm>>, %arg4: memref<10000x128xf32, #tpu.memory_space<hbm>>, %arg5: memref<10000x128xf32, #tpu.memory_space<hbm>>, %arg6: memref<20000x128xf32, #tpu.memory_space<hbm>>, %arg7: memref<5x32x2000xf32, #tpu.memory_space<hbm>>, %arg8: memref<10000x128xf32, #tpu.memory_space<vmem_shared>>, %arg9: memref<3x80xi32, #tpu.memory_space<vmem>>, %arg10: memref<3x80xi32, #tpu.memory_space<vmem>>, %arg11: memref<3x80x128xf32, #tpu.memory_space<vmem>>, %arg12: memref<!tpu.dma_semaphore, #tpu.memory_space<semaphore_mem>>, %arg13: memref<!tpu.dma_semaphore, #tpu.memory_space<semaphore_mem>>, %arg14: memref<!tpu.dma_semaphore, #tpu.memory_space<semaphore_mem>>, %arg15: memref<!tpu.dma_semaphore, #tpu.memory_space<semaphore_mem>>, %arg16: memref<!tpu.dma_semaphore, #tpu.memory_space<semaphore_mem>>, %arg17: memref<!tpu.dma_semaphore, #tpu.memory_space<semaphore_mem>>, %arg18: memref<!tpu.dma_semaphore, #tpu.memory_space<semaphore_mem>>, %arg19: memref<10000xf32, #tpu.memory_space<vmem>>) attributes {dimension_semantics = [#tpu.dimension_semantics<core_parallel>, #tpu.dimension_semantics<subcore_parallel>], iteration_bounds = array<i64: 2, 16>, scalar_prefetch = 0 : i64, scratch_operands = 12 : i64, tpu.core_type = #tpu.core_type<sc_vector_subcore>, window_params = [{transform_indices = #map}, {transform_indices = #map}, {transform_indices = #map1}, {transform_indices = #map1}, {transform_indices = #map1}, {transform_indices = #map}]} {
    %mul3A = arith.constant 2 : i32
    %mul3A_0 = arith.muli %arg1, %mul3A : i32
    %add3A = arith.addi %mul3A_0, %arg0 : i32
    %mul3A_1 = arith.constant 625 : i32
    %mul3A_2 = arith.muli %arg1, %mul3A_1 : i32
    "tpu.region"() ({
      %run_scoped3A_802 = tpu.sem_alloc : memref<!tpu.dma_semaphore, #tpu.memory_space<semaphore_mem>>
      %dma_start3A_803 = arith.constant 0 : i32
      %dma_start3A_804 = tpu.memref_slice %arg8[%mul3A_2, %dma_start3A_803] : memref<10000x128xf32, #tpu.memory_space<vmem_shared>> -> memref<625x128xf32, #tpu.memory_space<vmem_shared>>
      %dma_start3A_805 = arith.constant 0 : i32
      %dma_start3A_806 = tpu.memref_slice %arg5[%mul3A_2, %dma_start3A_805] : memref<10000x128xf32, #tpu.memory_space<hbm>> -> memref<625x128xf32, #tpu.memory_space<hbm>>
      tpu.enqueue_dma source(%dma_start3A_806 : memref<625x128xf32, #tpu.memory_space<hbm>>) target(%dma_start3A_804 : memref<625x128xf32, #tpu.memory_space<vmem_shared>>) target_semaphore(%run_scoped3A_802 : memref<!tpu.dma_semaphore, #tpu.memory_space<semaphore_mem>>)
      %dma_wait3A_807 = arith.constant 0 : i32
      %dma_wait3A_808 = tpu.memref_slice %arg8[%mul3A_2, %dma_wait3A_807] : memref<10000x128xf32, #tpu.memory_space<vmem_shared>> -> memref<625x128xf32, #tpu.memory_space<vmem_shared>>
      %dma_wait3A_809 = arith.constant 0 : i32
      %dma_wait3A_810 = tpu.memref_slice %arg5[%mul3A_2, %dma_wait3A_809] : memref<10000x128xf32, #tpu.memory_space<hbm>> -> memref<625x128xf32, #tpu.memory_space<hbm>>
      tpu.wait_dma2 semaphore(%run_scoped3A_802 : memref<!tpu.dma_semaphore, #tpu.memory_space<semaphore_mem>>) src(%dma_wait3A_810 : memref<625x128xf32, #tpu.memory_space<hbm>>) dst(%dma_wait3A_808 : memref<625x128xf32, #tpu.memory_space<vmem_shared>>)
      tpu.yield
    }) : () -> ()
    %broadcast_in_dim3A = arith.constant 0.000000e+00 : f32
    %broadcast_in_dim3A_3 = vector.broadcast %broadcast_in_dim3A : f32 to vector<16xf32>
    %scan3A = arith.constant 0 : i32
    %scan3A_4 = arith.constant 0 : i32
    %scan3A_5 = arith.constant 625 : i32
    %scan3A_6 = arith.addi %scan3A_4, %scan3A_5 : i32
    %scan3A_7 = arith.constant 1 : i32
    scf.for %scan3A_802 = %scan3A_4 to %scan3A_6 step %scan3A_7  : i32 {
      %mul3A_803 = arith.constant 16 : i32
      %mul3A_804 = arith.muli %scan3A_802, %mul3A_803 : i32
      %swap3A = arith.index_cast %mul3A_804 : i32 to index
      %swap3A_805 = tpu.vector_load %arg19[%swap3A] {strides = array<i32>} : memref<10000xf32, #tpu.memory_space<vmem>>, vector<16xf32>,
      tpu.vector_store %arg19[%swap3A], %broadcast_in_dim3A_3 {strides = array<i32>} : memref<10000xf32, #tpu.memory_space<vmem>>, vector<16xf32>,
    }
    %scan3A_8 = arith.constant 625 : i32
    %barrier3A = arith.constant 0 : index
    tpu.barrier barrier_id(%barrier3A)
    %broadcast_in_dim3A_9 = arith.constant 1.000000e+00 : f32
    %broadcast_in_dim3A_10 = vector.broadcast %broadcast_in_dim3A_9 : f32 to vector<16xf32>
    %dma_start3A = arith.constant 0 : i32
    %dma_start3A_11 = arith.constant 0 : i32
    %dma_start3A_12 = arith.constant 0 : i32
    %dma_start3A_13 = tpu.memref_slice %arg9[%dma_start3A_11, %dma_start3A_12] : memref<3x80xi32, #tpu.memory_space<vmem>> -> memref<1x80xi32, #tpu.memory_space<vmem>>
    %dma_start3A_14 = tpu.memref_squeeze %dma_start3A_13 : memref<1x80xi32, #tpu.memory_space<vmem>> -> memref<80xi32, #tpu.memory_space<vmem>>
    %dma_start3A_15 = arith.constant 0 : i32
    %dma_start3A_16 = arith.constant 0 : i32
    %dma_start3A_17 = tpu.memref_slice %arg2[%add3A, %dma_start3A_15, %dma_start3A_16] : memref<32x125x80xi32, #tpu.memory_space<hbm>> -> memref<1x125x80xi32, #tpu.memory_space<hbm>>
    %dma_start3A_18 = tpu.memref_squeeze %dma_start3A_17 : memref<1x125x80xi32, #tpu.memory_space<hbm>> -> memref<125x80xi32, #tpu.memory_space<hbm>>
    %dma_start3A_19 = arith.constant 0 : i32
    %dma_start3A_20 = tpu.memref_slice %dma_start3A_18[%dma_start3A, %dma_start3A_19] : memref<125x80xi32, #tpu.memory_space<hbm>> -> memref<1x80xi32, #tpu.memory_space<hbm>>
    %dma_start3A_21 = tpu.memref_squeeze %dma_start3A_20 : memref<1x80xi32, #tpu.memory_space<hbm>> -> memref<80xi32, #tpu.memory_space<hbm>>
    %dma_start3A_22 = arith.constant 0 : i32
    %dma_start3A_23 = tpu.memref_slice %arg9[%dma_start3A_11, %dma_start3A_22] : memref<3x80xi32, #tpu.memory_space<vmem>> -> memref<1x80xi32, #tpu.memory_space<vmem>>
    %dma_start3A_24 = tpu.memref_squeeze %dma_start3A_23 : memref<1x80xi32, #tpu.memory_space<vmem>> -> memref<80xi32, #tpu.memory_space<vmem>>
    %dma_start3A_25 = arith.constant 0 : i32
    %dma_start3A_26 = arith.constant 0 : i32
    %dma_start3A_27 = tpu.memref_slice %arg2[%add3A, %dma_start3A_25, %dma_start3A_26] : memref<32x125x80xi32, #tpu.memory_space<hbm>> -> memref<1x125x80xi32, #tpu.memory_space<hbm>>
    %dma_start3A_28 = tpu.memref_squeeze %dma_start3A_27 : memref<1x125x80xi32, #tpu.memory_space<hbm>> -> memref<125x80xi32, #tpu.memory_space<hbm>>
    %dma_start3A_29 = arith.constant 0 : i32
    %dma_start3A_30 = tpu.memref_slice %dma_start3A_28[%dma_start3A, %dma_start3A_29] : memref<125x80xi32, #tpu.memory_space<hbm>> -> memref<1x80xi32, #tpu.memory_space<hbm>>
    %dma_start3A_31 = tpu.memref_squeeze %dma_start3A_30 : memref<1x80xi32, #tpu.memory_space<hbm>> -> memref<80xi32, #tpu.memory_space<hbm>>
    tpu.enqueue_dma source(%dma_start3A_31 : memref<80xi32, #tpu.memory_space<hbm>>) target(%dma_start3A_24 : memref<80xi32, #tpu.memory_space<vmem>>) target_semaphore(%arg16 : memref<!tpu.dma_semaphore, #tpu.memory_space<semaphore_mem>>)
    %dma_start3A_32 = arith.constant 0 : i32
    %dma_start3A_33 = arith.constant 0 : i32
    %dma_start3A_34 = arith.constant 0 : i32
    %dma_start3A_35 = tpu.memref_slice %arg10[%dma_start3A_33, %dma_start3A_34] : memref<3x80xi32, #tpu.memory_space<vmem>> -> memref<1x80xi32, #tpu.memory_space<vmem>>
    %dma_start3A_36 = tpu.memref_squeeze %dma_start3A_35 : memref<1x80xi32, #tpu.memory_space<vmem>> -> memref<80xi32, #tpu.memory_space<vmem>>
    %dma_start3A_37 = arith.constant 0 : i32
    %dma_start3A_38 = arith.constant 0 : i32
    %dma_start3A_39 = tpu.memref_slice %arg3[%add3A, %dma_start3A_37, %dma_start3A_38] : memref<32x125x80xi32, #tpu.memory_space<hbm>> -> memref<1x125x80xi32, #tpu.memory_space<hbm>>
    %dma_start3A_40 = tpu.memref_squeeze %dma_start3A_39 : memref<1x125x80xi32, #tpu.memory_space<hbm>> -> memref<125x80xi32, #tpu.memory_space<hbm>>
    %dma_start3A_41 = arith.constant 0 : i32
    %dma_start3A_42 = tpu.memref_slice %dma_start3A_40[%dma_start3A_32, %dma_start3A_41] : memref<125x80xi32, #tpu.memory_space<hbm>> -> memref<1x80xi32, #tpu.memory_space<hbm>>
    %dma_start3A_43 = tpu.memref_squeeze %dma_start3A_42 : memref<1x80xi32, #tpu.memory_space<hbm>> -> memref<80xi32, #tpu.memory_space<hbm>>
    %dma_start3A_44 = arith.constant 0 : i32
    %dma_start3A_45 = tpu.memref_slice %arg10[%dma_start3A_33, %dma_start3A_44] : memref<3x80xi32, #tpu.memory_space<vmem>> -> memref<1x80xi32, #tpu.memory_space<vmem>>
    %dma_start3A_46 = tpu.memref_squeeze %dma_start3A_45 : memref<1x80xi32, #tpu.memory_space<vmem>> -> memref<80xi32, #tpu.memory_space<vmem>>
    %dma_start3A_47 = arith.constant 0 : i32
    %dma_start3A_48 = arith.constant 0 : i32
    %dma_start3A_49 = tpu.memref_slice %arg3[%add3A, %dma_start3A_47, %dma_start3A_48] : memref<32x125x80xi32, #tpu.memory_space<hbm>> -> memref<1x125x80xi32, #tpu.memory_space<hbm>>
    %dma_start3A_50 = tpu.memref_squeeze %dma_start3A_49 : memref<1x125x80xi32, #tpu.memory_space<hbm>> -> memref<125x80xi32, #tpu.memory_space<hbm>>
    %dma_start3A_51 = arith.constant 0 : i32
    %dma_start3A_52 = tpu.memref_slice %dma_start3A_50[%dma_start3A_32, %dma_start3A_51] : memref<125x80xi32, #tpu.memory_space<hbm>> -> memref<1x80xi32, #tpu.memory_space<hbm>>
    %dma_start3A_53 = tpu.memref_squeeze %dma_start3A_52 : memref<1x80xi32, #tpu.memory_space<hbm>> -> memref<80xi32, #tpu.memory_space<hbm>>
    tpu.enqueue_dma source(%dma_start3A_53 : memref<80xi32, #tpu.memory_space<hbm>>) target(%dma_start3A_46 : memref<80xi32, #tpu.memory_space<vmem>>) target_semaphore(%arg16 : memref<!tpu.dma_semaphore, #tpu.memory_space<semaphore_mem>>)
    %dma_start3A_54 = arith.constant 1 : i32
    %dma_start3A_55 = arith.constant 1 : i32
    %dma_start3A_56 = arith.constant 0 : i32
    %dma_start3A_57 = tpu.memref_slice %arg9[%dma_start3A_55, %dma_start3A_56] : memref<3x80xi32, #tpu.memory_space<vmem>> -> memref<1x80xi32, #tpu.memory_space<vmem>>
    %dma_start3A_58 = tpu.memref_squeeze %dma_start3A_57 : memref<1x80xi32, #tpu.memory_space<vmem>> -> memref<80xi32, #tpu.memory_space<vmem>>
    %dma_start3A_59 = arith.constant 0 : i32
    %dma_start3A_60 = arith.constant 0 : i32
    %dma_start3A_61 = tpu.memref_slice %arg2[%add3A, %dma_start3A_59, %dma_start3A_60] : memref<32x125x80xi32, #tpu.memory_space<hbm>> -> memref<1x125x80xi32, #tpu.memory_space<hbm>>
    %dma_start3A_62 = tpu.memref_squeeze %dma_start3A_61 : memref<1x125x80xi32, #tpu.memory_space<hbm>> -> memref<125x80xi32, #tpu.memory_space<hbm>>
    %dma_start3A_63 = arith.constant 0 : i32
    %dma_start3A_64 = tpu.memref_slice %dma_start3A_62[%dma_start3A_54, %dma_start3A_63] : memref<125x80xi32, #tpu.memory_space<hbm>> -> memref<1x80xi32, #tpu.memory_space<hbm>>
    %dma_start3A_65 = tpu.memref_squeeze %dma_start3A_64 : memref<1x80xi32, #tpu.memory_space<hbm>> -> memref<80xi32, #tpu.memory_space<hbm>>
    %dma_start3A_66 = arith.constant 0 : i32
    %dma_start3A_67 = tpu.memref_slice %arg9[%dma_start3A_55, %dma_start3A_66] : memref<3x80xi32, #tpu.memory_space<vmem>> -> memref<1x80xi32, #tpu.memory_space<vmem>>
    %dma_start3A_68 = tpu.memref_squeeze %dma_start3A_67 : memref<1x80xi32, #tpu.memory_space<vmem>> -> memref<80xi32, #tpu.memory_space<vmem>>
    %dma_start3A_69 = arith.constant 0 : i32
    %dma_start3A_70 = arith.constant 0 : i32
    %dma_start3A_71 = tpu.memref_slice %arg2[%add3A, %dma_start3A_69, %dma_start3A_70] : memref<32x125x80xi32, #tpu.memory_space<hbm>> -> memref<1x125x80xi32, #tpu.memory_space<hbm>>
    %dma_start3A_72 = tpu.memref_squeeze %dma_start3A_71 : memref<1x125x80xi32, #tpu.memory_space<hbm>> -> memref<125x80xi32, #tpu.memory_space<hbm>>
    %dma_start3A_73 = arith.constant 0 : i32
    %dma_start3A_74 = tpu.memref_slice %dma_start3A_72[%dma_start3A_54, %dma_start3A_73] : memref<125x80xi32, #tpu.memory_space<hbm>> -> memref<1x80xi32, #tpu.memory_space<hbm>>
    %dma_start3A_75 = tpu.memref_squeeze %dma_start3A_74 : memref<1x80xi32, #tpu.memory_space<hbm>> -> memref<80xi32, #tpu.memory_space<hbm>>
    tpu.enqueue_dma source(%dma_start3A_75 : memref<80xi32, #tpu.memory_space<hbm>>) target(%dma_start3A_68 : memref<80xi32, #tpu.memory_space<vmem>>) target_semaphore(%arg17 : memref<!tpu.dma_semaphore, #tpu.memory_space<semaphore_mem>>)
    %dma_start3A_76 = arith.constant 1 : i32
    %dma_start3A_77 = arith.constant 1 : i32
    %dma_start3A_78 = arith.constant 0 : i32
    %dma_start3A_79 = tpu.memref_slice %arg10[%dma_start3A_77, %dma_start3A_78] : memref<3x80xi32, #tpu.memory_space<vmem>> -> memref<1x80xi32, #tpu.memory_space<vmem>>
    %dma_start3A_80 = tpu.memref_squeeze %dma_start3A_79 : memref<1x80xi32, #tpu.memory_space<vmem>> -> memref<80xi32, #tpu.memory_space<vmem>>
    %dma_start3A_81 = arith.constant 0 : i32
    %dma_start3A_82 = arith.constant 0 : i32
    %dma_start3A_83 = tpu.memref_slice %arg3[%add3A, %dma_start3A_81, %dma_start3A_82] : memref<32x125x80xi32, #tpu.memory_space<hbm>> -> memref<1x125x80xi32, #tpu.memory_space<hbm>>
    %dma_start3A_84 = tpu.memref_squeeze %dma_start3A_83 : memref<1x125x80xi32, #tpu.memory_space<hbm>> -> memref<125x80xi32, #tpu.memory_space<hbm>>
    %dma_start3A_85 = arith.constant 0 : i32
    %dma_start3A_86 = tpu.memref_slice %dma_start3A_84[%dma_start3A_76, %dma_start3A_85] : memref<125x80xi32, #tpu.memory_space<hbm>> -> memref<1x80xi32, #tpu.memory_space<hbm>>
    %dma_start3A_87 = tpu.memref_squeeze %dma_start3A_86 : memref<1x80xi32, #tpu.memory_space<hbm>> -> memref<80xi32, #tpu.memory_space<hbm>>
    %dma_start3A_88 = arith.constant 0 : i32
    %dma_start3A_89 = tpu.memref_slice %arg10[%dma_start3A_77, %dma_start3A_88] : memref<3x80xi32, #tpu.memory_space<vmem>> -> memref<1x80xi32, #tpu.memory_space<vmem>>
    %dma_start3A_90 = tpu.memref_squeeze %dma_start3A_89 : memref<1x80xi32, #tpu.memory_space<vmem>> -> memref<80xi32, #tpu.memory_space<vmem>>
    %dma_start3A_91 = arith.constant 0 : i32
    %dma_start3A_92 = arith.constant 0 : i32
    %dma_start3A_93 = tpu.memref_slice %arg3[%add3A, %dma_start3A_91, %dma_start3A_92] : memref<32x125x80xi32, #tpu.memory_space<hbm>> -> memref<1x125x80xi32, #tpu.memory_space<hbm>>
    %dma_start3A_94 = tpu.memref_squeeze %dma_start3A_93 : memref<1x125x80xi32, #tpu.memory_space<hbm>> -> memref<125x80xi32, #tpu.memory_space<hbm>>
    %dma_start3A_95 = arith.constant 0 : i32
    %dma_start3A_96 = tpu.memref_slice %dma_start3A_94[%dma_start3A_76, %dma_start3A_95] : memref<125x80xi32, #tpu.memory_space<hbm>> -> memref<1x80xi32, #tpu.memory_space<hbm>>
    %dma_start3A_97 = tpu.memref_squeeze %dma_start3A_96 : memref<1x80xi32, #tpu.memory_space<hbm>> -> memref<80xi32, #tpu.memory_space<hbm>>
    tpu.enqueue_dma source(%dma_start3A_97 : memref<80xi32, #tpu.memory_space<hbm>>) target(%dma_start3A_90 : memref<80xi32, #tpu.memory_space<vmem>>) target_semaphore(%arg17 : memref<!tpu.dma_semaphore, #tpu.memory_space<semaphore_mem>>)
    %dma_wait3A = arith.constant 0 : i32
    %dma_wait3A_98 = arith.constant 0 : i32
    %dma_wait3A_99 = arith.constant 0 : i32
    %dma_wait3A_100 = tpu.memref_slice %arg9[%dma_wait3A_98, %dma_wait3A_99] : memref<3x80xi32, #tpu.memory_space<vmem>> -> memref<1x80xi32, #tpu.memory_space<vmem>>
    %dma_wait3A_101 = tpu.memref_squeeze %dma_wait3A_100 : memref<1x80xi32, #tpu.memory_space<vmem>> -> memref<80xi32, #tpu.memory_space<vmem>>
    %dma_wait3A_102 = arith.constant 0 : i32
    %dma_wait3A_103 = arith.constant 0 : i32
    %dma_wait3A_104 = tpu.memref_slice %arg2[%add3A, %dma_wait3A_102, %dma_wait3A_103] : memref<32x125x80xi32, #tpu.memory_space<hbm>> -> memref<1x125x80xi32, #tpu.memory_space<hbm>>
    %dma_wait3A_105 = tpu.memref_squeeze %dma_wait3A_104 : memref<1x125x80xi32, #tpu.memory_space<hbm>> -> memref<125x80xi32, #tpu.memory_space<hbm>>
    %dma_wait3A_106 = arith.constant 0 : i32
    %dma_wait3A_107 = tpu.memref_slice %dma_wait3A_105[%dma_wait3A, %dma_wait3A_106] : memref<125x80xi32, #tpu.memory_space<hbm>> -> memref<1x80xi32, #tpu.memory_space<hbm>>
    %dma_wait3A_108 = tpu.memref_squeeze %dma_wait3A_107 : memref<1x80xi32, #tpu.memory_space<hbm>> -> memref<80xi32, #tpu.memory_space<hbm>>
    %dma_wait3A_109 = arith.constant 0 : i32
    %dma_wait3A_110 = tpu.memref_slice %arg9[%dma_wait3A_98, %dma_wait3A_109] : memref<3x80xi32, #tpu.memory_space<vmem>> -> memref<1x80xi32, #tpu.memory_space<vmem>>
    %dma_wait3A_111 = tpu.memref_squeeze %dma_wait3A_110 : memref<1x80xi32, #tpu.memory_space<vmem>> -> memref<80xi32, #tpu.memory_space<vmem>>
    %dma_wait3A_112 = arith.constant 0 : i32
    %dma_wait3A_113 = arith.constant 0 : i32
    %dma_wait3A_114 = tpu.memref_slice %arg2[%add3A, %dma_wait3A_112, %dma_wait3A_113] : memref<32x125x80xi32, #tpu.memory_space<hbm>> -> memref<1x125x80xi32, #tpu.memory_space<hbm>>
    %dma_wait3A_115 = tpu.memref_squeeze %dma_wait3A_114 : memref<1x125x80xi32, #tpu.memory_space<hbm>> -> memref<125x80xi32, #tpu.memory_space<hbm>>
    %dma_wait3A_116 = arith.constant 0 : i32
    %dma_wait3A_117 = tpu.memref_slice %dma_wait3A_115[%dma_wait3A, %dma_wait3A_116] : memref<125x80xi32, #tpu.memory_space<hbm>> -> memref<1x80xi32, #tpu.memory_space<hbm>>
    %dma_wait3A_118 = tpu.memref_squeeze %dma_wait3A_117 : memref<1x80xi32, #tpu.memory_space<hbm>> -> memref<80xi32, #tpu.memory_space<hbm>>
    tpu.wait_dma2 semaphore(%arg16 : memref<!tpu.dma_semaphore, #tpu.memory_space<semaphore_mem>>) src(%dma_wait3A_118 : memref<80xi32, #tpu.memory_space<hbm>>) dst(%dma_wait3A_111 : memref<80xi32, #tpu.memory_space<vmem>>)
    %dma_wait3A_119 = arith.constant 0 : i32
    %dma_wait3A_120 = arith.constant 0 : i32
    %dma_wait3A_121 = arith.constant 0 : i32
    %dma_wait3A_122 = tpu.memref_slice %arg10[%dma_wait3A_120, %dma_wait3A_121] : memref<3x80xi32, #tpu.memory_space<vmem>> -> memref<1x80xi32, #tpu.memory_space<vmem>>
    %dma_wait3A_123 = tpu.memref_squeeze %dma_wait3A_122 : memref<1x80xi32, #tpu.memory_space<vmem>> -> memref<80xi32, #tpu.memory_space<vmem>>
    %dma_wait3A_124 = arith.constant 0 : i32
    %dma_wait3A_125 = arith.constant 0 : i32
    %dma_wait3A_126 = tpu.memref_slice %arg3[%add3A, %dma_wait3A_124, %dma_wait3A_125] : memref<32x125x80xi32, #tpu.memory_space<hbm>> -> memref<1x125x80xi32, #tpu.memory_space<hbm>>
    %dma_wait3A_127 = tpu.memref_squeeze %dma_wait3A_126 : memref<1x125x80xi32, #tpu.memory_space<hbm>> -> memref<125x80xi32, #tpu.memory_space<hbm>>
    %dma_wait3A_128 = arith.constant 0 : i32
    %dma_wait3A_129 = tpu.memref_slice %dma_wait3A_127[%dma_wait3A_119, %dma_wait3A_128] : memref<125x80xi32, #tpu.memory_space<hbm>> -> memref<1x80xi32, #tpu.memory_space<hbm>>
    %dma_wait3A_130 = tpu.memref_squeeze %dma_wait3A_129 : memref<1x80xi32, #tpu.memory_space<hbm>> -> memref<80xi32, #tpu.memory_space<hbm>>
    %dma_wait3A_131 = arith.constant 0 : i32
    %dma_wait3A_132 = tpu.memref_slice %arg10[%dma_wait3A_120, %dma_wait3A_131] : memref<3x80xi32, #tpu.memory_space<vmem>> -> memref<1x80xi32, #tpu.memory_space<vmem>>
    %dma_wait3A_133 = tpu.memref_squeeze %dma_wait3A_132 : memref<1x80xi32, #tpu.memory_space<vmem>> -> memref<80xi32, #tpu.memory_space<vmem>>
    %dma_wait3A_134 = arith.constant 0 : i32
    %dma_wait3A_135 = arith.constant 0 : i32
    %dma_wait3A_136 = tpu.memref_slice %arg3[%add3A, %dma_wait3A_134, %dma_wait3A_135] : memref<32x125x80xi32, #tpu.memory_space<hbm>> -> memref<1x125x80xi32, #tpu.memory_space<hbm>>
    %dma_wait3A_137 = tpu.memref_squeeze %dma_wait3A_136 : memref<1x125x80xi32, #tpu.memory_space<hbm>> -> memref<125x80xi32, #tpu.memory_space<hbm>>
    %dma_wait3A_138 = arith.constant 0 : i32
    %dma_wait3A_139 = tpu.memref_slice %dma_wait3A_137[%dma_wait3A_119, %dma_wait3A_138] : memref<125x80xi32, #tpu.memory_space<hbm>> -> memref<1x80xi32, #tpu.memory_space<hbm>>
    %dma_wait3A_140 = tpu.memref_squeeze %dma_wait3A_139 : memref<1x80xi32, #tpu.memory_space<hbm>> -> memref<80xi32, #tpu.memory_space<hbm>>
    tpu.wait_dma2 semaphore(%arg16 : memref<!tpu.dma_semaphore, #tpu.memory_space<semaphore_mem>>) src(%dma_wait3A_140 : memref<80xi32, #tpu.memory_space<hbm>>) dst(%dma_wait3A_133 : memref<80xi32, #tpu.memory_space<vmem>>)
    %dma_start3A_141 = arith.constant 0 : i32
    %dma_start3A_142 = arith.constant 0 : i32
    %dma_start3A_143 = arith.constant 0 : i32
    %dma_start3A_144 = arith.constant 0 : i32
    %dma_start3A_145 = tpu.memref_slice %arg11[%dma_start3A_142, %dma_start3A_143, %dma_start3A_144] : memref<3x80x128xf32, #tpu.memory_space<vmem>> -> memref<1x80x128xf32, #tpu.memory_space<vmem>>
    %dma_start3A_146 = tpu.memref_squeeze %dma_start3A_145 : memref<1x80x128xf32, #tpu.memory_space<vmem>> -> memref<80x128xf32, #tpu.memory_space<vmem>>
    %dma_start3A_147 = arith.constant 0 : i32
    %dma_start3A_148 = tpu.memref_slice %arg9[%dma_start3A_141, %dma_start3A_147] : memref<3x80xi32, #tpu.memory_space<vmem>> -> memref<1x80xi32, #tpu.memory_space<vmem>>
    %dma_start3A_149 = tpu.memref_squeeze %dma_start3A_148 : memref<1x80xi32, #tpu.memory_space<vmem>> -> memref<80xi32, #tpu.memory_space<vmem>>
    %dma_start3A_150 = arith.constant 0 : i32
    %dma_start3A_151 = arith.constant 0 : i32
    %dma_start3A_152 = tpu.memref_slice %arg4[%dma_start3A_150, %dma_start3A_151] : memref<10000x128xf32, #tpu.memory_space<hbm>> -> memref<10000x128xf32, #tpu.memory_space<hbm>>
    tpu.enqueue_indirect_dma source(%dma_start3A_152 : memref<10000x128xf32, #tpu.memory_space<hbm>>) target(%dma_start3A_146 : memref<80x128xf32, #tpu.memory_space<vmem>>) offsets(%dma_start3A_149 : memref<80xi32, #tpu.memory_space<vmem>>) semaphore(%arg12 : memref<!tpu.dma_semaphore, #tpu.memory_space<semaphore_mem>>)
    %dma_wait3A_153 = arith.constant 0 : i32
    %dma_wait3A_154 = arith.constant 0 : i32
    %dma_wait3A_155 = arith.constant 0 : i32
    %dma_wait3A_156 = arith.constant 0 : i32
    %dma_wait3A_157 = tpu.memref_slice %arg11[%dma_wait3A_154, %dma_wait3A_155, %dma_wait3A_156] : memref<3x80x128xf32, #tpu.memory_space<vmem>> -> memref<1x80x128xf32, #tpu.memory_space<vmem>>
    %dma_wait3A_158 = tpu.memref_squeeze %dma_wait3A_157 : memref<1x80x128xf32, #tpu.memory_space<vmem>> -> memref<80x128xf32, #tpu.memory_space<vmem>>
    %dma_wait3A_159 = arith.constant 0 : i32
    %dma_wait3A_160 = tpu.memref_slice %arg9[%dma_wait3A_153, %dma_wait3A_159] : memref<3x80xi32, #tpu.memory_space<vmem>> -> memref<1x80xi32, #tpu.memory_space<vmem>>
    %dma_wait3A_161 = tpu.memref_squeeze %dma_wait3A_160 : memref<1x80xi32, #tpu.memory_space<vmem>> -> memref<80xi32, #tpu.memory_space<vmem>>
    %dma_wait3A_162 = arith.constant 0 : i32
    %dma_wait3A_163 = arith.constant 0 : i32
    %dma_wait3A_164 = tpu.memref_slice %arg4[%dma_wait3A_162, %dma_wait3A_163] : memref<10000x128xf32, #tpu.memory_space<hbm>> -> memref<10000x128xf32, #tpu.memory_space<hbm>>
    tpu.wait_indirect_dma semaphore(%arg12 : memref<!tpu.dma_semaphore, #tpu.memory_space<semaphore_mem>>) src(%dma_wait3A_164 : memref<10000x128xf32, #tpu.memory_space<hbm>>) dst(%dma_wait3A_158 : memref<80x128xf32, #tpu.memory_space<vmem>>)
    %dma_start3A_165 = arith.constant 0 : i32
    %dma_start3A_166 = arith.constant 0 : i32
    %dma_start3A_167 = arith.constant 0 : i32
    %dma_start3A_168 = arith.constant 0 : i32
    %dma_start3A_169 = tpu.memref_slice %arg11[%dma_start3A_165, %dma_start3A_167, %dma_start3A_168] : memref<3x80x128xf32, #tpu.memory_space<vmem>> -> memref<1x80x128xf32, #tpu.memory_space<vmem>>
    %dma_start3A_170 = tpu.memref_squeeze %dma_start3A_169 : memref<1x80x128xf32, #tpu.memory_space<vmem>> -> memref<80x128xf32, #tpu.memory_space<vmem>>
    %dma_start3A_171 = arith.constant 0 : i32
    %dma_start3A_172 = tpu.memref_slice %arg10[%dma_start3A_166, %dma_start3A_171] : memref<3x80xi32, #tpu.memory_space<vmem>> -> memref<1x80xi32, #tpu.memory_space<vmem>>
    %dma_start3A_173 = tpu.memref_squeeze %dma_start3A_172 : memref<1x80xi32, #tpu.memory_space<vmem>> -> memref<80xi32, #tpu.memory_space<vmem>>
    %dma_start3A_174 = arith.constant 0 : i32
    %dma_start3A_175 = arith.constant 0 : i32
    %dma_start3A_176 = tpu.memref_slice %arg8[%dma_start3A_174, %dma_start3A_175] : memref<10000x128xf32, #tpu.memory_space<vmem_shared>> -> memref<10000x128xf32, #tpu.memory_space<vmem_shared>>
    tpu.enqueue_indirect_dma source(%dma_start3A_170 : memref<80x128xf32, #tpu.memory_space<vmem>>) target(%dma_start3A_176 : memref<10000x128xf32, #tpu.memory_space<vmem_shared>>) offsets(%dma_start3A_173 : memref<80xi32, #tpu.memory_space<vmem>>) semaphore(%arg13 : memref<!tpu.dma_semaphore, #tpu.memory_space<semaphore_mem>>) {add = true}
    %dma_start3A_177 = arith.constant 2 : i32
    %dma_start3A_178 = arith.constant 2 : i32
    %dma_start3A_179 = arith.constant 0 : i32
    %dma_start3A_180 = tpu.memref_slice %arg9[%dma_start3A_178, %dma_start3A_179] : memref<3x80xi32, #tpu.memory_space<vmem>> -> memref<1x80xi32, #tpu.memory_space<vmem>>
    %dma_start3A_181 = tpu.memref_squeeze %dma_start3A_180 : memref<1x80xi32, #tpu.memory_space<vmem>> -> memref<80xi32, #tpu.memory_space<vmem>>
    %dma_start3A_182 = arith.constant 0 : i32
    %dma_start3A_183 = arith.constant 0 : i32
    %dma_start3A_184 = tpu.memref_slice %arg2[%add3A, %dma_start3A_182, %dma_start3A_183] : memref<32x125x80xi32, #tpu.memory_space<hbm>> -> memref<1x125x80xi32, #tpu.memory_space<hbm>>
    %dma_start3A_185 = tpu.memref_squeeze %dma_start3A_184 : memref<1x125x80xi32, #tpu.memory_space<hbm>> -> memref<125x80xi32, #tpu.memory_space<hbm>>
    %dma_start3A_186 = arith.constant 0 : i32
    %dma_start3A_187 = tpu.memref_slice %dma_start3A_185[%dma_start3A_177, %dma_start3A_186] : memref<125x80xi32, #tpu.memory_space<hbm>> -> memref<1x80xi32, #tpu.memory_space<hbm>>
    %dma_start3A_188 = tpu.memref_squeeze %dma_start3A_187 : memref<1x80xi32, #tpu.memory_space<hbm>> -> memref<80xi32, #tpu.memory_space<hbm>>
    %dma_start3A_189 = arith.constant 0 : i32
    %dma_start3A_190 = tpu.memref_slice %arg9[%dma_start3A_178, %dma_start3A_189] : memref<3x80xi32, #tpu.memory_space<vmem>> -> memref<1x80xi32, #tpu.memory_space<vmem>>
    %dma_start3A_191 = tpu.memref_squeeze %dma_start3A_190 : memref<1x80xi32, #tpu.memory_space<vmem>> -> memref<80xi32, #tpu.memory_space<vmem>>
    %dma_start3A_192 = arith.constant 0 : i32
    %dma_start3A_193 = arith.constant 0 : i32
    %dma_start3A_194 = tpu.memref_slice %arg2[%add3A, %dma_start3A_192, %dma_start3A_193] : memref<32x125x80xi32, #tpu.memory_space<hbm>> -> memref<1x125x80xi32, #tpu.memory_space<hbm>>
    %dma_start3A_195 = tpu.memref_squeeze %dma_start3A_194 : memref<1x125x80xi32, #tpu.memory_space<hbm>> -> memref<125x80xi32, #tpu.memory_space<hbm>>
    %dma_start3A_196 = arith.constant 0 : i32
    %dma_start3A_197 = tpu.memref_slice %dma_start3A_195[%dma_start3A_177, %dma_start3A_196] : memref<125x80xi32, #tpu.memory_space<hbm>> -> memref<1x80xi32, #tpu.memory_space<hbm>>
    %dma_start3A_198 = tpu.memref_squeeze %dma_start3A_197 : memref<1x80xi32, #tpu.memory_space<hbm>> -> memref<80xi32, #tpu.memory_space<hbm>>
    tpu.enqueue_dma source(%dma_start3A_198 : memref<80xi32, #tpu.memory_space<hbm>>) target(%dma_start3A_191 : memref<80xi32, #tpu.memory_space<vmem>>) target_semaphore(%arg18 : memref<!tpu.dma_semaphore, #tpu.memory_space<semaphore_mem>>)
    %dma_start3A_199 = arith.constant 2 : i32
    %dma_start3A_200 = arith.constant 2 : i32
    %dma_start3A_201 = arith.constant 0 : i32
    %dma_start3A_202 = tpu.memref_slice %arg10[%dma_start3A_200, %dma_start3A_201] : memref<3x80xi32, #tpu.memory_space<vmem>> -> memref<1x80xi32, #tpu.memory_space<vmem>>
    %dma_start3A_203 = tpu.memref_squeeze %dma_start3A_202 : memref<1x80xi32, #tpu.memory_space<vmem>> -> memref<80xi32, #tpu.memory_space<vmem>>
    %dma_start3A_204 = arith.constant 0 : i32
    %dma_start3A_205 = arith.constant 0 : i32
    %dma_start3A_206 = tpu.memref_slice %arg3[%add3A, %dma_start3A_204, %dma_start3A_205] : memref<32x125x80xi32, #tpu.memory_space<hbm>> -> memref<1x125x80xi32, #tpu.memory_space<hbm>>
    %dma_start3A_207 = tpu.memref_squeeze %dma_start3A_206 : memref<1x125x80xi32, #tpu.memory_space<hbm>> -> memref<125x80xi32, #tpu.memory_space<hbm>>
    %dma_start3A_208 = arith.constant 0 : i32
    %dma_start3A_209 = tpu.memref_slice %dma_start3A_207[%dma_start3A_199, %dma_start3A_208] : memref<125x80xi32, #tpu.memory_space<hbm>> -> memref<1x80xi32, #tpu.memory_space<hbm>>
    %dma_start3A_210 = tpu.memref_squeeze %dma_start3A_209 : memref<1x80xi32, #tpu.memory_space<hbm>> -> memref<80xi32, #tpu.memory_space<hbm>>
    %dma_start3A_211 = arith.constant 0 : i32
    %dma_start3A_212 = tpu.memref_slice %arg10[%dma_start3A_200, %dma_start3A_211] : memref<3x80xi32, #tpu.memory_space<vmem>> -> memref<1x80xi32, #tpu.memory_space<vmem>>
    %dma_start3A_213 = tpu.memref_squeeze %dma_start3A_212 : memref<1x80xi32, #tpu.memory_space<vmem>> -> memref<80xi32, #tpu.memory_space<vmem>>
    %dma_start3A_214 = arith.constant 0 : i32
    %dma_start3A_215 = arith.constant 0 : i32
    %dma_start3A_216 = tpu.memref_slice %arg3[%add3A, %dma_start3A_214, %dma_start3A_215] : memref<32x125x80xi32, #tpu.memory_space<hbm>> -> memref<1x125x80xi32, #tpu.memory_space<hbm>>
    %dma_start3A_217 = tpu.memref_squeeze %dma_start3A_216 : memref<1x125x80xi32, #tpu.memory_space<hbm>> -> memref<125x80xi32, #tpu.memory_space<hbm>>
    %dma_start3A_218 = arith.constant 0 : i32
    %dma_start3A_219 = tpu.memref_slice %dma_start3A_217[%dma_start3A_199, %dma_start3A_218] : memref<125x80xi32, #tpu.memory_space<hbm>> -> memref<1x80xi32, #tpu.memory_space<hbm>>
    %dma_start3A_220 = tpu.memref_squeeze %dma_start3A_219 : memref<1x80xi32, #tpu.memory_space<hbm>> -> memref<80xi32, #tpu.memory_space<hbm>>
    tpu.enqueue_dma source(%dma_start3A_220 : memref<80xi32, #tpu.memory_space<hbm>>) target(%dma_start3A_213 : memref<80xi32, #tpu.memory_space<vmem>>) target_semaphore(%arg18 : memref<!tpu.dma_semaphore, #tpu.memory_space<semaphore_mem>>)
    %dma_wait3A_221 = arith.constant 1 : i32
    %dma_wait3A_222 = arith.constant 1 : i32
    %dma_wait3A_223 = arith.constant 0 : i32
    %dma_wait3A_224 = tpu.memref_slice %arg9[%dma_wait3A_222, %dma_wait3A_223] : memref<3x80xi32, #tpu.memory_space<vmem>> -> memref<1x80xi32, #tpu.memory_space<vmem>>
    %dma_wait3A_225 = tpu.memref_squeeze %dma_wait3A_224 : memref<1x80xi32, #tpu.memory_space<vmem>> -> memref<80xi32, #tpu.memory_space<vmem>>
    %dma_wait3A_226 = arith.constant 0 : i32
    %dma_wait3A_227 = arith.constant 0 : i32
    %dma_wait3A_228 = tpu.memref_slice %arg2[%add3A, %dma_wait3A_226, %dma_wait3A_227] : memref<32x125x80xi32, #tpu.memory_space<hbm>> -> memref<1x125x80xi32, #tpu.memory_space<hbm>>
    %dma_wait3A_229 = tpu.memref_squeeze %dma_wait3A_228 : memref<1x125x80xi32, #tpu.memory_space<hbm>> -> memref<125x80xi32, #tpu.memory_space<hbm>>
    %dma_wait3A_230 = arith.constant 0 : i32
    %dma_wait3A_231 = tpu.memref_slice %dma_wait3A_229[%dma_wait3A_221, %dma_wait3A_230] : memref<125x80xi32, #tpu.memory_space<hbm>> -> memref<1x80xi32, #tpu.memory_space<hbm>>
    %dma_wait3A_232 = tpu.memref_squeeze %dma_wait3A_231 : memref<1x80xi32, #tpu.memory_space<hbm>> -> memref<80xi32, #tpu.memory_space<hbm>>
    %dma_wait3A_233 = arith.constant 0 : i32
    %dma_wait3A_234 = tpu.memref_slice %arg9[%dma_wait3A_222, %dma_wait3A_233] : memref<3x80xi32, #tpu.memory_space<vmem>> -> memref<1x80xi32, #tpu.memory_space<vmem>>
    %dma_wait3A_235 = tpu.memref_squeeze %dma_wait3A_234 : memref<1x80xi32, #tpu.memory_space<vmem>> -> memref<80xi32, #tpu.memory_space<vmem>>
    %dma_wait3A_236 = arith.constant 0 : i32
    %dma_wait3A_237 = arith.constant 0 : i32
    %dma_wait3A_238 = tpu.memref_slice %arg2[%add3A, %dma_wait3A_236, %dma_wait3A_237] : memref<32x125x80xi32, #tpu.memory_space<hbm>> -> memref<1x125x80xi32, #tpu.memory_space<hbm>>
    %dma_wait3A_239 = tpu.memref_squeeze %dma_wait3A_238 : memref<1x125x80xi32, #tpu.memory_space<hbm>> -> memref<125x80xi32, #tpu.memory_space<hbm>>
    %dma_wait3A_240 = arith.constant 0 : i32
    %dma_wait3A_241 = tpu.memref_slice %dma_wait3A_239[%dma_wait3A_221, %dma_wait3A_240] : memref<125x80xi32, #tpu.memory_space<hbm>> -> memref<1x80xi32, #tpu.memory_space<hbm>>
    %dma_wait3A_242 = tpu.memref_squeeze %dma_wait3A_241 : memref<1x80xi32, #tpu.memory_space<hbm>> -> memref<80xi32, #tpu.memory_space<hbm>>
    tpu.wait_dma2 semaphore(%arg17 : memref<!tpu.dma_semaphore, #tpu.memory_space<semaphore_mem>>) src(%dma_wait3A_242 : memref<80xi32, #tpu.memory_space<hbm>>) dst(%dma_wait3A_235 : memref<80xi32, #tpu.memory_space<vmem>>)
    %dma_wait3A_243 = arith.constant 1 : i32
    %dma_wait3A_244 = arith.constant 1 : i32
    %dma_wait3A_245 = arith.constant 0 : i32
    %dma_wait3A_246 = tpu.memref_slice %arg10[%dma_wait3A_244, %dma_wait3A_245] : memref<3x80xi32, #tpu.memory_space<vmem>> -> memref<1x80xi32, #tpu.memory_space<vmem>>
    %dma_wait3A_247 = tpu.memref_squeeze %dma_wait3A_246 : memref<1x80xi32, #tpu.memory_space<vmem>> -> memref<80xi32, #tpu.memory_space<vmem>>
    %dma_wait3A_248 = arith.constant 0 : i32
    %dma_wait3A_249 = arith.constant 0 : i32
    %dma_wait3A_250 = tpu.memref_slice %arg3[%add3A, %dma_wait3A_248, %dma_wait3A_249] : memref<32x125x80xi32, #tpu.memory_space<hbm>> -> memref<1x125x80xi32, #tpu.memory_space<hbm>>
    %dma_wait3A_251 = tpu.memref_squeeze %dma_wait3A_250 : memref<1x125x80xi32, #tpu.memory_space<hbm>> -> memref<125x80xi32, #tpu.memory_space<hbm>>
    %dma_wait3A_252 = arith.constant 0 : i32
    %dma_wait3A_253 = tpu.memref_slice %dma_wait3A_251[%dma_wait3A_243, %dma_wait3A_252] : memref<125x80xi32, #tpu.memory_space<hbm>> -> memref<1x80xi32, #tpu.memory_space<hbm>>
    %dma_wait3A_254 = tpu.memref_squeeze %dma_wait3A_253 : memref<1x80xi32, #tpu.memory_space<hbm>> -> memref<80xi32, #tpu.memory_space<hbm>>
    %dma_wait3A_255 = arith.constant 0 : i32
    %dma_wait3A_256 = tpu.memref_slice %arg10[%dma_wait3A_244, %dma_wait3A_255] : memref<3x80xi32, #tpu.memory_space<vmem>> -> memref<1x80xi32, #tpu.memory_space<vmem>>
    %dma_wait3A_257 = tpu.memref_squeeze %dma_wait3A_256 : memref<1x80xi32, #tpu.memory_space<vmem>> -> memref<80xi32, #tpu.memory_space<vmem>>
    %dma_wait3A_258 = arith.constant 0 : i32
    %dma_wait3A_259 = arith.constant 0 : i32
    %dma_wait3A_260 = tpu.memref_slice %arg3[%add3A, %dma_wait3A_258, %dma_wait3A_259] : memref<32x125x80xi32, #tpu.memory_space<hbm>> -> memref<1x125x80xi32, #tpu.memory_space<hbm>>
    %dma_wait3A_261 = tpu.memref_squeeze %dma_wait3A_260 : memref<1x125x80xi32, #tpu.memory_space<hbm>> -> memref<125x80xi32, #tpu.memory_space<hbm>>
    %dma_wait3A_262 = arith.constant 0 : i32
    %dma_wait3A_263 = tpu.memref_slice %dma_wait3A_261[%dma_wait3A_243, %dma_wait3A_262] : memref<125x80xi32, #tpu.memory_space<hbm>> -> memref<1x80xi32, #tpu.memory_space<hbm>>
    %dma_wait3A_264 = tpu.memref_squeeze %dma_wait3A_263 : memref<1x80xi32, #tpu.memory_space<hbm>> -> memref<80xi32, #tpu.memory_space<hbm>>
    tpu.wait_dma2 semaphore(%arg17 : memref<!tpu.dma_semaphore, #tpu.memory_space<semaphore_mem>>) src(%dma_wait3A_264 : memref<80xi32, #tpu.memory_space<hbm>>) dst(%dma_wait3A_257 : memref<80xi32, #tpu.memory_space<vmem>>)
    %dma_start3A_265 = arith.constant 1 : i32
    %dma_start3A_266 = arith.constant 1 : i32
    %dma_start3A_267 = arith.constant 0 : i32
    %dma_start3A_268 = arith.constant 0 : i32
    %dma_start3A_269 = tpu.memref_slice %arg11[%dma_start3A_266, %dma_start3A_267, %dma_start3A_268] : memref<3x80x128xf32, #tpu.memory_space<vmem>> -> memref<1x80x128xf32, #tpu.memory_space<vmem>>
    %dma_start3A_270 = tpu.memref_squeeze %dma_start3A_269 : memref<1x80x128xf32, #tpu.memory_space<vmem>> -> memref<80x128xf32, #tpu.memory_space<vmem>>
    %dma_start3A_271 = arith.constant 0 : i32
    %dma_start3A_272 = tpu.memref_slice %arg9[%dma_start3A_265, %dma_start3A_271] : memref<3x80xi32, #tpu.memory_space<vmem>> -> memref<1x80xi32, #tpu.memory_space<vmem>>
    %dma_start3A_273 = tpu.memref_squeeze %dma_start3A_272 : memref<1x80xi32, #tpu.memory_space<vmem>> -> memref<80xi32, #tpu.memory_space<vmem>>
    %dma_start3A_274 = arith.constant 0 : i32
    %dma_start3A_275 = arith.constant 0 : i32
    %dma_start3A_276 = tpu.memref_slice %arg4[%dma_start3A_274, %dma_start3A_275] : memref<10000x128xf32, #tpu.memory_space<hbm>> -> memref<10000x128xf32, #tpu.memory_space<hbm>>
    tpu.enqueue_indirect_dma source(%dma_start3A_276 : memref<10000x128xf32, #tpu.memory_space<hbm>>) target(%dma_start3A_270 : memref<80x128xf32, #tpu.memory_space<vmem>>) offsets(%dma_start3A_273 : memref<80xi32, #tpu.memory_space<vmem>>) semaphore(%arg12 : memref<!tpu.dma_semaphore, #tpu.memory_space<semaphore_mem>>)
    %get3A = arith.constant 0 : i32
    %get3A_277 = arith.index_cast %get3A : i32 to index
    %get3A_278 = arith.constant 0 : index
    %get3A_279 = tpu.vector_load %arg10[%get3A_277, %get3A_278] {strides = array<i32>} : memref<3x80xi32, #tpu.memory_space<vmem>>, vector<16xi32>,
    tpu.vector_store_idx %arg19[%get3A_279], %broadcast_in_dim3A_10 {add = true} : memref<10000xf32, #tpu.memory_space<vmem>>[vector<16xi32>], vector<16xf32>,
    %get3A_280 = arith.constant 0 : i32
    %get3A_281 = arith.index_cast %get3A_280 : i32 to index
    %get3A_282 = arith.constant 16 : index
    %get3A_283 = tpu.vector_load %arg10[%get3A_281, %get3A_282] {strides = array<i32>} : memref<3x80xi32, #tpu.memory_space<vmem>>, vector<16xi32>,
    tpu.vector_store_idx %arg19[%get3A_283], %broadcast_in_dim3A_10 {add = true} : memref<10000xf32, #tpu.memory_space<vmem>>[vector<16xi32>], vector<16xf32>,
    %get3A_284 = arith.constant 0 : i32
    %get3A_285 = arith.index_cast %get3A_284 : i32 to index
    %get3A_286 = arith.constant 32 : index
    %get3A_287 = tpu.vector_load %arg10[%get3A_285, %get3A_286] {strides = array<i32>} : memref<3x80xi32, #tpu.memory_space<vmem>>, vector<16xi32>,
    tpu.vector_store_idx %arg19[%get3A_287], %broadcast_in_dim3A_10 {add = true} : memref<10000xf32, #tpu.memory_space<vmem>>[vector<16xi32>], vector<16xf32>,
    %get3A_288 = arith.constant 0 : i32
    %get3A_289 = arith.index_cast %get3A_288 : i32 to index
    %get3A_290 = arith.constant 48 : index
    %get3A_291 = tpu.vector_load %arg10[%get3A_289, %get3A_290] {strides = array<i32>} : memref<3x80xi32, #tpu.memory_space<vmem>>, vector<16xi32>,
    tpu.vector_store_idx %arg19[%get3A_291], %broadcast_in_dim3A_10 {add = true} : memref<10000xf32, #tpu.memory_space<vmem>>[vector<16xi32>], vector<16xf32>,
    %get3A_292 = arith.constant 0 : i32
    %get3A_293 = arith.index_cast %get3A_292 : i32 to index
    %get3A_294 = arith.constant 64 : index
    %get3A_295 = tpu.vector_load %arg10[%get3A_293, %get3A_294] {strides = array<i32>} : memref<3x80xi32, #tpu.memory_space<vmem>>, vector<16xi32>,
    tpu.vector_store_idx %arg19[%get3A_295], %broadcast_in_dim3A_10 {add = true} : memref<10000xf32, #tpu.memory_space<vmem>>[vector<16xi32>], vector<16xf32>,
    %scan3A_296 = arith.constant 0 : i32
    %scan3A_297 = arith.constant 0 : i32
    %scan3A_298 = arith.constant 40 : i32
    %scan3A_299 = arith.addi %scan3A_297, %scan3A_298 : i32
    %scan3A_300 = arith.constant 1 : i32
    scf.for %scan3A_802 = %scan3A_297 to %scan3A_299 step %scan3A_300  : i32 {
      %mul3A_803 = arith.constant 3 : i32
      %mul3A_804 = arith.muli %mul3A_803, %scan3A_802 : i32
      %add3A_805 = arith.constant 1 : i32
      %add3A_806 = arith.addi %mul3A_804, %add3A_805 : i32
      %add3A_807 = arith.constant 2 : i32
      %add3A_808 = arith.addi %add3A_806, %add3A_807 : i32
      %add3A_809 = arith.constant 1 : i32
      %add3A_810 = arith.addi %add3A_806, %add3A_809 : i32
      %dma_wait3A_811 = arith.constant 1 : i32
      %dma_wait3A_812 = arith.constant 1 : i32
      %dma_wait3A_813 = arith.constant 0 : i32
      %dma_wait3A_814 = arith.constant 0 : i32
      %dma_wait3A_815 = tpu.memref_slice %arg11[%dma_wait3A_812, %dma_wait3A_813, %dma_wait3A_814] : memref<3x80x128xf32, #tpu.memory_space<vmem>> -> memref<1x80x128xf32, #tpu.memory_space<vmem>>
      %dma_wait3A_816 = tpu.memref_squeeze %dma_wait3A_815 : memref<1x80x128xf32, #tpu.memory_space<vmem>> -> memref<80x128xf32, #tpu.memory_space<vmem>>
      %dma_wait3A_817 = arith.constant 0 : i32
      %dma_wait3A_818 = tpu.memref_slice %arg9[%dma_wait3A_811, %dma_wait3A_817] : memref<3x80xi32, #tpu.memory_space<vmem>> -> memref<1x80xi32, #tpu.memory_space<vmem>>
      %dma_wait3A_819 = tpu.memref_squeeze %dma_wait3A_818 : memref<1x80xi32, #tpu.memory_space<vmem>> -> memref<80xi32, #tpu.memory_space<vmem>>
      %dma_wait3A_820 = arith.constant 0 : i32
      %dma_wait3A_821 = arith.constant 0 : i32
      %dma_wait3A_822 = tpu.memref_slice %arg4[%dma_wait3A_820, %dma_wait3A_821] : memref<10000x128xf32, #tpu.memory_space<hbm>> -> memref<10000x128xf32, #tpu.memory_space<hbm>>
      tpu.wait_indirect_dma semaphore(%arg12 : memref<!tpu.dma_semaphore, #tpu.memory_space<semaphore_mem>>) src(%dma_wait3A_822 : memref<10000x128xf32, #tpu.memory_space<hbm>>) dst(%dma_wait3A_816 : memref<80x128xf32, #tpu.memory_space<vmem>>)
      %dma_start3A_823 = arith.constant 1 : i32
      %dma_start3A_824 = arith.constant 1 : i32
      %dma_start3A_825 = arith.constant 0 : i32
      %dma_start3A_826 = arith.constant 0 : i32
      %dma_start3A_827 = tpu.memref_slice %arg11[%dma_start3A_823, %dma_start3A_825, %dma_start3A_826] : memref<3x80x128xf32, #tpu.memory_space<vmem>> -> memref<1x80x128xf32, #tpu.memory_space<vmem>>
      %dma_start3A_828 = tpu.memref_squeeze %dma_start3A_827 : memref<1x80x128xf32, #tpu.memory_space<vmem>> -> memref<80x128xf32, #tpu.memory_space<vmem>>
      %dma_start3A_829 = arith.constant 0 : i32
      %dma_start3A_830 = tpu.memref_slice %arg10[%dma_start3A_824, %dma_start3A_829] : memref<3x80xi32, #tpu.memory_space<vmem>> -> memref<1x80xi32, #tpu.memory_space<vmem>>
      %dma_start3A_831 = tpu.memref_squeeze %dma_start3A_830 : memref<1x80xi32, #tpu.memory_space<vmem>> -> memref<80xi32, #tpu.memory_space<vmem>>
      %dma_start3A_832 = arith.constant 0 : i32
      %dma_start3A_833 = arith.constant 0 : i32
      %dma_start3A_834 = tpu.memref_slice %arg8[%dma_start3A_832, %dma_start3A_833] : memref<10000x128xf32, #tpu.memory_space<vmem_shared>> -> memref<10000x128xf32, #tpu.memory_space<vmem_shared>>
      tpu.enqueue_indirect_dma source(%dma_start3A_828 : memref<80x128xf32, #tpu.memory_space<vmem>>) target(%dma_start3A_834 : memref<10000x128xf32, #tpu.memory_space<vmem_shared>>) offsets(%dma_start3A_831 : memref<80xi32, #tpu.memory_space<vmem>>) semaphore(%arg14 : memref<!tpu.dma_semaphore, #tpu.memory_space<semaphore_mem>>) {add = true}
      %dma_wait3A_835 = arith.constant 0 : i32
      %dma_wait3A_836 = arith.constant 0 : i32
      %dma_wait3A_837 = arith.constant 0 : i32
      %dma_wait3A_838 = arith.constant 0 : i32
      %dma_wait3A_839 = tpu.memref_slice %arg11[%dma_wait3A_835, %dma_wait3A_837, %dma_wait3A_838] : memref<3x80x128xf32, #tpu.memory_space<vmem>> -> memref<1x80x128xf32, #tpu.memory_space<vmem>>
      %dma_wait3A_840 = tpu.memref_squeeze %dma_wait3A_839 : memref<1x80x128xf32, #tpu.memory_space<vmem>> -> memref<80x128xf32, #tpu.memory_space<vmem>>
      %dma_wait3A_841 = arith.constant 0 : i32
      %dma_wait3A_842 = tpu.memref_slice %arg10[%dma_wait3A_836, %dma_wait3A_841] : memref<3x80xi32, #tpu.memory_space<vmem>> -> memref<1x80xi32, #tpu.memory_space<vmem>>
      %dma_wait3A_843 = tpu.memref_squeeze %dma_wait3A_842 : memref<1x80xi32, #tpu.memory_space<vmem>> -> memref<80xi32, #tpu.memory_space<vmem>>
      %dma_wait3A_844 = arith.constant 0 : i32
      %dma_wait3A_845 = arith.constant 0 : i32
      %dma_wait3A_846 = tpu.memref_slice %arg8[%dma_wait3A_844, %dma_wait3A_845] : memref<10000x128xf32, #tpu.memory_space<vmem_shared>> -> memref<10000x128xf32, #tpu.memory_space<vmem_shared>>
      tpu.wait_indirect_dma semaphore(%arg13 : memref<!tpu.dma_semaphore, #tpu.memory_space<semaphore_mem>>) src(%dma_wait3A_840 : memref<80x128xf32, #tpu.memory_space<vmem>>) dst(%dma_wait3A_846 : memref<10000x128xf32, #tpu.memory_space<vmem_shared>>)
      %dma_start3A_847 = arith.constant 0 : i32
      %dma_start3A_848 = arith.constant 0 : i32
      %dma_start3A_849 = tpu.memref_slice %arg9[%dma_start3A_847, %dma_start3A_848] : memref<3x80xi32, #tpu.memory_space<vmem>> -> memref<1x80xi32, #tpu.memory_space<vmem>>
      %dma_start3A_850 = tpu.memref_squeeze %dma_start3A_849 : memref<1x80xi32, #tpu.memory_space<vmem>> -> memref<80xi32, #tpu.memory_space<vmem>>
      %dma_start3A_851 = arith.constant 0 : i32
      %dma_start3A_852 = arith.constant 0 : i32
      %dma_start3A_853 = tpu.memref_slice %arg2[%add3A, %dma_start3A_851, %dma_start3A_852] : memref<32x125x80xi32, #tpu.memory_space<hbm>> -> memref<1x125x80xi32, #tpu.memory_space<hbm>>
      %dma_start3A_854 = tpu.memref_squeeze %dma_start3A_853 : memref<1x125x80xi32, #tpu.memory_space<hbm>> -> memref<125x80xi32, #tpu.memory_space<hbm>>
      %dma_start3A_855 = arith.constant 0 : i32
      %dma_start3A_856 = tpu.memref_slice %dma_start3A_854[%add3A_808, %dma_start3A_855] : memref<125x80xi32, #tpu.memory_space<hbm>> -> memref<1x80xi32, #tpu.memory_space<hbm>>
      %dma_start3A_857 = tpu.memref_squeeze %dma_start3A_856 : memref<1x80xi32, #tpu.memory_space<hbm>> -> memref<80xi32, #tpu.memory_space<hbm>>
      %dma_start3A_858 = arith.constant 0 : i32
      %dma_start3A_859 = tpu.memref_slice %arg9[%dma_start3A_847, %dma_start3A_858] : memref<3x80xi32, #tpu.memory_space<vmem>> -> memref<1x80xi32, #tpu.memory_space<vmem>>
      %dma_start3A_860 = tpu.memref_squeeze %dma_start3A_859 : memref<1x80xi32, #tpu.memory_space<vmem>> -> memref<80xi32, #tpu.memory_space<vmem>>
      %dma_start3A_861 = arith.constant 0 : i32
      %dma_start3A_862 = arith.constant 0 : i32
      %dma_start3A_863 = tpu.memref_slice %arg2[%add3A, %dma_start3A_861, %dma_start3A_862] : memref<32x125x80xi32, #tpu.memory_space<hbm>> -> memref<1x125x80xi32, #tpu.memory_space<hbm>>
      %dma_start3A_864 = tpu.memref_squeeze %dma_start3A_863 : memref<1x125x80xi32, #tpu.memory_space<hbm>> -> memref<125x80xi32, #tpu.memory_space<hbm>>
      %dma_start3A_865 = arith.constant 0 : i32
      %dma_start3A_866 = tpu.memref_slice %dma_start3A_864[%add3A_808, %dma_start3A_865] : memref<125x80xi32, #tpu.memory_space<hbm>> -> memref<1x80xi32, #tpu.memory_space<hbm>>
      %dma_start3A_867 = tpu.memref_squeeze %dma_start3A_866 : memref<1x80xi32, #tpu.memory_space<hbm>> -> memref<80xi32, #tpu.memory_space<hbm>>
      tpu.enqueue_dma source(%dma_start3A_867 : memref<80xi32, #tpu.memory_space<hbm>>) target(%dma_start3A_860 : memref<80xi32, #tpu.memory_space<vmem>>) target_semaphore(%arg16 : memref<!tpu.dma_semaphore, #tpu.memory_space<semaphore_mem>>)
      %dma_start3A_868 = arith.constant 0 : i32
      %dma_start3A_869 = arith.constant 0 : i32
      %dma_start3A_870 = tpu.memref_slice %arg10[%dma_start3A_868, %dma_start3A_869] : memref<3x80xi32, #tpu.memory_space<vmem>> -> memref<1x80xi32, #tpu.memory_space<vmem>>
      %dma_start3A_871 = tpu.memref_squeeze %dma_start3A_870 : memref<1x80xi32, #tpu.memory_space<vmem>> -> memref<80xi32, #tpu.memory_space<vmem>>
      %dma_start3A_872 = arith.constant 0 : i32
      %dma_start3A_873 = arith.constant 0 : i32
      %dma_start3A_874 = tpu.memref_slice %arg3[%add3A, %dma_start3A_872, %dma_start3A_873] : memref<32x125x80xi32, #tpu.memory_space<hbm>> -> memref<1x125x80xi32, #tpu.memory_space<hbm>>
      %dma_start3A_875 = tpu.memref_squeeze %dma_start3A_874 : memref<1x125x80xi32, #tpu.memory_space<hbm>> -> memref<125x80xi32, #tpu.memory_space<hbm>>
      %dma_start3A_876 = arith.constant 0 : i32
      %dma_start3A_877 = tpu.memref_slice %dma_start3A_875[%add3A_808, %dma_start3A_876] : memref<125x80xi32, #tpu.memory_space<hbm>> -> memref<1x80xi32, #tpu.memory_space<hbm>>
      %dma_start3A_878 = tpu.memref_squeeze %dma_start3A_877 : memref<1x80xi32, #tpu.memory_space<hbm>> -> memref<80xi32, #tpu.memory_space<hbm>>
      %dma_start3A_879 = arith.constant 0 : i32
      %dma_start3A_880 = tpu.memref_slice %arg10[%dma_start3A_868, %dma_start3A_879] : memref<3x80xi32, #tpu.memory_space<vmem>> -> memref<1x80xi32, #tpu.memory_space<vmem>>
      %dma_start3A_881 = tpu.memref_squeeze %dma_start3A_880 : memref<1x80xi32, #tpu.memory_space<vmem>> -> memref<80xi32, #tpu.memory_space<vmem>>
      %dma_start3A_882 = arith.constant 0 : i32
      %dma_start3A_883 = arith.constant 0 : i32
      %dma_start3A_884 = tpu.memref_slice %arg3[%add3A, %dma_start3A_882, %dma_start3A_883] : memref<32x125x80xi32, #tpu.memory_space<hbm>> -> memref<1x125x80xi32, #tpu.memory_space<hbm>>
      %dma_start3A_885 = tpu.memref_squeeze %dma_start3A_884 : memref<1x125x80xi32, #tpu.memory_space<hbm>> -> memref<125x80xi32, #tpu.memory_space<hbm>>
      %dma_start3A_886 = arith.constant 0 : i32
      %dma_start3A_887 = tpu.memref_slice %dma_start3A_885[%add3A_808, %dma_start3A_886] : memref<125x80xi32, #tpu.memory_space<hbm>> -> memref<1x80xi32, #tpu.memory_space<hbm>>
      %dma_start3A_888 = tpu.memref_squeeze %dma_start3A_887 : memref<1x80xi32, #tpu.memory_space<hbm>> -> memref<80xi32, #tpu.memory_space<hbm>>
      tpu.enqueue_dma source(%dma_start3A_888 : memref<80xi32, #tpu.memory_space<hbm>>) target(%dma_start3A_881 : memref<80xi32, #tpu.memory_space<vmem>>) target_semaphore(%arg16 : memref<!tpu.dma_semaphore, #tpu.memory_space<semaphore_mem>>)
      %dma_wait3A_889 = arith.constant 2 : i32
      %dma_wait3A_890 = arith.constant 0 : i32
      %dma_wait3A_891 = tpu.memref_slice %arg9[%dma_wait3A_889, %dma_wait3A_890] : memref<3x80xi32, #tpu.memory_space<vmem>> -> memref<1x80xi32, #tpu.memory_space<vmem>>
      %dma_wait3A_892 = tpu.memref_squeeze %dma_wait3A_891 : memref<1x80xi32, #tpu.memory_space<vmem>> -> memref<80xi32, #tpu.memory_space<vmem>>
      %dma_wait3A_893 = arith.constant 0 : i32
      %dma_wait3A_894 = arith.constant 0 : i32
      %dma_wait3A_895 = tpu.memref_slice %arg2[%add3A, %dma_wait3A_893, %dma_wait3A_894] : memref<32x125x80xi32, #tpu.memory_space<hbm>> -> memref<1x125x80xi32, #tpu.memory_space<hbm>>
      %dma_wait3A_896 = tpu.memref_squeeze %dma_wait3A_895 : memref<1x125x80xi32, #tpu.memory_space<hbm>> -> memref<125x80xi32, #tpu.memory_space<hbm>>
      %dma_wait3A_897 = arith.constant 0 : i32
      %dma_wait3A_898 = tpu.memref_slice %dma_wait3A_896[%add3A_810, %dma_wait3A_897] : memref<125x80xi32, #tpu.memory_space<hbm>> -> memref<1x80xi32, #tpu.memory_space<hbm>>
      %dma_wait3A_899 = tpu.memref_squeeze %dma_wait3A_898 : memref<1x80xi32, #tpu.memory_space<hbm>> -> memref<80xi32, #tpu.memory_space<hbm>>
      %dma_wait3A_900 = arith.constant 0 : i32
      %dma_wait3A_901 = tpu.memref_slice %arg9[%dma_wait3A_889, %dma_wait3A_900] : memref<3x80xi32, #tpu.memory_space<vmem>> -> memref<1x80xi32, #tpu.memory_space<vmem>>
      %dma_wait3A_902 = tpu.memref_squeeze %dma_wait3A_901 : memref<1x80xi32, #tpu.memory_space<vmem>> -> memref<80xi32, #tpu.memory_space<vmem>>
      %dma_wait3A_903 = arith.constant 0 : i32
      %dma_wait3A_904 = arith.constant 0 : i32
      %dma_wait3A_905 = tpu.memref_slice %arg2[%add3A, %dma_wait3A_903, %dma_wait3A_904] : memref<32x125x80xi32, #tpu.memory_space<hbm>> -> memref<1x125x80xi32, #tpu.memory_space<hbm>>
      %dma_wait3A_906 = tpu.memref_squeeze %dma_wait3A_905 : memref<1x125x80xi32, #tpu.memory_space<hbm>> -> memref<125x80xi32, #tpu.memory_space<hbm>>
      %dma_wait3A_907 = arith.constant 0 : i32
      %dma_wait3A_908 = tpu.memref_slice %dma_wait3A_906[%add3A_810, %dma_wait3A_907] : memref<125x80xi32, #tpu.memory_space<hbm>> -> memref<1x80xi32, #tpu.memory_space<hbm>>
      %dma_wait3A_909 = tpu.memref_squeeze %dma_wait3A_908 : memref<1x80xi32, #tpu.memory_space<hbm>> -> memref<80xi32, #tpu.memory_space<hbm>>
      tpu.wait_dma2 semaphore(%arg18 : memref<!tpu.dma_semaphore, #tpu.memory_space<semaphore_mem>>) src(%dma_wait3A_909 : memref<80xi32, #tpu.memory_space<hbm>>) dst(%dma_wait3A_902 : memref<80xi32, #tpu.memory_space<vmem>>)
      %dma_wait3A_910 = arith.constant 2 : i32
      %dma_wait3A_911 = arith.constant 0 : i32
      %dma_wait3A_912 = tpu.memref_slice %arg10[%dma_wait3A_910, %dma_wait3A_911] : memref<3x80xi32, #tpu.memory_space<vmem>> -> memref<1x80xi32, #tpu.memory_space<vmem>>
      %dma_wait3A_913 = tpu.memref_squeeze %dma_wait3A_912 : memref<1x80xi32, #tpu.memory_space<vmem>> -> memref<80xi32, #tpu.memory_space<vmem>>
      %dma_wait3A_914 = arith.constant 0 : i32
      %dma_wait3A_915 = arith.constant 0 : i32
      %dma_wait3A_916 = tpu.memref_slice %arg3[%add3A, %dma_wait3A_914, %dma_wait3A_915] : memref<32x125x80xi32, #tpu.memory_space<hbm>> -> memref<1x125x80xi32, #tpu.memory_space<hbm>>
      %dma_wait3A_917 = tpu.memref_squeeze %dma_wait3A_916 : memref<1x125x80xi32, #tpu.memory_space<hbm>> -> memref<125x80xi32, #tpu.memory_space<hbm>>
      %dma_wait3A_918 = arith.constant 0 : i32
      %dma_wait3A_919 = tpu.memref_slice %dma_wait3A_917[%add3A_810, %dma_wait3A_918] : memref<125x80xi32, #tpu.memory_space<hbm>> -> memref<1x80xi32, #tpu.memory_space<hbm>>
      %dma_wait3A_920 = tpu.memref_squeeze %dma_wait3A_919 : memref<1x80xi32, #tpu.memory_space<hbm>> -> memref<80xi32, #tpu.memory_space<hbm>>
      %dma_wait3A_921 = arith.constant 0 : i32
      %dma_wait3A_922 = tpu.memref_slice %arg10[%dma_wait3A_910, %dma_wait3A_921] : memref<3x80xi32, #tpu.memory_space<vmem>> -> memref<1x80xi32, #tpu.memory_space<vmem>>
      %dma_wait3A_923 = tpu.memref_squeeze %dma_wait3A_922 : memref<1x80xi32, #tpu.memory_space<vmem>> -> memref<80xi32, #tpu.memory_space<vmem>>
      %dma_wait3A_924 = arith.constant 0 : i32
      %dma_wait3A_925 = arith.constant 0 : i32
      %dma_wait3A_926 = tpu.memref_slice %arg3[%add3A, %dma_wait3A_924, %dma_wait3A_925] : memref<32x125x80xi32, #tpu.memory_space<hbm>> -> memref<1x125x80xi32, #tpu.memory_space<hbm>>
      %dma_wait3A_927 = tpu.memref_squeeze %dma_wait3A_926 : memref<1x125x80xi32, #tpu.memory_space<hbm>> -> memref<125x80xi32, #tpu.memory_space<hbm>>
      %dma_wait3A_928 = arith.constant 0 : i32
      %dma_wait3A_929 = tpu.memref_slice %dma_wait3A_927[%add3A_810, %dma_wait3A_928] : memref<125x80xi32, #tpu.memory_space<hbm>> -> memref<1x80xi32, #tpu.memory_space<hbm>>
      %dma_wait3A_930 = tpu.memref_squeeze %dma_wait3A_929 : memref<1x80xi32, #tpu.memory_space<hbm>> -> memref<80xi32, #tpu.memory_space<hbm>>
      tpu.wait_dma2 semaphore(%arg18 : memref<!tpu.dma_semaphore, #tpu.memory_space<semaphore_mem>>) src(%dma_wait3A_930 : memref<80xi32, #tpu.memory_space<hbm>>) dst(%dma_wait3A_923 : memref<80xi32, #tpu.memory_space<vmem>>)
      %dma_start3A_931 = arith.constant 2 : i32
      %dma_start3A_932 = arith.constant 2 : i32
      %dma_start3A_933 = arith.constant 0 : i32
      %dma_start3A_934 = arith.constant 0 : i32
      %dma_start3A_935 = tpu.memref_slice %arg11[%dma_start3A_932, %dma_start3A_933, %dma_start3A_934] : memref<3x80x128xf32, #tpu.memory_space<vmem>> -> memref<1x80x128xf32, #tpu.memory_space<vmem>>
      %dma_start3A_936 = tpu.memref_squeeze %dma_start3A_935 : memref<1x80x128xf32, #tpu.memory_space<vmem>> -> memref<80x128xf32, #tpu.memory_space<vmem>>
      %dma_start3A_937 = arith.constant 0 : i32
      %dma_start3A_938 = tpu.memref_slice %arg9[%dma_start3A_931, %dma_start3A_937] : memref<3x80xi32, #tpu.memory_space<vmem>> -> memref<1x80xi32, #tpu.memory_space<vmem>>
      %dma_start3A_939 = tpu.memref_squeeze %dma_start3A_938 : memref<1x80xi32, #tpu.memory_space<vmem>> -> memref<80xi32, #tpu.memory_space<vmem>>
      %dma_start3A_940 = arith.constant 0 : i32
      %dma_start3A_941 = arith.constant 0 : i32
      %dma_start3A_942 = tpu.memref_slice %arg4[%dma_start3A_940, %dma_start3A_941] : memref<10000x128xf32, #tpu.memory_space<hbm>> -> memref<10000x128xf32, #tpu.memory_space<hbm>>
      tpu.enqueue_indirect_dma source(%dma_start3A_942 : memref<10000x128xf32, #tpu.memory_space<hbm>>) target(%dma_start3A_936 : memref<80x128xf32, #tpu.memory_space<vmem>>) offsets(%dma_start3A_939 : memref<80xi32, #tpu.memory_space<vmem>>) semaphore(%arg12 : memref<!tpu.dma_semaphore, #tpu.memory_space<semaphore_mem>>)
      %get3A_943 = arith.constant 1 : i32
      %get3A_944 = arith.index_cast %get3A_943 : i32 to index
      %get3A_945 = arith.constant 0 : index
      %get3A_946 = tpu.vector_load %arg10[%get3A_944, %get3A_945] {strides = array<i32>} : memref<3x80xi32, #tpu.memory_space<vmem>>, vector<16xi32>,
      tpu.vector_store_idx %arg19[%get3A_946], %broadcast_in_dim3A_10 {add = true} : memref<10000xf32, #tpu.memory_space<vmem>>[vector<16xi32>], vector<16xf32>,
      %get3A_947 = arith.constant 1 : i32
      %get3A_948 = arith.index_cast %get3A_947 : i32 to index
      %get3A_949 = arith.constant 16 : index
      %get3A_950 = tpu.vector_load %arg10[%get3A_948, %get3A_949] {strides = array<i32>} : memref<3x80xi32, #tpu.memory_space<vmem>>, vector<16xi32>,
      tpu.vector_store_idx %arg19[%get3A_950], %broadcast_in_dim3A_10 {add = true} : memref<10000xf32, #tpu.memory_space<vmem>>[vector<16xi32>], vector<16xf32>,
      %get3A_951 = arith.constant 1 : i32
      %get3A_952 = arith.index_cast %get3A_951 : i32 to index
      %get3A_953 = arith.constant 32 : index
      %get3A_954 = tpu.vector_load %arg10[%get3A_952, %get3A_953] {strides = array<i32>} : memref<3x80xi32, #tpu.memory_space<vmem>>, vector<16xi32>,
      tpu.vector_store_idx %arg19[%get3A_954], %broadcast_in_dim3A_10 {add = true} : memref<10000xf32, #tpu.memory_space<vmem>>[vector<16xi32>], vector<16xf32>,
      %get3A_955 = arith.constant 1 : i32
      %get3A_956 = arith.index_cast %get3A_955 : i32 to index
      %get3A_957 = arith.constant 48 : index
      %get3A_958 = tpu.vector_load %arg10[%get3A_956, %get3A_957] {strides = array<i32>} : memref<3x80xi32, #tpu.memory_space<vmem>>, vector<16xi32>,
      tpu.vector_store_idx %arg19[%get3A_958], %broadcast_in_dim3A_10 {add = true} : memref<10000xf32, #tpu.memory_space<vmem>>[vector<16xi32>], vector<16xf32>,
      %get3A_959 = arith.constant 1 : i32
      %get3A_960 = arith.index_cast %get3A_959 : i32 to index
      %get3A_961 = arith.constant 64 : index
      %get3A_962 = tpu.vector_load %arg10[%get3A_960, %get3A_961] {strides = array<i32>} : memref<3x80xi32, #tpu.memory_space<vmem>>, vector<16xi32>,
      tpu.vector_store_idx %arg19[%get3A_962], %broadcast_in_dim3A_10 {add = true} : memref<10000xf32, #tpu.memory_space<vmem>>[vector<16xi32>], vector<16xf32>,
      %add3A_963 = arith.constant 1 : i32
      %add3A_964 = arith.addi %add3A_806, %add3A_963 : i32
      %add3A_965 = arith.constant 3 : i32
      %add3A_966 = arith.addi %add3A_806, %add3A_965 : i32
      %add3A_967 = arith.constant 2 : i32
      %add3A_968 = arith.addi %add3A_806, %add3A_967 : i32
      %dma_wait3A_969 = arith.constant 2 : i32
      %dma_wait3A_970 = arith.constant 2 : i32
      %dma_wait3A_971 = arith.constant 0 : i32
      %dma_wait3A_972 = arith.constant 0 : i32
      %dma_wait3A_973 = tpu.memref_slice %arg11[%dma_wait3A_970, %dma_wait3A_971, %dma_wait3A_972] : memref<3x80x128xf32, #tpu.memory_space<vmem>> -> memref<1x80x128xf32, #tpu.memory_space<vmem>>
      %dma_wait3A_974 = tpu.memref_squeeze %dma_wait3A_973 : memref<1x80x128xf32, #tpu.memory_space<vmem>> -> memref<80x128xf32, #tpu.memory_space<vmem>>
      %dma_wait3A_975 = arith.constant 0 : i32
      %dma_wait3A_976 = tpu.memref_slice %arg9[%dma_wait3A_969, %dma_wait3A_975] : memref<3x80xi32, #tpu.memory_space<vmem>> -> memref<1x80xi32, #tpu.memory_space<vmem>>
      %dma_wait3A_977 = tpu.memref_squeeze %dma_wait3A_976 : memref<1x80xi32, #tpu.memory_space<vmem>> -> memref<80xi32, #tpu.memory_space<vmem>>
      %dma_wait3A_978 = arith.constant 0 : i32
      %dma_wait3A_979 = arith.constant 0 : i32
      %dma_wait3A_980 = tpu.memref_slice %arg4[%dma_wait3A_978, %dma_wait3A_979] : memref<10000x128xf32, #tpu.memory_space<hbm>> -> memref<10000x128xf32, #tpu.memory_space<hbm>>
      tpu.wait_indirect_dma semaphore(%arg12 : memref<!tpu.dma_semaphore, #tpu.memory_space<semaphore_mem>>) src(%dma_wait3A_980 : memref<10000x128xf32, #tpu.memory_space<hbm>>) dst(%dma_wait3A_974 : memref<80x128xf32, #tpu.memory_space<vmem>>)
      %dma_start3A_981 = arith.constant 2 : i32
      %dma_start3A_982 = arith.constant 2 : i32
      %dma_start3A_983 = arith.constant 0 : i32
      %dma_start3A_984 = arith.constant 0 : i32
      %dma_start3A_985 = tpu.memref_slice %arg11[%dma_start3A_981, %dma_start3A_983, %dma_start3A_984] : memref<3x80x128xf32, #tpu.memory_space<vmem>> -> memref<1x80x128xf32, #tpu.memory_space<vmem>>
      %dma_start3A_986 = tpu.memref_squeeze %dma_start3A_985 : memref<1x80x128xf32, #tpu.memory_space<vmem>> -> memref<80x128xf32, #tpu.memory_space<vmem>>
      %dma_start3A_987 = arith.constant 0 : i32
      %dma_start3A_988 = tpu.memref_slice %arg10[%dma_start3A_982, %dma_start3A_987] : memref<3x80xi32, #tpu.memory_space<vmem>> -> memref<1x80xi32, #tpu.memory_space<vmem>>
      %dma_start3A_989 = tpu.memref_squeeze %dma_start3A_988 : memref<1x80xi32, #tpu.memory_space<vmem>> -> memref<80xi32, #tpu.memory_space<vmem>>
      %dma_start3A_990 = arith.constant 0 : i32
      %dma_start3A_991 = arith.constant 0 : i32
      %dma_start3A_992 = tpu.memref_slice %arg8[%dma_start3A_990, %dma_start3A_991] : memref<10000x128xf32, #tpu.memory_space<vmem_shared>> -> memref<10000x128xf32, #tpu.memory_space<vmem_shared>>
      tpu.enqueue_indirect_dma source(%dma_start3A_986 : memref<80x128xf32, #tpu.memory_space<vmem>>) target(%dma_start3A_992 : memref<10000x128xf32, #tpu.memory_space<vmem_shared>>) offsets(%dma_start3A_989 : memref<80xi32, #tpu.memory_space<vmem>>) semaphore(%arg15 : memref<!tpu.dma_semaphore, #tpu.memory_space<semaphore_mem>>) {add = true}
      %dma_wait3A_993 = arith.constant 1 : i32
      %dma_wait3A_994 = arith.constant 1 : i32
      %dma_wait3A_995 = arith.constant 0 : i32
      %dma_wait3A_996 = arith.constant 0 : i32
      %dma_wait3A_997 = tpu.memref_slice %arg11[%dma_wait3A_993, %dma_wait3A_995, %dma_wait3A_996] : memref<3x80x128xf32, #tpu.memory_space<vmem>> -> memref<1x80x128xf32, #tpu.memory_space<vmem>>
      %dma_wait3A_998 = tpu.memref_squeeze %dma_wait3A_997 : memref<1x80x128xf32, #tpu.memory_space<vmem>> -> memref<80x128xf32, #tpu.memory_space<vmem>>
      %dma_wait3A_999 = arith.constant 0 : i32
      %dma_wait3A_1000 = tpu.memref_slice %arg10[%dma_wait3A_994, %dma_wait3A_999] : memref<3x80xi32, #tpu.memory_space<vmem>> -> memref<1x80xi32, #tpu.memory_space<vmem>>
      %dma_wait3A_1001 = tpu.memref_squeeze %dma_wait3A_1000 : memref<1x80xi32, #tpu.memory_space<vmem>> -> memref<80xi32, #tpu.memory_space<vmem>>
      %dma_wait3A_1002 = arith.constant 0 : i32
      %dma_wait3A_1003 = arith.constant 0 : i32
      %dma_wait3A_1004 = tpu.memref_slice %arg8[%dma_wait3A_1002, %dma_wait3A_1003] : memref<10000x128xf32, #tpu.memory_space<vmem_shared>> -> memref<10000x128xf32, #tpu.memory_space<vmem_shared>>
      tpu.wait_indirect_dma semaphore(%arg14 : memref<!tpu.dma_semaphore, #tpu.memory_space<semaphore_mem>>) src(%dma_wait3A_998 : memref<80x128xf32, #tpu.memory_space<vmem>>) dst(%dma_wait3A_1004 : memref<10000x128xf32, #tpu.memory_space<vmem_shared>>)
      %dma_start3A_1005 = arith.constant 1 : i32
      %dma_start3A_1006 = arith.constant 0 : i32
      %dma_start3A_1007 = tpu.memref_slice %arg9[%dma_start3A_1005, %dma_start3A_1006] : memref<3x80xi32, #tpu.memory_space<vmem>> -> memref<1x80xi32, #tpu.memory_space<vmem>>
      %dma_start3A_1008 = tpu.memref_squeeze %dma_start3A_1007 : memref<1x80xi32, #tpu.memory_space<vmem>> -> memref<80xi32, #tpu.memory_space<vmem>>
      %dma_start3A_1009 = arith.constant 0 : i32
      %dma_start3A_1010 = arith.constant 0 : i32
      %dma_start3A_1011 = tpu.memref_slice %arg2[%add3A, %dma_start3A_1009, %dma_start3A_1010] : memref<32x125x80xi32, #tpu.memory_space<hbm>> -> memref<1x125x80xi32, #tpu.memory_space<hbm>>
      %dma_start3A_1012 = tpu.memref_squeeze %dma_start3A_1011 : memref<1x125x80xi32, #tpu.memory_space<hbm>> -> memref<125x80xi32, #tpu.memory_space<hbm>>
      %dma_start3A_1013 = arith.constant 0 : i32
      %dma_start3A_1014 = tpu.memref_slice %dma_start3A_1012[%add3A_966, %dma_start3A_1013] : memref<125x80xi32, #tpu.memory_space<hbm>> -> memref<1x80xi32, #tpu.memory_space<hbm>>
      %dma_start3A_1015 = tpu.memref_squeeze %dma_start3A_1014 : memref<1x80xi32, #tpu.memory_space<hbm>> -> memref<80xi32, #tpu.memory_space<hbm>>
      %dma_start3A_1016 = arith.constant 0 : i32
      %dma_start3A_1017 = tpu.memref_slice %arg9[%dma_start3A_1005, %dma_start3A_1016] : memref<3x80xi32, #tpu.memory_space<vmem>> -> memref<1x80xi32, #tpu.memory_space<vmem>>
      %dma_start3A_1018 = tpu.memref_squeeze %dma_start3A_1017 : memref<1x80xi32, #tpu.memory_space<vmem>> -> memref<80xi32, #tpu.memory_space<vmem>>
      %dma_start3A_1019 = arith.constant 0 : i32
      %dma_start3A_1020 = arith.constant 0 : i32
      %dma_start3A_1021 = tpu.memref_slice %arg2[%add3A, %dma_start3A_1019, %dma_start3A_1020] : memref<32x125x80xi32, #tpu.memory_space<hbm>> -> memref<1x125x80xi32, #tpu.memory_space<hbm>>
      %dma_start3A_1022 = tpu.memref_squeeze %dma_start3A_1021 : memref<1x125x80xi32, #tpu.memory_space<hbm>> -> memref<125x80xi32, #tpu.memory_space<hbm>>
      %dma_start3A_1023 = arith.constant 0 : i32
      %dma_start3A_1024 = tpu.memref_slice %dma_start3A_1022[%add3A_966, %dma_start3A_1023] : memref<125x80xi32, #tpu.memory_space<hbm>> -> memref<1x80xi32, #tpu.memory_space<hbm>>
      %dma_start3A_1025 = tpu.memref_squeeze %dma_start3A_1024 : memref<1x80xi32, #tpu.memory_space<hbm>> -> memref<80xi32, #tpu.memory_space<hbm>>
      tpu.enqueue_dma source(%dma_start3A_1025 : memref<80xi32, #tpu.memory_space<hbm>>) target(%dma_start3A_1018 : memref<80xi32, #tpu.memory_space<vmem>>) target_semaphore(%arg17 : memref<!tpu.dma_semaphore, #tpu.memory_space<semaphore_mem>>)
      %dma_start3A_1026 = arith.constant 1 : i32
      %dma_start3A_1027 = arith.constant 0 : i32
      %dma_start3A_1028 = tpu.memref_slice %arg10[%dma_start3A_1026, %dma_start3A_1027] : memref<3x80xi32, #tpu.memory_space<vmem>> -> memref<1x80xi32, #tpu.memory_space<vmem>>
      %dma_start3A_1029 = tpu.memref_squeeze %dma_start3A_1028 : memref<1x80xi32, #tpu.memory_space<vmem>> -> memref<80xi32, #tpu.memory_space<vmem>>
      %dma_start3A_1030 = arith.constant 0 : i32
      %dma_start3A_1031 = arith.constant 0 : i32
      %dma_start3A_1032 = tpu.memref_slice %arg3[%add3A, %dma_start3A_1030, %dma_start3A_1031] : memref<32x125x80xi32, #tpu.memory_space<hbm>> -> memref<1x125x80xi32, #tpu.memory_space<hbm>>
      %dma_start3A_1033 = tpu.memref_squeeze %dma_start3A_1032 : memref<1x125x80xi32, #tpu.memory_space<hbm>> -> memref<125x80xi32, #tpu.memory_space<hbm>>
      %dma_start3A_1034 = arith.constant 0 : i32
      %dma_start3A_1035 = tpu.memref_slice %dma_start3A_1033[%add3A_966, %dma_start3A_1034] : memref<125x80xi32, #tpu.memory_space<hbm>> -> memref<1x80xi32, #tpu.memory_space<hbm>>
      %dma_start3A_1036 = tpu.memref_squeeze %dma_start3A_1035 : memref<1x80xi32, #tpu.memory_space<hbm>> -> memref<80xi32, #tpu.memory_space<hbm>>
      %dma_start3A_1037 = arith.constant 0 : i32
      %dma_start3A_1038 = tpu.memref_slice %arg10[%dma_start3A_1026, %dma_start3A_1037] : memref<3x80xi32, #tpu.memory_space<vmem>> -> memref<1x80xi32, #tpu.memory_space<vmem>>
      %dma_start3A_1039 = tpu.memref_squeeze %dma_start3A_1038 : memref<1x80xi32, #tpu.memory_space<vmem>> -> memref<80xi32, #tpu.memory_space<vmem>>
      %dma_start3A_1040 = arith.constant 0 : i32
      %dma_start3A_1041 = arith.constant 0 : i32
      %dma_start3A_1042 = tpu.memref_slice %arg3[%add3A, %dma_start3A_1040, %dma_start3A_1041] : memref<32x125x80xi32, #tpu.memory_space<hbm>> -> memref<1x125x80xi32, #tpu.memory_space<hbm>>
      %dma_start3A_1043 = tpu.memref_squeeze %dma_start3A_1042 : memref<1x125x80xi32, #tpu.memory_space<hbm>> -> memref<125x80xi32, #tpu.memory_space<hbm>>
      %dma_start3A_1044 = arith.constant 0 : i32
      %dma_start3A_1045 = tpu.memref_slice %dma_start3A_1043[%add3A_966, %dma_start3A_1044] : memref<125x80xi32, #tpu.memory_space<hbm>> -> memref<1x80xi32, #tpu.memory_space<hbm>>
      %dma_start3A_1046 = tpu.memref_squeeze %dma_start3A_1045 : memref<1x80xi32, #tpu.memory_space<hbm>> -> memref<80xi32, #tpu.memory_space<hbm>>
      tpu.enqueue_dma source(%dma_start3A_1046 : memref<80xi32, #tpu.memory_space<hbm>>) target(%dma_start3A_1039 : memref<80xi32, #tpu.memory_space<vmem>>) target_semaphore(%arg17 : memref<!tpu.dma_semaphore, #tpu.memory_space<semaphore_mem>>)
      %dma_wait3A_1047 = arith.constant 0 : i32
      %dma_wait3A_1048 = arith.constant 0 : i32
      %dma_wait3A_1049 = tpu.memref_slice %arg9[%dma_wait3A_1047, %dma_wait3A_1048] : memref<3x80xi32, #tpu.memory_space<vmem>> -> memref<1x80xi32, #tpu.memory_space<vmem>>
      %dma_wait3A_1050 = tpu.memref_squeeze %dma_wait3A_1049 : memref<1x80xi32, #tpu.memory_space<vmem>> -> memref<80xi32, #tpu.memory_space<vmem>>
      %dma_wait3A_1051 = arith.constant 0 : i32
      %dma_wait3A_1052 = arith.constant 0 : i32
      %dma_wait3A_1053 = tpu.memref_slice %arg2[%add3A, %dma_wait3A_1051, %dma_wait3A_1052] : memref<32x125x80xi32, #tpu.memory_space<hbm>> -> memref<1x125x80xi32, #tpu.memory_space<hbm>>
      %dma_wait3A_1054 = tpu.memref_squeeze %dma_wait3A_1053 : memref<1x125x80xi32, #tpu.memory_space<hbm>> -> memref<125x80xi32, #tpu.memory_space<hbm>>
      %dma_wait3A_1055 = arith.constant 0 : i32
      %dma_wait3A_1056 = tpu.memref_slice %dma_wait3A_1054[%add3A_968, %dma_wait3A_1055] : memref<125x80xi32, #tpu.memory_space<hbm>> -> memref<1x80xi32, #tpu.memory_space<hbm>>
      %dma_wait3A_1057 = tpu.memref_squeeze %dma_wait3A_1056 : memref<1x80xi32, #tpu.memory_space<hbm>> -> memref<80xi32, #tpu.memory_space<hbm>>
      %dma_wait3A_1058 = arith.constant 0 : i32
      %dma_wait3A_1059 = tpu.memref_slice %arg9[%dma_wait3A_1047, %dma_wait3A_1058] : memref<3x80xi32, #tpu.memory_space<vmem>> -> memref<1x80xi32, #tpu.memory_space<vmem>>
      %dma_wait3A_1060 = tpu.memref_squeeze %dma_wait3A_1059 : memref<1x80xi32, #tpu.memory_space<vmem>> -> memref<80xi32, #tpu.memory_space<vmem>>
      %dma_wait3A_1061 = arith.constant 0 : i32
      %dma_wait3A_1062 = arith.constant 0 : i32
      %dma_wait3A_1063 = tpu.memref_slice %arg2[%add3A, %dma_wait3A_1061, %dma_wait3A_1062] : memref<32x125x80xi32, #tpu.memory_space<hbm>> -> memref<1x125x80xi32, #tpu.memory_space<hbm>>
      %dma_wait3A_1064 = tpu.memref_squeeze %dma_wait3A_1063 : memref<1x125x80xi32, #tpu.memory_space<hbm>> -> memref<125x80xi32, #tpu.memory_space<hbm>>
      %dma_wait3A_1065 = arith.constant 0 : i32
      %dma_wait3A_1066 = tpu.memref_slice %dma_wait3A_1064[%add3A_968, %dma_wait3A_1065] : memref<125x80xi32, #tpu.memory_space<hbm>> -> memref<1x80xi32, #tpu.memory_space<hbm>>
      %dma_wait3A_1067 = tpu.memref_squeeze %dma_wait3A_1066 : memref<1x80xi32, #tpu.memory_space<hbm>> -> memref<80xi32, #tpu.memory_space<hbm>>
      tpu.wait_dma2 semaphore(%arg16 : memref<!tpu.dma_semaphore, #tpu.memory_space<semaphore_mem>>) src(%dma_wait3A_1067 : memref<80xi32, #tpu.memory_space<hbm>>) dst(%dma_wait3A_1060 : memref<80xi32, #tpu.memory_space<vmem>>)
      %dma_wait3A_1068 = arith.constant 0 : i32
      %dma_wait3A_1069 = arith.constant 0 : i32
      %dma_wait3A_1070 = tpu.memref_slice %arg10[%dma_wait3A_1068, %dma_wait3A_1069] : memref<3x80xi32, #tpu.memory_space<vmem>> -> memref<1x80xi32, #tpu.memory_space<vmem>>
      %dma_wait3A_1071 = tpu.memref_squeeze %dma_wait3A_1070 : memref<1x80xi32, #tpu.memory_space<vmem>> -> memref<80xi32, #tpu.memory_space<vmem>>
      %dma_wait3A_1072 = arith.constant 0 : i32
      %dma_wait3A_1073 = arith.constant 0 : i32
      %dma_wait3A_1074 = tpu.memref_slice %arg3[%add3A, %dma_wait3A_1072, %dma_wait3A_1073] : memref<32x125x80xi32, #tpu.memory_space<hbm>> -> memref<1x125x80xi32, #tpu.memory_space<hbm>>
      %dma_wait3A_1075 = tpu.memref_squeeze %dma_wait3A_1074 : memref<1x125x80xi32, #tpu.memory_space<hbm>> -> memref<125x80xi32, #tpu.memory_space<hbm>>
      %dma_wait3A_1076 = arith.constant 0 : i32
      %dma_wait3A_1077 = tpu.memref_slice %dma_wait3A_1075[%add3A_968, %dma_wait3A_1076] : memref<125x80xi32, #tpu.memory_space<hbm>> -> memref<1x80xi32, #tpu.memory_space<hbm>>
      %dma_wait3A_1078 = tpu.memref_squeeze %dma_wait3A_1077 : memref<1x80xi32, #tpu.memory_space<hbm>> -> memref<80xi32, #tpu.memory_space<hbm>>
      %dma_wait3A_1079 = arith.constant 0 : i32
      %dma_wait3A_1080 = tpu.memref_slice %arg10[%dma_wait3A_1068, %dma_wait3A_1079] : memref<3x80xi32, #tpu.memory_space<vmem>> -> memref<1x80xi32, #tpu.memory_space<vmem>>
      %dma_wait3A_1081 = tpu.memref_squeeze %dma_wait3A_1080 : memref<1x80xi32, #tpu.memory_space<vmem>> -> memref<80xi32, #tpu.memory_space<vmem>>
      %dma_wait3A_1082 = arith.constant 0 : i32
      %dma_wait3A_1083 = arith.constant 0 : i32
      %dma_wait3A_1084 = tpu.memref_slice %arg3[%add3A, %dma_wait3A_1082, %dma_wait3A_1083] : memref<32x125x80xi32, #tpu.memory_space<hbm>> -> memref<1x125x80xi32, #tpu.memory_space<hbm>>
      %dma_wait3A_1085 = tpu.memref_squeeze %dma_wait3A_1084 : memref<1x125x80xi32, #tpu.memory_space<hbm>> -> memref<125x80xi32, #tpu.memory_space<hbm>>
      %dma_wait3A_1086 = arith.constant 0 : i32
      %dma_wait3A_1087 = tpu.memref_slice %dma_wait3A_1085[%add3A_968, %dma_wait3A_1086] : memref<125x80xi32, #tpu.memory_space<hbm>> -> memref<1x80xi32, #tpu.memory_space<hbm>>
      %dma_wait3A_1088 = tpu.memref_squeeze %dma_wait3A_1087 : memref<1x80xi32, #tpu.memory_space<hbm>> -> memref<80xi32, #tpu.memory_space<hbm>>
      tpu.wait_dma2 semaphore(%arg16 : memref<!tpu.dma_semaphore, #tpu.memory_space<semaphore_mem>>) src(%dma_wait3A_1088 : memref<80xi32, #tpu.memory_space<hbm>>) dst(%dma_wait3A_1081 : memref<80xi32, #tpu.memory_space<vmem>>)
      %dma_start3A_1089 = arith.constant 0 : i32
      %dma_start3A_1090 = arith.constant 0 : i32
      %dma_start3A_1091 = arith.constant 0 : i32
      %dma_start3A_1092 = arith.constant 0 : i32
      %dma_start3A_1093 = tpu.memref_slice %arg11[%dma_start3A_1090, %dma_start3A_1091, %dma_start3A_1092] : memref<3x80x128xf32, #tpu.memory_space<vmem>> -> memref<1x80x128xf32, #tpu.memory_space<vmem>>
      %dma_start3A_1094 = tpu.memref_squeeze %dma_start3A_1093 : memref<1x80x128xf32, #tpu.memory_space<vmem>> -> memref<80x128xf32, #tpu.memory_space<vmem>>
      %dma_start3A_1095 = arith.constant 0 : i32
      %dma_start3A_1096 = tpu.memref_slice %arg9[%dma_start3A_1089, %dma_start3A_1095] : memref<3x80xi32, #tpu.memory_space<vmem>> -> memref<1x80xi32, #tpu.memory_space<vmem>>
      %dma_start3A_1097 = tpu.memref_squeeze %dma_start3A_1096 : memref<1x80xi32, #tpu.memory_space<vmem>> -> memref<80xi32, #tpu.memory_space<vmem>>
      %dma_start3A_1098 = arith.constant 0 : i32
      %dma_start3A_1099 = arith.constant 0 : i32
      %dma_start3A_1100 = tpu.memref_slice %arg4[%dma_start3A_1098, %dma_start3A_1099] : memref<10000x128xf32, #tpu.memory_space<hbm>> -> memref<10000x128xf32, #tpu.memory_space<hbm>>
      tpu.enqueue_indirect_dma source(%dma_start3A_1100 : memref<10000x128xf32, #tpu.memory_space<hbm>>) target(%dma_start3A_1094 : memref<80x128xf32, #tpu.memory_space<vmem>>) offsets(%dma_start3A_1097 : memref<80xi32, #tpu.memory_space<vmem>>) semaphore(%arg12 : memref<!tpu.dma_semaphore, #tpu.memory_space<semaphore_mem>>)
      %get3A_1101 = arith.constant 2 : i32
      %get3A_1102 = arith.index_cast %get3A_1101 : i32 to index
      %get3A_1103 = arith.constant 0 : index
      %get3A_1104 = tpu.vector_load %arg10[%get3A_1102, %get3A_1103] {strides = array<i32>} : memref<3x80xi32, #tpu.memory_space<vmem>>, vector<16xi32>,
      tpu.vector_store_idx %arg19[%get3A_1104], %broadcast_in_dim3A_10 {add = true} : memref<10000xf32, #tpu.memory_space<vmem>>[vector<16xi32>], vector<16xf32>,
      %get3A_1105 = arith.constant 2 : i32
      %get3A_1106 = arith.index_cast %get3A_1105 : i32 to index
      %get3A_1107 = arith.constant 16 : index
      %get3A_1108 = tpu.vector_load %arg10[%get3A_1106, %get3A_1107] {strides = array<i32>} : memref<3x80xi32, #tpu.memory_space<vmem>>, vector<16xi32>,
      tpu.vector_store_idx %arg19[%get3A_1108], %broadcast_in_dim3A_10 {add = true} : memref<10000xf32, #tpu.memory_space<vmem>>[vector<16xi32>], vector<16xf32>,
      %get3A_1109 = arith.constant 2 : i32
      %get3A_1110 = arith.index_cast %get3A_1109 : i32 to index
      %get3A_1111 = arith.constant 32 : index
      %get3A_1112 = tpu.vector_load %arg10[%get3A_1110, %get3A_1111] {strides = array<i32>} : memref<3x80xi32, #tpu.memory_space<vmem>>, vector<16xi32>,
      tpu.vector_store_idx %arg19[%get3A_1112], %broadcast_in_dim3A_10 {add = true} : memref<10000xf32, #tpu.memory_space<vmem>>[vector<16xi32>], vector<16xf32>,
      %get3A_1113 = arith.constant 2 : i32
      %get3A_1114 = arith.index_cast %get3A_1113 : i32 to index
      %get3A_1115 = arith.constant 48 : index
      %get3A_1116 = tpu.vector_load %arg10[%get3A_1114, %get3A_1115] {strides = array<i32>} : memref<3x80xi32, #tpu.memory_space<vmem>>, vector<16xi32>,
      tpu.vector_store_idx %arg19[%get3A_1116], %broadcast_in_dim3A_10 {add = true} : memref<10000xf32, #tpu.memory_space<vmem>>[vector<16xi32>], vector<16xf32>,
      %get3A_1117 = arith.constant 2 : i32
      %get3A_1118 = arith.index_cast %get3A_1117 : i32 to index
      %get3A_1119 = arith.constant 64 : index
      %get3A_1120 = tpu.vector_load %arg10[%get3A_1118, %get3A_1119] {strides = array<i32>} : memref<3x80xi32, #tpu.memory_space<vmem>>, vector<16xi32>,
      tpu.vector_store_idx %arg19[%get3A_1120], %broadcast_in_dim3A_10 {add = true} : memref<10000xf32, #tpu.memory_space<vmem>>[vector<16xi32>], vector<16xf32>,
      %add3A_1121 = arith.constant 2 : i32
      %add3A_1122 = arith.addi %add3A_806, %add3A_1121 : i32
      %add3A_1123 = arith.constant 4 : i32
      %add3A_1124 = arith.addi %add3A_806, %add3A_1123 : i32
      %add3A_1125 = arith.constant 3 : i32
      %add3A_1126 = arith.addi %add3A_806, %add3A_1125 : i32
      %dma_wait3A_1127 = arith.constant 0 : i32
      %dma_wait3A_1128 = arith.constant 0 : i32
      %dma_wait3A_1129 = arith.constant 0 : i32
      %dma_wait3A_1130 = arith.constant 0 : i32
      %dma_wait3A_1131 = tpu.memref_slice %arg11[%dma_wait3A_1128, %dma_wait3A_1129, %dma_wait3A_1130] : memref<3x80x128xf32, #tpu.memory_space<vmem>> -> memref<1x80x128xf32, #tpu.memory_space<vmem>>
      %dma_wait3A_1132 = tpu.memref_squeeze %dma_wait3A_1131 : memref<1x80x128xf32, #tpu.memory_space<vmem>> -> memref<80x128xf32, #tpu.memory_space<vmem>>
      %dma_wait3A_1133 = arith.constant 0 : i32
      %dma_wait3A_1134 = tpu.memref_slice %arg9[%dma_wait3A_1127, %dma_wait3A_1133] : memref<3x80xi32, #tpu.memory_space<vmem>> -> memref<1x80xi32, #tpu.memory_space<vmem>>
      %dma_wait3A_1135 = tpu.memref_squeeze %dma_wait3A_1134 : memref<1x80xi32, #tpu.memory_space<vmem>> -> memref<80xi32, #tpu.memory_space<vmem>>
      %dma_wait3A_1136 = arith.constant 0 : i32
      %dma_wait3A_1137 = arith.constant 0 : i32
      %dma_wait3A_1138 = tpu.memref_slice %arg4[%dma_wait3A_1136, %dma_wait3A_1137] : memref<10000x128xf32, #tpu.memory_space<hbm>> -> memref<10000x128xf32, #tpu.memory_space<hbm>>
      tpu.wait_indirect_dma semaphore(%arg12 : memref<!tpu.dma_semaphore, #tpu.memory_space<semaphore_mem>>) src(%dma_wait3A_1138 : memref<10000x128xf32, #tpu.memory_space<hbm>>) dst(%dma_wait3A_1132 : memref<80x128xf32, #tpu.memory_space<vmem>>)
      %dma_start3A_1139 = arith.constant 0 : i32
      %dma_start3A_1140 = arith.constant 0 : i32
      %dma_start3A_1141 = arith.constant 0 : i32
      %dma_start3A_1142 = arith.constant 0 : i32
      %dma_start3A_1143 = tpu.memref_slice %arg11[%dma_start3A_1139, %dma_start3A_1141, %dma_start3A_1142] : memref<3x80x128xf32, #tpu.memory_space<vmem>> -> memref<1x80x128xf32, #tpu.memory_space<vmem>>
      %dma_start3A_1144 = tpu.memref_squeeze %dma_start3A_1143 : memref<1x80x128xf32, #tpu.memory_space<vmem>> -> memref<80x128xf32, #tpu.memory_space<vmem>>
      %dma_start3A_1145 = arith.constant 0 : i32
      %dma_start3A_1146 = tpu.memref_slice %arg10[%dma_start3A_1140, %dma_start3A_1145] : memref<3x80xi32, #tpu.memory_space<vmem>> -> memref<1x80xi32, #tpu.memory_space<vmem>>
      %dma_start3A_1147 = tpu.memref_squeeze %dma_start3A_1146 : memref<1x80xi32, #tpu.memory_space<vmem>> -> memref<80xi32, #tpu.memory_space<vmem>>
      %dma_start3A_1148 = arith.constant 0 : i32
      %dma_start3A_1149 = arith.constant 0 : i32
      %dma_start3A_1150 = tpu.memref_slice %arg8[%dma_start3A_1148, %dma_start3A_1149] : memref<10000x128xf32, #tpu.memory_space<vmem_shared>> -> memref<10000x128xf32, #tpu.memory_space<vmem_shared>>
      tpu.enqueue_indirect_dma source(%dma_start3A_1144 : memref<80x128xf32, #tpu.memory_space<vmem>>) target(%dma_start3A_1150 : memref<10000x128xf32, #tpu.memory_space<vmem_shared>>) offsets(%dma_start3A_1147 : memref<80xi32, #tpu.memory_space<vmem>>) semaphore(%arg13 : memref<!tpu.dma_semaphore, #tpu.memory_space<semaphore_mem>>) {add = true}
      %dma_wait3A_1151 = arith.constant 2 : i32
      %dma_wait3A_1152 = arith.constant 2 : i32
      %dma_wait3A_1153 = arith.constant 0 : i32
      %dma_wait3A_1154 = arith.constant 0 : i32
      %dma_wait3A_1155 = tpu.memref_slice %arg11[%dma_wait3A_1151, %dma_wait3A_1153, %dma_wait3A_1154] : memref<3x80x128xf32, #tpu.memory_space<vmem>> -> memref<1x80x128xf32, #tpu.memory_space<vmem>>
      %dma_wait3A_1156 = tpu.memref_squeeze %dma_wait3A_1155 : memref<1x80x128xf32, #tpu.memory_space<vmem>> -> memref<80x128xf32, #tpu.memory_space<vmem>>
      %dma_wait3A_1157 = arith.constant 0 : i32
      %dma_wait3A_1158 = tpu.memref_slice %arg10[%dma_wait3A_1152, %dma_wait3A_1157] : memref<3x80xi32, #tpu.memory_space<vmem>> -> memref<1x80xi32, #tpu.memory_space<vmem>>
      %dma_wait3A_1159 = tpu.memref_squeeze %dma_wait3A_1158 : memref<1x80xi32, #tpu.memory_space<vmem>> -> memref<80xi32, #tpu.memory_space<vmem>>
      %dma_wait3A_1160 = arith.constant 0 : i32
      %dma_wait3A_1161 = arith.constant 0 : i32
      %dma_wait3A_1162 = tpu.memref_slice %arg8[%dma_wait3A_1160, %dma_wait3A_1161] : memref<10000x128xf32, #tpu.memory_space<vmem_shared>> -> memref<10000x128xf32, #tpu.memory_space<vmem_shared>>
      tpu.wait_indirect_dma semaphore(%arg15 : memref<!tpu.dma_semaphore, #tpu.memory_space<semaphore_mem>>) src(%dma_wait3A_1156 : memref<80x128xf32, #tpu.memory_space<vmem>>) dst(%dma_wait3A_1162 : memref<10000x128xf32, #tpu.memory_space<vmem_shared>>)
      %dma_start3A_1163 = arith.constant 2 : i32
      %dma_start3A_1164 = arith.constant 0 : i32
      %dma_start3A_1165 = tpu.memref_slice %arg9[%dma_start3A_1163, %dma_start3A_1164] : memref<3x80xi32, #tpu.memory_space<vmem>> -> memref<1x80xi32, #tpu.memory_space<vmem>>
      %dma_start3A_1166 = tpu.memref_squeeze %dma_start3A_1165 : memref<1x80xi32, #tpu.memory_space<vmem>> -> memref<80xi32, #tpu.memory_space<vmem>>
      %dma_start3A_1167 = arith.constant 0 : i32
      %dma_start3A_1168 = arith.constant 0 : i32
      %dma_start3A_1169 = tpu.memref_slice %arg2[%add3A, %dma_start3A_1167, %dma_start3A_1168] : memref<32x125x80xi32, #tpu.memory_space<hbm>> -> memref<1x125x80xi32, #tpu.memory_space<hbm>>
      %dma_start3A_1170 = tpu.memref_squeeze %dma_start3A_1169 : memref<1x125x80xi32, #tpu.memory_space<hbm>> -> memref<125x80xi32, #tpu.memory_space<hbm>>
      %dma_start3A_1171 = arith.constant 0 : i32
      %dma_start3A_1172 = tpu.memref_slice %dma_start3A_1170[%add3A_1124, %dma_start3A_1171] : memref<125x80xi32, #tpu.memory_space<hbm>> -> memref<1x80xi32, #tpu.memory_space<hbm>>
      %dma_start3A_1173 = tpu.memref_squeeze %dma_start3A_1172 : memref<1x80xi32, #tpu.memory_space<hbm>> -> memref<80xi32, #tpu.memory_space<hbm>>
      %dma_start3A_1174 = arith.constant 0 : i32
      %dma_start3A_1175 = tpu.memref_slice %arg9[%dma_start3A_1163, %dma_start3A_1174] : memref<3x80xi32, #tpu.memory_space<vmem>> -> memref<1x80xi32, #tpu.memory_space<vmem>>
      %dma_start3A_1176 = tpu.memref_squeeze %dma_start3A_1175 : memref<1x80xi32, #tpu.memory_space<vmem>> -> memref<80xi32, #tpu.memory_space<vmem>>
      %dma_start3A_1177 = arith.constant 0 : i32
      %dma_start3A_1178 = arith.constant 0 : i32
      %dma_start3A_1179 = tpu.memref_slice %arg2[%add3A, %dma_start3A_1177, %dma_start3A_1178] : memref<32x125x80xi32, #tpu.memory_space<hbm>> -> memref<1x125x80xi32, #tpu.memory_space<hbm>>
      %dma_start3A_1180 = tpu.memref_squeeze %dma_start3A_1179 : memref<1x125x80xi32, #tpu.memory_space<hbm>> -> memref<125x80xi32, #tpu.memory_space<hbm>>
      %dma_start3A_1181 = arith.constant 0 : i32
      %dma_start3A_1182 = tpu.memref_slice %dma_start3A_1180[%add3A_1124, %dma_start3A_1181] : memref<125x80xi32, #tpu.memory_space<hbm>> -> memref<1x80xi32, #tpu.memory_space<hbm>>
      %dma_start3A_1183 = tpu.memref_squeeze %dma_start3A_1182 : memref<1x80xi32, #tpu.memory_space<hbm>> -> memref<80xi32, #tpu.memory_space<hbm>>
      tpu.enqueue_dma source(%dma_start3A_1183 : memref<80xi32, #tpu.memory_space<hbm>>) target(%dma_start3A_1176 : memref<80xi32, #tpu.memory_space<vmem>>) target_semaphore(%arg18 : memref<!tpu.dma_semaphore, #tpu.memory_space<semaphore_mem>>)
      %dma_start3A_1184 = arith.constant 2 : i32
      %dma_start3A_1185 = arith.constant 0 : i32
      %dma_start3A_1186 = tpu.memref_slice %arg10[%dma_start3A_1184, %dma_start3A_1185] : memref<3x80xi32, #tpu.memory_space<vmem>> -> memref<1x80xi32, #tpu.memory_space<vmem>>
      %dma_start3A_1187 = tpu.memref_squeeze %dma_start3A_1186 : memref<1x80xi32, #tpu.memory_space<vmem>> -> memref<80xi32, #tpu.memory_space<vmem>>
      %dma_start3A_1188 = arith.constant 0 : i32
      %dma_start3A_1189 = arith.constant 0 : i32
      %dma_start3A_1190 = tpu.memref_slice %arg3[%add3A, %dma_start3A_1188, %dma_start3A_1189] : memref<32x125x80xi32, #tpu.memory_space<hbm>> -> memref<1x125x80xi32, #tpu.memory_space<hbm>>
      %dma_start3A_1191 = tpu.memref_squeeze %dma_start3A_1190 : memref<1x125x80xi32, #tpu.memory_space<hbm>> -> memref<125x80xi32, #tpu.memory_space<hbm>>
      %dma_start3A_1192 = arith.constant 0 : i32
      %dma_start3A_1193 = tpu.memref_slice %dma_start3A_1191[%add3A_1124, %dma_start3A_1192] : memref<125x80xi32, #tpu.memory_space<hbm>> -> memref<1x80xi32, #tpu.memory_space<hbm>>
      %dma_start3A_1194 = tpu.memref_squeeze %dma_start3A_1193 : memref<1x80xi32, #tpu.memory_space<hbm>> -> memref<80xi32, #tpu.memory_space<hbm>>
      %dma_start3A_1195 = arith.constant 0 : i32
      %dma_start3A_1196 = tpu.memref_slice %arg10[%dma_start3A_1184, %dma_start3A_1195] : memref<3x80xi32, #tpu.memory_space<vmem>> -> memref<1x80xi32, #tpu.memory_space<vmem>>
      %dma_start3A_1197 = tpu.memref_squeeze %dma_start3A_1196 : memref<1x80xi32, #tpu.memory_space<vmem>> -> memref<80xi32, #tpu.memory_space<vmem>>
      %dma_start3A_1198 = arith.constant 0 : i32
      %dma_start3A_1199 = arith.constant 0 : i32
      %dma_start3A_1200 = tpu.memref_slice %arg3[%add3A, %dma_start3A_1198, %dma_start3A_1199] : memref<32x125x80xi32, #tpu.memory_space<hbm>> -> memref<1x125x80xi32, #tpu.memory_space<hbm>>
      %dma_start3A_1201 = tpu.memref_squeeze %dma_start3A_1200 : memref<1x125x80xi32, #tpu.memory_space<hbm>> -> memref<125x80xi32, #tpu.memory_space<hbm>>
      %dma_start3A_1202 = arith.constant 0 : i32
      %dma_start3A_1203 = tpu.memref_slice %dma_start3A_1201[%add3A_1124, %dma_start3A_1202] : memref<125x80xi32, #tpu.memory_space<hbm>> -> memref<1x80xi32, #tpu.memory_space<hbm>>
      %dma_start3A_1204 = tpu.memref_squeeze %dma_start3A_1203 : memref<1x80xi32, #tpu.memory_space<hbm>> -> memref<80xi32, #tpu.memory_space<hbm>>
      tpu.enqueue_dma source(%dma_start3A_1204 : memref<80xi32, #tpu.memory_space<hbm>>) target(%dma_start3A_1197 : memref<80xi32, #tpu.memory_space<vmem>>) target_semaphore(%arg18 : memref<!tpu.dma_semaphore, #tpu.memory_space<semaphore_mem>>)
      %dma_wait3A_1205 = arith.constant 1 : i32
      %dma_wait3A_1206 = arith.constant 0 : i32
      %dma_wait3A_1207 = tpu.memref_slice %arg9[%dma_wait3A_1205, %dma_wait3A_1206] : memref<3x80xi32, #tpu.memory_space<vmem>> -> memref<1x80xi32, #tpu.memory_space<vmem>>
      %dma_wait3A_1208 = tpu.memref_squeeze %dma_wait3A_1207 : memref<1x80xi32, #tpu.memory_space<vmem>> -> memref<80xi32, #tpu.memory_space<vmem>>
      %dma_wait3A_1209 = arith.constant 0 : i32
      %dma_wait3A_1210 = arith.constant 0 : i32
      %dma_wait3A_1211 = tpu.memref_slice %arg2[%add3A, %dma_wait3A_1209, %dma_wait3A_1210] : memref<32x125x80xi32, #tpu.memory_space<hbm>> -> memref<1x125x80xi32, #tpu.memory_space<hbm>>
      %dma_wait3A_1212 = tpu.memref_squeeze %dma_wait3A_1211 : memref<1x125x80xi32, #tpu.memory_space<hbm>> -> memref<125x80xi32, #tpu.memory_space<hbm>>
      %dma_wait3A_1213 = arith.constant 0 : i32
      %dma_wait3A_1214 = tpu.memref_slice %dma_wait3A_1212[%add3A_1126, %dma_wait3A_1213] : memref<125x80xi32, #tpu.memory_space<hbm>> -> memref<1x80xi32, #tpu.memory_space<hbm>>
      %dma_wait3A_1215 = tpu.memref_squeeze %dma_wait3A_1214 : memref<1x80xi32, #tpu.memory_space<hbm>> -> memref<80xi32, #tpu.memory_space<hbm>>
      %dma_wait3A_1216 = arith.constant 0 : i32
      %dma_wait3A_1217 = tpu.memref_slice %arg9[%dma_wait3A_1205, %dma_wait3A_1216] : memref<3x80xi32, #tpu.memory_space<vmem>> -> memref<1x80xi32, #tpu.memory_space<vmem>>
      %dma_wait3A_1218 = tpu.memref_squeeze %dma_wait3A_1217 : memref<1x80xi32, #tpu.memory_space<vmem>> -> memref<80xi32, #tpu.memory_space<vmem>>
      %dma_wait3A_1219 = arith.constant 0 : i32
      %dma_wait3A_1220 = arith.constant 0 : i32
      %dma_wait3A_1221 = tpu.memref_slice %arg2[%add3A, %dma_wait3A_1219, %dma_wait3A_1220] : memref<32x125x80xi32, #tpu.memory_space<hbm>> -> memref<1x125x80xi32, #tpu.memory_space<hbm>>
      %dma_wait3A_1222 = tpu.memref_squeeze %dma_wait3A_1221 : memref<1x125x80xi32, #tpu.memory_space<hbm>> -> memref<125x80xi32, #tpu.memory_space<hbm>>
      %dma_wait3A_1223 = arith.constant 0 : i32
      %dma_wait3A_1224 = tpu.memref_slice %dma_wait3A_1222[%add3A_1126, %dma_wait3A_1223] : memref<125x80xi32, #tpu.memory_space<hbm>> -> memref<1x80xi32, #tpu.memory_space<hbm>>
      %dma_wait3A_1225 = tpu.memref_squeeze %dma_wait3A_1224 : memref<1x80xi32, #tpu.memory_space<hbm>> -> memref<80xi32, #tpu.memory_space<hbm>>
      tpu.wait_dma2 semaphore(%arg17 : memref<!tpu.dma_semaphore, #tpu.memory_space<semaphore_mem>>) src(%dma_wait3A_1225 : memref<80xi32, #tpu.memory_space<hbm>>) dst(%dma_wait3A_1218 : memref<80xi32, #tpu.memory_space<vmem>>)
      %dma_wait3A_1226 = arith.constant 1 : i32
      %dma_wait3A_1227 = arith.constant 0 : i32
      %dma_wait3A_1228 = tpu.memref_slice %arg10[%dma_wait3A_1226, %dma_wait3A_1227] : memref<3x80xi32, #tpu.memory_space<vmem>> -> memref<1x80xi32, #tpu.memory_space<vmem>>
      %dma_wait3A_1229 = tpu.memref_squeeze %dma_wait3A_1228 : memref<1x80xi32, #tpu.memory_space<vmem>> -> memref<80xi32, #tpu.memory_space<vmem>>
      %dma_wait3A_1230 = arith.constant 0 : i32
      %dma_wait3A_1231 = arith.constant 0 : i32
      %dma_wait3A_1232 = tpu.memref_slice %arg3[%add3A, %dma_wait3A_1230, %dma_wait3A_1231] : memref<32x125x80xi32, #tpu.memory_space<hbm>> -> memref<1x125x80xi32, #tpu.memory_space<hbm>>
      %dma_wait3A_1233 = tpu.memref_squeeze %dma_wait3A_1232 : memref<1x125x80xi32, #tpu.memory_space<hbm>> -> memref<125x80xi32, #tpu.memory_space<hbm>>
      %dma_wait3A_1234 = arith.constant 0 : i32
      %dma_wait3A_1235 = tpu.memref_slice %dma_wait3A_1233[%add3A_1126, %dma_wait3A_1234] : memref<125x80xi32, #tpu.memory_space<hbm>> -> memref<1x80xi32, #tpu.memory_space<hbm>>
      %dma_wait3A_1236 = tpu.memref_squeeze %dma_wait3A_1235 : memref<1x80xi32, #tpu.memory_space<hbm>> -> memref<80xi32, #tpu.memory_space<hbm>>
      %dma_wait3A_1237 = arith.constant 0 : i32
      %dma_wait3A_1238 = tpu.memref_slice %arg10[%dma_wait3A_1226, %dma_wait3A_1237] : memref<3x80xi32, #tpu.memory_space<vmem>> -> memref<1x80xi32, #tpu.memory_space<vmem>>
      %dma_wait3A_1239 = tpu.memref_squeeze %dma_wait3A_1238 : memref<1x80xi32, #tpu.memory_space<vmem>> -> memref<80xi32, #tpu.memory_space<vmem>>
      %dma_wait3A_1240 = arith.constant 0 : i32
      %dma_wait3A_1241 = arith.constant 0 : i32
      %dma_wait3A_1242 = tpu.memref_slice %arg3[%add3A, %dma_wait3A_1240, %dma_wait3A_1241] : memref<32x125x80xi32, #tpu.memory_space<hbm>> -> memref<1x125x80xi32, #tpu.memory_space<hbm>>
      %dma_wait3A_1243 = tpu.memref_squeeze %dma_wait3A_1242 : memref<1x125x80xi32, #tpu.memory_space<hbm>> -> memref<125x80xi32, #tpu.memory_space<hbm>>
      %dma_wait3A_1244 = arith.constant 0 : i32
      %dma_wait3A_1245 = tpu.memref_slice %dma_wait3A_1243[%add3A_1126, %dma_wait3A_1244] : memref<125x80xi32, #tpu.memory_space<hbm>> -> memref<1x80xi32, #tpu.memory_space<hbm>>
      %dma_wait3A_1246 = tpu.memref_squeeze %dma_wait3A_1245 : memref<1x80xi32, #tpu.memory_space<hbm>> -> memref<80xi32, #tpu.memory_space<hbm>>
      tpu.wait_dma2 semaphore(%arg17 : memref<!tpu.dma_semaphore, #tpu.memory_space<semaphore_mem>>) src(%dma_wait3A_1246 : memref<80xi32, #tpu.memory_space<hbm>>) dst(%dma_wait3A_1239 : memref<80xi32, #tpu.memory_space<vmem>>)
      %dma_start3A_1247 = arith.constant 1 : i32
      %dma_start3A_1248 = arith.constant 1 : i32
      %dma_start3A_1249 = arith.constant 0 : i32
      %dma_start3A_1250 = arith.constant 0 : i32
      %dma_start3A_1251 = tpu.memref_slice %arg11[%dma_start3A_1248, %dma_start3A_1249, %dma_start3A_1250] : memref<3x80x128xf32, #tpu.memory_space<vmem>> -> memref<1x80x128xf32, #tpu.memory_space<vmem>>
      %dma_start3A_1252 = tpu.memref_squeeze %dma_start3A_1251 : memref<1x80x128xf32, #tpu.memory_space<vmem>> -> memref<80x128xf32, #tpu.memory_space<vmem>>
      %dma_start3A_1253 = arith.constant 0 : i32
      %dma_start3A_1254 = tpu.memref_slice %arg9[%dma_start3A_1247, %dma_start3A_1253] : memref<3x80xi32, #tpu.memory_space<vmem>> -> memref<1x80xi32, #tpu.memory_space<vmem>>
      %dma_start3A_1255 = tpu.memref_squeeze %dma_start3A_1254 : memref<1x80xi32, #tpu.memory_space<vmem>> -> memref<80xi32, #tpu.memory_space<vmem>>
      %dma_start3A_1256 = arith.constant 0 : i32
      %dma_start3A_1257 = arith.constant 0 : i32
      %dma_start3A_1258 = tpu.memref_slice %arg4[%dma_start3A_1256, %dma_start3A_1257] : memref<10000x128xf32, #tpu.memory_space<hbm>> -> memref<10000x128xf32, #tpu.memory_space<hbm>>
      tpu.enqueue_indirect_dma source(%dma_start3A_1258 : memref<10000x128xf32, #tpu.memory_space<hbm>>) target(%dma_start3A_1252 : memref<80x128xf32, #tpu.memory_space<vmem>>) offsets(%dma_start3A_1255 : memref<80xi32, #tpu.memory_space<vmem>>) semaphore(%arg12 : memref<!tpu.dma_semaphore, #tpu.memory_space<semaphore_mem>>)
      %get3A_1259 = arith.constant 0 : i32
      %get3A_1260 = arith.index_cast %get3A_1259 : i32 to index
      %get3A_1261 = arith.constant 0 : index
      %get3A_1262 = tpu.vector_load %arg10[%get3A_1260, %get3A_1261] {strides = array<i32>} : memref<3x80xi32, #tpu.memory_space<vmem>>, vector<16xi32>,
      tpu.vector_store_idx %arg19[%get3A_1262], %broadcast_in_dim3A_10 {add = true} : memref<10000xf32, #tpu.memory_space<vmem>>[vector<16xi32>], vector<16xf32>,
      %get3A_1263 = arith.constant 0 : i32
      %get3A_1264 = arith.index_cast %get3A_1263 : i32 to index
      %get3A_1265 = arith.constant 16 : index
      %get3A_1266 = tpu.vector_load %arg10[%get3A_1264, %get3A_1265] {strides = array<i32>} : memref<3x80xi32, #tpu.memory_space<vmem>>, vector<16xi32>,
      tpu.vector_store_idx %arg19[%get3A_1266], %broadcast_in_dim3A_10 {add = true} : memref<10000xf32, #tpu.memory_space<vmem>>[vector<16xi32>], vector<16xf32>,
      %get3A_1267 = arith.constant 0 : i32
      %get3A_1268 = arith.index_cast %get3A_1267 : i32 to index
      %get3A_1269 = arith.constant 32 : index
      %get3A_1270 = tpu.vector_load %arg10[%get3A_1268, %get3A_1269] {strides = array<i32>} : memref<3x80xi32, #tpu.memory_space<vmem>>, vector<16xi32>,
      tpu.vector_store_idx %arg19[%get3A_1270], %broadcast_in_dim3A_10 {add = true} : memref<10000xf32, #tpu.memory_space<vmem>>[vector<16xi32>], vector<16xf32>,
      %get3A_1271 = arith.constant 0 : i32
      %get3A_1272 = arith.index_cast %get3A_1271 : i32 to index
      %get3A_1273 = arith.constant 48 : index
      %get3A_1274 = tpu.vector_load %arg10[%get3A_1272, %get3A_1273] {strides = array<i32>} : memref<3x80xi32, #tpu.memory_space<vmem>>, vector<16xi32>,
      tpu.vector_store_idx %arg19[%get3A_1274], %broadcast_in_dim3A_10 {add = true} : memref<10000xf32, #tpu.memory_space<vmem>>[vector<16xi32>], vector<16xf32>,
      %get3A_1275 = arith.constant 0 : i32
      %get3A_1276 = arith.index_cast %get3A_1275 : i32 to index
      %get3A_1277 = arith.constant 64 : index
      %get3A_1278 = tpu.vector_load %arg10[%get3A_1276, %get3A_1277] {strides = array<i32>} : memref<3x80xi32, #tpu.memory_space<vmem>>, vector<16xi32>,
      tpu.vector_store_idx %arg19[%get3A_1278], %broadcast_in_dim3A_10 {add = true} : memref<10000xf32, #tpu.memory_space<vmem>>[vector<16xi32>], vector<16xf32>,
    }
    %scan3A_301 = arith.constant 40 : i32
    %dma_wait3A_302 = arith.constant 1 : i32
    %dma_wait3A_303 = arith.constant 1 : i32
    %dma_wait3A_304 = arith.constant 0 : i32
    %dma_wait3A_305 = arith.constant 0 : i32
    %dma_wait3A_306 = tpu.memref_slice %arg11[%dma_wait3A_303, %dma_wait3A_304, %dma_wait3A_305] : memref<3x80x128xf32, #tpu.memory_space<vmem>> -> memref<1x80x128xf32, #tpu.memory_space<vmem>>
    %dma_wait3A_307 = tpu.memref_squeeze %dma_wait3A_306 : memref<1x80x128xf32, #tpu.memory_space<vmem>> -> memref<80x128xf32, #tpu.memory_space<vmem>>
    %dma_wait3A_308 = arith.constant 0 : i32
    %dma_wait3A_309 = tpu.memref_slice %arg9[%dma_wait3A_302, %dma_wait3A_308] : memref<3x80xi32, #tpu.memory_space<vmem>> -> memref<1x80xi32, #tpu.memory_space<vmem>>
    %dma_wait3A_310 = tpu.memref_squeeze %dma_wait3A_309 : memref<1x80xi32, #tpu.memory_space<vmem>> -> memref<80xi32, #tpu.memory_space<vmem>>
    %dma_wait3A_311 = arith.constant 0 : i32
    %dma_wait3A_312 = arith.constant 0 : i32
    %dma_wait3A_313 = tpu.memref_slice %arg4[%dma_wait3A_311, %dma_wait3A_312] : memref<10000x128xf32, #tpu.memory_space<hbm>> -> memref<10000x128xf32, #tpu.memory_space<hbm>>
    tpu.wait_indirect_dma semaphore(%arg12 : memref<!tpu.dma_semaphore, #tpu.memory_space<semaphore_mem>>) src(%dma_wait3A_313 : memref<10000x128xf32, #tpu.memory_space<hbm>>) dst(%dma_wait3A_307 : memref<80x128xf32, #tpu.memory_space<vmem>>)
    %dma_start3A_314 = arith.constant 1 : i32
    %dma_start3A_315 = arith.constant 1 : i32
    %dma_start3A_316 = arith.constant 0 : i32
    %dma_start3A_317 = arith.constant 0 : i32
    %dma_start3A_318 = tpu.memref_slice %arg11[%dma_start3A_314, %dma_start3A_316, %dma_start3A_317] : memref<3x80x128xf32, #tpu.memory_space<vmem>> -> memref<1x80x128xf32, #tpu.memory_space<vmem>>
    %dma_start3A_319 = tpu.memref_squeeze %dma_start3A_318 : memref<1x80x128xf32, #tpu.memory_space<vmem>> -> memref<80x128xf32, #tpu.memory_space<vmem>>
    %dma_start3A_320 = arith.constant 0 : i32
    %dma_start3A_321 = tpu.memref_slice %arg10[%dma_start3A_315, %dma_start3A_320] : memref<3x80xi32, #tpu.memory_space<vmem>> -> memref<1x80xi32, #tpu.memory_space<vmem>>
    %dma_start3A_322 = tpu.memref_squeeze %dma_start3A_321 : memref<1x80xi32, #tpu.memory_space<vmem>> -> memref<80xi32, #tpu.memory_space<vmem>>
    %dma_start3A_323 = arith.constant 0 : i32
    %dma_start3A_324 = arith.constant 0 : i32
    %dma_start3A_325 = tpu.memref_slice %arg8[%dma_start3A_323, %dma_start3A_324] : memref<10000x128xf32, #tpu.memory_space<vmem_shared>> -> memref<10000x128xf32, #tpu.memory_space<vmem_shared>>
    tpu.enqueue_indirect_dma source(%dma_start3A_319 : memref<80x128xf32, #tpu.memory_space<vmem>>) target(%dma_start3A_325 : memref<10000x128xf32, #tpu.memory_space<vmem_shared>>) offsets(%dma_start3A_322 : memref<80xi32, #tpu.memory_space<vmem>>) semaphore(%arg14 : memref<!tpu.dma_semaphore, #tpu.memory_space<semaphore_mem>>) {add = true}
    %dma_wait3A_326 = arith.constant 0 : i32
    %dma_wait3A_327 = arith.constant 0 : i32
    %dma_wait3A_328 = arith.constant 0 : i32
    %dma_wait3A_329 = arith.constant 0 : i32
    %dma_wait3A_330 = tpu.memref_slice %arg11[%dma_wait3A_326, %dma_wait3A_328, %dma_wait3A_329] : memref<3x80x128xf32, #tpu.memory_space<vmem>> -> memref<1x80x128xf32, #tpu.memory_space<vmem>>
    %dma_wait3A_331 = tpu.memref_squeeze %dma_wait3A_330 : memref<1x80x128xf32, #tpu.memory_space<vmem>> -> memref<80x128xf32, #tpu.memory_space<vmem>>
    %dma_wait3A_332 = arith.constant 0 : i32
    %dma_wait3A_333 = tpu.memref_slice %arg10[%dma_wait3A_327, %dma_wait3A_332] : memref<3x80xi32, #tpu.memory_space<vmem>> -> memref<1x80xi32, #tpu.memory_space<vmem>>
    %dma_wait3A_334 = tpu.memref_squeeze %dma_wait3A_333 : memref<1x80xi32, #tpu.memory_space<vmem>> -> memref<80xi32, #tpu.memory_space<vmem>>
    %dma_wait3A_335 = arith.constant 0 : i32
    %dma_wait3A_336 = arith.constant 0 : i32
    %dma_wait3A_337 = tpu.memref_slice %arg8[%dma_wait3A_335, %dma_wait3A_336] : memref<10000x128xf32, #tpu.memory_space<vmem_shared>> -> memref<10000x128xf32, #tpu.memory_space<vmem_shared>>
    tpu.wait_indirect_dma semaphore(%arg13 : memref<!tpu.dma_semaphore, #tpu.memory_space<semaphore_mem>>) src(%dma_wait3A_331 : memref<80x128xf32, #tpu.memory_space<vmem>>) dst(%dma_wait3A_337 : memref<10000x128xf32, #tpu.memory_space<vmem_shared>>)
    %dma_start3A_338 = arith.constant 123 : i32
    %dma_start3A_339 = arith.constant 0 : i32
    %dma_start3A_340 = arith.constant 0 : i32
    %dma_start3A_341 = tpu.memref_slice %arg9[%dma_start3A_339, %dma_start3A_340] : memref<3x80xi32, #tpu.memory_space<vmem>> -> memref<1x80xi32, #tpu.memory_space<vmem>>
    %dma_start3A_342 = tpu.memref_squeeze %dma_start3A_341 : memref<1x80xi32, #tpu.memory_space<vmem>> -> memref<80xi32, #tpu.memory_space<vmem>>
    %dma_start3A_343 = arith.constant 0 : i32
    %dma_start3A_344 = arith.constant 0 : i32
    %dma_start3A_345 = tpu.memref_slice %arg2[%add3A, %dma_start3A_343, %dma_start3A_344] : memref<32x125x80xi32, #tpu.memory_space<hbm>> -> memref<1x125x80xi32, #tpu.memory_space<hbm>>
    %dma_start3A_346 = tpu.memref_squeeze %dma_start3A_345 : memref<1x125x80xi32, #tpu.memory_space<hbm>> -> memref<125x80xi32, #tpu.memory_space<hbm>>
    %dma_start3A_347 = arith.constant 0 : i32
    %dma_start3A_348 = tpu.memref_slice %dma_start3A_346[%dma_start3A_338, %dma_start3A_347] : memref<125x80xi32, #tpu.memory_space<hbm>> -> memref<1x80xi32, #tpu.memory_space<hbm>>
    %dma_start3A_349 = tpu.memref_squeeze %dma_start3A_348 : memref<1x80xi32, #tpu.memory_space<hbm>> -> memref<80xi32, #tpu.memory_space<hbm>>
    %dma_start3A_350 = arith.constant 0 : i32
    %dma_start3A_351 = tpu.memref_slice %arg9[%dma_start3A_339, %dma_start3A_350] : memref<3x80xi32, #tpu.memory_space<vmem>> -> memref<1x80xi32, #tpu.memory_space<vmem>>
    %dma_start3A_352 = tpu.memref_squeeze %dma_start3A_351 : memref<1x80xi32, #tpu.memory_space<vmem>> -> memref<80xi32, #tpu.memory_space<vmem>>
    %dma_start3A_353 = arith.constant 0 : i32
    %dma_start3A_354 = arith.constant 0 : i32
    %dma_start3A_355 = tpu.memref_slice %arg2[%add3A, %dma_start3A_353, %dma_start3A_354] : memref<32x125x80xi32, #tpu.memory_space<hbm>> -> memref<1x125x80xi32, #tpu.memory_space<hbm>>
    %dma_start3A_356 = tpu.memref_squeeze %dma_start3A_355 : memref<1x125x80xi32, #tpu.memory_space<hbm>> -> memref<125x80xi32, #tpu.memory_space<hbm>>
    %dma_start3A_357 = arith.constant 0 : i32
    %dma_start3A_358 = tpu.memref_slice %dma_start3A_356[%dma_start3A_338, %dma_start3A_357] : memref<125x80xi32, #tpu.memory_space<hbm>> -> memref<1x80xi32, #tpu.memory_space<hbm>>
    %dma_start3A_359 = tpu.memref_squeeze %dma_start3A_358 : memref<1x80xi32, #tpu.memory_space<hbm>> -> memref<80xi32, #tpu.memory_space<hbm>>
    tpu.enqueue_dma source(%dma_start3A_359 : memref<80xi32, #tpu.memory_space<hbm>>) target(%dma_start3A_352 : memref<80xi32, #tpu.memory_space<vmem>>) target_semaphore(%arg16 : memref<!tpu.dma_semaphore, #tpu.memory_space<semaphore_mem>>)
    %dma_start3A_360 = arith.constant 123 : i32
    %dma_start3A_361 = arith.constant 0 : i32
    %dma_start3A_362 = arith.constant 0 : i32
    %dma_start3A_363 = tpu.memref_slice %arg10[%dma_start3A_361, %dma_start3A_362] : memref<3x80xi32, #tpu.memory_space<vmem>> -> memref<1x80xi32, #tpu.memory_space<vmem>>
    %dma_start3A_364 = tpu.memref_squeeze %dma_start3A_363 : memref<1x80xi32, #tpu.memory_space<vmem>> -> memref<80xi32, #tpu.memory_space<vmem>>
    %dma_start3A_365 = arith.constant 0 : i32
    %dma_start3A_366 = arith.constant 0 : i32
    %dma_start3A_367 = tpu.memref_slice %arg3[%add3A, %dma_start3A_365, %dma_start3A_366] : memref<32x125x80xi32, #tpu.memory_space<hbm>> -> memref<1x125x80xi32, #tpu.memory_space<hbm>>
    %dma_start3A_368 = tpu.memref_squeeze %dma_start3A_367 : memref<1x125x80xi32, #tpu.memory_space<hbm>> -> memref<125x80xi32, #tpu.memory_space<hbm>>
    %dma_start3A_369 = arith.constant 0 : i32
    %dma_start3A_370 = tpu.memref_slice %dma_start3A_368[%dma_start3A_360, %dma_start3A_369] : memref<125x80xi32, #tpu.memory_space<hbm>> -> memref<1x80xi32, #tpu.memory_space<hbm>>
    %dma_start3A_371 = tpu.memref_squeeze %dma_start3A_370 : memref<1x80xi32, #tpu.memory_space<hbm>> -> memref<80xi32, #tpu.memory_space<hbm>>
    %dma_start3A_372 = arith.constant 0 : i32
    %dma_start3A_373 = tpu.memref_slice %arg10[%dma_start3A_361, %dma_start3A_372] : memref<3x80xi32, #tpu.memory_space<vmem>> -> memref<1x80xi32, #tpu.memory_space<vmem>>
    %dma_start3A_374 = tpu.memref_squeeze %dma_start3A_373 : memref<1x80xi32, #tpu.memory_space<vmem>> -> memref<80xi32, #tpu.memory_space<vmem>>
    %dma_start3A_375 = arith.constant 0 : i32
    %dma_start3A_376 = arith.constant 0 : i32
    %dma_start3A_377 = tpu.memref_slice %arg3[%add3A, %dma_start3A_375, %dma_start3A_376] : memref<32x125x80xi32, #tpu.memory_space<hbm>> -> memref<1x125x80xi32, #tpu.memory_space<hbm>>
    %dma_start3A_378 = tpu.memref_squeeze %dma_start3A_377 : memref<1x125x80xi32, #tpu.memory_space<hbm>> -> memref<125x80xi32, #tpu.memory_space<hbm>>
    %dma_start3A_379 = arith.constant 0 : i32
    %dma_start3A_380 = tpu.memref_slice %dma_start3A_378[%dma_start3A_360, %dma_start3A_379] : memref<125x80xi32, #tpu.memory_space<hbm>> -> memref<1x80xi32, #tpu.memory_space<hbm>>
    %dma_start3A_381 = tpu.memref_squeeze %dma_start3A_380 : memref<1x80xi32, #tpu.memory_space<hbm>> -> memref<80xi32, #tpu.memory_space<hbm>>
    tpu.enqueue_dma source(%dma_start3A_381 : memref<80xi32, #tpu.memory_space<hbm>>) target(%dma_start3A_374 : memref<80xi32, #tpu.memory_space<vmem>>) target_semaphore(%arg16 : memref<!tpu.dma_semaphore, #tpu.memory_space<semaphore_mem>>)
    %dma_wait3A_382 = arith.constant 122 : i32
    %dma_wait3A_383 = arith.constant 2 : i32
    %dma_wait3A_384 = arith.constant 0 : i32
    %dma_wait3A_385 = tpu.memref_slice %arg9[%dma_wait3A_383, %dma_wait3A_384] : memref<3x80xi32, #tpu.memory_space<vmem>> -> memref<1x80xi32, #tpu.memory_space<vmem>>
    %dma_wait3A_386 = tpu.memref_squeeze %dma_wait3A_385 : memref<1x80xi32, #tpu.memory_space<vmem>> -> memref<80xi32, #tpu.memory_space<vmem>>
    %dma_wait3A_387 = arith.constant 0 : i32
    %dma_wait3A_388 = arith.constant 0 : i32
    %dma_wait3A_389 = tpu.memref_slice %arg2[%add3A, %dma_wait3A_387, %dma_wait3A_388] : memref<32x125x80xi32, #tpu.memory_space<hbm>> -> memref<1x125x80xi32, #tpu.memory_space<hbm>>
    %dma_wait3A_390 = tpu.memref_squeeze %dma_wait3A_389 : memref<1x125x80xi32, #tpu.memory_space<hbm>> -> memref<125x80xi32, #tpu.memory_space<hbm>>
    %dma_wait3A_391 = arith.constant 0 : i32
    %dma_wait3A_392 = tpu.memref_slice %dma_wait3A_390[%dma_wait3A_382, %dma_wait3A_391] : memref<125x80xi32, #tpu.memory_space<hbm>> -> memref<1x80xi32, #tpu.memory_space<hbm>>
    %dma_wait3A_393 = tpu.memref_squeeze %dma_wait3A_392 : memref<1x80xi32, #tpu.memory_space<hbm>> -> memref<80xi32, #tpu.memory_space<hbm>>
    %dma_wait3A_394 = arith.constant 0 : i32
    %dma_wait3A_395 = tpu.memref_slice %arg9[%dma_wait3A_383, %dma_wait3A_394] : memref<3x80xi32, #tpu.memory_space<vmem>> -> memref<1x80xi32, #tpu.memory_space<vmem>>
    %dma_wait3A_396 = tpu.memref_squeeze %dma_wait3A_395 : memref<1x80xi32, #tpu.memory_space<vmem>> -> memref<80xi32, #tpu.memory_space<vmem>>
    %dma_wait3A_397 = arith.constant 0 : i32
    %dma_wait3A_398 = arith.constant 0 : i32
    %dma_wait3A_399 = tpu.memref_slice %arg2[%add3A, %dma_wait3A_397, %dma_wait3A_398] : memref<32x125x80xi32, #tpu.memory_space<hbm>> -> memref<1x125x80xi32, #tpu.memory_space<hbm>>
    %dma_wait3A_400 = tpu.memref_squeeze %dma_wait3A_399 : memref<1x125x80xi32, #tpu.memory_space<hbm>> -> memref<125x80xi32, #tpu.memory_space<hbm>>
    %dma_wait3A_401 = arith.constant 0 : i32
    %dma_wait3A_402 = tpu.memref_slice %dma_wait3A_400[%dma_wait3A_382, %dma_wait3A_401] : memref<125x80xi32, #tpu.memory_space<hbm>> -> memref<1x80xi32, #tpu.memory_space<hbm>>
    %dma_wait3A_403 = tpu.memref_squeeze %dma_wait3A_402 : memref<1x80xi32, #tpu.memory_space<hbm>> -> memref<80xi32, #tpu.memory_space<hbm>>
    tpu.wait_dma2 semaphore(%arg18 : memref<!tpu.dma_semaphore, #tpu.memory_space<semaphore_mem>>) src(%dma_wait3A_403 : memref<80xi32, #tpu.memory_space<hbm>>) dst(%dma_wait3A_396 : memref<80xi32, #tpu.memory_space<vmem>>)
    %dma_wait3A_404 = arith.constant 122 : i32
    %dma_wait3A_405 = arith.constant 2 : i32
    %dma_wait3A_406 = arith.constant 0 : i32
    %dma_wait3A_407 = tpu.memref_slice %arg10[%dma_wait3A_405, %dma_wait3A_406] : memref<3x80xi32, #tpu.memory_space<vmem>> -> memref<1x80xi32, #tpu.memory_space<vmem>>
    %dma_wait3A_408 = tpu.memref_squeeze %dma_wait3A_407 : memref<1x80xi32, #tpu.memory_space<vmem>> -> memref<80xi32, #tpu.memory_space<vmem>>
    %dma_wait3A_409 = arith.constant 0 : i32
    %dma_wait3A_410 = arith.constant 0 : i32
    %dma_wait3A_411 = tpu.memref_slice %arg3[%add3A, %dma_wait3A_409, %dma_wait3A_410] : memref<32x125x80xi32, #tpu.memory_space<hbm>> -> memref<1x125x80xi32, #tpu.memory_space<hbm>>
    %dma_wait3A_412 = tpu.memref_squeeze %dma_wait3A_411 : memref<1x125x80xi32, #tpu.memory_space<hbm>> -> memref<125x80xi32, #tpu.memory_space<hbm>>
    %dma_wait3A_413 = arith.constant 0 : i32
    %dma_wait3A_414 = tpu.memref_slice %dma_wait3A_412[%dma_wait3A_404, %dma_wait3A_413] : memref<125x80xi32, #tpu.memory_space<hbm>> -> memref<1x80xi32, #tpu.memory_space<hbm>>
    %dma_wait3A_415 = tpu.memref_squeeze %dma_wait3A_414 : memref<1x80xi32, #tpu.memory_space<hbm>> -> memref<80xi32, #tpu.memory_space<hbm>>
    %dma_wait3A_416 = arith.constant 0 : i32
    %dma_wait3A_417 = tpu.memref_slice %arg10[%dma_wait3A_405, %dma_wait3A_416] : memref<3x80xi32, #tpu.memory_space<vmem>> -> memref<1x80xi32, #tpu.memory_space<vmem>>
    %dma_wait3A_418 = tpu.memref_squeeze %dma_wait3A_417 : memref<1x80xi32, #tpu.memory_space<vmem>> -> memref<80xi32, #tpu.memory_space<vmem>>
    %dma_wait3A_419 = arith.constant 0 : i32
    %dma_wait3A_420 = arith.constant 0 : i32
    %dma_wait3A_421 = tpu.memref_slice %arg3[%add3A, %dma_wait3A_419, %dma_wait3A_420] : memref<32x125x80xi32, #tpu.memory_space<hbm>> -> memref<1x125x80xi32, #tpu.memory_space<hbm>>
    %dma_wait3A_422 = tpu.memref_squeeze %dma_wait3A_421 : memref<1x125x80xi32, #tpu.memory_space<hbm>> -> memref<125x80xi32, #tpu.memory_space<hbm>>
    %dma_wait3A_423 = arith.constant 0 : i32
    %dma_wait3A_424 = tpu.memref_slice %dma_wait3A_422[%dma_wait3A_404, %dma_wait3A_423] : memref<125x80xi32, #tpu.memory_space<hbm>> -> memref<1x80xi32, #tpu.memory_space<hbm>>
    %dma_wait3A_425 = tpu.memref_squeeze %dma_wait3A_424 : memref<1x80xi32, #tpu.memory_space<hbm>> -> memref<80xi32, #tpu.memory_space<hbm>>
    tpu.wait_dma2 semaphore(%arg18 : memref<!tpu.dma_semaphore, #tpu.memory_space<semaphore_mem>>) src(%dma_wait3A_425 : memref<80xi32, #tpu.memory_space<hbm>>) dst(%dma_wait3A_418 : memref<80xi32, #tpu.memory_space<vmem>>)
    %dma_start3A_426 = arith.constant 2 : i32
    %dma_start3A_427 = arith.constant 2 : i32
    %dma_start3A_428 = arith.constant 0 : i32
    %dma_start3A_429 = arith.constant 0 : i32
    %dma_start3A_430 = tpu.memref_slice %arg11[%dma_start3A_427, %dma_start3A_428, %dma_start3A_429] : memref<3x80x128xf32, #tpu.memory_space<vmem>> -> memref<1x80x128xf32, #tpu.memory_space<vmem>>
    %dma_start3A_431 = tpu.memref_squeeze %dma_start3A_430 : memref<1x80x128xf32, #tpu.memory_space<vmem>> -> memref<80x128xf32, #tpu.memory_space<vmem>>
    %dma_start3A_432 = arith.constant 0 : i32
    %dma_start3A_433 = tpu.memref_slice %arg9[%dma_start3A_426, %dma_start3A_432] : memref<3x80xi32, #tpu.memory_space<vmem>> -> memref<1x80xi32, #tpu.memory_space<vmem>>
    %dma_start3A_434 = tpu.memref_squeeze %dma_start3A_433 : memref<1x80xi32, #tpu.memory_space<vmem>> -> memref<80xi32, #tpu.memory_space<vmem>>
    %dma_start3A_435 = arith.constant 0 : i32
    %dma_start3A_436 = arith.constant 0 : i32
    %dma_start3A_437 = tpu.memref_slice %arg4[%dma_start3A_435, %dma_start3A_436] : memref<10000x128xf32, #tpu.memory_space<hbm>> -> memref<10000x128xf32, #tpu.memory_space<hbm>>
    tpu.enqueue_indirect_dma source(%dma_start3A_437 : memref<10000x128xf32, #tpu.memory_space<hbm>>) target(%dma_start3A_431 : memref<80x128xf32, #tpu.memory_space<vmem>>) offsets(%dma_start3A_434 : memref<80xi32, #tpu.memory_space<vmem>>) semaphore(%arg12 : memref<!tpu.dma_semaphore, #tpu.memory_space<semaphore_mem>>)
    %get3A_438 = arith.constant 1 : i32
    %get3A_439 = arith.index_cast %get3A_438 : i32 to index
    %get3A_440 = arith.constant 0 : index
    %get3A_441 = tpu.vector_load %arg10[%get3A_439, %get3A_440] {strides = array<i32>} : memref<3x80xi32, #tpu.memory_space<vmem>>, vector<16xi32>,
    tpu.vector_store_idx %arg19[%get3A_441], %broadcast_in_dim3A_10 {add = true} : memref<10000xf32, #tpu.memory_space<vmem>>[vector<16xi32>], vector<16xf32>,
    %get3A_442 = arith.constant 1 : i32
    %get3A_443 = arith.index_cast %get3A_442 : i32 to index
    %get3A_444 = arith.constant 16 : index
    %get3A_445 = tpu.vector_load %arg10[%get3A_443, %get3A_444] {strides = array<i32>} : memref<3x80xi32, #tpu.memory_space<vmem>>, vector<16xi32>,
    tpu.vector_store_idx %arg19[%get3A_445], %broadcast_in_dim3A_10 {add = true} : memref<10000xf32, #tpu.memory_space<vmem>>[vector<16xi32>], vector<16xf32>,
    %get3A_446 = arith.constant 1 : i32
    %get3A_447 = arith.index_cast %get3A_446 : i32 to index
    %get3A_448 = arith.constant 32 : index
    %get3A_449 = tpu.vector_load %arg10[%get3A_447, %get3A_448] {strides = array<i32>} : memref<3x80xi32, #tpu.memory_space<vmem>>, vector<16xi32>,
    tpu.vector_store_idx %arg19[%get3A_449], %broadcast_in_dim3A_10 {add = true} : memref<10000xf32, #tpu.memory_space<vmem>>[vector<16xi32>], vector<16xf32>,
    %get3A_450 = arith.constant 1 : i32
    %get3A_451 = arith.index_cast %get3A_450 : i32 to index
    %get3A_452 = arith.constant 48 : index
    %get3A_453 = tpu.vector_load %arg10[%get3A_451, %get3A_452] {strides = array<i32>} : memref<3x80xi32, #tpu.memory_space<vmem>>, vector<16xi32>,
    tpu.vector_store_idx %arg19[%get3A_453], %broadcast_in_dim3A_10 {add = true} : memref<10000xf32, #tpu.memory_space<vmem>>[vector<16xi32>], vector<16xf32>,
    %get3A_454 = arith.constant 1 : i32
    %get3A_455 = arith.index_cast %get3A_454 : i32 to index
    %get3A_456 = arith.constant 64 : index
    %get3A_457 = tpu.vector_load %arg10[%get3A_455, %get3A_456] {strides = array<i32>} : memref<3x80xi32, #tpu.memory_space<vmem>>, vector<16xi32>,
    tpu.vector_store_idx %arg19[%get3A_457], %broadcast_in_dim3A_10 {add = true} : memref<10000xf32, #tpu.memory_space<vmem>>[vector<16xi32>], vector<16xf32>,
    %dma_wait3A_458 = arith.constant 2 : i32
    %dma_wait3A_459 = arith.constant 2 : i32
    %dma_wait3A_460 = arith.constant 0 : i32
    %dma_wait3A_461 = arith.constant 0 : i32
    %dma_wait3A_462 = tpu.memref_slice %arg11[%dma_wait3A_459, %dma_wait3A_460, %dma_wait3A_461] : memref<3x80x128xf32, #tpu.memory_space<vmem>> -> memref<1x80x128xf32, #tpu.memory_space<vmem>>
    %dma_wait3A_463 = tpu.memref_squeeze %dma_wait3A_462 : memref<1x80x128xf32, #tpu.memory_space<vmem>> -> memref<80x128xf32, #tpu.memory_space<vmem>>
    %dma_wait3A_464 = arith.constant 0 : i32
    %dma_wait3A_465 = tpu.memref_slice %arg9[%dma_wait3A_458, %dma_wait3A_464] : memref<3x80xi32, #tpu.memory_space<vmem>> -> memref<1x80xi32, #tpu.memory_space<vmem>>
    %dma_wait3A_466 = tpu.memref_squeeze %dma_wait3A_465 : memref<1x80xi32, #tpu.memory_space<vmem>> -> memref<80xi32, #tpu.memory_space<vmem>>
    %dma_wait3A_467 = arith.constant 0 : i32
    %dma_wait3A_468 = arith.constant 0 : i32
    %dma_wait3A_469 = tpu.memref_slice %arg4[%dma_wait3A_467, %dma_wait3A_468] : memref<10000x128xf32, #tpu.memory_space<hbm>> -> memref<10000x128xf32, #tpu.memory_space<hbm>>
    tpu.wait_indirect_dma semaphore(%arg12 : memref<!tpu.dma_semaphore, #tpu.memory_space<semaphore_mem>>) src(%dma_wait3A_469 : memref<10000x128xf32, #tpu.memory_space<hbm>>) dst(%dma_wait3A_463 : memref<80x128xf32, #tpu.memory_space<vmem>>)
    %dma_start3A_470 = arith.constant 2 : i32
    %dma_start3A_471 = arith.constant 2 : i32
    %dma_start3A_472 = arith.constant 0 : i32
    %dma_start3A_473 = arith.constant 0 : i32
    %dma_start3A_474 = tpu.memref_slice %arg11[%dma_start3A_470, %dma_start3A_472, %dma_start3A_473] : memref<3x80x128xf32, #tpu.memory_space<vmem>> -> memref<1x80x128xf32, #tpu.memory_space<vmem>>
    %dma_start3A_475 = tpu.memref_squeeze %dma_start3A_474 : memref<1x80x128xf32, #tpu.memory_space<vmem>> -> memref<80x128xf32, #tpu.memory_space<vmem>>
    %dma_start3A_476 = arith.constant 0 : i32
    %dma_start3A_477 = tpu.memref_slice %arg10[%dma_start3A_471, %dma_start3A_476] : memref<3x80xi32, #tpu.memory_space<vmem>> -> memref<1x80xi32, #tpu.memory_space<vmem>>
    %dma_start3A_478 = tpu.memref_squeeze %dma_start3A_477 : memref<1x80xi32, #tpu.memory_space<vmem>> -> memref<80xi32, #tpu.memory_space<vmem>>
    %dma_start3A_479 = arith.constant 0 : i32
    %dma_start3A_480 = arith.constant 0 : i32
    %dma_start3A_481 = tpu.memref_slice %arg8[%dma_start3A_479, %dma_start3A_480] : memref<10000x128xf32, #tpu.memory_space<vmem_shared>> -> memref<10000x128xf32, #tpu.memory_space<vmem_shared>>
    tpu.enqueue_indirect_dma source(%dma_start3A_475 : memref<80x128xf32, #tpu.memory_space<vmem>>) target(%dma_start3A_481 : memref<10000x128xf32, #tpu.memory_space<vmem_shared>>) offsets(%dma_start3A_478 : memref<80xi32, #tpu.memory_space<vmem>>) semaphore(%arg15 : memref<!tpu.dma_semaphore, #tpu.memory_space<semaphore_mem>>) {add = true}
    %dma_wait3A_482 = arith.constant 1 : i32
    %dma_wait3A_483 = arith.constant 1 : i32
    %dma_wait3A_484 = arith.constant 0 : i32
    %dma_wait3A_485 = arith.constant 0 : i32
    %dma_wait3A_486 = tpu.memref_slice %arg11[%dma_wait3A_482, %dma_wait3A_484, %dma_wait3A_485] : memref<3x80x128xf32, #tpu.memory_space<vmem>> -> memref<1x80x128xf32, #tpu.memory_space<vmem>>
    %dma_wait3A_487 = tpu.memref_squeeze %dma_wait3A_486 : memref<1x80x128xf32, #tpu.memory_space<vmem>> -> memref<80x128xf32, #tpu.memory_space<vmem>>
    %dma_wait3A_488 = arith.constant 0 : i32
    %dma_wait3A_489 = tpu.memref_slice %arg10[%dma_wait3A_483, %dma_wait3A_488] : memref<3x80xi32, #tpu.memory_space<vmem>> -> memref<1x80xi32, #tpu.memory_space<vmem>>
    %dma_wait3A_490 = tpu.memref_squeeze %dma_wait3A_489 : memref<1x80xi32, #tpu.memory_space<vmem>> -> memref<80xi32, #tpu.memory_space<vmem>>
    %dma_wait3A_491 = arith.constant 0 : i32
    %dma_wait3A_492 = arith.constant 0 : i32
    %dma_wait3A_493 = tpu.memref_slice %arg8[%dma_wait3A_491, %dma_wait3A_492] : memref<10000x128xf32, #tpu.memory_space<vmem_shared>> -> memref<10000x128xf32, #tpu.memory_space<vmem_shared>>
    tpu.wait_indirect_dma semaphore(%arg14 : memref<!tpu.dma_semaphore, #tpu.memory_space<semaphore_mem>>) src(%dma_wait3A_487 : memref<80x128xf32, #tpu.memory_space<vmem>>) dst(%dma_wait3A_493 : memref<10000x128xf32, #tpu.memory_space<vmem_shared>>)
    %dma_start3A_494 = arith.constant 124 : i32
    %dma_start3A_495 = arith.constant 1 : i32
    %dma_start3A_496 = arith.constant 0 : i32
    %dma_start3A_497 = tpu.memref_slice %arg9[%dma_start3A_495, %dma_start3A_496] : memref<3x80xi32, #tpu.memory_space<vmem>> -> memref<1x80xi32, #tpu.memory_space<vmem>>
    %dma_start3A_498 = tpu.memref_squeeze %dma_start3A_497 : memref<1x80xi32, #tpu.memory_space<vmem>> -> memref<80xi32, #tpu.memory_space<vmem>>
    %dma_start3A_499 = arith.constant 0 : i32
    %dma_start3A_500 = arith.constant 0 : i32
    %dma_start3A_501 = tpu.memref_slice %arg2[%add3A, %dma_start3A_499, %dma_start3A_500] : memref<32x125x80xi32, #tpu.memory_space<hbm>> -> memref<1x125x80xi32, #tpu.memory_space<hbm>>
    %dma_start3A_502 = tpu.memref_squeeze %dma_start3A_501 : memref<1x125x80xi32, #tpu.memory_space<hbm>> -> memref<125x80xi32, #tpu.memory_space<hbm>>
    %dma_start3A_503 = arith.constant 0 : i32
    %dma_start3A_504 = tpu.memref_slice %dma_start3A_502[%dma_start3A_494, %dma_start3A_503] : memref<125x80xi32, #tpu.memory_space<hbm>> -> memref<1x80xi32, #tpu.memory_space<hbm>>
    %dma_start3A_505 = tpu.memref_squeeze %dma_start3A_504 : memref<1x80xi32, #tpu.memory_space<hbm>> -> memref<80xi32, #tpu.memory_space<hbm>>
    %dma_start3A_506 = arith.constant 0 : i32
    %dma_start3A_507 = tpu.memref_slice %arg9[%dma_start3A_495, %dma_start3A_506] : memref<3x80xi32, #tpu.memory_space<vmem>> -> memref<1x80xi32, #tpu.memory_space<vmem>>
    %dma_start3A_508 = tpu.memref_squeeze %dma_start3A_507 : memref<1x80xi32, #tpu.memory_space<vmem>> -> memref<80xi32, #tpu.memory_space<vmem>>
    %dma_start3A_509 = arith.constant 0 : i32
    %dma_start3A_510 = arith.constant 0 : i32
    %dma_start3A_511 = tpu.memref_slice %arg2[%add3A, %dma_start3A_509, %dma_start3A_510] : memref<32x125x80xi32, #tpu.memory_space<hbm>> -> memref<1x125x80xi32, #tpu.memory_space<hbm>>
    %dma_start3A_512 = tpu.memref_squeeze %dma_start3A_511 : memref<1x125x80xi32, #tpu.memory_space<hbm>> -> memref<125x80xi32, #tpu.memory_space<hbm>>
    %dma_start3A_513 = arith.constant 0 : i32
    %dma_start3A_514 = tpu.memref_slice %dma_start3A_512[%dma_start3A_494, %dma_start3A_513] : memref<125x80xi32, #tpu.memory_space<hbm>> -> memref<1x80xi32, #tpu.memory_space<hbm>>
    %dma_start3A_515 = tpu.memref_squeeze %dma_start3A_514 : memref<1x80xi32, #tpu.memory_space<hbm>> -> memref<80xi32, #tpu.memory_space<hbm>>
    tpu.enqueue_dma source(%dma_start3A_515 : memref<80xi32, #tpu.memory_space<hbm>>) target(%dma_start3A_508 : memref<80xi32, #tpu.memory_space<vmem>>) target_semaphore(%arg17 : memref<!tpu.dma_semaphore, #tpu.memory_space<semaphore_mem>>)
    %dma_start3A_516 = arith.constant 124 : i32
    %dma_start3A_517 = arith.constant 1 : i32
    %dma_start3A_518 = arith.constant 0 : i32
    %dma_start3A_519 = tpu.memref_slice %arg10[%dma_start3A_517, %dma_start3A_518] : memref<3x80xi32, #tpu.memory_space<vmem>> -> memref<1x80xi32, #tpu.memory_space<vmem>>
    %dma_start3A_520 = tpu.memref_squeeze %dma_start3A_519 : memref<1x80xi32, #tpu.memory_space<vmem>> -> memref<80xi32, #tpu.memory_space<vmem>>
    %dma_start3A_521 = arith.constant 0 : i32
    %dma_start3A_522 = arith.constant 0 : i32
    %dma_start3A_523 = tpu.memref_slice %arg3[%add3A, %dma_start3A_521, %dma_start3A_522] : memref<32x125x80xi32, #tpu.memory_space<hbm>> -> memref<1x125x80xi32, #tpu.memory_space<hbm>>
    %dma_start3A_524 = tpu.memref_squeeze %dma_start3A_523 : memref<1x125x80xi32, #tpu.memory_space<hbm>> -> memref<125x80xi32, #tpu.memory_space<hbm>>
    %dma_start3A_525 = arith.constant 0 : i32
    %dma_start3A_526 = tpu.memref_slice %dma_start3A_524[%dma_start3A_516, %dma_start3A_525] : memref<125x80xi32, #tpu.memory_space<hbm>> -> memref<1x80xi32, #tpu.memory_space<hbm>>
    %dma_start3A_527 = tpu.memref_squeeze %dma_start3A_526 : memref<1x80xi32, #tpu.memory_space<hbm>> -> memref<80xi32, #tpu.memory_space<hbm>>
    %dma_start3A_528 = arith.constant 0 : i32
    %dma_start3A_529 = tpu.memref_slice %arg10[%dma_start3A_517, %dma_start3A_528] : memref<3x80xi32, #tpu.memory_space<vmem>> -> memref<1x80xi32, #tpu.memory_space<vmem>>
    %dma_start3A_530 = tpu.memref_squeeze %dma_start3A_529 : memref<1x80xi32, #tpu.memory_space<vmem>> -> memref<80xi32, #tpu.memory_space<vmem>>
    %dma_start3A_531 = arith.constant 0 : i32
    %dma_start3A_532 = arith.constant 0 : i32
    %dma_start3A_533 = tpu.memref_slice %arg3[%add3A, %dma_start3A_531, %dma_start3A_532] : memref<32x125x80xi32, #tpu.memory_space<hbm>> -> memref<1x125x80xi32, #tpu.memory_space<hbm>>
    %dma_start3A_534 = tpu.memref_squeeze %dma_start3A_533 : memref<1x125x80xi32, #tpu.memory_space<hbm>> -> memref<125x80xi32, #tpu.memory_space<hbm>>
    %dma_start3A_535 = arith.constant 0 : i32
    %dma_start3A_536 = tpu.memref_slice %dma_start3A_534[%dma_start3A_516, %dma_start3A_535] : memref<125x80xi32, #tpu.memory_space<hbm>> -> memref<1x80xi32, #tpu.memory_space<hbm>>
    %dma_start3A_537 = tpu.memref_squeeze %dma_start3A_536 : memref<1x80xi32, #tpu.memory_space<hbm>> -> memref<80xi32, #tpu.memory_space<hbm>>
    tpu.enqueue_dma source(%dma_start3A_537 : memref<80xi32, #tpu.memory_space<hbm>>) target(%dma_start3A_530 : memref<80xi32, #tpu.memory_space<vmem>>) target_semaphore(%arg17 : memref<!tpu.dma_semaphore, #tpu.memory_space<semaphore_mem>>)
    %dma_wait3A_538 = arith.constant 123 : i32
    %dma_wait3A_539 = arith.constant 0 : i32
    %dma_wait3A_540 = arith.constant 0 : i32
    %dma_wait3A_541 = tpu.memref_slice %arg9[%dma_wait3A_539, %dma_wait3A_540] : memref<3x80xi32, #tpu.memory_space<vmem>> -> memref<1x80xi32, #tpu.memory_space<vmem>>
    %dma_wait3A_542 = tpu.memref_squeeze %dma_wait3A_541 : memref<1x80xi32, #tpu.memory_space<vmem>> -> memref<80xi32, #tpu.memory_space<vmem>>
    %dma_wait3A_543 = arith.constant 0 : i32
    %dma_wait3A_544 = arith.constant 0 : i32
    %dma_wait3A_545 = tpu.memref_slice %arg2[%add3A, %dma_wait3A_543, %dma_wait3A_544] : memref<32x125x80xi32, #tpu.memory_space<hbm>> -> memref<1x125x80xi32, #tpu.memory_space<hbm>>
    %dma_wait3A_546 = tpu.memref_squeeze %dma_wait3A_545 : memref<1x125x80xi32, #tpu.memory_space<hbm>> -> memref<125x80xi32, #tpu.memory_space<hbm>>
    %dma_wait3A_547 = arith.constant 0 : i32
    %dma_wait3A_548 = tpu.memref_slice %dma_wait3A_546[%dma_wait3A_538, %dma_wait3A_547] : memref<125x80xi32, #tpu.memory_space<hbm>> -> memref<1x80xi32, #tpu.memory_space<hbm>>
    %dma_wait3A_549 = tpu.memref_squeeze %dma_wait3A_548 : memref<1x80xi32, #tpu.memory_space<hbm>> -> memref<80xi32, #tpu.memory_space<hbm>>
    %dma_wait3A_550 = arith.constant 0 : i32
    %dma_wait3A_551 = tpu.memref_slice %arg9[%dma_wait3A_539, %dma_wait3A_550] : memref<3x80xi32, #tpu.memory_space<vmem>> -> memref<1x80xi32, #tpu.memory_space<vmem>>
    %dma_wait3A_552 = tpu.memref_squeeze %dma_wait3A_551 : memref<1x80xi32, #tpu.memory_space<vmem>> -> memref<80xi32, #tpu.memory_space<vmem>>
    %dma_wait3A_553 = arith.constant 0 : i32
    %dma_wait3A_554 = arith.constant 0 : i32
    %dma_wait3A_555 = tpu.memref_slice %arg2[%add3A, %dma_wait3A_553, %dma_wait3A_554] : memref<32x125x80xi32, #tpu.memory_space<hbm>> -> memref<1x125x80xi32, #tpu.memory_space<hbm>>
    %dma_wait3A_556 = tpu.memref_squeeze %dma_wait3A_555 : memref<1x125x80xi32, #tpu.memory_space<hbm>> -> memref<125x80xi32, #tpu.memory_space<hbm>>
    %dma_wait3A_557 = arith.constant 0 : i32
    %dma_wait3A_558 = tpu.memref_slice %dma_wait3A_556[%dma_wait3A_538, %dma_wait3A_557] : memref<125x80xi32, #tpu.memory_space<hbm>> -> memref<1x80xi32, #tpu.memory_space<hbm>>
    %dma_wait3A_559 = tpu.memref_squeeze %dma_wait3A_558 : memref<1x80xi32, #tpu.memory_space<hbm>> -> memref<80xi32, #tpu.memory_space<hbm>>
    tpu.wait_dma2 semaphore(%arg16 : memref<!tpu.dma_semaphore, #tpu.memory_space<semaphore_mem>>) src(%dma_wait3A_559 : memref<80xi32, #tpu.memory_space<hbm>>) dst(%dma_wait3A_552 : memref<80xi32, #tpu.memory_space<vmem>>)
    %dma_wait3A_560 = arith.constant 123 : i32
    %dma_wait3A_561 = arith.constant 0 : i32
    %dma_wait3A_562 = arith.constant 0 : i32
    %dma_wait3A_563 = tpu.memref_slice %arg10[%dma_wait3A_561, %dma_wait3A_562] : memref<3x80xi32, #tpu.memory_space<vmem>> -> memref<1x80xi32, #tpu.memory_space<vmem>>
    %dma_wait3A_564 = tpu.memref_squeeze %dma_wait3A_563 : memref<1x80xi32, #tpu.memory_space<vmem>> -> memref<80xi32, #tpu.memory_space<vmem>>
    %dma_wait3A_565 = arith.constant 0 : i32
    %dma_wait3A_566 = arith.constant 0 : i32
    %dma_wait3A_567 = tpu.memref_slice %arg3[%add3A, %dma_wait3A_565, %dma_wait3A_566] : memref<32x125x80xi32, #tpu.memory_space<hbm>> -> memref<1x125x80xi32, #tpu.memory_space<hbm>>
    %dma_wait3A_568 = tpu.memref_squeeze %dma_wait3A_567 : memref<1x125x80xi32, #tpu.memory_space<hbm>> -> memref<125x80xi32, #tpu.memory_space<hbm>>
    %dma_wait3A_569 = arith.constant 0 : i32
    %dma_wait3A_570 = tpu.memref_slice %dma_wait3A_568[%dma_wait3A_560, %dma_wait3A_569] : memref<125x80xi32, #tpu.memory_space<hbm>> -> memref<1x80xi32, #tpu.memory_space<hbm>>
    %dma_wait3A_571 = tpu.memref_squeeze %dma_wait3A_570 : memref<1x80xi32, #tpu.memory_space<hbm>> -> memref<80xi32, #tpu.memory_space<hbm>>
    %dma_wait3A_572 = arith.constant 0 : i32
    %dma_wait3A_573 = tpu.memref_slice %arg10[%dma_wait3A_561, %dma_wait3A_572] : memref<3x80xi32, #tpu.memory_space<vmem>> -> memref<1x80xi32, #tpu.memory_space<vmem>>
    %dma_wait3A_574 = tpu.memref_squeeze %dma_wait3A_573 : memref<1x80xi32, #tpu.memory_space<vmem>> -> memref<80xi32, #tpu.memory_space<vmem>>
    %dma_wait3A_575 = arith.constant 0 : i32
    %dma_wait3A_576 = arith.constant 0 : i32
    %dma_wait3A_577 = tpu.memref_slice %arg3[%add3A, %dma_wait3A_575, %dma_wait3A_576] : memref<32x125x80xi32, #tpu.memory_space<hbm>> -> memref<1x125x80xi32, #tpu.memory_space<hbm>>
    %dma_wait3A_578 = tpu.memref_squeeze %dma_wait3A_577 : memref<1x125x80xi32, #tpu.memory_space<hbm>> -> memref<125x80xi32, #tpu.memory_space<hbm>>
    %dma_wait3A_579 = arith.constant 0 : i32
    %dma_wait3A_580 = tpu.memref_slice %dma_wait3A_578[%dma_wait3A_560, %dma_wait3A_579] : memref<125x80xi32, #tpu.memory_space<hbm>> -> memref<1x80xi32, #tpu.memory_space<hbm>>
    %dma_wait3A_581 = tpu.memref_squeeze %dma_wait3A_580 : memref<1x80xi32, #tpu.memory_space<hbm>> -> memref<80xi32, #tpu.memory_space<hbm>>
    tpu.wait_dma2 semaphore(%arg16 : memref<!tpu.dma_semaphore, #tpu.memory_space<semaphore_mem>>) src(%dma_wait3A_581 : memref<80xi32, #tpu.memory_space<hbm>>) dst(%dma_wait3A_574 : memref<80xi32, #tpu.memory_space<vmem>>)
    %dma_start3A_582 = arith.constant 0 : i32
    %dma_start3A_583 = arith.constant 0 : i32
    %dma_start3A_584 = arith.constant 0 : i32
    %dma_start3A_585 = arith.constant 0 : i32
    %dma_start3A_586 = tpu.memref_slice %arg11[%dma_start3A_583, %dma_start3A_584, %dma_start3A_585] : memref<3x80x128xf32, #tpu.memory_space<vmem>> -> memref<1x80x128xf32, #tpu.memory_space<vmem>>
    %dma_start3A_587 = tpu.memref_squeeze %dma_start3A_586 : memref<1x80x128xf32, #tpu.memory_space<vmem>> -> memref<80x128xf32, #tpu.memory_space<vmem>>
    %dma_start3A_588 = arith.constant 0 : i32
    %dma_start3A_589 = tpu.memref_slice %arg9[%dma_start3A_582, %dma_start3A_588] : memref<3x80xi32, #tpu.memory_space<vmem>> -> memref<1x80xi32, #tpu.memory_space<vmem>>
    %dma_start3A_590 = tpu.memref_squeeze %dma_start3A_589 : memref<1x80xi32, #tpu.memory_space<vmem>> -> memref<80xi32, #tpu.memory_space<vmem>>
    %dma_start3A_591 = arith.constant 0 : i32
    %dma_start3A_592 = arith.constant 0 : i32
    %dma_start3A_593 = tpu.memref_slice %arg4[%dma_start3A_591, %dma_start3A_592] : memref<10000x128xf32, #tpu.memory_space<hbm>> -> memref<10000x128xf32, #tpu.memory_space<hbm>>
    tpu.enqueue_indirect_dma source(%dma_start3A_593 : memref<10000x128xf32, #tpu.memory_space<hbm>>) target(%dma_start3A_587 : memref<80x128xf32, #tpu.memory_space<vmem>>) offsets(%dma_start3A_590 : memref<80xi32, #tpu.memory_space<vmem>>) semaphore(%arg12 : memref<!tpu.dma_semaphore, #tpu.memory_space<semaphore_mem>>)
    %get3A_594 = arith.constant 2 : i32
    %get3A_595 = arith.index_cast %get3A_594 : i32 to index
    %get3A_596 = arith.constant 0 : index
    %get3A_597 = tpu.vector_load %arg10[%get3A_595, %get3A_596] {strides = array<i32>} : memref<3x80xi32, #tpu.memory_space<vmem>>, vector<16xi32>,
    tpu.vector_store_idx %arg19[%get3A_597], %broadcast_in_dim3A_10 {add = true} : memref<10000xf32, #tpu.memory_space<vmem>>[vector<16xi32>], vector<16xf32>,
    %get3A_598 = arith.constant 2 : i32
    %get3A_599 = arith.index_cast %get3A_598 : i32 to index
    %get3A_600 = arith.constant 16 : index
    %get3A_601 = tpu.vector_load %arg10[%get3A_599, %get3A_600] {strides = array<i32>} : memref<3x80xi32, #tpu.memory_space<vmem>>, vector<16xi32>,
    tpu.vector_store_idx %arg19[%get3A_601], %broadcast_in_dim3A_10 {add = true} : memref<10000xf32, #tpu.memory_space<vmem>>[vector<16xi32>], vector<16xf32>,
    %get3A_602 = arith.constant 2 : i32
    %get3A_603 = arith.index_cast %get3A_602 : i32 to index
    %get3A_604 = arith.constant 32 : index
    %get3A_605 = tpu.vector_load %arg10[%get3A_603, %get3A_604] {strides = array<i32>} : memref<3x80xi32, #tpu.memory_space<vmem>>, vector<16xi32>,
    tpu.vector_store_idx %arg19[%get3A_605], %broadcast_in_dim3A_10 {add = true} : memref<10000xf32, #tpu.memory_space<vmem>>[vector<16xi32>], vector<16xf32>,
    %get3A_606 = arith.constant 2 : i32
    %get3A_607 = arith.index_cast %get3A_606 : i32 to index
    %get3A_608 = arith.constant 48 : index
    %get3A_609 = tpu.vector_load %arg10[%get3A_607, %get3A_608] {strides = array<i32>} : memref<3x80xi32, #tpu.memory_space<vmem>>, vector<16xi32>,
    tpu.vector_store_idx %arg19[%get3A_609], %broadcast_in_dim3A_10 {add = true} : memref<10000xf32, #tpu.memory_space<vmem>>[vector<16xi32>], vector<16xf32>,
    %get3A_610 = arith.constant 2 : i32
    %get3A_611 = arith.index_cast %get3A_610 : i32 to index
    %get3A_612 = arith.constant 64 : index
    %get3A_613 = tpu.vector_load %arg10[%get3A_611, %get3A_612] {strides = array<i32>} : memref<3x80xi32, #tpu.memory_space<vmem>>, vector<16xi32>,
    tpu.vector_store_idx %arg19[%get3A_613], %broadcast_in_dim3A_10 {add = true} : memref<10000xf32, #tpu.memory_space<vmem>>[vector<16xi32>], vector<16xf32>,
    %dma_wait3A_614 = arith.constant 0 : i32
    %dma_wait3A_615 = arith.constant 0 : i32
    %dma_wait3A_616 = arith.constant 0 : i32
    %dma_wait3A_617 = arith.constant 0 : i32
    %dma_wait3A_618 = tpu.memref_slice %arg11[%dma_wait3A_615, %dma_wait3A_616, %dma_wait3A_617] : memref<3x80x128xf32, #tpu.memory_space<vmem>> -> memref<1x80x128xf32, #tpu.memory_space<vmem>>
    %dma_wait3A_619 = tpu.memref_squeeze %dma_wait3A_618 : memref<1x80x128xf32, #tpu.memory_space<vmem>> -> memref<80x128xf32, #tpu.memory_space<vmem>>
    %dma_wait3A_620 = arith.constant 0 : i32
    %dma_wait3A_621 = tpu.memref_slice %arg9[%dma_wait3A_614, %dma_wait3A_620] : memref<3x80xi32, #tpu.memory_space<vmem>> -> memref<1x80xi32, #tpu.memory_space<vmem>>
    %dma_wait3A_622 = tpu.memref_squeeze %dma_wait3A_621 : memref<1x80xi32, #tpu.memory_space<vmem>> -> memref<80xi32, #tpu.memory_space<vmem>>
    %dma_wait3A_623 = arith.constant 0 : i32
    %dma_wait3A_624 = arith.constant 0 : i32
    %dma_wait3A_625 = tpu.memref_slice %arg4[%dma_wait3A_623, %dma_wait3A_624] : memref<10000x128xf32, #tpu.memory_space<hbm>> -> memref<10000x128xf32, #tpu.memory_space<hbm>>
    tpu.wait_indirect_dma semaphore(%arg12 : memref<!tpu.dma_semaphore, #tpu.memory_space<semaphore_mem>>) src(%dma_wait3A_625 : memref<10000x128xf32, #tpu.memory_space<hbm>>) dst(%dma_wait3A_619 : memref<80x128xf32, #tpu.memory_space<vmem>>)
    %dma_start3A_626 = arith.constant 0 : i32
    %dma_start3A_627 = arith.constant 0 : i32
    %dma_start3A_628 = arith.constant 0 : i32
    %dma_start3A_629 = arith.constant 0 : i32
    %dma_start3A_630 = tpu.memref_slice %arg11[%dma_start3A_626, %dma_start3A_628, %dma_start3A_629] : memref<3x80x128xf32, #tpu.memory_space<vmem>> -> memref<1x80x128xf32, #tpu.memory_space<vmem>>
    %dma_start3A_631 = tpu.memref_squeeze %dma_start3A_630 : memref<1x80x128xf32, #tpu.memory_space<vmem>> -> memref<80x128xf32, #tpu.memory_space<vmem>>
    %dma_start3A_632 = arith.constant 0 : i32
    %dma_start3A_633 = tpu.memref_slice %arg10[%dma_start3A_627, %dma_start3A_632] : memref<3x80xi32, #tpu.memory_space<vmem>> -> memref<1x80xi32, #tpu.memory_space<vmem>>
    %dma_start3A_634 = tpu.memref_squeeze %dma_start3A_633 : memref<1x80xi32, #tpu.memory_space<vmem>> -> memref<80xi32, #tpu.memory_space<vmem>>
    %dma_start3A_635 = arith.constant 0 : i32
    %dma_start3A_636 = arith.constant 0 : i32
    %dma_start3A_637 = tpu.memref_slice %arg8[%dma_start3A_635, %dma_start3A_636] : memref<10000x128xf32, #tpu.memory_space<vmem_shared>> -> memref<10000x128xf32, #tpu.memory_space<vmem_shared>>
    tpu.enqueue_indirect_dma source(%dma_start3A_631 : memref<80x128xf32, #tpu.memory_space<vmem>>) target(%dma_start3A_637 : memref<10000x128xf32, #tpu.memory_space<vmem_shared>>) offsets(%dma_start3A_634 : memref<80xi32, #tpu.memory_space<vmem>>) semaphore(%arg13 : memref<!tpu.dma_semaphore, #tpu.memory_space<semaphore_mem>>) {add = true}
    %dma_wait3A_638 = arith.constant 2 : i32
    %dma_wait3A_639 = arith.constant 2 : i32
    %dma_wait3A_640 = arith.constant 0 : i32
    %dma_wait3A_641 = arith.constant 0 : i32
    %dma_wait3A_642 = tpu.memref_slice %arg11[%dma_wait3A_638, %dma_wait3A_640, %dma_wait3A_641] : memref<3x80x128xf32, #tpu.memory_space<vmem>> -> memref<1x80x128xf32, #tpu.memory_space<vmem>>
    %dma_wait3A_643 = tpu.memref_squeeze %dma_wait3A_642 : memref<1x80x128xf32, #tpu.memory_space<vmem>> -> memref<80x128xf32, #tpu.memory_space<vmem>>
    %dma_wait3A_644 = arith.constant 0 : i32
    %dma_wait3A_645 = tpu.memref_slice %arg10[%dma_wait3A_639, %dma_wait3A_644] : memref<3x80xi32, #tpu.memory_space<vmem>> -> memref<1x80xi32, #tpu.memory_space<vmem>>
    %dma_wait3A_646 = tpu.memref_squeeze %dma_wait3A_645 : memref<1x80xi32, #tpu.memory_space<vmem>> -> memref<80xi32, #tpu.memory_space<vmem>>
    %dma_wait3A_647 = arith.constant 0 : i32
    %dma_wait3A_648 = arith.constant 0 : i32
    %dma_wait3A_649 = tpu.memref_slice %arg8[%dma_wait3A_647, %dma_wait3A_648] : memref<10000x128xf32, #tpu.memory_space<vmem_shared>> -> memref<10000x128xf32, #tpu.memory_space<vmem_shared>>
    tpu.wait_indirect_dma semaphore(%arg15 : memref<!tpu.dma_semaphore, #tpu.memory_space<semaphore_mem>>) src(%dma_wait3A_643 : memref<80x128xf32, #tpu.memory_space<vmem>>) dst(%dma_wait3A_649 : memref<10000x128xf32, #tpu.memory_space<vmem_shared>>)
    %dma_wait3A_650 = arith.constant 124 : i32
    %dma_wait3A_651 = arith.constant 1 : i32
    %dma_wait3A_652 = arith.constant 0 : i32
    %dma_wait3A_653 = tpu.memref_slice %arg9[%dma_wait3A_651, %dma_wait3A_652] : memref<3x80xi32, #tpu.memory_space<vmem>> -> memref<1x80xi32, #tpu.memory_space<vmem>>
    %dma_wait3A_654 = tpu.memref_squeeze %dma_wait3A_653 : memref<1x80xi32, #tpu.memory_space<vmem>> -> memref<80xi32, #tpu.memory_space<vmem>>
    %dma_wait3A_655 = arith.constant 0 : i32
    %dma_wait3A_656 = arith.constant 0 : i32
    %dma_wait3A_657 = tpu.memref_slice %arg2[%add3A, %dma_wait3A_655, %dma_wait3A_656] : memref<32x125x80xi32, #tpu.memory_space<hbm>> -> memref<1x125x80xi32, #tpu.memory_space<hbm>>
    %dma_wait3A_658 = tpu.memref_squeeze %dma_wait3A_657 : memref<1x125x80xi32, #tpu.memory_space<hbm>> -> memref<125x80xi32, #tpu.memory_space<hbm>>
    %dma_wait3A_659 = arith.constant 0 : i32
    %dma_wait3A_660 = tpu.memref_slice %dma_wait3A_658[%dma_wait3A_650, %dma_wait3A_659] : memref<125x80xi32, #tpu.memory_space<hbm>> -> memref<1x80xi32, #tpu.memory_space<hbm>>
    %dma_wait3A_661 = tpu.memref_squeeze %dma_wait3A_660 : memref<1x80xi32, #tpu.memory_space<hbm>> -> memref<80xi32, #tpu.memory_space<hbm>>
    %dma_wait3A_662 = arith.constant 0 : i32
    %dma_wait3A_663 = tpu.memref_slice %arg9[%dma_wait3A_651, %dma_wait3A_662] : memref<3x80xi32, #tpu.memory_space<vmem>> -> memref<1x80xi32, #tpu.memory_space<vmem>>
    %dma_wait3A_664 = tpu.memref_squeeze %dma_wait3A_663 : memref<1x80xi32, #tpu.memory_space<vmem>> -> memref<80xi32, #tpu.memory_space<vmem>>
    %dma_wait3A_665 = arith.constant 0 : i32
    %dma_wait3A_666 = arith.constant 0 : i32
    %dma_wait3A_667 = tpu.memref_slice %arg2[%add3A, %dma_wait3A_665, %dma_wait3A_666] : memref<32x125x80xi32, #tpu.memory_space<hbm>> -> memref<1x125x80xi32, #tpu.memory_space<hbm>>
    %dma_wait3A_668 = tpu.memref_squeeze %dma_wait3A_667 : memref<1x125x80xi32, #tpu.memory_space<hbm>> -> memref<125x80xi32, #tpu.memory_space<hbm>>
    %dma_wait3A_669 = arith.constant 0 : i32
    %dma_wait3A_670 = tpu.memref_slice %dma_wait3A_668[%dma_wait3A_650, %dma_wait3A_669] : memref<125x80xi32, #tpu.memory_space<hbm>> -> memref<1x80xi32, #tpu.memory_space<hbm>>
    %dma_wait3A_671 = tpu.memref_squeeze %dma_wait3A_670 : memref<1x80xi32, #tpu.memory_space<hbm>> -> memref<80xi32, #tpu.memory_space<hbm>>
    tpu.wait_dma2 semaphore(%arg17 : memref<!tpu.dma_semaphore, #tpu.memory_space<semaphore_mem>>) src(%dma_wait3A_671 : memref<80xi32, #tpu.memory_space<hbm>>) dst(%dma_wait3A_664 : memref<80xi32, #tpu.memory_space<vmem>>)
    %dma_wait3A_672 = arith.constant 124 : i32
    %dma_wait3A_673 = arith.constant 1 : i32
    %dma_wait3A_674 = arith.constant 0 : i32
    %dma_wait3A_675 = tpu.memref_slice %arg10[%dma_wait3A_673, %dma_wait3A_674] : memref<3x80xi32, #tpu.memory_space<vmem>> -> memref<1x80xi32, #tpu.memory_space<vmem>>
    %dma_wait3A_676 = tpu.memref_squeeze %dma_wait3A_675 : memref<1x80xi32, #tpu.memory_space<vmem>> -> memref<80xi32, #tpu.memory_space<vmem>>
    %dma_wait3A_677 = arith.constant 0 : i32
    %dma_wait3A_678 = arith.constant 0 : i32
    %dma_wait3A_679 = tpu.memref_slice %arg3[%add3A, %dma_wait3A_677, %dma_wait3A_678] : memref<32x125x80xi32, #tpu.memory_space<hbm>> -> memref<1x125x80xi32, #tpu.memory_space<hbm>>
    %dma_wait3A_680 = tpu.memref_squeeze %dma_wait3A_679 : memref<1x125x80xi32, #tpu.memory_space<hbm>> -> memref<125x80xi32, #tpu.memory_space<hbm>>
    %dma_wait3A_681 = arith.constant 0 : i32
    %dma_wait3A_682 = tpu.memref_slice %dma_wait3A_680[%dma_wait3A_672, %dma_wait3A_681] : memref<125x80xi32, #tpu.memory_space<hbm>> -> memref<1x80xi32, #tpu.memory_space<hbm>>
    %dma_wait3A_683 = tpu.memref_squeeze %dma_wait3A_682 : memref<1x80xi32, #tpu.memory_space<hbm>> -> memref<80xi32, #tpu.memory_space<hbm>>
    %dma_wait3A_684 = arith.constant 0 : i32
    %dma_wait3A_685 = tpu.memref_slice %arg10[%dma_wait3A_673, %dma_wait3A_684] : memref<3x80xi32, #tpu.memory_space<vmem>> -> memref<1x80xi32, #tpu.memory_space<vmem>>
    %dma_wait3A_686 = tpu.memref_squeeze %dma_wait3A_685 : memref<1x80xi32, #tpu.memory_space<vmem>> -> memref<80xi32, #tpu.memory_space<vmem>>
    %dma_wait3A_687 = arith.constant 0 : i32
    %dma_wait3A_688 = arith.constant 0 : i32
    %dma_wait3A_689 = tpu.memref_slice %arg3[%add3A, %dma_wait3A_687, %dma_wait3A_688] : memref<32x125x80xi32, #tpu.memory_space<hbm>> -> memref<1x125x80xi32, #tpu.memory_space<hbm>>
    %dma_wait3A_690 = tpu.memref_squeeze %dma_wait3A_689 : memref<1x125x80xi32, #tpu.memory_space<hbm>> -> memref<125x80xi32, #tpu.memory_space<hbm>>
    %dma_wait3A_691 = arith.constant 0 : i32
    %dma_wait3A_692 = tpu.memref_slice %dma_wait3A_690[%dma_wait3A_672, %dma_wait3A_691] : memref<125x80xi32, #tpu.memory_space<hbm>> -> memref<1x80xi32, #tpu.memory_space<hbm>>
    %dma_wait3A_693 = tpu.memref_squeeze %dma_wait3A_692 : memref<1x80xi32, #tpu.memory_space<hbm>> -> memref<80xi32, #tpu.memory_space<hbm>>
    tpu.wait_dma2 semaphore(%arg17 : memref<!tpu.dma_semaphore, #tpu.memory_space<semaphore_mem>>) src(%dma_wait3A_693 : memref<80xi32, #tpu.memory_space<hbm>>) dst(%dma_wait3A_686 : memref<80xi32, #tpu.memory_space<vmem>>)
    %dma_start3A_694 = arith.constant 1 : i32
    %dma_start3A_695 = arith.constant 1 : i32
    %dma_start3A_696 = arith.constant 0 : i32
    %dma_start3A_697 = arith.constant 0 : i32
    %dma_start3A_698 = tpu.memref_slice %arg11[%dma_start3A_695, %dma_start3A_696, %dma_start3A_697] : memref<3x80x128xf32, #tpu.memory_space<vmem>> -> memref<1x80x128xf32, #tpu.memory_space<vmem>>
    %dma_start3A_699 = tpu.memref_squeeze %dma_start3A_698 : memref<1x80x128xf32, #tpu.memory_space<vmem>> -> memref<80x128xf32, #tpu.memory_space<vmem>>
    %dma_start3A_700 = arith.constant 0 : i32
    %dma_start3A_701 = tpu.memref_slice %arg9[%dma_start3A_694, %dma_start3A_700] : memref<3x80xi32, #tpu.memory_space<vmem>> -> memref<1x80xi32, #tpu.memory_space<vmem>>
    %dma_start3A_702 = tpu.memref_squeeze %dma_start3A_701 : memref<1x80xi32, #tpu.memory_space<vmem>> -> memref<80xi32, #tpu.memory_space<vmem>>
    %dma_start3A_703 = arith.constant 0 : i32
    %dma_start3A_704 = arith.constant 0 : i32
    %dma_start3A_705 = tpu.memref_slice %arg4[%dma_start3A_703, %dma_start3A_704] : memref<10000x128xf32, #tpu.memory_space<hbm>> -> memref<10000x128xf32, #tpu.memory_space<hbm>>
    tpu.enqueue_indirect_dma source(%dma_start3A_705 : memref<10000x128xf32, #tpu.memory_space<hbm>>) target(%dma_start3A_699 : memref<80x128xf32, #tpu.memory_space<vmem>>) offsets(%dma_start3A_702 : memref<80xi32, #tpu.memory_space<vmem>>) semaphore(%arg12 : memref<!tpu.dma_semaphore, #tpu.memory_space<semaphore_mem>>)
    %get3A_706 = arith.constant 0 : i32
    %get3A_707 = arith.index_cast %get3A_706 : i32 to index
    %get3A_708 = arith.constant 0 : index
    %get3A_709 = tpu.vector_load %arg10[%get3A_707, %get3A_708] {strides = array<i32>} : memref<3x80xi32, #tpu.memory_space<vmem>>, vector<16xi32>,
    tpu.vector_store_idx %arg19[%get3A_709], %broadcast_in_dim3A_10 {add = true} : memref<10000xf32, #tpu.memory_space<vmem>>[vector<16xi32>], vector<16xf32>,
    %get3A_710 = arith.constant 0 : i32
    %get3A_711 = arith.index_cast %get3A_710 : i32 to index
    %get3A_712 = arith.constant 16 : index
    %get3A_713 = tpu.vector_load %arg10[%get3A_711, %get3A_712] {strides = array<i32>} : memref<3x80xi32, #tpu.memory_space<vmem>>, vector<16xi32>,
    tpu.vector_store_idx %arg19[%get3A_713], %broadcast_in_dim3A_10 {add = true} : memref<10000xf32, #tpu.memory_space<vmem>>[vector<16xi32>], vector<16xf32>,
    %get3A_714 = arith.constant 0 : i32
    %get3A_715 = arith.index_cast %get3A_714 : i32 to index
    %get3A_716 = arith.constant 32 : index
    %get3A_717 = tpu.vector_load %arg10[%get3A_715, %get3A_716] {strides = array<i32>} : memref<3x80xi32, #tpu.memory_space<vmem>>, vector<16xi32>,
    tpu.vector_store_idx %arg19[%get3A_717], %broadcast_in_dim3A_10 {add = true} : memref<10000xf32, #tpu.memory_space<vmem>>[vector<16xi32>], vector<16xf32>,
    %get3A_718 = arith.constant 0 : i32
    %get3A_719 = arith.index_cast %get3A_718 : i32 to index
    %get3A_720 = arith.constant 48 : index
    %get3A_721 = tpu.vector_load %arg10[%get3A_719, %get3A_720] {strides = array<i32>} : memref<3x80xi32, #tpu.memory_space<vmem>>, vector<16xi32>,
    tpu.vector_store_idx %arg19[%get3A_721], %broadcast_in_dim3A_10 {add = true} : memref<10000xf32, #tpu.memory_space<vmem>>[vector<16xi32>], vector<16xf32>,
    %get3A_722 = arith.constant 0 : i32
    %get3A_723 = arith.index_cast %get3A_722 : i32 to index
    %get3A_724 = arith.constant 64 : index
    %get3A_725 = tpu.vector_load %arg10[%get3A_723, %get3A_724] {strides = array<i32>} : memref<3x80xi32, #tpu.memory_space<vmem>>, vector<16xi32>,
    tpu.vector_store_idx %arg19[%get3A_725], %broadcast_in_dim3A_10 {add = true} : memref<10000xf32, #tpu.memory_space<vmem>>[vector<16xi32>], vector<16xf32>,
    %dma_wait3A_726 = arith.constant 1 : i32
    %dma_wait3A_727 = arith.constant 1 : i32
    %dma_wait3A_728 = arith.constant 0 : i32
    %dma_wait3A_729 = arith.constant 0 : i32
    %dma_wait3A_730 = tpu.memref_slice %arg11[%dma_wait3A_727, %dma_wait3A_728, %dma_wait3A_729] : memref<3x80x128xf32, #tpu.memory_space<vmem>> -> memref<1x80x128xf32, #tpu.memory_space<vmem>>
    %dma_wait3A_731 = tpu.memref_squeeze %dma_wait3A_730 : memref<1x80x128xf32, #tpu.memory_space<vmem>> -> memref<80x128xf32, #tpu.memory_space<vmem>>
    %dma_wait3A_732 = arith.constant 0 : i32
    %dma_wait3A_733 = tpu.memref_slice %arg9[%dma_wait3A_726, %dma_wait3A_732] : memref<3x80xi32, #tpu.memory_space<vmem>> -> memref<1x80xi32, #tpu.memory_space<vmem>>
    %dma_wait3A_734 = tpu.memref_squeeze %dma_wait3A_733 : memref<1x80xi32, #tpu.memory_space<vmem>> -> memref<80xi32, #tpu.memory_space<vmem>>
    %dma_wait3A_735 = arith.constant 0 : i32
    %dma_wait3A_736 = arith.constant 0 : i32
    %dma_wait3A_737 = tpu.memref_slice %arg4[%dma_wait3A_735, %dma_wait3A_736] : memref<10000x128xf32, #tpu.memory_space<hbm>> -> memref<10000x128xf32, #tpu.memory_space<hbm>>
    tpu.wait_indirect_dma semaphore(%arg12 : memref<!tpu.dma_semaphore, #tpu.memory_space<semaphore_mem>>) src(%dma_wait3A_737 : memref<10000x128xf32, #tpu.memory_space<hbm>>) dst(%dma_wait3A_731 : memref<80x128xf32, #tpu.memory_space<vmem>>)
    %dma_start3A_738 = arith.constant 1 : i32
    %dma_start3A_739 = arith.constant 1 : i32
    %dma_start3A_740 = arith.constant 0 : i32
    %dma_start3A_741 = arith.constant 0 : i32
    %dma_start3A_742 = tpu.memref_slice %arg11[%dma_start3A_738, %dma_start3A_740, %dma_start3A_741] : memref<3x80x128xf32, #tpu.memory_space<vmem>> -> memref<1x80x128xf32, #tpu.memory_space<vmem>>
    %dma_start3A_743 = tpu.memref_squeeze %dma_start3A_742 : memref<1x80x128xf32, #tpu.memory_space<vmem>> -> memref<80x128xf32, #tpu.memory_space<vmem>>
    %dma_start3A_744 = arith.constant 0 : i32
    %dma_start3A_745 = tpu.memref_slice %arg10[%dma_start3A_739, %dma_start3A_744] : memref<3x80xi32, #tpu.memory_space<vmem>> -> memref<1x80xi32, #tpu.memory_space<vmem>>
    %dma_start3A_746 = tpu.memref_squeeze %dma_start3A_745 : memref<1x80xi32, #tpu.memory_space<vmem>> -> memref<80xi32, #tpu.memory_space<vmem>>
    %dma_start3A_747 = arith.constant 0 : i32
    %dma_start3A_748 = arith.constant 0 : i32
    %dma_start3A_749 = tpu.memref_slice %arg8[%dma_start3A_747, %dma_start3A_748] : memref<10000x128xf32, #tpu.memory_space<vmem_shared>> -> memref<10000x128xf32, #tpu.memory_space<vmem_shared>>
    tpu.enqueue_indirect_dma source(%dma_start3A_743 : memref<80x128xf32, #tpu.memory_space<vmem>>) target(%dma_start3A_749 : memref<10000x128xf32, #tpu.memory_space<vmem_shared>>) offsets(%dma_start3A_746 : memref<80xi32, #tpu.memory_space<vmem>>) semaphore(%arg14 : memref<!tpu.dma_semaphore, #tpu.memory_space<semaphore_mem>>) {add = true}
    %dma_wait3A_750 = arith.constant 0 : i32
    %dma_wait3A_751 = arith.constant 0 : i32
    %dma_wait3A_752 = arith.constant 0 : i32
    %dma_wait3A_753 = arith.constant 0 : i32
    %dma_wait3A_754 = tpu.memref_slice %arg11[%dma_wait3A_750, %dma_wait3A_752, %dma_wait3A_753] : memref<3x80x128xf32, #tpu.memory_space<vmem>> -> memref<1x80x128xf32, #tpu.memory_space<vmem>>
    %dma_wait3A_755 = tpu.memref_squeeze %dma_wait3A_754 : memref<1x80x128xf32, #tpu.memory_space<vmem>> -> memref<80x128xf32, #tpu.memory_space<vmem>>
    %dma_wait3A_756 = arith.constant 0 : i32
    %dma_wait3A_757 = tpu.memref_slice %arg10[%dma_wait3A_751, %dma_wait3A_756] : memref<3x80xi32, #tpu.memory_space<vmem>> -> memref<1x80xi32, #tpu.memory_space<vmem>>
    %dma_wait3A_758 = tpu.memref_squeeze %dma_wait3A_757 : memref<1x80xi32, #tpu.memory_space<vmem>> -> memref<80xi32, #tpu.memory_space<vmem>>
    %dma_wait3A_759 = arith.constant 0 : i32
    %dma_wait3A_760 = arith.constant 0 : i32
    %dma_wait3A_761 = tpu.memref_slice %arg8[%dma_wait3A_759, %dma_wait3A_760] : memref<10000x128xf32, #tpu.memory_space<vmem_shared>> -> memref<10000x128xf32, #tpu.memory_space<vmem_shared>>
    tpu.wait_indirect_dma semaphore(%arg13 : memref<!tpu.dma_semaphore, #tpu.memory_space<semaphore_mem>>) src(%dma_wait3A_755 : memref<80x128xf32, #tpu.memory_space<vmem>>) dst(%dma_wait3A_761 : memref<10000x128xf32, #tpu.memory_space<vmem_shared>>)
    %get3A_762 = arith.constant 1 : i32
    %get3A_763 = arith.index_cast %get3A_762 : i32 to index
    %get3A_764 = arith.constant 0 : index
    %get3A_765 = tpu.vector_load %arg10[%get3A_763, %get3A_764] {strides = array<i32>} : memref<3x80xi32, #tpu.memory_space<vmem>>, vector<16xi32>,
    tpu.vector_store_idx %arg19[%get3A_765], %broadcast_in_dim3A_10 {add = true} : memref<10000xf32, #tpu.memory_space<vmem>>[vector<16xi32>], vector<16xf32>,
    %get3A_766 = arith.constant 1 : i32
    %get3A_767 = arith.index_cast %get3A_766 : i32 to index
    %get3A_768 = arith.constant 16 : index
    %get3A_769 = tpu.vector_load %arg10[%get3A_767, %get3A_768] {strides = array<i32>} : memref<3x80xi32, #tpu.memory_space<vmem>>, vector<16xi32>,
    tpu.vector_store_idx %arg19[%get3A_769], %broadcast_in_dim3A_10 {add = true} : memref<10000xf32, #tpu.memory_space<vmem>>[vector<16xi32>], vector<16xf32>,
    %get3A_770 = arith.constant 1 : i32
    %get3A_771 = arith.index_cast %get3A_770 : i32 to index
    %get3A_772 = arith.constant 32 : index
    %get3A_773 = tpu.vector_load %arg10[%get3A_771, %get3A_772] {strides = array<i32>} : memref<3x80xi32, #tpu.memory_space<vmem>>, vector<16xi32>,
    tpu.vector_store_idx %arg19[%get3A_773], %broadcast_in_dim3A_10 {add = true} : memref<10000xf32, #tpu.memory_space<vmem>>[vector<16xi32>], vector<16xf32>,
    %get3A_774 = arith.constant 1 : i32
    %get3A_775 = arith.index_cast %get3A_774 : i32 to index
    %get3A_776 = arith.constant 48 : index
    %get3A_777 = tpu.vector_load %arg10[%get3A_775, %get3A_776] {strides = array<i32>} : memref<3x80xi32, #tpu.memory_space<vmem>>, vector<16xi32>,
    tpu.vector_store_idx %arg19[%get3A_777], %broadcast_in_dim3A_10 {add = true} : memref<10000xf32, #tpu.memory_space<vmem>>[vector<16xi32>], vector<16xf32>,
    %get3A_778 = arith.constant 1 : i32
    %get3A_779 = arith.index_cast %get3A_778 : i32 to index
    %get3A_780 = arith.constant 64 : index
    %get3A_781 = tpu.vector_load %arg10[%get3A_779, %get3A_780] {strides = array<i32>} : memref<3x80xi32, #tpu.memory_space<vmem>>, vector<16xi32>,
    tpu.vector_store_idx %arg19[%get3A_781], %broadcast_in_dim3A_10 {add = true} : memref<10000xf32, #tpu.memory_space<vmem>>[vector<16xi32>], vector<16xf32>,
    %dma_wait3A_782 = arith.constant 1 : i32
    %dma_wait3A_783 = arith.constant 1 : i32
    %dma_wait3A_784 = arith.constant 0 : i32
    %dma_wait3A_785 = arith.constant 0 : i32
    %dma_wait3A_786 = tpu.memref_slice %arg11[%dma_wait3A_782, %dma_wait3A_784, %dma_wait3A_785] : memref<3x80x128xf32, #tpu.memory_space<vmem>> -> memref<1x80x128xf32, #tpu.memory_space<vmem>>
    %dma_wait3A_787 = tpu.memref_squeeze %dma_wait3A_786 : memref<1x80x128xf32, #tpu.memory_space<vmem>> -> memref<80x128xf32, #tpu.memory_space<vmem>>
    %dma_wait3A_788 = arith.constant 0 : i32
    %dma_wait3A_789 = tpu.memref_slice %arg10[%dma_wait3A_783, %dma_wait3A_788] : memref<3x80xi32, #tpu.memory_space<vmem>> -> memref<1x80xi32, #tpu.memory_space<vmem>>
    %dma_wait3A_790 = tpu.memref_squeeze %dma_wait3A_789 : memref<1x80xi32, #tpu.memory_space<vmem>> -> memref<80xi32, #tpu.memory_space<vmem>>
    %dma_wait3A_791 = arith.constant 0 : i32
    %dma_wait3A_792 = arith.constant 0 : i32
    %dma_wait3A_793 = tpu.memref_slice %arg8[%dma_wait3A_791, %dma_wait3A_792] : memref<10000x128xf32, #tpu.memory_space<vmem_shared>> -> memref<10000x128xf32, #tpu.memory_space<vmem_shared>>
    tpu.wait_indirect_dma semaphore(%arg14 : memref<!tpu.dma_semaphore, #tpu.memory_space<semaphore_mem>>) src(%dma_wait3A_787 : memref<80x128xf32, #tpu.memory_space<vmem>>) dst(%dma_wait3A_793 : memref<10000x128xf32, #tpu.memory_space<vmem_shared>>)
    %barrier3A_794 = arith.constant 0 : index
    tpu.barrier barrier_id(%barrier3A_794)
    %mul3A_795 = arith.constant 10000 : i32
    %mul3A_796 = arith.muli %arg0, %mul3A_795 : i32
    %add3A_797 = arith.addi %mul3A_796, %mul3A_2 : i32
    "tpu.region"() ({
      %run_scoped3A_802 = tpu.sem_alloc : memref<!tpu.dma_semaphore, #tpu.memory_space<semaphore_mem>>
      %dma_start3A_803 = arith.constant 0 : i32
      %dma_start3A_804 = tpu.memref_slice %arg6[%add3A_797, %dma_start3A_803] : memref<20000x128xf32, #tpu.memory_space<hbm>> -> memref<625x128xf32, #tpu.memory_space<hbm>>
      %dma_start3A_805 = arith.constant 0 : i32
      %dma_start3A_806 = tpu.memref_slice %arg8[%mul3A_2, %dma_start3A_805] : memref<10000x128xf32, #tpu.memory_space<vmem_shared>> -> memref<625x128xf32, #tpu.memory_space<vmem_shared>>
      tpu.enqueue_dma source(%dma_start3A_806 : memref<625x128xf32, #tpu.memory_space<vmem_shared>>) target(%dma_start3A_804 : memref<625x128xf32, #tpu.memory_space<hbm>>) target_semaphore(%run_scoped3A_802 : memref<!tpu.dma_semaphore, #tpu.memory_space<semaphore_mem>>)
      %dma_wait3A_807 = arith.constant 0 : i32
      %dma_wait3A_808 = tpu.memref_slice %arg6[%add3A_797, %dma_wait3A_807] : memref<20000x128xf32, #tpu.memory_space<hbm>> -> memref<625x128xf32, #tpu.memory_space<hbm>>
      %dma_wait3A_809 = arith.constant 0 : i32
      %dma_wait3A_810 = tpu.memref_slice %arg8[%mul3A_2, %dma_wait3A_809] : memref<10000x128xf32, #tpu.memory_space<vmem_shared>> -> memref<625x128xf32, #tpu.memory_space<vmem_shared>>
      tpu.wait_dma2 semaphore(%run_scoped3A_802 : memref<!tpu.dma_semaphore, #tpu.memory_space<semaphore_mem>>) src(%dma_wait3A_810 : memref<625x128xf32, #tpu.memory_space<vmem_shared>>) dst(%dma_wait3A_808 : memref<625x128xf32, #tpu.memory_space<hbm>>)
      tpu.yield
    }) : () -> ()
    %run_scoped3A = arith.constant 0 : i32
    "tpu.region"() ({
      %run_scoped3A_802 = tpu.sem_alloc : memref<!tpu.dma_semaphore, #tpu.memory_space<semaphore_mem>>
      %dma_start3A_803 = arith.constant 0 : i32
      %dma_start3A_804 = tpu.memref_slice %arg19[%dma_start3A_803] : memref<10000xf32, #tpu.memory_space<vmem>> -> memref<2000xf32, #tpu.memory_space<vmem>>
      %dma_start3A_805 = arith.constant 0 : i32
      %dma_start3A_806 = arith.constant 0 : i32
      %dma_start3A_807 = tpu.memref_slice %arg7[%run_scoped3A, %dma_start3A_805, %dma_start3A_806] : memref<5x32x2000xf32, #tpu.memory_space<hbm>> -> memref<1x32x2000xf32, #tpu.memory_space<hbm>>
      %dma_start3A_808 = tpu.memref_squeeze %dma_start3A_807 : memref<1x32x2000xf32, #tpu.memory_space<hbm>> -> memref<32x2000xf32, #tpu.memory_space<hbm>>
      %dma_start3A_809 = arith.constant 0 : i32
      %dma_start3A_810 = tpu.memref_slice %dma_start3A_808[%add3A, %dma_start3A_809] : memref<32x2000xf32, #tpu.memory_space<hbm>> -> memref<1x2000xf32, #tpu.memory_space<hbm>>
      %dma_start3A_811 = tpu.memref_squeeze %dma_start3A_810 : memref<1x2000xf32, #tpu.memory_space<hbm>> -> memref<2000xf32, #tpu.memory_space<hbm>>
      %dma_start3A_812 = arith.constant 0 : i32
      %dma_start3A_813 = arith.constant 0 : i32
      %dma_start3A_814 = tpu.memref_slice %arg7[%run_scoped3A, %dma_start3A_812, %dma_start3A_813] : memref<5x32x2000xf32, #tpu.memory_space<hbm>> -> memref<1x32x2000xf32, #tpu.memory_space<hbm>>
      %dma_start3A_815 = tpu.memref_squeeze %dma_start3A_814 : memref<1x32x2000xf32, #tpu.memory_space<hbm>> -> memref<32x2000xf32, #tpu.memory_space<hbm>>
      %dma_start3A_816 = arith.constant 0 : i32
      %dma_start3A_817 = tpu.memref_slice %dma_start3A_815[%add3A, %dma_start3A_816] : memref<32x2000xf32, #tpu.memory_space<hbm>> -> memref<1x2000xf32, #tpu.memory_space<hbm>>
      %dma_start3A_818 = tpu.memref_squeeze %dma_start3A_817 : memref<1x2000xf32, #tpu.memory_space<hbm>> -> memref<2000xf32, #tpu.memory_space<hbm>>
      %dma_start3A_819 = arith.constant 0 : i32
      %dma_start3A_820 = tpu.memref_slice %arg19[%dma_start3A_819] : memref<10000xf32, #tpu.memory_space<vmem>> -> memref<2000xf32, #tpu.memory_space<vmem>>
      tpu.enqueue_dma source(%dma_start3A_820 : memref<2000xf32, #tpu.memory_space<vmem>>) target(%dma_start3A_818 : memref<2000xf32, #tpu.memory_space<hbm>>) target_semaphore(%run_scoped3A_802 : memref<!tpu.dma_semaphore, #tpu.memory_space<semaphore_mem>>)
      %dma_wait3A_821 = arith.constant 0 : i32
      %dma_wait3A_822 = tpu.memref_slice %arg19[%dma_wait3A_821] : memref<10000xf32, #tpu.memory_space<vmem>> -> memref<2000xf32, #tpu.memory_space<vmem>>
      %dma_wait3A_823 = arith.constant 0 : i32
      %dma_wait3A_824 = arith.constant 0 : i32
      %dma_wait3A_825 = tpu.memref_slice %arg7[%run_scoped3A, %dma_wait3A_823, %dma_wait3A_824] : memref<5x32x2000xf32, #tpu.memory_space<hbm>> -> memref<1x32x2000xf32, #tpu.memory_space<hbm>>
      %dma_wait3A_826 = tpu.memref_squeeze %dma_wait3A_825 : memref<1x32x2000xf32, #tpu.memory_space<hbm>> -> memref<32x2000xf32, #tpu.memory_space<hbm>>
      %dma_wait3A_827 = arith.constant 0 : i32
      %dma_wait3A_828 = tpu.memref_slice %dma_wait3A_826[%add3A, %dma_wait3A_827] : memref<32x2000xf32, #tpu.memory_space<hbm>> -> memref<1x2000xf32, #tpu.memory_space<hbm>>
      %dma_wait3A_829 = tpu.memref_squeeze %dma_wait3A_828 : memref<1x2000xf32, #tpu.memory_space<hbm>> -> memref<2000xf32, #tpu.memory_space<hbm>>
      %dma_wait3A_830 = arith.constant 0 : i32
      %dma_wait3A_831 = arith.constant 0 : i32
      %dma_wait3A_832 = tpu.memref_slice %arg7[%run_scoped3A, %dma_wait3A_830, %dma_wait3A_831] : memref<5x32x2000xf32, #tpu.memory_space<hbm>> -> memref<1x32x2000xf32, #tpu.memory_space<hbm>>
      %dma_wait3A_833 = tpu.memref_squeeze %dma_wait3A_832 : memref<1x32x2000xf32, #tpu.memory_space<hbm>> -> memref<32x2000xf32, #tpu.memory_space<hbm>>
      %dma_wait3A_834 = arith.constant 0 : i32
      %dma_wait3A_835 = tpu.memref_slice %dma_wait3A_833[%add3A, %dma_wait3A_834] : memref<32x2000xf32, #tpu.memory_space<hbm>> -> memref<1x2000xf32, #tpu.memory_space<hbm>>
      %dma_wait3A_836 = tpu.memref_squeeze %dma_wait3A_835 : memref<1x2000xf32, #tpu.memory_space<hbm>> -> memref<2000xf32, #tpu.memory_space<hbm>>
      %dma_wait3A_837 = arith.constant 0 : i32
      %dma_wait3A_838 = tpu.memref_slice %arg19[%dma_wait3A_837] : memref<10000xf32, #tpu.memory_space<vmem>> -> memref<2000xf32, #tpu.memory_space<vmem>>
      tpu.wait_dma2 semaphore(%run_scoped3A_802 : memref<!tpu.dma_semaphore, #tpu.memory_space<semaphore_mem>>) src(%dma_wait3A_838 : memref<2000xf32, #tpu.memory_space<vmem>>) dst(%dma_wait3A_836 : memref<2000xf32, #tpu.memory_space<hbm>>)
      tpu.yield
    }) : () -> ()
    %run_scoped3A_798 = arith.constant 1 : i32
    "tpu.region"() ({
      %run_scoped3A_802 = tpu.sem_alloc : memref<!tpu.dma_semaphore, #tpu.memory_space<semaphore_mem>>
      %dma_start3A_803 = arith.constant 2000 : i32
      %dma_start3A_804 = tpu.memref_slice %arg19[%dma_start3A_803] : memref<10000xf32, #tpu.memory_space<vmem>> -> memref<2000xf32, #tpu.memory_space<vmem>>
      %dma_start3A_805 = arith.constant 0 : i32
      %dma_start3A_806 = arith.constant 0 : i32
      %dma_start3A_807 = tpu.memref_slice %arg7[%run_scoped3A_798, %dma_start3A_805, %dma_start3A_806] : memref<5x32x2000xf32, #tpu.memory_space<hbm>> -> memref<1x32x2000xf32, #tpu.memory_space<hbm>>
      %dma_start3A_808 = tpu.memref_squeeze %dma_start3A_807 : memref<1x32x2000xf32, #tpu.memory_space<hbm>> -> memref<32x2000xf32, #tpu.memory_space<hbm>>
      %dma_start3A_809 = arith.constant 0 : i32
      %dma_start3A_810 = tpu.memref_slice %dma_start3A_808[%add3A, %dma_start3A_809] : memref<32x2000xf32, #tpu.memory_space<hbm>> -> memref<1x2000xf32, #tpu.memory_space<hbm>>
      %dma_start3A_811 = tpu.memref_squeeze %dma_start3A_810 : memref<1x2000xf32, #tpu.memory_space<hbm>> -> memref<2000xf32, #tpu.memory_space<hbm>>
      %dma_start3A_812 = arith.constant 0 : i32
      %dma_start3A_813 = arith.constant 0 : i32
      %dma_start3A_814 = tpu.memref_slice %arg7[%run_scoped3A_798, %dma_start3A_812, %dma_start3A_813] : memref<5x32x2000xf32, #tpu.memory_space<hbm>> -> memref<1x32x2000xf32, #tpu.memory_space<hbm>>
      %dma_start3A_815 = tpu.memref_squeeze %dma_start3A_814 : memref<1x32x2000xf32, #tpu.memory_space<hbm>> -> memref<32x2000xf32, #tpu.memory_space<hbm>>
      %dma_start3A_816 = arith.constant 0 : i32
      %dma_start3A_817 = tpu.memref_slice %dma_start3A_815[%add3A, %dma_start3A_816] : memref<32x2000xf32, #tpu.memory_space<hbm>> -> memref<1x2000xf32, #tpu.memory_space<hbm>>
      %dma_start3A_818 = tpu.memref_squeeze %dma_start3A_817 : memref<1x2000xf32, #tpu.memory_space<hbm>> -> memref<2000xf32, #tpu.memory_space<hbm>>
      %dma_start3A_819 = arith.constant 2000 : i32
      %dma_start3A_820 = tpu.memref_slice %arg19[%dma_start3A_819] : memref<10000xf32, #tpu.memory_space<vmem>> -> memref<2000xf32, #tpu.memory_space<vmem>>
      tpu.enqueue_dma source(%dma_start3A_820 : memref<2000xf32, #tpu.memory_space<vmem>>) target(%dma_start3A_818 : memref<2000xf32, #tpu.memory_space<hbm>>) target_semaphore(%run_scoped3A_802 : memref<!tpu.dma_semaphore, #tpu.memory_space<semaphore_mem>>)
      %dma_wait3A_821 = arith.constant 2000 : i32
      %dma_wait3A_822 = tpu.memref_slice %arg19[%dma_wait3A_821] : memref<10000xf32, #tpu.memory_space<vmem>> -> memref<2000xf32, #tpu.memory_space<vmem>>
      %dma_wait3A_823 = arith.constant 0 : i32
      %dma_wait3A_824 = arith.constant 0 : i32
      %dma_wait3A_825 = tpu.memref_slice %arg7[%run_scoped3A_798, %dma_wait3A_823, %dma_wait3A_824] : memref<5x32x2000xf32, #tpu.memory_space<hbm>> -> memref<1x32x2000xf32, #tpu.memory_space<hbm>>
      %dma_wait3A_826 = tpu.memref_squeeze %dma_wait3A_825 : memref<1x32x2000xf32, #tpu.memory_space<hbm>> -> memref<32x2000xf32, #tpu.memory_space<hbm>>
      %dma_wait3A_827 = arith.constant 0 : i32
      %dma_wait3A_828 = tpu.memref_slice %dma_wait3A_826[%add3A, %dma_wait3A_827] : memref<32x2000xf32, #tpu.memory_space<hbm>> -> memref<1x2000xf32, #tpu.memory_space<hbm>>
      %dma_wait3A_829 = tpu.memref_squeeze %dma_wait3A_828 : memref<1x2000xf32, #tpu.memory_space<hbm>> -> memref<2000xf32, #tpu.memory_space<hbm>>
      %dma_wait3A_830 = arith.constant 0 : i32
      %dma_wait3A_831 = arith.constant 0 : i32
      %dma_wait3A_832 = tpu.memref_slice %arg7[%run_scoped3A_798, %dma_wait3A_830, %dma_wait3A_831] : memref<5x32x2000xf32, #tpu.memory_space<hbm>> -> memref<1x32x2000xf32, #tpu.memory_space<hbm>>
      %dma_wait3A_833 = tpu.memref_squeeze %dma_wait3A_832 : memref<1x32x2000xf32, #tpu.memory_space<hbm>> -> memref<32x2000xf32, #tpu.memory_space<hbm>>
      %dma_wait3A_834 = arith.constant 0 : i32
      %dma_wait3A_835 = tpu.memref_slice %dma_wait3A_833[%add3A, %dma_wait3A_834] : memref<32x2000xf32, #tpu.memory_space<hbm>> -> memref<1x2000xf32, #tpu.memory_space<hbm>>
      %dma_wait3A_836 = tpu.memref_squeeze %dma_wait3A_835 : memref<1x2000xf32, #tpu.memory_space<hbm>> -> memref<2000xf32, #tpu.memory_space<hbm>>
      %dma_wait3A_837 = arith.constant 2000 : i32
      %dma_wait3A_838 = tpu.memref_slice %arg19[%dma_wait3A_837] : memref<10000xf32, #tpu.memory_space<vmem>> -> memref<2000xf32, #tpu.memory_space<vmem>>
      tpu.wait_dma2 semaphore(%run_scoped3A_802 : memref<!tpu.dma_semaphore, #tpu.memory_space<semaphore_mem>>) src(%dma_wait3A_838 : memref<2000xf32, #tpu.memory_space<vmem>>) dst(%dma_wait3A_836 : memref<2000xf32, #tpu.memory_space<hbm>>)
      tpu.yield
    }) : () -> ()
    %run_scoped3A_799 = arith.constant 2 : i32
    "tpu.region"() ({
      %run_scoped3A_802 = tpu.sem_alloc : memref<!tpu.dma_semaphore, #tpu.memory_space<semaphore_mem>>
      %dma_start3A_803 = arith.constant 4000 : i32
      %dma_start3A_804 = tpu.memref_slice %arg19[%dma_start3A_803] : memref<10000xf32, #tpu.memory_space<vmem>> -> memref<2000xf32, #tpu.memory_space<vmem>>
      %dma_start3A_805 = arith.constant 0 : i32
      %dma_start3A_806 = arith.constant 0 : i32
      %dma_start3A_807 = tpu.memref_slice %arg7[%run_scoped3A_799, %dma_start3A_805, %dma_start3A_806] : memref<5x32x2000xf32, #tpu.memory_space<hbm>> -> memref<1x32x2000xf32, #tpu.memory_space<hbm>>
      %dma_start3A_808 = tpu.memref_squeeze %dma_start3A_807 : memref<1x32x2000xf32, #tpu.memory_space<hbm>> -> memref<32x2000xf32, #tpu.memory_space<hbm>>
      %dma_start3A_809 = arith.constant 0 : i32
      %dma_start3A_810 = tpu.memref_slice %dma_start3A_808[%add3A, %dma_start3A_809] : memref<32x2000xf32, #tpu.memory_space<hbm>> -> memref<1x2000xf32, #tpu.memory_space<hbm>>
      %dma_start3A_811 = tpu.memref_squeeze %dma_start3A_810 : memref<1x2000xf32, #tpu.memory_space<hbm>> -> memref<2000xf32, #tpu.memory_space<hbm>>
      %dma_start3A_812 = arith.constant 0 : i32
      %dma_start3A_813 = arith.constant 0 : i32
      %dma_start3A_814 = tpu.memref_slice %arg7[%run_scoped3A_799, %dma_start3A_812, %dma_start3A_813] : memref<5x32x2000xf32, #tpu.memory_space<hbm>> -> memref<1x32x2000xf32, #tpu.memory_space<hbm>>
      %dma_start3A_815 = tpu.memref_squeeze %dma_start3A_814 : memref<1x32x2000xf32, #tpu.memory_space<hbm>> -> memref<32x2000xf32, #tpu.memory_space<hbm>>
      %dma_start3A_816 = arith.constant 0 : i32
      %dma_start3A_817 = tpu.memref_slice %dma_start3A_815[%add3A, %dma_start3A_816] : memref<32x2000xf32, #tpu.memory_space<hbm>> -> memref<1x2000xf32, #tpu.memory_space<hbm>>
      %dma_start3A_818 = tpu.memref_squeeze %dma_start3A_817 : memref<1x2000xf32, #tpu.memory_space<hbm>> -> memref<2000xf32, #tpu.memory_space<hbm>>
      %dma_start3A_819 = arith.constant 4000 : i32
      %dma_start3A_820 = tpu.memref_slice %arg19[%dma_start3A_819] : memref<10000xf32, #tpu.memory_space<vmem>> -> memref<2000xf32, #tpu.memory_space<vmem>>
      tpu.enqueue_dma source(%dma_start3A_820 : memref<2000xf32, #tpu.memory_space<vmem>>) target(%dma_start3A_818 : memref<2000xf32, #tpu.memory_space<hbm>>) target_semaphore(%run_scoped3A_802 : memref<!tpu.dma_semaphore, #tpu.memory_space<semaphore_mem>>)
      %dma_wait3A_821 = arith.constant 4000 : i32
      %dma_wait3A_822 = tpu.memref_slice %arg19[%dma_wait3A_821] : memref<10000xf32, #tpu.memory_space<vmem>> -> memref<2000xf32, #tpu.memory_space<vmem>>
      %dma_wait3A_823 = arith.constant 0 : i32
      %dma_wait3A_824 = arith.constant 0 : i32
      %dma_wait3A_825 = tpu.memref_slice %arg7[%run_scoped3A_799, %dma_wait3A_823, %dma_wait3A_824] : memref<5x32x2000xf32, #tpu.memory_space<hbm>> -> memref<1x32x2000xf32, #tpu.memory_space<hbm>>
      %dma_wait3A_826 = tpu.memref_squeeze %dma_wait3A_825 : memref<1x32x2000xf32, #tpu.memory_space<hbm>> -> memref<32x2000xf32, #tpu.memory_space<hbm>>
      %dma_wait3A_827 = arith.constant 0 : i32
      %dma_wait3A_828 = tpu.memref_slice %dma_wait3A_826[%add3A, %dma_wait3A_827] : memref<32x2000xf32, #tpu.memory_space<hbm>> -> memref<1x2000xf32, #tpu.memory_space<hbm>>
      %dma_wait3A_829 = tpu.memref_squeeze %dma_wait3A_828 : memref<1x2000xf32, #tpu.memory_space<hbm>> -> memref<2000xf32, #tpu.memory_space<hbm>>
      %dma_wait3A_830 = arith.constant 0 : i32
      %dma_wait3A_831 = arith.constant 0 : i32
      %dma_wait3A_832 = tpu.memref_slice %arg7[%run_scoped3A_799, %dma_wait3A_830, %dma_wait3A_831] : memref<5x32x2000xf32, #tpu.memory_space<hbm>> -> memref<1x32x2000xf32, #tpu.memory_space<hbm>>
      %dma_wait3A_833 = tpu.memref_squeeze %dma_wait3A_832 : memref<1x32x2000xf32, #tpu.memory_space<hbm>> -> memref<32x2000xf32, #tpu.memory_space<hbm>>
      %dma_wait3A_834 = arith.constant 0 : i32
      %dma_wait3A_835 = tpu.memref_slice %dma_wait3A_833[%add3A, %dma_wait3A_834] : memref<32x2000xf32, #tpu.memory_space<hbm>> -> memref<1x2000xf32, #tpu.memory_space<hbm>>
      %dma_wait3A_836 = tpu.memref_squeeze %dma_wait3A_835 : memref<1x2000xf32, #tpu.memory_space<hbm>> -> memref<2000xf32, #tpu.memory_space<hbm>>
      %dma_wait3A_837 = arith.constant 4000 : i32
      %dma_wait3A_838 = tpu.memref_slice %arg19[%dma_wait3A_837] : memref<10000xf32, #tpu.memory_space<vmem>> -> memref<2000xf32, #tpu.memory_space<vmem>>
      tpu.wait_dma2 semaphore(%run_scoped3A_802 : memref<!tpu.dma_semaphore, #tpu.memory_space<semaphore_mem>>) src(%dma_wait3A_838 : memref<2000xf32, #tpu.memory_space<vmem>>) dst(%dma_wait3A_836 : memref<2000xf32, #tpu.memory_space<hbm>>)
      tpu.yield
    }) : () -> ()
    %run_scoped3A_800 = arith.constant 3 : i32
    "tpu.region"() ({
      %run_scoped3A_802 = tpu.sem_alloc : memref<!tpu.dma_semaphore, #tpu.memory_space<semaphore_mem>>
      %dma_start3A_803 = arith.constant 6000 : i32
      %dma_start3A_804 = tpu.memref_slice %arg19[%dma_start3A_803] : memref<10000xf32, #tpu.memory_space<vmem>> -> memref<2000xf32, #tpu.memory_space<vmem>>
      %dma_start3A_805 = arith.constant 0 : i32
      %dma_start3A_806 = arith.constant 0 : i32
      %dma_start3A_807 = tpu.memref_slice %arg7[%run_scoped3A_800, %dma_start3A_805, %dma_start3A_806] : memref<5x32x2000xf32, #tpu.memory_space<hbm>> -> memref<1x32x2000xf32, #tpu.memory_space<hbm>>
      %dma_start3A_808 = tpu.memref_squeeze %dma_start3A_807 : memref<1x32x2000xf32, #tpu.memory_space<hbm>> -> memref<32x2000xf32, #tpu.memory_space<hbm>>
      %dma_start3A_809 = arith.constant 0 : i32
      %dma_start3A_810 = tpu.memref_slice %dma_start3A_808[%add3A, %dma_start3A_809] : memref<32x2000xf32, #tpu.memory_space<hbm>> -> memref<1x2000xf32, #tpu.memory_space<hbm>>
      %dma_start3A_811 = tpu.memref_squeeze %dma_start3A_810 : memref<1x2000xf32, #tpu.memory_space<hbm>> -> memref<2000xf32, #tpu.memory_space<hbm>>
      %dma_start3A_812 = arith.constant 0 : i32
      %dma_start3A_813 = arith.constant 0 : i32
      %dma_start3A_814 = tpu.memref_slice %arg7[%run_scoped3A_800, %dma_start3A_812, %dma_start3A_813] : memref<5x32x2000xf32, #tpu.memory_space<hbm>> -> memref<1x32x2000xf32, #tpu.memory_space<hbm>>
      %dma_start3A_815 = tpu.memref_squeeze %dma_start3A_814 : memref<1x32x2000xf32, #tpu.memory_space<hbm>> -> memref<32x2000xf32, #tpu.memory_space<hbm>>
      %dma_start3A_816 = arith.constant 0 : i32
      %dma_start3A_817 = tpu.memref_slice %dma_start3A_815[%add3A, %dma_start3A_816] : memref<32x2000xf32, #tpu.memory_space<hbm>> -> memref<1x2000xf32, #tpu.memory_space<hbm>>
      %dma_start3A_818 = tpu.memref_squeeze %dma_start3A_817 : memref<1x2000xf32, #tpu.memory_space<hbm>> -> memref<2000xf32, #tpu.memory_space<hbm>>
      %dma_start3A_819 = arith.constant 6000 : i32
      %dma_start3A_820 = tpu.memref_slice %arg19[%dma_start3A_819] : memref<10000xf32, #tpu.memory_space<vmem>> -> memref<2000xf32, #tpu.memory_space<vmem>>
      tpu.enqueue_dma source(%dma_start3A_820 : memref<2000xf32, #tpu.memory_space<vmem>>) target(%dma_start3A_818 : memref<2000xf32, #tpu.memory_space<hbm>>) target_semaphore(%run_scoped3A_802 : memref<!tpu.dma_semaphore, #tpu.memory_space<semaphore_mem>>)
      %dma_wait3A_821 = arith.constant 6000 : i32
      %dma_wait3A_822 = tpu.memref_slice %arg19[%dma_wait3A_821] : memref<10000xf32, #tpu.memory_space<vmem>> -> memref<2000xf32, #tpu.memory_space<vmem>>
      %dma_wait3A_823 = arith.constant 0 : i32
      %dma_wait3A_824 = arith.constant 0 : i32
      %dma_wait3A_825 = tpu.memref_slice %arg7[%run_scoped3A_800, %dma_wait3A_823, %dma_wait3A_824] : memref<5x32x2000xf32, #tpu.memory_space<hbm>> -> memref<1x32x2000xf32, #tpu.memory_space<hbm>>
      %dma_wait3A_826 = tpu.memref_squeeze %dma_wait3A_825 : memref<1x32x2000xf32, #tpu.memory_space<hbm>> -> memref<32x2000xf32, #tpu.memory_space<hbm>>
      %dma_wait3A_827 = arith.constant 0 : i32
      %dma_wait3A_828 = tpu.memref_slice %dma_wait3A_826[%add3A, %dma_wait3A_827] : memref<32x2000xf32, #tpu.memory_space<hbm>> -> memref<1x2000xf32, #tpu.memory_space<hbm>>
      %dma_wait3A_829 = tpu.memref_squeeze %dma_wait3A_828 : memref<1x2000xf32, #tpu.memory_space<hbm>> -> memref<2000xf32, #tpu.memory_space<hbm>>
      %dma_wait3A_830 = arith.constant 0 : i32
      %dma_wait3A_831 = arith.constant 0 : i32
      %dma_wait3A_832 = tpu.memref_slice %arg7[%run_scoped3A_800, %dma_wait3A_830, %dma_wait3A_831] : memref<5x32x2000xf32, #tpu.memory_space<hbm>> -> memref<1x32x2000xf32, #tpu.memory_space<hbm>>
      %dma_wait3A_833 = tpu.memref_squeeze %dma_wait3A_832 : memref<1x32x2000xf32, #tpu.memory_space<hbm>> -> memref<32x2000xf32, #tpu.memory_space<hbm>>
      %dma_wait3A_834 = arith.constant 0 : i32
      %dma_wait3A_835 = tpu.memref_slice %dma_wait3A_833[%add3A, %dma_wait3A_834] : memref<32x2000xf32, #tpu.memory_space<hbm>> -> memref<1x2000xf32, #tpu.memory_space<hbm>>
      %dma_wait3A_836 = tpu.memref_squeeze %dma_wait3A_835 : memref<1x2000xf32, #tpu.memory_space<hbm>> -> memref<2000xf32, #tpu.memory_space<hbm>>
      %dma_wait3A_837 = arith.constant 6000 : i32
      %dma_wait3A_838 = tpu.memref_slice %arg19[%dma_wait3A_837] : memref<10000xf32, #tpu.memory_space<vmem>> -> memref<2000xf32, #tpu.memory_space<vmem>>
      tpu.wait_dma2 semaphore(%run_scoped3A_802 : memref<!tpu.dma_semaphore, #tpu.memory_space<semaphore_mem>>) src(%dma_wait3A_838 : memref<2000xf32, #tpu.memory_space<vmem>>) dst(%dma_wait3A_836 : memref<2000xf32, #tpu.memory_space<hbm>>)
      tpu.yield
    }) : () -> ()
    %run_scoped3A_801 = arith.constant 4 : i32
    "tpu.region"() ({
      %run_scoped3A_802 = tpu.sem_alloc : memref<!tpu.dma_semaphore, #tpu.memory_space<semaphore_mem>>
      %dma_start3A_803 = arith.constant 8000 : i32
      %dma_start3A_804 = tpu.memref_slice %arg19[%dma_start3A_803] : memref<10000xf32, #tpu.memory_space<vmem>> -> memref<2000xf32, #tpu.memory_space<vmem>>
      %dma_start3A_805 = arith.constant 0 : i32
      %dma_start3A_806 = arith.constant 0 : i32
      %dma_start3A_807 = tpu.memref_slice %arg7[%run_scoped3A_801, %dma_start3A_805, %dma_start3A_806] : memref<5x32x2000xf32, #tpu.memory_space<hbm>> -> memref<1x32x2000xf32, #tpu.memory_space<hbm>>
      %dma_start3A_808 = tpu.memref_squeeze %dma_start3A_807 : memref<1x32x2000xf32, #tpu.memory_space<hbm>> -> memref<32x2000xf32, #tpu.memory_space<hbm>>
      %dma_start3A_809 = arith.constant 0 : i32
      %dma_start3A_810 = tpu.memref_slice %dma_start3A_808[%add3A, %dma_start3A_809] : memref<32x2000xf32, #tpu.memory_space<hbm>> -> memref<1x2000xf32, #tpu.memory_space<hbm>>
      %dma_start3A_811 = tpu.memref_squeeze %dma_start3A_810 : memref<1x2000xf32, #tpu.memory_space<hbm>> -> memref<2000xf32, #tpu.memory_space<hbm>>
      %dma_start3A_812 = arith.constant 0 : i32
      %dma_start3A_813 = arith.constant 0 : i32
      %dma_start3A_814 = tpu.memref_slice %arg7[%run_scoped3A_801, %dma_start3A_812, %dma_start3A_813] : memref<5x32x2000xf32, #tpu.memory_space<hbm>> -> memref<1x32x2000xf32, #tpu.memory_space<hbm>>
      %dma_start3A_815 = tpu.memref_squeeze %dma_start3A_814 : memref<1x32x2000xf32, #tpu.memory_space<hbm>> -> memref<32x2000xf32, #tpu.memory_space<hbm>>
      %dma_start3A_816 = arith.constant 0 : i32
      %dma_start3A_817 = tpu.memref_slice %dma_start3A_815[%add3A, %dma_start3A_816] : memref<32x2000xf32, #tpu.memory_space<hbm>> -> memref<1x2000xf32, #tpu.memory_space<hbm>>
      %dma_start3A_818 = tpu.memref_squeeze %dma_start3A_817 : memref<1x2000xf32, #tpu.memory_space<hbm>> -> memref<2000xf32, #tpu.memory_space<hbm>>
      %dma_start3A_819 = arith.constant 8000 : i32
      %dma_start3A_820 = tpu.memref_slice %arg19[%dma_start3A_819] : memref<10000xf32, #tpu.memory_space<vmem>> -> memref<2000xf32, #tpu.memory_space<vmem>>
      tpu.enqueue_dma source(%dma_start3A_820 : memref<2000xf32, #tpu.memory_space<vmem>>) target(%dma_start3A_818 : memref<2000xf32, #tpu.memory_space<hbm>>) target_semaphore(%run_scoped3A_802 : memref<!tpu.dma_semaphore, #tpu.memory_space<semaphore_mem>>)
      %dma_wait3A_821 = arith.constant 8000 : i32
      %dma_wait3A_822 = tpu.memref_slice %arg19[%dma_wait3A_821] : memref<10000xf32, #tpu.memory_space<vmem>> -> memref<2000xf32, #tpu.memory_space<vmem>>
      %dma_wait3A_823 = arith.constant 0 : i32
      %dma_wait3A_824 = arith.constant 0 : i32
      %dma_wait3A_825 = tpu.memref_slice %arg7[%run_scoped3A_801, %dma_wait3A_823, %dma_wait3A_824] : memref<5x32x2000xf32, #tpu.memory_space<hbm>> -> memref<1x32x2000xf32, #tpu.memory_space<hbm>>
      %dma_wait3A_826 = tpu.memref_squeeze %dma_wait3A_825 : memref<1x32x2000xf32, #tpu.memory_space<hbm>> -> memref<32x2000xf32, #tpu.memory_space<hbm>>
      %dma_wait3A_827 = arith.constant 0 : i32
      %dma_wait3A_828 = tpu.memref_slice %dma_wait3A_826[%add3A, %dma_wait3A_827] : memref<32x2000xf32, #tpu.memory_space<hbm>> -> memref<1x2000xf32, #tpu.memory_space<hbm>>
      %dma_wait3A_829 = tpu.memref_squeeze %dma_wait3A_828 : memref<1x2000xf32, #tpu.memory_space<hbm>> -> memref<2000xf32, #tpu.memory_space<hbm>>
      %dma_wait3A_830 = arith.constant 0 : i32
      %dma_wait3A_831 = arith.constant 0 : i32
      %dma_wait3A_832 = tpu.memref_slice %arg7[%run_scoped3A_801, %dma_wait3A_830, %dma_wait3A_831] : memref<5x32x2000xf32, #tpu.memory_space<hbm>> -> memref<1x32x2000xf32, #tpu.memory_space<hbm>>
      %dma_wait3A_833 = tpu.memref_squeeze %dma_wait3A_832 : memref<1x32x2000xf32, #tpu.memory_space<hbm>> -> memref<32x2000xf32, #tpu.memory_space<hbm>>
      %dma_wait3A_834 = arith.constant 0 : i32
      %dma_wait3A_835 = tpu.memref_slice %dma_wait3A_833[%add3A, %dma_wait3A_834] : memref<32x2000xf32, #tpu.memory_space<hbm>> -> memref<1x2000xf32, #tpu.memory_space<hbm>>
      %dma_wait3A_836 = tpu.memref_squeeze %dma_wait3A_835 : memref<1x2000xf32, #tpu.memory_space<hbm>> -> memref<2000xf32, #tpu.memory_space<hbm>>
      %dma_wait3A_837 = arith.constant 8000 : i32
      %dma_wait3A_838 = tpu.memref_slice %arg19[%dma_wait3A_837] : memref<10000xf32, #tpu.memory_space<vmem>> -> memref<2000xf32, #tpu.memory_space<vmem>>
      tpu.wait_dma2 semaphore(%run_scoped3A_802 : memref<!tpu.dma_semaphore, #tpu.memory_space<semaphore_mem>>) src(%dma_wait3A_838 : memref<2000xf32, #tpu.memory_space<vmem>>) dst(%dma_wait3A_836 : memref<2000xf32, #tpu.memory_space<hbm>>)
      tpu.yield
    }) : () -> ()
    return
  }
}

#map = affine_map<(d0, d1) -> (0, 0, 0)>
#map1 = affine_map<(d0, d1) -> (0, 0)>
module attributes {stable_mosaic.version = 14 : i64} {
  func.func @seg_sum(%arg0: i32, %arg1: i32, %arg2: memref<32x125x80xi32, #tpu.memory_space<hbm>>, %arg3: memref<32x125x80xi32, #tpu.memory_space<hbm>>, %arg4: memref<10000x128xf32, #tpu.memory_space<hbm>>, %arg5: memref<10000x128xf32, #tpu.memory_space<hbm>>, %arg6: memref<20000x128xf32, #tpu.memory_space<hbm>>, %arg7: memref<10000x128xf32, #tpu.memory_space<vmem_shared>>, %arg8: memref<3x80xi32, #tpu.memory_space<vmem>>, %arg9: memref<3x80xi32, #tpu.memory_space<vmem>>, %arg10: memref<3x80x128xf32, #tpu.memory_space<vmem>>, %arg11: memref<!tpu.dma_semaphore, #tpu.memory_space<semaphore_mem>>, %arg12: memref<!tpu.dma_semaphore, #tpu.memory_space<semaphore_mem>>, %arg13: memref<!tpu.dma_semaphore, #tpu.memory_space<semaphore_mem>>, %arg14: memref<!tpu.dma_semaphore, #tpu.memory_space<semaphore_mem>>, %arg15: memref<!tpu.dma_semaphore, #tpu.memory_space<semaphore_mem>>, %arg16: memref<!tpu.dma_semaphore, #tpu.memory_space<semaphore_mem>>, %arg17: memref<!tpu.dma_semaphore, #tpu.memory_space<semaphore_mem>>) attributes {dimension_semantics = [#tpu.dimension_semantics<core_parallel>, #tpu.dimension_semantics<subcore_parallel>], iteration_bounds = array<i64: 2, 16>, scalar_prefetch = 0 : i64, scratch_operands = 11 : i64, tpu.core_type = #tpu.core_type<sc_vector_subcore>, window_params = [{transform_indices = #map}, {transform_indices = #map}, {transform_indices = #map1}, {transform_indices = #map1}, {transform_indices = #map1}]} {
    %mul3A = arith.constant 2 : i32
    %mul3A_0 = arith.muli %arg1, %mul3A : i32
    %add3A = arith.addi %mul3A_0, %arg0 : i32
    %mul3A_1 = arith.constant 625 : i32
    %mul3A_2 = arith.muli %arg1, %mul3A_1 : i32
    "tpu.region"() ({
      %run_scoped3A = tpu.sem_alloc : memref<!tpu.dma_semaphore, #tpu.memory_space<semaphore_mem>>
      %dma_start3A_690 = arith.constant 0 : i32
      %dma_start3A_691 = tpu.memref_slice %arg7[%mul3A_2, %dma_start3A_690] : memref<10000x128xf32, #tpu.memory_space<vmem_shared>> -> memref<625x128xf32, #tpu.memory_space<vmem_shared>>
      %dma_start3A_692 = arith.constant 0 : i32
      %dma_start3A_693 = tpu.memref_slice %arg5[%mul3A_2, %dma_start3A_692] : memref<10000x128xf32, #tpu.memory_space<hbm>> -> memref<625x128xf32, #tpu.memory_space<hbm>>
      tpu.enqueue_dma source(%dma_start3A_693 : memref<625x128xf32, #tpu.memory_space<hbm>>) target(%dma_start3A_691 : memref<625x128xf32, #tpu.memory_space<vmem_shared>>) target_semaphore(%run_scoped3A : memref<!tpu.dma_semaphore, #tpu.memory_space<semaphore_mem>>)
      %dma_wait3A_694 = arith.constant 0 : i32
      %dma_wait3A_695 = tpu.memref_slice %arg7[%mul3A_2, %dma_wait3A_694] : memref<10000x128xf32, #tpu.memory_space<vmem_shared>> -> memref<625x128xf32, #tpu.memory_space<vmem_shared>>
      %dma_wait3A_696 = arith.constant 0 : i32
      %dma_wait3A_697 = tpu.memref_slice %arg5[%mul3A_2, %dma_wait3A_696] : memref<10000x128xf32, #tpu.memory_space<hbm>> -> memref<625x128xf32, #tpu.memory_space<hbm>>
      tpu.wait_dma2 semaphore(%run_scoped3A : memref<!tpu.dma_semaphore, #tpu.memory_space<semaphore_mem>>) src(%dma_wait3A_697 : memref<625x128xf32, #tpu.memory_space<hbm>>) dst(%dma_wait3A_695 : memref<625x128xf32, #tpu.memory_space<vmem_shared>>)
      tpu.yield
    }) : () -> ()
    %barrier3A = arith.constant 0 : index
    tpu.barrier barrier_id(%barrier3A)
    %dma_start3A = arith.constant 0 : i32
    %dma_start3A_3 = arith.constant 0 : i32
    %dma_start3A_4 = arith.constant 0 : i32
    %dma_start3A_5 = tpu.memref_slice %arg8[%dma_start3A_3, %dma_start3A_4] : memref<3x80xi32, #tpu.memory_space<vmem>> -> memref<1x80xi32, #tpu.memory_space<vmem>>
    %dma_start3A_6 = tpu.memref_squeeze %dma_start3A_5 : memref<1x80xi32, #tpu.memory_space<vmem>> -> memref<80xi32, #tpu.memory_space<vmem>>
    %dma_start3A_7 = arith.constant 0 : i32
    %dma_start3A_8 = arith.constant 0 : i32
    %dma_start3A_9 = tpu.memref_slice %arg2[%add3A, %dma_start3A_7, %dma_start3A_8] : memref<32x125x80xi32, #tpu.memory_space<hbm>> -> memref<1x125x80xi32, #tpu.memory_space<hbm>>
    %dma_start3A_10 = tpu.memref_squeeze %dma_start3A_9 : memref<1x125x80xi32, #tpu.memory_space<hbm>> -> memref<125x80xi32, #tpu.memory_space<hbm>>
    %dma_start3A_11 = arith.constant 0 : i32
    %dma_start3A_12 = tpu.memref_slice %dma_start3A_10[%dma_start3A, %dma_start3A_11] : memref<125x80xi32, #tpu.memory_space<hbm>> -> memref<1x80xi32, #tpu.memory_space<hbm>>
    %dma_start3A_13 = tpu.memref_squeeze %dma_start3A_12 : memref<1x80xi32, #tpu.memory_space<hbm>> -> memref<80xi32, #tpu.memory_space<hbm>>
    %dma_start3A_14 = arith.constant 0 : i32
    %dma_start3A_15 = tpu.memref_slice %arg8[%dma_start3A_3, %dma_start3A_14] : memref<3x80xi32, #tpu.memory_space<vmem>> -> memref<1x80xi32, #tpu.memory_space<vmem>>
    %dma_start3A_16 = tpu.memref_squeeze %dma_start3A_15 : memref<1x80xi32, #tpu.memory_space<vmem>> -> memref<80xi32, #tpu.memory_space<vmem>>
    %dma_start3A_17 = arith.constant 0 : i32
    %dma_start3A_18 = arith.constant 0 : i32
    %dma_start3A_19 = tpu.memref_slice %arg2[%add3A, %dma_start3A_17, %dma_start3A_18] : memref<32x125x80xi32, #tpu.memory_space<hbm>> -> memref<1x125x80xi32, #tpu.memory_space<hbm>>
    %dma_start3A_20 = tpu.memref_squeeze %dma_start3A_19 : memref<1x125x80xi32, #tpu.memory_space<hbm>> -> memref<125x80xi32, #tpu.memory_space<hbm>>
    %dma_start3A_21 = arith.constant 0 : i32
    %dma_start3A_22 = tpu.memref_slice %dma_start3A_20[%dma_start3A, %dma_start3A_21] : memref<125x80xi32, #tpu.memory_space<hbm>> -> memref<1x80xi32, #tpu.memory_space<hbm>>
    %dma_start3A_23 = tpu.memref_squeeze %dma_start3A_22 : memref<1x80xi32, #tpu.memory_space<hbm>> -> memref<80xi32, #tpu.memory_space<hbm>>
    tpu.enqueue_dma source(%dma_start3A_23 : memref<80xi32, #tpu.memory_space<hbm>>) target(%dma_start3A_16 : memref<80xi32, #tpu.memory_space<vmem>>) target_semaphore(%arg15 : memref<!tpu.dma_semaphore, #tpu.memory_space<semaphore_mem>>)
    %dma_start3A_24 = arith.constant 0 : i32
    %dma_start3A_25 = arith.constant 0 : i32
    %dma_start3A_26 = arith.constant 0 : i32
    %dma_start3A_27 = tpu.memref_slice %arg9[%dma_start3A_25, %dma_start3A_26] : memref<3x80xi32, #tpu.memory_space<vmem>> -> memref<1x80xi32, #tpu.memory_space<vmem>>
    %dma_start3A_28 = tpu.memref_squeeze %dma_start3A_27 : memref<1x80xi32, #tpu.memory_space<vmem>> -> memref<80xi32, #tpu.memory_space<vmem>>
    %dma_start3A_29 = arith.constant 0 : i32
    %dma_start3A_30 = arith.constant 0 : i32
    %dma_start3A_31 = tpu.memref_slice %arg3[%add3A, %dma_start3A_29, %dma_start3A_30] : memref<32x125x80xi32, #tpu.memory_space<hbm>> -> memref<1x125x80xi32, #tpu.memory_space<hbm>>
    %dma_start3A_32 = tpu.memref_squeeze %dma_start3A_31 : memref<1x125x80xi32, #tpu.memory_space<hbm>> -> memref<125x80xi32, #tpu.memory_space<hbm>>
    %dma_start3A_33 = arith.constant 0 : i32
    %dma_start3A_34 = tpu.memref_slice %dma_start3A_32[%dma_start3A_24, %dma_start3A_33] : memref<125x80xi32, #tpu.memory_space<hbm>> -> memref<1x80xi32, #tpu.memory_space<hbm>>
    %dma_start3A_35 = tpu.memref_squeeze %dma_start3A_34 : memref<1x80xi32, #tpu.memory_space<hbm>> -> memref<80xi32, #tpu.memory_space<hbm>>
    %dma_start3A_36 = arith.constant 0 : i32
    %dma_start3A_37 = tpu.memref_slice %arg9[%dma_start3A_25, %dma_start3A_36] : memref<3x80xi32, #tpu.memory_space<vmem>> -> memref<1x80xi32, #tpu.memory_space<vmem>>
    %dma_start3A_38 = tpu.memref_squeeze %dma_start3A_37 : memref<1x80xi32, #tpu.memory_space<vmem>> -> memref<80xi32, #tpu.memory_space<vmem>>
    %dma_start3A_39 = arith.constant 0 : i32
    %dma_start3A_40 = arith.constant 0 : i32
    %dma_start3A_41 = tpu.memref_slice %arg3[%add3A, %dma_start3A_39, %dma_start3A_40] : memref<32x125x80xi32, #tpu.memory_space<hbm>> -> memref<1x125x80xi32, #tpu.memory_space<hbm>>
    %dma_start3A_42 = tpu.memref_squeeze %dma_start3A_41 : memref<1x125x80xi32, #tpu.memory_space<hbm>> -> memref<125x80xi32, #tpu.memory_space<hbm>>
    %dma_start3A_43 = arith.constant 0 : i32
    %dma_start3A_44 = tpu.memref_slice %dma_start3A_42[%dma_start3A_24, %dma_start3A_43] : memref<125x80xi32, #tpu.memory_space<hbm>> -> memref<1x80xi32, #tpu.memory_space<hbm>>
    %dma_start3A_45 = tpu.memref_squeeze %dma_start3A_44 : memref<1x80xi32, #tpu.memory_space<hbm>> -> memref<80xi32, #tpu.memory_space<hbm>>
    tpu.enqueue_dma source(%dma_start3A_45 : memref<80xi32, #tpu.memory_space<hbm>>) target(%dma_start3A_38 : memref<80xi32, #tpu.memory_space<vmem>>) target_semaphore(%arg15 : memref<!tpu.dma_semaphore, #tpu.memory_space<semaphore_mem>>)
    %dma_start3A_46 = arith.constant 1 : i32
    %dma_start3A_47 = arith.constant 1 : i32
    %dma_start3A_48 = arith.constant 0 : i32
    %dma_start3A_49 = tpu.memref_slice %arg8[%dma_start3A_47, %dma_start3A_48] : memref<3x80xi32, #tpu.memory_space<vmem>> -> memref<1x80xi32, #tpu.memory_space<vmem>>
    %dma_start3A_50 = tpu.memref_squeeze %dma_start3A_49 : memref<1x80xi32, #tpu.memory_space<vmem>> -> memref<80xi32, #tpu.memory_space<vmem>>
    %dma_start3A_51 = arith.constant 0 : i32
    %dma_start3A_52 = arith.constant 0 : i32
    %dma_start3A_53 = tpu.memref_slice %arg2[%add3A, %dma_start3A_51, %dma_start3A_52] : memref<32x125x80xi32, #tpu.memory_space<hbm>> -> memref<1x125x80xi32, #tpu.memory_space<hbm>>
    %dma_start3A_54 = tpu.memref_squeeze %dma_start3A_53 : memref<1x125x80xi32, #tpu.memory_space<hbm>> -> memref<125x80xi32, #tpu.memory_space<hbm>>
    %dma_start3A_55 = arith.constant 0 : i32
    %dma_start3A_56 = tpu.memref_slice %dma_start3A_54[%dma_start3A_46, %dma_start3A_55] : memref<125x80xi32, #tpu.memory_space<hbm>> -> memref<1x80xi32, #tpu.memory_space<hbm>>
    %dma_start3A_57 = tpu.memref_squeeze %dma_start3A_56 : memref<1x80xi32, #tpu.memory_space<hbm>> -> memref<80xi32, #tpu.memory_space<hbm>>
    %dma_start3A_58 = arith.constant 0 : i32
    %dma_start3A_59 = tpu.memref_slice %arg8[%dma_start3A_47, %dma_start3A_58] : memref<3x80xi32, #tpu.memory_space<vmem>> -> memref<1x80xi32, #tpu.memory_space<vmem>>
    %dma_start3A_60 = tpu.memref_squeeze %dma_start3A_59 : memref<1x80xi32, #tpu.memory_space<vmem>> -> memref<80xi32, #tpu.memory_space<vmem>>
    %dma_start3A_61 = arith.constant 0 : i32
    %dma_start3A_62 = arith.constant 0 : i32
    %dma_start3A_63 = tpu.memref_slice %arg2[%add3A, %dma_start3A_61, %dma_start3A_62] : memref<32x125x80xi32, #tpu.memory_space<hbm>> -> memref<1x125x80xi32, #tpu.memory_space<hbm>>
    %dma_start3A_64 = tpu.memref_squeeze %dma_start3A_63 : memref<1x125x80xi32, #tpu.memory_space<hbm>> -> memref<125x80xi32, #tpu.memory_space<hbm>>
    %dma_start3A_65 = arith.constant 0 : i32
    %dma_start3A_66 = tpu.memref_slice %dma_start3A_64[%dma_start3A_46, %dma_start3A_65] : memref<125x80xi32, #tpu.memory_space<hbm>> -> memref<1x80xi32, #tpu.memory_space<hbm>>
    %dma_start3A_67 = tpu.memref_squeeze %dma_start3A_66 : memref<1x80xi32, #tpu.memory_space<hbm>> -> memref<80xi32, #tpu.memory_space<hbm>>
    tpu.enqueue_dma source(%dma_start3A_67 : memref<80xi32, #tpu.memory_space<hbm>>) target(%dma_start3A_60 : memref<80xi32, #tpu.memory_space<vmem>>) target_semaphore(%arg16 : memref<!tpu.dma_semaphore, #tpu.memory_space<semaphore_mem>>)
    %dma_start3A_68 = arith.constant 1 : i32
    %dma_start3A_69 = arith.constant 1 : i32
    %dma_start3A_70 = arith.constant 0 : i32
    %dma_start3A_71 = tpu.memref_slice %arg9[%dma_start3A_69, %dma_start3A_70] : memref<3x80xi32, #tpu.memory_space<vmem>> -> memref<1x80xi32, #tpu.memory_space<vmem>>
    %dma_start3A_72 = tpu.memref_squeeze %dma_start3A_71 : memref<1x80xi32, #tpu.memory_space<vmem>> -> memref<80xi32, #tpu.memory_space<vmem>>
    %dma_start3A_73 = arith.constant 0 : i32
    %dma_start3A_74 = arith.constant 0 : i32
    %dma_start3A_75 = tpu.memref_slice %arg3[%add3A, %dma_start3A_73, %dma_start3A_74] : memref<32x125x80xi32, #tpu.memory_space<hbm>> -> memref<1x125x80xi32, #tpu.memory_space<hbm>>
    %dma_start3A_76 = tpu.memref_squeeze %dma_start3A_75 : memref<1x125x80xi32, #tpu.memory_space<hbm>> -> memref<125x80xi32, #tpu.memory_space<hbm>>
    %dma_start3A_77 = arith.constant 0 : i32
    %dma_start3A_78 = tpu.memref_slice %dma_start3A_76[%dma_start3A_68, %dma_start3A_77] : memref<125x80xi32, #tpu.memory_space<hbm>> -> memref<1x80xi32, #tpu.memory_space<hbm>>
    %dma_start3A_79 = tpu.memref_squeeze %dma_start3A_78 : memref<1x80xi32, #tpu.memory_space<hbm>> -> memref<80xi32, #tpu.memory_space<hbm>>
    %dma_start3A_80 = arith.constant 0 : i32
    %dma_start3A_81 = tpu.memref_slice %arg9[%dma_start3A_69, %dma_start3A_80] : memref<3x80xi32, #tpu.memory_space<vmem>> -> memref<1x80xi32, #tpu.memory_space<vmem>>
    %dma_start3A_82 = tpu.memref_squeeze %dma_start3A_81 : memref<1x80xi32, #tpu.memory_space<vmem>> -> memref<80xi32, #tpu.memory_space<vmem>>
    %dma_start3A_83 = arith.constant 0 : i32
    %dma_start3A_84 = arith.constant 0 : i32
    %dma_start3A_85 = tpu.memref_slice %arg3[%add3A, %dma_start3A_83, %dma_start3A_84] : memref<32x125x80xi32, #tpu.memory_space<hbm>> -> memref<1x125x80xi32, #tpu.memory_space<hbm>>
    %dma_start3A_86 = tpu.memref_squeeze %dma_start3A_85 : memref<1x125x80xi32, #tpu.memory_space<hbm>> -> memref<125x80xi32, #tpu.memory_space<hbm>>
    %dma_start3A_87 = arith.constant 0 : i32
    %dma_start3A_88 = tpu.memref_slice %dma_start3A_86[%dma_start3A_68, %dma_start3A_87] : memref<125x80xi32, #tpu.memory_space<hbm>> -> memref<1x80xi32, #tpu.memory_space<hbm>>
    %dma_start3A_89 = tpu.memref_squeeze %dma_start3A_88 : memref<1x80xi32, #tpu.memory_space<hbm>> -> memref<80xi32, #tpu.memory_space<hbm>>
    tpu.enqueue_dma source(%dma_start3A_89 : memref<80xi32, #tpu.memory_space<hbm>>) target(%dma_start3A_82 : memref<80xi32, #tpu.memory_space<vmem>>) target_semaphore(%arg16 : memref<!tpu.dma_semaphore, #tpu.memory_space<semaphore_mem>>)
    %dma_wait3A = arith.constant 0 : i32
    %dma_wait3A_90 = arith.constant 0 : i32
    %dma_wait3A_91 = arith.constant 0 : i32
    %dma_wait3A_92 = tpu.memref_slice %arg8[%dma_wait3A_90, %dma_wait3A_91] : memref<3x80xi32, #tpu.memory_space<vmem>> -> memref<1x80xi32, #tpu.memory_space<vmem>>
    %dma_wait3A_93 = tpu.memref_squeeze %dma_wait3A_92 : memref<1x80xi32, #tpu.memory_space<vmem>> -> memref<80xi32, #tpu.memory_space<vmem>>
    %dma_wait3A_94 = arith.constant 0 : i32
    %dma_wait3A_95 = arith.constant 0 : i32
    %dma_wait3A_96 = tpu.memref_slice %arg2[%add3A, %dma_wait3A_94, %dma_wait3A_95] : memref<32x125x80xi32, #tpu.memory_space<hbm>> -> memref<1x125x80xi32, #tpu.memory_space<hbm>>
    %dma_wait3A_97 = tpu.memref_squeeze %dma_wait3A_96 : memref<1x125x80xi32, #tpu.memory_space<hbm>> -> memref<125x80xi32, #tpu.memory_space<hbm>>
    %dma_wait3A_98 = arith.constant 0 : i32
    %dma_wait3A_99 = tpu.memref_slice %dma_wait3A_97[%dma_wait3A, %dma_wait3A_98] : memref<125x80xi32, #tpu.memory_space<hbm>> -> memref<1x80xi32, #tpu.memory_space<hbm>>
    %dma_wait3A_100 = tpu.memref_squeeze %dma_wait3A_99 : memref<1x80xi32, #tpu.memory_space<hbm>> -> memref<80xi32, #tpu.memory_space<hbm>>
    %dma_wait3A_101 = arith.constant 0 : i32
    %dma_wait3A_102 = tpu.memref_slice %arg8[%dma_wait3A_90, %dma_wait3A_101] : memref<3x80xi32, #tpu.memory_space<vmem>> -> memref<1x80xi32, #tpu.memory_space<vmem>>
    %dma_wait3A_103 = tpu.memref_squeeze %dma_wait3A_102 : memref<1x80xi32, #tpu.memory_space<vmem>> -> memref<80xi32, #tpu.memory_space<vmem>>
    %dma_wait3A_104 = arith.constant 0 : i32
    %dma_wait3A_105 = arith.constant 0 : i32
    %dma_wait3A_106 = tpu.memref_slice %arg2[%add3A, %dma_wait3A_104, %dma_wait3A_105] : memref<32x125x80xi32, #tpu.memory_space<hbm>> -> memref<1x125x80xi32, #tpu.memory_space<hbm>>
    %dma_wait3A_107 = tpu.memref_squeeze %dma_wait3A_106 : memref<1x125x80xi32, #tpu.memory_space<hbm>> -> memref<125x80xi32, #tpu.memory_space<hbm>>
    %dma_wait3A_108 = arith.constant 0 : i32
    %dma_wait3A_109 = tpu.memref_slice %dma_wait3A_107[%dma_wait3A, %dma_wait3A_108] : memref<125x80xi32, #tpu.memory_space<hbm>> -> memref<1x80xi32, #tpu.memory_space<hbm>>
    %dma_wait3A_110 = tpu.memref_squeeze %dma_wait3A_109 : memref<1x80xi32, #tpu.memory_space<hbm>> -> memref<80xi32, #tpu.memory_space<hbm>>
    tpu.wait_dma2 semaphore(%arg15 : memref<!tpu.dma_semaphore, #tpu.memory_space<semaphore_mem>>) src(%dma_wait3A_110 : memref<80xi32, #tpu.memory_space<hbm>>) dst(%dma_wait3A_103 : memref<80xi32, #tpu.memory_space<vmem>>)
    %dma_wait3A_111 = arith.constant 0 : i32
    %dma_wait3A_112 = arith.constant 0 : i32
    %dma_wait3A_113 = arith.constant 0 : i32
    %dma_wait3A_114 = tpu.memref_slice %arg9[%dma_wait3A_112, %dma_wait3A_113] : memref<3x80xi32, #tpu.memory_space<vmem>> -> memref<1x80xi32, #tpu.memory_space<vmem>>
    %dma_wait3A_115 = tpu.memref_squeeze %dma_wait3A_114 : memref<1x80xi32, #tpu.memory_space<vmem>> -> memref<80xi32, #tpu.memory_space<vmem>>
    %dma_wait3A_116 = arith.constant 0 : i32
    %dma_wait3A_117 = arith.constant 0 : i32
    %dma_wait3A_118 = tpu.memref_slice %arg3[%add3A, %dma_wait3A_116, %dma_wait3A_117] : memref<32x125x80xi32, #tpu.memory_space<hbm>> -> memref<1x125x80xi32, #tpu.memory_space<hbm>>
    %dma_wait3A_119 = tpu.memref_squeeze %dma_wait3A_118 : memref<1x125x80xi32, #tpu.memory_space<hbm>> -> memref<125x80xi32, #tpu.memory_space<hbm>>
    %dma_wait3A_120 = arith.constant 0 : i32
    %dma_wait3A_121 = tpu.memref_slice %dma_wait3A_119[%dma_wait3A_111, %dma_wait3A_120] : memref<125x80xi32, #tpu.memory_space<hbm>> -> memref<1x80xi32, #tpu.memory_space<hbm>>
    %dma_wait3A_122 = tpu.memref_squeeze %dma_wait3A_121 : memref<1x80xi32, #tpu.memory_space<hbm>> -> memref<80xi32, #tpu.memory_space<hbm>>
    %dma_wait3A_123 = arith.constant 0 : i32
    %dma_wait3A_124 = tpu.memref_slice %arg9[%dma_wait3A_112, %dma_wait3A_123] : memref<3x80xi32, #tpu.memory_space<vmem>> -> memref<1x80xi32, #tpu.memory_space<vmem>>
    %dma_wait3A_125 = tpu.memref_squeeze %dma_wait3A_124 : memref<1x80xi32, #tpu.memory_space<vmem>> -> memref<80xi32, #tpu.memory_space<vmem>>
    %dma_wait3A_126 = arith.constant 0 : i32
    %dma_wait3A_127 = arith.constant 0 : i32
    %dma_wait3A_128 = tpu.memref_slice %arg3[%add3A, %dma_wait3A_126, %dma_wait3A_127] : memref<32x125x80xi32, #tpu.memory_space<hbm>> -> memref<1x125x80xi32, #tpu.memory_space<hbm>>
    %dma_wait3A_129 = tpu.memref_squeeze %dma_wait3A_128 : memref<1x125x80xi32, #tpu.memory_space<hbm>> -> memref<125x80xi32, #tpu.memory_space<hbm>>
    %dma_wait3A_130 = arith.constant 0 : i32
    %dma_wait3A_131 = tpu.memref_slice %dma_wait3A_129[%dma_wait3A_111, %dma_wait3A_130] : memref<125x80xi32, #tpu.memory_space<hbm>> -> memref<1x80xi32, #tpu.memory_space<hbm>>
    %dma_wait3A_132 = tpu.memref_squeeze %dma_wait3A_131 : memref<1x80xi32, #tpu.memory_space<hbm>> -> memref<80xi32, #tpu.memory_space<hbm>>
    tpu.wait_dma2 semaphore(%arg15 : memref<!tpu.dma_semaphore, #tpu.memory_space<semaphore_mem>>) src(%dma_wait3A_132 : memref<80xi32, #tpu.memory_space<hbm>>) dst(%dma_wait3A_125 : memref<80xi32, #tpu.memory_space<vmem>>)
    %dma_start3A_133 = arith.constant 0 : i32
    %dma_start3A_134 = arith.constant 0 : i32
    %dma_start3A_135 = arith.constant 0 : i32
    %dma_start3A_136 = arith.constant 0 : i32
    %dma_start3A_137 = tpu.memref_slice %arg10[%dma_start3A_134, %dma_start3A_135, %dma_start3A_136] : memref<3x80x128xf32, #tpu.memory_space<vmem>> -> memref<1x80x128xf32, #tpu.memory_space<vmem>>
    %dma_start3A_138 = tpu.memref_squeeze %dma_start3A_137 : memref<1x80x128xf32, #tpu.memory_space<vmem>> -> memref<80x128xf32, #tpu.memory_space<vmem>>
    %dma_start3A_139 = arith.constant 0 : i32
    %dma_start3A_140 = tpu.memref_slice %arg8[%dma_start3A_133, %dma_start3A_139] : memref<3x80xi32, #tpu.memory_space<vmem>> -> memref<1x80xi32, #tpu.memory_space<vmem>>
    %dma_start3A_141 = tpu.memref_squeeze %dma_start3A_140 : memref<1x80xi32, #tpu.memory_space<vmem>> -> memref<80xi32, #tpu.memory_space<vmem>>
    %dma_start3A_142 = arith.constant 0 : i32
    %dma_start3A_143 = arith.constant 0 : i32
    %dma_start3A_144 = tpu.memref_slice %arg4[%dma_start3A_142, %dma_start3A_143] : memref<10000x128xf32, #tpu.memory_space<hbm>> -> memref<10000x128xf32, #tpu.memory_space<hbm>>
    tpu.enqueue_indirect_dma source(%dma_start3A_144 : memref<10000x128xf32, #tpu.memory_space<hbm>>) target(%dma_start3A_138 : memref<80x128xf32, #tpu.memory_space<vmem>>) offsets(%dma_start3A_141 : memref<80xi32, #tpu.memory_space<vmem>>) semaphore(%arg11 : memref<!tpu.dma_semaphore, #tpu.memory_space<semaphore_mem>>)
    %dma_wait3A_145 = arith.constant 0 : i32
    %dma_wait3A_146 = arith.constant 0 : i32
    %dma_wait3A_147 = arith.constant 0 : i32
    %dma_wait3A_148 = arith.constant 0 : i32
    %dma_wait3A_149 = tpu.memref_slice %arg10[%dma_wait3A_146, %dma_wait3A_147, %dma_wait3A_148] : memref<3x80x128xf32, #tpu.memory_space<vmem>> -> memref<1x80x128xf32, #tpu.memory_space<vmem>>
    %dma_wait3A_150 = tpu.memref_squeeze %dma_wait3A_149 : memref<1x80x128xf32, #tpu.memory_space<vmem>> -> memref<80x128xf32, #tpu.memory_space<vmem>>
    %dma_wait3A_151 = arith.constant 0 : i32
    %dma_wait3A_152 = tpu.memref_slice %arg8[%dma_wait3A_145, %dma_wait3A_151] : memref<3x80xi32, #tpu.memory_space<vmem>> -> memref<1x80xi32, #tpu.memory_space<vmem>>
    %dma_wait3A_153 = tpu.memref_squeeze %dma_wait3A_152 : memref<1x80xi32, #tpu.memory_space<vmem>> -> memref<80xi32, #tpu.memory_space<vmem>>
    %dma_wait3A_154 = arith.constant 0 : i32
    %dma_wait3A_155 = arith.constant 0 : i32
    %dma_wait3A_156 = tpu.memref_slice %arg4[%dma_wait3A_154, %dma_wait3A_155] : memref<10000x128xf32, #tpu.memory_space<hbm>> -> memref<10000x128xf32, #tpu.memory_space<hbm>>
    tpu.wait_indirect_dma semaphore(%arg11 : memref<!tpu.dma_semaphore, #tpu.memory_space<semaphore_mem>>) src(%dma_wait3A_156 : memref<10000x128xf32, #tpu.memory_space<hbm>>) dst(%dma_wait3A_150 : memref<80x128xf32, #tpu.memory_space<vmem>>)
    %dma_start3A_157 = arith.constant 0 : i32
    %dma_start3A_158 = arith.constant 0 : i32
    %dma_start3A_159 = arith.constant 0 : i32
    %dma_start3A_160 = arith.constant 0 : i32
    %dma_start3A_161 = tpu.memref_slice %arg10[%dma_start3A_157, %dma_start3A_159, %dma_start3A_160] : memref<3x80x128xf32, #tpu.memory_space<vmem>> -> memref<1x80x128xf32, #tpu.memory_space<vmem>>
    %dma_start3A_162 = tpu.memref_squeeze %dma_start3A_161 : memref<1x80x128xf32, #tpu.memory_space<vmem>> -> memref<80x128xf32, #tpu.memory_space<vmem>>
    %dma_start3A_163 = arith.constant 0 : i32
    %dma_start3A_164 = tpu.memref_slice %arg9[%dma_start3A_158, %dma_start3A_163] : memref<3x80xi32, #tpu.memory_space<vmem>> -> memref<1x80xi32, #tpu.memory_space<vmem>>
    %dma_start3A_165 = tpu.memref_squeeze %dma_start3A_164 : memref<1x80xi32, #tpu.memory_space<vmem>> -> memref<80xi32, #tpu.memory_space<vmem>>
    %dma_start3A_166 = arith.constant 0 : i32
    %dma_start3A_167 = arith.constant 0 : i32
    %dma_start3A_168 = tpu.memref_slice %arg7[%dma_start3A_166, %dma_start3A_167] : memref<10000x128xf32, #tpu.memory_space<vmem_shared>> -> memref<10000x128xf32, #tpu.memory_space<vmem_shared>>
    tpu.enqueue_indirect_dma source(%dma_start3A_162 : memref<80x128xf32, #tpu.memory_space<vmem>>) target(%dma_start3A_168 : memref<10000x128xf32, #tpu.memory_space<vmem_shared>>) offsets(%dma_start3A_165 : memref<80xi32, #tpu.memory_space<vmem>>) semaphore(%arg12 : memref<!tpu.dma_semaphore, #tpu.memory_space<semaphore_mem>>) {add = true}
    %dma_start3A_169 = arith.constant 2 : i32
    %dma_start3A_170 = arith.constant 2 : i32
    %dma_start3A_171 = arith.constant 0 : i32
    %dma_start3A_172 = tpu.memref_slice %arg8[%dma_start3A_170, %dma_start3A_171] : memref<3x80xi32, #tpu.memory_space<vmem>> -> memref<1x80xi32, #tpu.memory_space<vmem>>
    %dma_start3A_173 = tpu.memref_squeeze %dma_start3A_172 : memref<1x80xi32, #tpu.memory_space<vmem>> -> memref<80xi32, #tpu.memory_space<vmem>>
    %dma_start3A_174 = arith.constant 0 : i32
    %dma_start3A_175 = arith.constant 0 : i32
    %dma_start3A_176 = tpu.memref_slice %arg2[%add3A, %dma_start3A_174, %dma_start3A_175] : memref<32x125x80xi32, #tpu.memory_space<hbm>> -> memref<1x125x80xi32, #tpu.memory_space<hbm>>
    %dma_start3A_177 = tpu.memref_squeeze %dma_start3A_176 : memref<1x125x80xi32, #tpu.memory_space<hbm>> -> memref<125x80xi32, #tpu.memory_space<hbm>>
    %dma_start3A_178 = arith.constant 0 : i32
    %dma_start3A_179 = tpu.memref_slice %dma_start3A_177[%dma_start3A_169, %dma_start3A_178] : memref<125x80xi32, #tpu.memory_space<hbm>> -> memref<1x80xi32, #tpu.memory_space<hbm>>
    %dma_start3A_180 = tpu.memref_squeeze %dma_start3A_179 : memref<1x80xi32, #tpu.memory_space<hbm>> -> memref<80xi32, #tpu.memory_space<hbm>>
    %dma_start3A_181 = arith.constant 0 : i32
    %dma_start3A_182 = tpu.memref_slice %arg8[%dma_start3A_170, %dma_start3A_181] : memref<3x80xi32, #tpu.memory_space<vmem>> -> memref<1x80xi32, #tpu.memory_space<vmem>>
    %dma_start3A_183 = tpu.memref_squeeze %dma_start3A_182 : memref<1x80xi32, #tpu.memory_space<vmem>> -> memref<80xi32, #tpu.memory_space<vmem>>
    %dma_start3A_184 = arith.constant 0 : i32
    %dma_start3A_185 = arith.constant 0 : i32
    %dma_start3A_186 = tpu.memref_slice %arg2[%add3A, %dma_start3A_184, %dma_start3A_185] : memref<32x125x80xi32, #tpu.memory_space<hbm>> -> memref<1x125x80xi32, #tpu.memory_space<hbm>>
    %dma_start3A_187 = tpu.memref_squeeze %dma_start3A_186 : memref<1x125x80xi32, #tpu.memory_space<hbm>> -> memref<125x80xi32, #tpu.memory_space<hbm>>
    %dma_start3A_188 = arith.constant 0 : i32
    %dma_start3A_189 = tpu.memref_slice %dma_start3A_187[%dma_start3A_169, %dma_start3A_188] : memref<125x80xi32, #tpu.memory_space<hbm>> -> memref<1x80xi32, #tpu.memory_space<hbm>>
    %dma_start3A_190 = tpu.memref_squeeze %dma_start3A_189 : memref<1x80xi32, #tpu.memory_space<hbm>> -> memref<80xi32, #tpu.memory_space<hbm>>
    tpu.enqueue_dma source(%dma_start3A_190 : memref<80xi32, #tpu.memory_space<hbm>>) target(%dma_start3A_183 : memref<80xi32, #tpu.memory_space<vmem>>) target_semaphore(%arg17 : memref<!tpu.dma_semaphore, #tpu.memory_space<semaphore_mem>>)
    %dma_start3A_191 = arith.constant 2 : i32
    %dma_start3A_192 = arith.constant 2 : i32
    %dma_start3A_193 = arith.constant 0 : i32
    %dma_start3A_194 = tpu.memref_slice %arg9[%dma_start3A_192, %dma_start3A_193] : memref<3x80xi32, #tpu.memory_space<vmem>> -> memref<1x80xi32, #tpu.memory_space<vmem>>
    %dma_start3A_195 = tpu.memref_squeeze %dma_start3A_194 : memref<1x80xi32, #tpu.memory_space<vmem>> -> memref<80xi32, #tpu.memory_space<vmem>>
    %dma_start3A_196 = arith.constant 0 : i32
    %dma_start3A_197 = arith.constant 0 : i32
    %dma_start3A_198 = tpu.memref_slice %arg3[%add3A, %dma_start3A_196, %dma_start3A_197] : memref<32x125x80xi32, #tpu.memory_space<hbm>> -> memref<1x125x80xi32, #tpu.memory_space<hbm>>
    %dma_start3A_199 = tpu.memref_squeeze %dma_start3A_198 : memref<1x125x80xi32, #tpu.memory_space<hbm>> -> memref<125x80xi32, #tpu.memory_space<hbm>>
    %dma_start3A_200 = arith.constant 0 : i32
    %dma_start3A_201 = tpu.memref_slice %dma_start3A_199[%dma_start3A_191, %dma_start3A_200] : memref<125x80xi32, #tpu.memory_space<hbm>> -> memref<1x80xi32, #tpu.memory_space<hbm>>
    %dma_start3A_202 = tpu.memref_squeeze %dma_start3A_201 : memref<1x80xi32, #tpu.memory_space<hbm>> -> memref<80xi32, #tpu.memory_space<hbm>>
    %dma_start3A_203 = arith.constant 0 : i32
    %dma_start3A_204 = tpu.memref_slice %arg9[%dma_start3A_192, %dma_start3A_203] : memref<3x80xi32, #tpu.memory_space<vmem>> -> memref<1x80xi32, #tpu.memory_space<vmem>>
    %dma_start3A_205 = tpu.memref_squeeze %dma_start3A_204 : memref<1x80xi32, #tpu.memory_space<vmem>> -> memref<80xi32, #tpu.memory_space<vmem>>
    %dma_start3A_206 = arith.constant 0 : i32
    %dma_start3A_207 = arith.constant 0 : i32
    %dma_start3A_208 = tpu.memref_slice %arg3[%add3A, %dma_start3A_206, %dma_start3A_207] : memref<32x125x80xi32, #tpu.memory_space<hbm>> -> memref<1x125x80xi32, #tpu.memory_space<hbm>>
    %dma_start3A_209 = tpu.memref_squeeze %dma_start3A_208 : memref<1x125x80xi32, #tpu.memory_space<hbm>> -> memref<125x80xi32, #tpu.memory_space<hbm>>
    %dma_start3A_210 = arith.constant 0 : i32
    %dma_start3A_211 = tpu.memref_slice %dma_start3A_209[%dma_start3A_191, %dma_start3A_210] : memref<125x80xi32, #tpu.memory_space<hbm>> -> memref<1x80xi32, #tpu.memory_space<hbm>>
    %dma_start3A_212 = tpu.memref_squeeze %dma_start3A_211 : memref<1x80xi32, #tpu.memory_space<hbm>> -> memref<80xi32, #tpu.memory_space<hbm>>
    tpu.enqueue_dma source(%dma_start3A_212 : memref<80xi32, #tpu.memory_space<hbm>>) target(%dma_start3A_205 : memref<80xi32, #tpu.memory_space<vmem>>) target_semaphore(%arg17 : memref<!tpu.dma_semaphore, #tpu.memory_space<semaphore_mem>>)
    %dma_wait3A_213 = arith.constant 1 : i32
    %dma_wait3A_214 = arith.constant 1 : i32
    %dma_wait3A_215 = arith.constant 0 : i32
    %dma_wait3A_216 = tpu.memref_slice %arg8[%dma_wait3A_214, %dma_wait3A_215] : memref<3x80xi32, #tpu.memory_space<vmem>> -> memref<1x80xi32, #tpu.memory_space<vmem>>
    %dma_wait3A_217 = tpu.memref_squeeze %dma_wait3A_216 : memref<1x80xi32, #tpu.memory_space<vmem>> -> memref<80xi32, #tpu.memory_space<vmem>>
    %dma_wait3A_218 = arith.constant 0 : i32
    %dma_wait3A_219 = arith.constant 0 : i32
    %dma_wait3A_220 = tpu.memref_slice %arg2[%add3A, %dma_wait3A_218, %dma_wait3A_219] : memref<32x125x80xi32, #tpu.memory_space<hbm>> -> memref<1x125x80xi32, #tpu.memory_space<hbm>>
    %dma_wait3A_221 = tpu.memref_squeeze %dma_wait3A_220 : memref<1x125x80xi32, #tpu.memory_space<hbm>> -> memref<125x80xi32, #tpu.memory_space<hbm>>
    %dma_wait3A_222 = arith.constant 0 : i32
    %dma_wait3A_223 = tpu.memref_slice %dma_wait3A_221[%dma_wait3A_213, %dma_wait3A_222] : memref<125x80xi32, #tpu.memory_space<hbm>> -> memref<1x80xi32, #tpu.memory_space<hbm>>
    %dma_wait3A_224 = tpu.memref_squeeze %dma_wait3A_223 : memref<1x80xi32, #tpu.memory_space<hbm>> -> memref<80xi32, #tpu.memory_space<hbm>>
    %dma_wait3A_225 = arith.constant 0 : i32
    %dma_wait3A_226 = tpu.memref_slice %arg8[%dma_wait3A_214, %dma_wait3A_225] : memref<3x80xi32, #tpu.memory_space<vmem>> -> memref<1x80xi32, #tpu.memory_space<vmem>>
    %dma_wait3A_227 = tpu.memref_squeeze %dma_wait3A_226 : memref<1x80xi32, #tpu.memory_space<vmem>> -> memref<80xi32, #tpu.memory_space<vmem>>
    %dma_wait3A_228 = arith.constant 0 : i32
    %dma_wait3A_229 = arith.constant 0 : i32
    %dma_wait3A_230 = tpu.memref_slice %arg2[%add3A, %dma_wait3A_228, %dma_wait3A_229] : memref<32x125x80xi32, #tpu.memory_space<hbm>> -> memref<1x125x80xi32, #tpu.memory_space<hbm>>
    %dma_wait3A_231 = tpu.memref_squeeze %dma_wait3A_230 : memref<1x125x80xi32, #tpu.memory_space<hbm>> -> memref<125x80xi32, #tpu.memory_space<hbm>>
    %dma_wait3A_232 = arith.constant 0 : i32
    %dma_wait3A_233 = tpu.memref_slice %dma_wait3A_231[%dma_wait3A_213, %dma_wait3A_232] : memref<125x80xi32, #tpu.memory_space<hbm>> -> memref<1x80xi32, #tpu.memory_space<hbm>>
    %dma_wait3A_234 = tpu.memref_squeeze %dma_wait3A_233 : memref<1x80xi32, #tpu.memory_space<hbm>> -> memref<80xi32, #tpu.memory_space<hbm>>
    tpu.wait_dma2 semaphore(%arg16 : memref<!tpu.dma_semaphore, #tpu.memory_space<semaphore_mem>>) src(%dma_wait3A_234 : memref<80xi32, #tpu.memory_space<hbm>>) dst(%dma_wait3A_227 : memref<80xi32, #tpu.memory_space<vmem>>)
    %dma_wait3A_235 = arith.constant 1 : i32
    %dma_wait3A_236 = arith.constant 1 : i32
    %dma_wait3A_237 = arith.constant 0 : i32
    %dma_wait3A_238 = tpu.memref_slice %arg9[%dma_wait3A_236, %dma_wait3A_237] : memref<3x80xi32, #tpu.memory_space<vmem>> -> memref<1x80xi32, #tpu.memory_space<vmem>>
    %dma_wait3A_239 = tpu.memref_squeeze %dma_wait3A_238 : memref<1x80xi32, #tpu.memory_space<vmem>> -> memref<80xi32, #tpu.memory_space<vmem>>
    %dma_wait3A_240 = arith.constant 0 : i32
    %dma_wait3A_241 = arith.constant 0 : i32
    %dma_wait3A_242 = tpu.memref_slice %arg3[%add3A, %dma_wait3A_240, %dma_wait3A_241] : memref<32x125x80xi32, #tpu.memory_space<hbm>> -> memref<1x125x80xi32, #tpu.memory_space<hbm>>
    %dma_wait3A_243 = tpu.memref_squeeze %dma_wait3A_242 : memref<1x125x80xi32, #tpu.memory_space<hbm>> -> memref<125x80xi32, #tpu.memory_space<hbm>>
    %dma_wait3A_244 = arith.constant 0 : i32
    %dma_wait3A_245 = tpu.memref_slice %dma_wait3A_243[%dma_wait3A_235, %dma_wait3A_244] : memref<125x80xi32, #tpu.memory_space<hbm>> -> memref<1x80xi32, #tpu.memory_space<hbm>>
    %dma_wait3A_246 = tpu.memref_squeeze %dma_wait3A_245 : memref<1x80xi32, #tpu.memory_space<hbm>> -> memref<80xi32, #tpu.memory_space<hbm>>
    %dma_wait3A_247 = arith.constant 0 : i32
    %dma_wait3A_248 = tpu.memref_slice %arg9[%dma_wait3A_236, %dma_wait3A_247] : memref<3x80xi32, #tpu.memory_space<vmem>> -> memref<1x80xi32, #tpu.memory_space<vmem>>
    %dma_wait3A_249 = tpu.memref_squeeze %dma_wait3A_248 : memref<1x80xi32, #tpu.memory_space<vmem>> -> memref<80xi32, #tpu.memory_space<vmem>>
    %dma_wait3A_250 = arith.constant 0 : i32
    %dma_wait3A_251 = arith.constant 0 : i32
    %dma_wait3A_252 = tpu.memref_slice %arg3[%add3A, %dma_wait3A_250, %dma_wait3A_251] : memref<32x125x80xi32, #tpu.memory_space<hbm>> -> memref<1x125x80xi32, #tpu.memory_space<hbm>>
    %dma_wait3A_253 = tpu.memref_squeeze %dma_wait3A_252 : memref<1x125x80xi32, #tpu.memory_space<hbm>> -> memref<125x80xi32, #tpu.memory_space<hbm>>
    %dma_wait3A_254 = arith.constant 0 : i32
    %dma_wait3A_255 = tpu.memref_slice %dma_wait3A_253[%dma_wait3A_235, %dma_wait3A_254] : memref<125x80xi32, #tpu.memory_space<hbm>> -> memref<1x80xi32, #tpu.memory_space<hbm>>
    %dma_wait3A_256 = tpu.memref_squeeze %dma_wait3A_255 : memref<1x80xi32, #tpu.memory_space<hbm>> -> memref<80xi32, #tpu.memory_space<hbm>>
    tpu.wait_dma2 semaphore(%arg16 : memref<!tpu.dma_semaphore, #tpu.memory_space<semaphore_mem>>) src(%dma_wait3A_256 : memref<80xi32, #tpu.memory_space<hbm>>) dst(%dma_wait3A_249 : memref<80xi32, #tpu.memory_space<vmem>>)
    %dma_start3A_257 = arith.constant 1 : i32
    %dma_start3A_258 = arith.constant 1 : i32
    %dma_start3A_259 = arith.constant 0 : i32
    %dma_start3A_260 = arith.constant 0 : i32
    %dma_start3A_261 = tpu.memref_slice %arg10[%dma_start3A_258, %dma_start3A_259, %dma_start3A_260] : memref<3x80x128xf32, #tpu.memory_space<vmem>> -> memref<1x80x128xf32, #tpu.memory_space<vmem>>
    %dma_start3A_262 = tpu.memref_squeeze %dma_start3A_261 : memref<1x80x128xf32, #tpu.memory_space<vmem>> -> memref<80x128xf32, #tpu.memory_space<vmem>>
    %dma_start3A_263 = arith.constant 0 : i32
    %dma_start3A_264 = tpu.memref_slice %arg8[%dma_start3A_257, %dma_start3A_263] : memref<3x80xi32, #tpu.memory_space<vmem>> -> memref<1x80xi32, #tpu.memory_space<vmem>>
    %dma_start3A_265 = tpu.memref_squeeze %dma_start3A_264 : memref<1x80xi32, #tpu.memory_space<vmem>> -> memref<80xi32, #tpu.memory_space<vmem>>
    %dma_start3A_266 = arith.constant 0 : i32
    %dma_start3A_267 = arith.constant 0 : i32
    %dma_start3A_268 = tpu.memref_slice %arg4[%dma_start3A_266, %dma_start3A_267] : memref<10000x128xf32, #tpu.memory_space<hbm>> -> memref<10000x128xf32, #tpu.memory_space<hbm>>
    tpu.enqueue_indirect_dma source(%dma_start3A_268 : memref<10000x128xf32, #tpu.memory_space<hbm>>) target(%dma_start3A_262 : memref<80x128xf32, #tpu.memory_space<vmem>>) offsets(%dma_start3A_265 : memref<80xi32, #tpu.memory_space<vmem>>) semaphore(%arg11 : memref<!tpu.dma_semaphore, #tpu.memory_space<semaphore_mem>>)
    %scan3A = arith.constant 0 : i32
    %scan3A_269 = arith.constant 0 : i32
    %scan3A_270 = arith.constant 40 : i32
    %scan3A_271 = arith.addi %scan3A_269, %scan3A_270 : i32
    %scan3A_272 = arith.constant 1 : i32
    scf.for %scan3A_690 = %scan3A_269 to %scan3A_271 step %scan3A_272  : i32 {
      %mul3A_691 = arith.constant 3 : i32
      %mul3A_692 = arith.muli %mul3A_691, %scan3A_690 : i32
      %add3A_693 = arith.constant 1 : i32
      %add3A_694 = arith.addi %mul3A_692, %add3A_693 : i32
      %add3A_695 = arith.constant 2 : i32
      %add3A_696 = arith.addi %add3A_694, %add3A_695 : i32
      %add3A_697 = arith.constant 1 : i32
      %add3A_698 = arith.addi %add3A_694, %add3A_697 : i32
      %dma_wait3A_699 = arith.constant 1 : i32
      %dma_wait3A_700 = arith.constant 1 : i32
      %dma_wait3A_701 = arith.constant 0 : i32
      %dma_wait3A_702 = arith.constant 0 : i32
      %dma_wait3A_703 = tpu.memref_slice %arg10[%dma_wait3A_700, %dma_wait3A_701, %dma_wait3A_702] : memref<3x80x128xf32, #tpu.memory_space<vmem>> -> memref<1x80x128xf32, #tpu.memory_space<vmem>>
      %dma_wait3A_704 = tpu.memref_squeeze %dma_wait3A_703 : memref<1x80x128xf32, #tpu.memory_space<vmem>> -> memref<80x128xf32, #tpu.memory_space<vmem>>
      %dma_wait3A_705 = arith.constant 0 : i32
      %dma_wait3A_706 = tpu.memref_slice %arg8[%dma_wait3A_699, %dma_wait3A_705] : memref<3x80xi32, #tpu.memory_space<vmem>> -> memref<1x80xi32, #tpu.memory_space<vmem>>
      %dma_wait3A_707 = tpu.memref_squeeze %dma_wait3A_706 : memref<1x80xi32, #tpu.memory_space<vmem>> -> memref<80xi32, #tpu.memory_space<vmem>>
      %dma_wait3A_708 = arith.constant 0 : i32
      %dma_wait3A_709 = arith.constant 0 : i32
      %dma_wait3A_710 = tpu.memref_slice %arg4[%dma_wait3A_708, %dma_wait3A_709] : memref<10000x128xf32, #tpu.memory_space<hbm>> -> memref<10000x128xf32, #tpu.memory_space<hbm>>
      tpu.wait_indirect_dma semaphore(%arg11 : memref<!tpu.dma_semaphore, #tpu.memory_space<semaphore_mem>>) src(%dma_wait3A_710 : memref<10000x128xf32, #tpu.memory_space<hbm>>) dst(%dma_wait3A_704 : memref<80x128xf32, #tpu.memory_space<vmem>>)
      %dma_start3A_711 = arith.constant 1 : i32
      %dma_start3A_712 = arith.constant 1 : i32
      %dma_start3A_713 = arith.constant 0 : i32
      %dma_start3A_714 = arith.constant 0 : i32
      %dma_start3A_715 = tpu.memref_slice %arg10[%dma_start3A_711, %dma_start3A_713, %dma_start3A_714] : memref<3x80x128xf32, #tpu.memory_space<vmem>> -> memref<1x80x128xf32, #tpu.memory_space<vmem>>
      %dma_start3A_716 = tpu.memref_squeeze %dma_start3A_715 : memref<1x80x128xf32, #tpu.memory_space<vmem>> -> memref<80x128xf32, #tpu.memory_space<vmem>>
      %dma_start3A_717 = arith.constant 0 : i32
      %dma_start3A_718 = tpu.memref_slice %arg9[%dma_start3A_712, %dma_start3A_717] : memref<3x80xi32, #tpu.memory_space<vmem>> -> memref<1x80xi32, #tpu.memory_space<vmem>>
      %dma_start3A_719 = tpu.memref_squeeze %dma_start3A_718 : memref<1x80xi32, #tpu.memory_space<vmem>> -> memref<80xi32, #tpu.memory_space<vmem>>
      %dma_start3A_720 = arith.constant 0 : i32
      %dma_start3A_721 = arith.constant 0 : i32
      %dma_start3A_722 = tpu.memref_slice %arg7[%dma_start3A_720, %dma_start3A_721] : memref<10000x128xf32, #tpu.memory_space<vmem_shared>> -> memref<10000x128xf32, #tpu.memory_space<vmem_shared>>
      tpu.enqueue_indirect_dma source(%dma_start3A_716 : memref<80x128xf32, #tpu.memory_space<vmem>>) target(%dma_start3A_722 : memref<10000x128xf32, #tpu.memory_space<vmem_shared>>) offsets(%dma_start3A_719 : memref<80xi32, #tpu.memory_space<vmem>>) semaphore(%arg13 : memref<!tpu.dma_semaphore, #tpu.memory_space<semaphore_mem>>) {add = true}
      %dma_wait3A_723 = arith.constant 0 : i32
      %dma_wait3A_724 = arith.constant 0 : i32
      %dma_wait3A_725 = arith.constant 0 : i32
      %dma_wait3A_726 = arith.constant 0 : i32
      %dma_wait3A_727 = tpu.memref_slice %arg10[%dma_wait3A_723, %dma_wait3A_725, %dma_wait3A_726] : memref<3x80x128xf32, #tpu.memory_space<vmem>> -> memref<1x80x128xf32, #tpu.memory_space<vmem>>
      %dma_wait3A_728 = tpu.memref_squeeze %dma_wait3A_727 : memref<1x80x128xf32, #tpu.memory_space<vmem>> -> memref<80x128xf32, #tpu.memory_space<vmem>>
      %dma_wait3A_729 = arith.constant 0 : i32
      %dma_wait3A_730 = tpu.memref_slice %arg9[%dma_wait3A_724, %dma_wait3A_729] : memref<3x80xi32, #tpu.memory_space<vmem>> -> memref<1x80xi32, #tpu.memory_space<vmem>>
      %dma_wait3A_731 = tpu.memref_squeeze %dma_wait3A_730 : memref<1x80xi32, #tpu.memory_space<vmem>> -> memref<80xi32, #tpu.memory_space<vmem>>
      %dma_wait3A_732 = arith.constant 0 : i32
      %dma_wait3A_733 = arith.constant 0 : i32
      %dma_wait3A_734 = tpu.memref_slice %arg7[%dma_wait3A_732, %dma_wait3A_733] : memref<10000x128xf32, #tpu.memory_space<vmem_shared>> -> memref<10000x128xf32, #tpu.memory_space<vmem_shared>>
      tpu.wait_indirect_dma semaphore(%arg12 : memref<!tpu.dma_semaphore, #tpu.memory_space<semaphore_mem>>) src(%dma_wait3A_728 : memref<80x128xf32, #tpu.memory_space<vmem>>) dst(%dma_wait3A_734 : memref<10000x128xf32, #tpu.memory_space<vmem_shared>>)
      %dma_start3A_735 = arith.constant 0 : i32
      %dma_start3A_736 = arith.constant 0 : i32
      %dma_start3A_737 = tpu.memref_slice %arg8[%dma_start3A_735, %dma_start3A_736] : memref<3x80xi32, #tpu.memory_space<vmem>> -> memref<1x80xi32, #tpu.memory_space<vmem>>
      %dma_start3A_738 = tpu.memref_squeeze %dma_start3A_737 : memref<1x80xi32, #tpu.memory_space<vmem>> -> memref<80xi32, #tpu.memory_space<vmem>>
      %dma_start3A_739 = arith.constant 0 : i32
      %dma_start3A_740 = arith.constant 0 : i32
      %dma_start3A_741 = tpu.memref_slice %arg2[%add3A, %dma_start3A_739, %dma_start3A_740] : memref<32x125x80xi32, #tpu.memory_space<hbm>> -> memref<1x125x80xi32, #tpu.memory_space<hbm>>
      %dma_start3A_742 = tpu.memref_squeeze %dma_start3A_741 : memref<1x125x80xi32, #tpu.memory_space<hbm>> -> memref<125x80xi32, #tpu.memory_space<hbm>>
      %dma_start3A_743 = arith.constant 0 : i32
      %dma_start3A_744 = tpu.memref_slice %dma_start3A_742[%add3A_696, %dma_start3A_743] : memref<125x80xi32, #tpu.memory_space<hbm>> -> memref<1x80xi32, #tpu.memory_space<hbm>>
      %dma_start3A_745 = tpu.memref_squeeze %dma_start3A_744 : memref<1x80xi32, #tpu.memory_space<hbm>> -> memref<80xi32, #tpu.memory_space<hbm>>
      %dma_start3A_746 = arith.constant 0 : i32
      %dma_start3A_747 = tpu.memref_slice %arg8[%dma_start3A_735, %dma_start3A_746] : memref<3x80xi32, #tpu.memory_space<vmem>> -> memref<1x80xi32, #tpu.memory_space<vmem>>
      %dma_start3A_748 = tpu.memref_squeeze %dma_start3A_747 : memref<1x80xi32, #tpu.memory_space<vmem>> -> memref<80xi32, #tpu.memory_space<vmem>>
      %dma_start3A_749 = arith.constant 0 : i32
      %dma_start3A_750 = arith.constant 0 : i32
      %dma_start3A_751 = tpu.memref_slice %arg2[%add3A, %dma_start3A_749, %dma_start3A_750] : memref<32x125x80xi32, #tpu.memory_space<hbm>> -> memref<1x125x80xi32, #tpu.memory_space<hbm>>
      %dma_start3A_752 = tpu.memref_squeeze %dma_start3A_751 : memref<1x125x80xi32, #tpu.memory_space<hbm>> -> memref<125x80xi32, #tpu.memory_space<hbm>>
      %dma_start3A_753 = arith.constant 0 : i32
      %dma_start3A_754 = tpu.memref_slice %dma_start3A_752[%add3A_696, %dma_start3A_753] : memref<125x80xi32, #tpu.memory_space<hbm>> -> memref<1x80xi32, #tpu.memory_space<hbm>>
      %dma_start3A_755 = tpu.memref_squeeze %dma_start3A_754 : memref<1x80xi32, #tpu.memory_space<hbm>> -> memref<80xi32, #tpu.memory_space<hbm>>
      tpu.enqueue_dma source(%dma_start3A_755 : memref<80xi32, #tpu.memory_space<hbm>>) target(%dma_start3A_748 : memref<80xi32, #tpu.memory_space<vmem>>) target_semaphore(%arg15 : memref<!tpu.dma_semaphore, #tpu.memory_space<semaphore_mem>>)
      %dma_start3A_756 = arith.constant 0 : i32
      %dma_start3A_757 = arith.constant 0 : i32
      %dma_start3A_758 = tpu.memref_slice %arg9[%dma_start3A_756, %dma_start3A_757] : memref<3x80xi32, #tpu.memory_space<vmem>> -> memref<1x80xi32, #tpu.memory_space<vmem>>
      %dma_start3A_759 = tpu.memref_squeeze %dma_start3A_758 : memref<1x80xi32, #tpu.memory_space<vmem>> -> memref<80xi32, #tpu.memory_space<vmem>>
      %dma_start3A_760 = arith.constant 0 : i32
      %dma_start3A_761 = arith.constant 0 : i32
      %dma_start3A_762 = tpu.memref_slice %arg3[%add3A, %dma_start3A_760, %dma_start3A_761] : memref<32x125x80xi32, #tpu.memory_space<hbm>> -> memref<1x125x80xi32, #tpu.memory_space<hbm>>
      %dma_start3A_763 = tpu.memref_squeeze %dma_start3A_762 : memref<1x125x80xi32, #tpu.memory_space<hbm>> -> memref<125x80xi32, #tpu.memory_space<hbm>>
      %dma_start3A_764 = arith.constant 0 : i32
      %dma_start3A_765 = tpu.memref_slice %dma_start3A_763[%add3A_696, %dma_start3A_764] : memref<125x80xi32, #tpu.memory_space<hbm>> -> memref<1x80xi32, #tpu.memory_space<hbm>>
      %dma_start3A_766 = tpu.memref_squeeze %dma_start3A_765 : memref<1x80xi32, #tpu.memory_space<hbm>> -> memref<80xi32, #tpu.memory_space<hbm>>
      %dma_start3A_767 = arith.constant 0 : i32
      %dma_start3A_768 = tpu.memref_slice %arg9[%dma_start3A_756, %dma_start3A_767] : memref<3x80xi32, #tpu.memory_space<vmem>> -> memref<1x80xi32, #tpu.memory_space<vmem>>
      %dma_start3A_769 = tpu.memref_squeeze %dma_start3A_768 : memref<1x80xi32, #tpu.memory_space<vmem>> -> memref<80xi32, #tpu.memory_space<vmem>>
      %dma_start3A_770 = arith.constant 0 : i32
      %dma_start3A_771 = arith.constant 0 : i32
      %dma_start3A_772 = tpu.memref_slice %arg3[%add3A, %dma_start3A_770, %dma_start3A_771] : memref<32x125x80xi32, #tpu.memory_space<hbm>> -> memref<1x125x80xi32, #tpu.memory_space<hbm>>
      %dma_start3A_773 = tpu.memref_squeeze %dma_start3A_772 : memref<1x125x80xi32, #tpu.memory_space<hbm>> -> memref<125x80xi32, #tpu.memory_space<hbm>>
      %dma_start3A_774 = arith.constant 0 : i32
      %dma_start3A_775 = tpu.memref_slice %dma_start3A_773[%add3A_696, %dma_start3A_774] : memref<125x80xi32, #tpu.memory_space<hbm>> -> memref<1x80xi32, #tpu.memory_space<hbm>>
      %dma_start3A_776 = tpu.memref_squeeze %dma_start3A_775 : memref<1x80xi32, #tpu.memory_space<hbm>> -> memref<80xi32, #tpu.memory_space<hbm>>
      tpu.enqueue_dma source(%dma_start3A_776 : memref<80xi32, #tpu.memory_space<hbm>>) target(%dma_start3A_769 : memref<80xi32, #tpu.memory_space<vmem>>) target_semaphore(%arg15 : memref<!tpu.dma_semaphore, #tpu.memory_space<semaphore_mem>>)
      %dma_wait3A_777 = arith.constant 2 : i32
      %dma_wait3A_778 = arith.constant 0 : i32
      %dma_wait3A_779 = tpu.memref_slice %arg8[%dma_wait3A_777, %dma_wait3A_778] : memref<3x80xi32, #tpu.memory_space<vmem>> -> memref<1x80xi32, #tpu.memory_space<vmem>>
      %dma_wait3A_780 = tpu.memref_squeeze %dma_wait3A_779 : memref<1x80xi32, #tpu.memory_space<vmem>> -> memref<80xi32, #tpu.memory_space<vmem>>
      %dma_wait3A_781 = arith.constant 0 : i32
      %dma_wait3A_782 = arith.constant 0 : i32
      %dma_wait3A_783 = tpu.memref_slice %arg2[%add3A, %dma_wait3A_781, %dma_wait3A_782] : memref<32x125x80xi32, #tpu.memory_space<hbm>> -> memref<1x125x80xi32, #tpu.memory_space<hbm>>
      %dma_wait3A_784 = tpu.memref_squeeze %dma_wait3A_783 : memref<1x125x80xi32, #tpu.memory_space<hbm>> -> memref<125x80xi32, #tpu.memory_space<hbm>>
      %dma_wait3A_785 = arith.constant 0 : i32
      %dma_wait3A_786 = tpu.memref_slice %dma_wait3A_784[%add3A_698, %dma_wait3A_785] : memref<125x80xi32, #tpu.memory_space<hbm>> -> memref<1x80xi32, #tpu.memory_space<hbm>>
      %dma_wait3A_787 = tpu.memref_squeeze %dma_wait3A_786 : memref<1x80xi32, #tpu.memory_space<hbm>> -> memref<80xi32, #tpu.memory_space<hbm>>
      %dma_wait3A_788 = arith.constant 0 : i32
      %dma_wait3A_789 = tpu.memref_slice %arg8[%dma_wait3A_777, %dma_wait3A_788] : memref<3x80xi32, #tpu.memory_space<vmem>> -> memref<1x80xi32, #tpu.memory_space<vmem>>
      %dma_wait3A_790 = tpu.memref_squeeze %dma_wait3A_789 : memref<1x80xi32, #tpu.memory_space<vmem>> -> memref<80xi32, #tpu.memory_space<vmem>>
      %dma_wait3A_791 = arith.constant 0 : i32
      %dma_wait3A_792 = arith.constant 0 : i32
      %dma_wait3A_793 = tpu.memref_slice %arg2[%add3A, %dma_wait3A_791, %dma_wait3A_792] : memref<32x125x80xi32, #tpu.memory_space<hbm>> -> memref<1x125x80xi32, #tpu.memory_space<hbm>>
      %dma_wait3A_794 = tpu.memref_squeeze %dma_wait3A_793 : memref<1x125x80xi32, #tpu.memory_space<hbm>> -> memref<125x80xi32, #tpu.memory_space<hbm>>
      %dma_wait3A_795 = arith.constant 0 : i32
      %dma_wait3A_796 = tpu.memref_slice %dma_wait3A_794[%add3A_698, %dma_wait3A_795] : memref<125x80xi32, #tpu.memory_space<hbm>> -> memref<1x80xi32, #tpu.memory_space<hbm>>
      %dma_wait3A_797 = tpu.memref_squeeze %dma_wait3A_796 : memref<1x80xi32, #tpu.memory_space<hbm>> -> memref<80xi32, #tpu.memory_space<hbm>>
      tpu.wait_dma2 semaphore(%arg17 : memref<!tpu.dma_semaphore, #tpu.memory_space<semaphore_mem>>) src(%dma_wait3A_797 : memref<80xi32, #tpu.memory_space<hbm>>) dst(%dma_wait3A_790 : memref<80xi32, #tpu.memory_space<vmem>>)
      %dma_wait3A_798 = arith.constant 2 : i32
      %dma_wait3A_799 = arith.constant 0 : i32
      %dma_wait3A_800 = tpu.memref_slice %arg9[%dma_wait3A_798, %dma_wait3A_799] : memref<3x80xi32, #tpu.memory_space<vmem>> -> memref<1x80xi32, #tpu.memory_space<vmem>>
      %dma_wait3A_801 = tpu.memref_squeeze %dma_wait3A_800 : memref<1x80xi32, #tpu.memory_space<vmem>> -> memref<80xi32, #tpu.memory_space<vmem>>
      %dma_wait3A_802 = arith.constant 0 : i32
      %dma_wait3A_803 = arith.constant 0 : i32
      %dma_wait3A_804 = tpu.memref_slice %arg3[%add3A, %dma_wait3A_802, %dma_wait3A_803] : memref<32x125x80xi32, #tpu.memory_space<hbm>> -> memref<1x125x80xi32, #tpu.memory_space<hbm>>
      %dma_wait3A_805 = tpu.memref_squeeze %dma_wait3A_804 : memref<1x125x80xi32, #tpu.memory_space<hbm>> -> memref<125x80xi32, #tpu.memory_space<hbm>>
      %dma_wait3A_806 = arith.constant 0 : i32
      %dma_wait3A_807 = tpu.memref_slice %dma_wait3A_805[%add3A_698, %dma_wait3A_806] : memref<125x80xi32, #tpu.memory_space<hbm>> -> memref<1x80xi32, #tpu.memory_space<hbm>>
      %dma_wait3A_808 = tpu.memref_squeeze %dma_wait3A_807 : memref<1x80xi32, #tpu.memory_space<hbm>> -> memref<80xi32, #tpu.memory_space<hbm>>
      %dma_wait3A_809 = arith.constant 0 : i32
      %dma_wait3A_810 = tpu.memref_slice %arg9[%dma_wait3A_798, %dma_wait3A_809] : memref<3x80xi32, #tpu.memory_space<vmem>> -> memref<1x80xi32, #tpu.memory_space<vmem>>
      %dma_wait3A_811 = tpu.memref_squeeze %dma_wait3A_810 : memref<1x80xi32, #tpu.memory_space<vmem>> -> memref<80xi32, #tpu.memory_space<vmem>>
      %dma_wait3A_812 = arith.constant 0 : i32
      %dma_wait3A_813 = arith.constant 0 : i32
      %dma_wait3A_814 = tpu.memref_slice %arg3[%add3A, %dma_wait3A_812, %dma_wait3A_813] : memref<32x125x80xi32, #tpu.memory_space<hbm>> -> memref<1x125x80xi32, #tpu.memory_space<hbm>>
      %dma_wait3A_815 = tpu.memref_squeeze %dma_wait3A_814 : memref<1x125x80xi32, #tpu.memory_space<hbm>> -> memref<125x80xi32, #tpu.memory_space<hbm>>
      %dma_wait3A_816 = arith.constant 0 : i32
      %dma_wait3A_817 = tpu.memref_slice %dma_wait3A_815[%add3A_698, %dma_wait3A_816] : memref<125x80xi32, #tpu.memory_space<hbm>> -> memref<1x80xi32, #tpu.memory_space<hbm>>
      %dma_wait3A_818 = tpu.memref_squeeze %dma_wait3A_817 : memref<1x80xi32, #tpu.memory_space<hbm>> -> memref<80xi32, #tpu.memory_space<hbm>>
      tpu.wait_dma2 semaphore(%arg17 : memref<!tpu.dma_semaphore, #tpu.memory_space<semaphore_mem>>) src(%dma_wait3A_818 : memref<80xi32, #tpu.memory_space<hbm>>) dst(%dma_wait3A_811 : memref<80xi32, #tpu.memory_space<vmem>>)
      %dma_start3A_819 = arith.constant 2 : i32
      %dma_start3A_820 = arith.constant 2 : i32
      %dma_start3A_821 = arith.constant 0 : i32
      %dma_start3A_822 = arith.constant 0 : i32
      %dma_start3A_823 = tpu.memref_slice %arg10[%dma_start3A_820, %dma_start3A_821, %dma_start3A_822] : memref<3x80x128xf32, #tpu.memory_space<vmem>> -> memref<1x80x128xf32, #tpu.memory_space<vmem>>
      %dma_start3A_824 = tpu.memref_squeeze %dma_start3A_823 : memref<1x80x128xf32, #tpu.memory_space<vmem>> -> memref<80x128xf32, #tpu.memory_space<vmem>>
      %dma_start3A_825 = arith.constant 0 : i32
      %dma_start3A_826 = tpu.memref_slice %arg8[%dma_start3A_819, %dma_start3A_825] : memref<3x80xi32, #tpu.memory_space<vmem>> -> memref<1x80xi32, #tpu.memory_space<vmem>>
      %dma_start3A_827 = tpu.memref_squeeze %dma_start3A_826 : memref<1x80xi32, #tpu.memory_space<vmem>> -> memref<80xi32, #tpu.memory_space<vmem>>
      %dma_start3A_828 = arith.constant 0 : i32
      %dma_start3A_829 = arith.constant 0 : i32
      %dma_start3A_830 = tpu.memref_slice %arg4[%dma_start3A_828, %dma_start3A_829] : memref<10000x128xf32, #tpu.memory_space<hbm>> -> memref<10000x128xf32, #tpu.memory_space<hbm>>
      tpu.enqueue_indirect_dma source(%dma_start3A_830 : memref<10000x128xf32, #tpu.memory_space<hbm>>) target(%dma_start3A_824 : memref<80x128xf32, #tpu.memory_space<vmem>>) offsets(%dma_start3A_827 : memref<80xi32, #tpu.memory_space<vmem>>) semaphore(%arg11 : memref<!tpu.dma_semaphore, #tpu.memory_space<semaphore_mem>>)
      %add3A_831 = arith.constant 1 : i32
      %add3A_832 = arith.addi %add3A_694, %add3A_831 : i32
      %add3A_833 = arith.constant 3 : i32
      %add3A_834 = arith.addi %add3A_694, %add3A_833 : i32
      %add3A_835 = arith.constant 2 : i32
      %add3A_836 = arith.addi %add3A_694, %add3A_835 : i32
      %dma_wait3A_837 = arith.constant 2 : i32
      %dma_wait3A_838 = arith.constant 2 : i32
      %dma_wait3A_839 = arith.constant 0 : i32
      %dma_wait3A_840 = arith.constant 0 : i32
      %dma_wait3A_841 = tpu.memref_slice %arg10[%dma_wait3A_838, %dma_wait3A_839, %dma_wait3A_840] : memref<3x80x128xf32, #tpu.memory_space<vmem>> -> memref<1x80x128xf32, #tpu.memory_space<vmem>>
      %dma_wait3A_842 = tpu.memref_squeeze %dma_wait3A_841 : memref<1x80x128xf32, #tpu.memory_space<vmem>> -> memref<80x128xf32, #tpu.memory_space<vmem>>
      %dma_wait3A_843 = arith.constant 0 : i32
      %dma_wait3A_844 = tpu.memref_slice %arg8[%dma_wait3A_837, %dma_wait3A_843] : memref<3x80xi32, #tpu.memory_space<vmem>> -> memref<1x80xi32, #tpu.memory_space<vmem>>
      %dma_wait3A_845 = tpu.memref_squeeze %dma_wait3A_844 : memref<1x80xi32, #tpu.memory_space<vmem>> -> memref<80xi32, #tpu.memory_space<vmem>>
      %dma_wait3A_846 = arith.constant 0 : i32
      %dma_wait3A_847 = arith.constant 0 : i32
      %dma_wait3A_848 = tpu.memref_slice %arg4[%dma_wait3A_846, %dma_wait3A_847] : memref<10000x128xf32, #tpu.memory_space<hbm>> -> memref<10000x128xf32, #tpu.memory_space<hbm>>
      tpu.wait_indirect_dma semaphore(%arg11 : memref<!tpu.dma_semaphore, #tpu.memory_space<semaphore_mem>>) src(%dma_wait3A_848 : memref<10000x128xf32, #tpu.memory_space<hbm>>) dst(%dma_wait3A_842 : memref<80x128xf32, #tpu.memory_space<vmem>>)
      %dma_start3A_849 = arith.constant 2 : i32
      %dma_start3A_850 = arith.constant 2 : i32
      %dma_start3A_851 = arith.constant 0 : i32
      %dma_start3A_852 = arith.constant 0 : i32
      %dma_start3A_853 = tpu.memref_slice %arg10[%dma_start3A_849, %dma_start3A_851, %dma_start3A_852] : memref<3x80x128xf32, #tpu.memory_space<vmem>> -> memref<1x80x128xf32, #tpu.memory_space<vmem>>
      %dma_start3A_854 = tpu.memref_squeeze %dma_start3A_853 : memref<1x80x128xf32, #tpu.memory_space<vmem>> -> memref<80x128xf32, #tpu.memory_space<vmem>>
      %dma_start3A_855 = arith.constant 0 : i32
      %dma_start3A_856 = tpu.memref_slice %arg9[%dma_start3A_850, %dma_start3A_855] : memref<3x80xi32, #tpu.memory_space<vmem>> -> memref<1x80xi32, #tpu.memory_space<vmem>>
      %dma_start3A_857 = tpu.memref_squeeze %dma_start3A_856 : memref<1x80xi32, #tpu.memory_space<vmem>> -> memref<80xi32, #tpu.memory_space<vmem>>
      %dma_start3A_858 = arith.constant 0 : i32
      %dma_start3A_859 = arith.constant 0 : i32
      %dma_start3A_860 = tpu.memref_slice %arg7[%dma_start3A_858, %dma_start3A_859] : memref<10000x128xf32, #tpu.memory_space<vmem_shared>> -> memref<10000x128xf32, #tpu.memory_space<vmem_shared>>
      tpu.enqueue_indirect_dma source(%dma_start3A_854 : memref<80x128xf32, #tpu.memory_space<vmem>>) target(%dma_start3A_860 : memref<10000x128xf32, #tpu.memory_space<vmem_shared>>) offsets(%dma_start3A_857 : memref<80xi32, #tpu.memory_space<vmem>>) semaphore(%arg14 : memref<!tpu.dma_semaphore, #tpu.memory_space<semaphore_mem>>) {add = true}
      %dma_wait3A_861 = arith.constant 1 : i32
      %dma_wait3A_862 = arith.constant 1 : i32
      %dma_wait3A_863 = arith.constant 0 : i32
      %dma_wait3A_864 = arith.constant 0 : i32
      %dma_wait3A_865 = tpu.memref_slice %arg10[%dma_wait3A_861, %dma_wait3A_863, %dma_wait3A_864] : memref<3x80x128xf32, #tpu.memory_space<vmem>> -> memref<1x80x128xf32, #tpu.memory_space<vmem>>
      %dma_wait3A_866 = tpu.memref_squeeze %dma_wait3A_865 : memref<1x80x128xf32, #tpu.memory_space<vmem>> -> memref<80x128xf32, #tpu.memory_space<vmem>>
      %dma_wait3A_867 = arith.constant 0 : i32
      %dma_wait3A_868 = tpu.memref_slice %arg9[%dma_wait3A_862, %dma_wait3A_867] : memref<3x80xi32, #tpu.memory_space<vmem>> -> memref<1x80xi32, #tpu.memory_space<vmem>>
      %dma_wait3A_869 = tpu.memref_squeeze %dma_wait3A_868 : memref<1x80xi32, #tpu.memory_space<vmem>> -> memref<80xi32, #tpu.memory_space<vmem>>
      %dma_wait3A_870 = arith.constant 0 : i32
      %dma_wait3A_871 = arith.constant 0 : i32
      %dma_wait3A_872 = tpu.memref_slice %arg7[%dma_wait3A_870, %dma_wait3A_871] : memref<10000x128xf32, #tpu.memory_space<vmem_shared>> -> memref<10000x128xf32, #tpu.memory_space<vmem_shared>>
      tpu.wait_indirect_dma semaphore(%arg13 : memref<!tpu.dma_semaphore, #tpu.memory_space<semaphore_mem>>) src(%dma_wait3A_866 : memref<80x128xf32, #tpu.memory_space<vmem>>) dst(%dma_wait3A_872 : memref<10000x128xf32, #tpu.memory_space<vmem_shared>>)
      %dma_start3A_873 = arith.constant 1 : i32
      %dma_start3A_874 = arith.constant 0 : i32
      %dma_start3A_875 = tpu.memref_slice %arg8[%dma_start3A_873, %dma_start3A_874] : memref<3x80xi32, #tpu.memory_space<vmem>> -> memref<1x80xi32, #tpu.memory_space<vmem>>
      %dma_start3A_876 = tpu.memref_squeeze %dma_start3A_875 : memref<1x80xi32, #tpu.memory_space<vmem>> -> memref<80xi32, #tpu.memory_space<vmem>>
      %dma_start3A_877 = arith.constant 0 : i32
      %dma_start3A_878 = arith.constant 0 : i32
      %dma_start3A_879 = tpu.memref_slice %arg2[%add3A, %dma_start3A_877, %dma_start3A_878] : memref<32x125x80xi32, #tpu.memory_space<hbm>> -> memref<1x125x80xi32, #tpu.memory_space<hbm>>
      %dma_start3A_880 = tpu.memref_squeeze %dma_start3A_879 : memref<1x125x80xi32, #tpu.memory_space<hbm>> -> memref<125x80xi32, #tpu.memory_space<hbm>>
      %dma_start3A_881 = arith.constant 0 : i32
      %dma_start3A_882 = tpu.memref_slice %dma_start3A_880[%add3A_834, %dma_start3A_881] : memref<125x80xi32, #tpu.memory_space<hbm>> -> memref<1x80xi32, #tpu.memory_space<hbm>>
      %dma_start3A_883 = tpu.memref_squeeze %dma_start3A_882 : memref<1x80xi32, #tpu.memory_space<hbm>> -> memref<80xi32, #tpu.memory_space<hbm>>
      %dma_start3A_884 = arith.constant 0 : i32
      %dma_start3A_885 = tpu.memref_slice %arg8[%dma_start3A_873, %dma_start3A_884] : memref<3x80xi32, #tpu.memory_space<vmem>> -> memref<1x80xi32, #tpu.memory_space<vmem>>
      %dma_start3A_886 = tpu.memref_squeeze %dma_start3A_885 : memref<1x80xi32, #tpu.memory_space<vmem>> -> memref<80xi32, #tpu.memory_space<vmem>>
      %dma_start3A_887 = arith.constant 0 : i32
      %dma_start3A_888 = arith.constant 0 : i32
      %dma_start3A_889 = tpu.memref_slice %arg2[%add3A, %dma_start3A_887, %dma_start3A_888] : memref<32x125x80xi32, #tpu.memory_space<hbm>> -> memref<1x125x80xi32, #tpu.memory_space<hbm>>
      %dma_start3A_890 = tpu.memref_squeeze %dma_start3A_889 : memref<1x125x80xi32, #tpu.memory_space<hbm>> -> memref<125x80xi32, #tpu.memory_space<hbm>>
      %dma_start3A_891 = arith.constant 0 : i32
      %dma_start3A_892 = tpu.memref_slice %dma_start3A_890[%add3A_834, %dma_start3A_891] : memref<125x80xi32, #tpu.memory_space<hbm>> -> memref<1x80xi32, #tpu.memory_space<hbm>>
      %dma_start3A_893 = tpu.memref_squeeze %dma_start3A_892 : memref<1x80xi32, #tpu.memory_space<hbm>> -> memref<80xi32, #tpu.memory_space<hbm>>
      tpu.enqueue_dma source(%dma_start3A_893 : memref<80xi32, #tpu.memory_space<hbm>>) target(%dma_start3A_886 : memref<80xi32, #tpu.memory_space<vmem>>) target_semaphore(%arg16 : memref<!tpu.dma_semaphore, #tpu.memory_space<semaphore_mem>>)
      %dma_start3A_894 = arith.constant 1 : i32
      %dma_start3A_895 = arith.constant 0 : i32
      %dma_start3A_896 = tpu.memref_slice %arg9[%dma_start3A_894, %dma_start3A_895] : memref<3x80xi32, #tpu.memory_space<vmem>> -> memref<1x80xi32, #tpu.memory_space<vmem>>
      %dma_start3A_897 = tpu.memref_squeeze %dma_start3A_896 : memref<1x80xi32, #tpu.memory_space<vmem>> -> memref<80xi32, #tpu.memory_space<vmem>>
      %dma_start3A_898 = arith.constant 0 : i32
      %dma_start3A_899 = arith.constant 0 : i32
      %dma_start3A_900 = tpu.memref_slice %arg3[%add3A, %dma_start3A_898, %dma_start3A_899] : memref<32x125x80xi32, #tpu.memory_space<hbm>> -> memref<1x125x80xi32, #tpu.memory_space<hbm>>
      %dma_start3A_901 = tpu.memref_squeeze %dma_start3A_900 : memref<1x125x80xi32, #tpu.memory_space<hbm>> -> memref<125x80xi32, #tpu.memory_space<hbm>>
      %dma_start3A_902 = arith.constant 0 : i32
      %dma_start3A_903 = tpu.memref_slice %dma_start3A_901[%add3A_834, %dma_start3A_902] : memref<125x80xi32, #tpu.memory_space<hbm>> -> memref<1x80xi32, #tpu.memory_space<hbm>>
      %dma_start3A_904 = tpu.memref_squeeze %dma_start3A_903 : memref<1x80xi32, #tpu.memory_space<hbm>> -> memref<80xi32, #tpu.memory_space<hbm>>
      %dma_start3A_905 = arith.constant 0 : i32
      %dma_start3A_906 = tpu.memref_slice %arg9[%dma_start3A_894, %dma_start3A_905] : memref<3x80xi32, #tpu.memory_space<vmem>> -> memref<1x80xi32, #tpu.memory_space<vmem>>
      %dma_start3A_907 = tpu.memref_squeeze %dma_start3A_906 : memref<1x80xi32, #tpu.memory_space<vmem>> -> memref<80xi32, #tpu.memory_space<vmem>>
      %dma_start3A_908 = arith.constant 0 : i32
      %dma_start3A_909 = arith.constant 0 : i32
      %dma_start3A_910 = tpu.memref_slice %arg3[%add3A, %dma_start3A_908, %dma_start3A_909] : memref<32x125x80xi32, #tpu.memory_space<hbm>> -> memref<1x125x80xi32, #tpu.memory_space<hbm>>
      %dma_start3A_911 = tpu.memref_squeeze %dma_start3A_910 : memref<1x125x80xi32, #tpu.memory_space<hbm>> -> memref<125x80xi32, #tpu.memory_space<hbm>>
      %dma_start3A_912 = arith.constant 0 : i32
      %dma_start3A_913 = tpu.memref_slice %dma_start3A_911[%add3A_834, %dma_start3A_912] : memref<125x80xi32, #tpu.memory_space<hbm>> -> memref<1x80xi32, #tpu.memory_space<hbm>>
      %dma_start3A_914 = tpu.memref_squeeze %dma_start3A_913 : memref<1x80xi32, #tpu.memory_space<hbm>> -> memref<80xi32, #tpu.memory_space<hbm>>
      tpu.enqueue_dma source(%dma_start3A_914 : memref<80xi32, #tpu.memory_space<hbm>>) target(%dma_start3A_907 : memref<80xi32, #tpu.memory_space<vmem>>) target_semaphore(%arg16 : memref<!tpu.dma_semaphore, #tpu.memory_space<semaphore_mem>>)
      %dma_wait3A_915 = arith.constant 0 : i32
      %dma_wait3A_916 = arith.constant 0 : i32
      %dma_wait3A_917 = tpu.memref_slice %arg8[%dma_wait3A_915, %dma_wait3A_916] : memref<3x80xi32, #tpu.memory_space<vmem>> -> memref<1x80xi32, #tpu.memory_space<vmem>>
      %dma_wait3A_918 = tpu.memref_squeeze %dma_wait3A_917 : memref<1x80xi32, #tpu.memory_space<vmem>> -> memref<80xi32, #tpu.memory_space<vmem>>
      %dma_wait3A_919 = arith.constant 0 : i32
      %dma_wait3A_920 = arith.constant 0 : i32
      %dma_wait3A_921 = tpu.memref_slice %arg2[%add3A, %dma_wait3A_919, %dma_wait3A_920] : memref<32x125x80xi32, #tpu.memory_space<hbm>> -> memref<1x125x80xi32, #tpu.memory_space<hbm>>
      %dma_wait3A_922 = tpu.memref_squeeze %dma_wait3A_921 : memref<1x125x80xi32, #tpu.memory_space<hbm>> -> memref<125x80xi32, #tpu.memory_space<hbm>>
      %dma_wait3A_923 = arith.constant 0 : i32
      %dma_wait3A_924 = tpu.memref_slice %dma_wait3A_922[%add3A_836, %dma_wait3A_923] : memref<125x80xi32, #tpu.memory_space<hbm>> -> memref<1x80xi32, #tpu.memory_space<hbm>>
      %dma_wait3A_925 = tpu.memref_squeeze %dma_wait3A_924 : memref<1x80xi32, #tpu.memory_space<hbm>> -> memref<80xi32, #tpu.memory_space<hbm>>
      %dma_wait3A_926 = arith.constant 0 : i32
      %dma_wait3A_927 = tpu.memref_slice %arg8[%dma_wait3A_915, %dma_wait3A_926] : memref<3x80xi32, #tpu.memory_space<vmem>> -> memref<1x80xi32, #tpu.memory_space<vmem>>
      %dma_wait3A_928 = tpu.memref_squeeze %dma_wait3A_927 : memref<1x80xi32, #tpu.memory_space<vmem>> -> memref<80xi32, #tpu.memory_space<vmem>>
      %dma_wait3A_929 = arith.constant 0 : i32
      %dma_wait3A_930 = arith.constant 0 : i32
      %dma_wait3A_931 = tpu.memref_slice %arg2[%add3A, %dma_wait3A_929, %dma_wait3A_930] : memref<32x125x80xi32, #tpu.memory_space<hbm>> -> memref<1x125x80xi32, #tpu.memory_space<hbm>>
      %dma_wait3A_932 = tpu.memref_squeeze %dma_wait3A_931 : memref<1x125x80xi32, #tpu.memory_space<hbm>> -> memref<125x80xi32, #tpu.memory_space<hbm>>
      %dma_wait3A_933 = arith.constant 0 : i32
      %dma_wait3A_934 = tpu.memref_slice %dma_wait3A_932[%add3A_836, %dma_wait3A_933] : memref<125x80xi32, #tpu.memory_space<hbm>> -> memref<1x80xi32, #tpu.memory_space<hbm>>
      %dma_wait3A_935 = tpu.memref_squeeze %dma_wait3A_934 : memref<1x80xi32, #tpu.memory_space<hbm>> -> memref<80xi32, #tpu.memory_space<hbm>>
      tpu.wait_dma2 semaphore(%arg15 : memref<!tpu.dma_semaphore, #tpu.memory_space<semaphore_mem>>) src(%dma_wait3A_935 : memref<80xi32, #tpu.memory_space<hbm>>) dst(%dma_wait3A_928 : memref<80xi32, #tpu.memory_space<vmem>>)
      %dma_wait3A_936 = arith.constant 0 : i32
      %dma_wait3A_937 = arith.constant 0 : i32
      %dma_wait3A_938 = tpu.memref_slice %arg9[%dma_wait3A_936, %dma_wait3A_937] : memref<3x80xi32, #tpu.memory_space<vmem>> -> memref<1x80xi32, #tpu.memory_space<vmem>>
      %dma_wait3A_939 = tpu.memref_squeeze %dma_wait3A_938 : memref<1x80xi32, #tpu.memory_space<vmem>> -> memref<80xi32, #tpu.memory_space<vmem>>
      %dma_wait3A_940 = arith.constant 0 : i32
      %dma_wait3A_941 = arith.constant 0 : i32
      %dma_wait3A_942 = tpu.memref_slice %arg3[%add3A, %dma_wait3A_940, %dma_wait3A_941] : memref<32x125x80xi32, #tpu.memory_space<hbm>> -> memref<1x125x80xi32, #tpu.memory_space<hbm>>
      %dma_wait3A_943 = tpu.memref_squeeze %dma_wait3A_942 : memref<1x125x80xi32, #tpu.memory_space<hbm>> -> memref<125x80xi32, #tpu.memory_space<hbm>>
      %dma_wait3A_944 = arith.constant 0 : i32
      %dma_wait3A_945 = tpu.memref_slice %dma_wait3A_943[%add3A_836, %dma_wait3A_944] : memref<125x80xi32, #tpu.memory_space<hbm>> -> memref<1x80xi32, #tpu.memory_space<hbm>>
      %dma_wait3A_946 = tpu.memref_squeeze %dma_wait3A_945 : memref<1x80xi32, #tpu.memory_space<hbm>> -> memref<80xi32, #tpu.memory_space<hbm>>
      %dma_wait3A_947 = arith.constant 0 : i32
      %dma_wait3A_948 = tpu.memref_slice %arg9[%dma_wait3A_936, %dma_wait3A_947] : memref<3x80xi32, #tpu.memory_space<vmem>> -> memref<1x80xi32, #tpu.memory_space<vmem>>
      %dma_wait3A_949 = tpu.memref_squeeze %dma_wait3A_948 : memref<1x80xi32, #tpu.memory_space<vmem>> -> memref<80xi32, #tpu.memory_space<vmem>>
      %dma_wait3A_950 = arith.constant 0 : i32
      %dma_wait3A_951 = arith.constant 0 : i32
      %dma_wait3A_952 = tpu.memref_slice %arg3[%add3A, %dma_wait3A_950, %dma_wait3A_951] : memref<32x125x80xi32, #tpu.memory_space<hbm>> -> memref<1x125x80xi32, #tpu.memory_space<hbm>>
      %dma_wait3A_953 = tpu.memref_squeeze %dma_wait3A_952 : memref<1x125x80xi32, #tpu.memory_space<hbm>> -> memref<125x80xi32, #tpu.memory_space<hbm>>
      %dma_wait3A_954 = arith.constant 0 : i32
      %dma_wait3A_955 = tpu.memref_slice %dma_wait3A_953[%add3A_836, %dma_wait3A_954] : memref<125x80xi32, #tpu.memory_space<hbm>> -> memref<1x80xi32, #tpu.memory_space<hbm>>
      %dma_wait3A_956 = tpu.memref_squeeze %dma_wait3A_955 : memref<1x80xi32, #tpu.memory_space<hbm>> -> memref<80xi32, #tpu.memory_space<hbm>>
      tpu.wait_dma2 semaphore(%arg15 : memref<!tpu.dma_semaphore, #tpu.memory_space<semaphore_mem>>) src(%dma_wait3A_956 : memref<80xi32, #tpu.memory_space<hbm>>) dst(%dma_wait3A_949 : memref<80xi32, #tpu.memory_space<vmem>>)
      %dma_start3A_957 = arith.constant 0 : i32
      %dma_start3A_958 = arith.constant 0 : i32
      %dma_start3A_959 = arith.constant 0 : i32
      %dma_start3A_960 = arith.constant 0 : i32
      %dma_start3A_961 = tpu.memref_slice %arg10[%dma_start3A_958, %dma_start3A_959, %dma_start3A_960] : memref<3x80x128xf32, #tpu.memory_space<vmem>> -> memref<1x80x128xf32, #tpu.memory_space<vmem>>
      %dma_start3A_962 = tpu.memref_squeeze %dma_start3A_961 : memref<1x80x128xf32, #tpu.memory_space<vmem>> -> memref<80x128xf32, #tpu.memory_space<vmem>>
      %dma_start3A_963 = arith.constant 0 : i32
      %dma_start3A_964 = tpu.memref_slice %arg8[%dma_start3A_957, %dma_start3A_963] : memref<3x80xi32, #tpu.memory_space<vmem>> -> memref<1x80xi32, #tpu.memory_space<vmem>>
      %dma_start3A_965 = tpu.memref_squeeze %dma_start3A_964 : memref<1x80xi32, #tpu.memory_space<vmem>> -> memref<80xi32, #tpu.memory_space<vmem>>
      %dma_start3A_966 = arith.constant 0 : i32
      %dma_start3A_967 = arith.constant 0 : i32
      %dma_start3A_968 = tpu.memref_slice %arg4[%dma_start3A_966, %dma_start3A_967] : memref<10000x128xf32, #tpu.memory_space<hbm>> -> memref<10000x128xf32, #tpu.memory_space<hbm>>
      tpu.enqueue_indirect_dma source(%dma_start3A_968 : memref<10000x128xf32, #tpu.memory_space<hbm>>) target(%dma_start3A_962 : memref<80x128xf32, #tpu.memory_space<vmem>>) offsets(%dma_start3A_965 : memref<80xi32, #tpu.memory_space<vmem>>) semaphore(%arg11 : memref<!tpu.dma_semaphore, #tpu.memory_space<semaphore_mem>>)
      %add3A_969 = arith.constant 2 : i32
      %add3A_970 = arith.addi %add3A_694, %add3A_969 : i32
      %add3A_971 = arith.constant 4 : i32
      %add3A_972 = arith.addi %add3A_694, %add3A_971 : i32
      %add3A_973 = arith.constant 3 : i32
      %add3A_974 = arith.addi %add3A_694, %add3A_973 : i32
      %dma_wait3A_975 = arith.constant 0 : i32
      %dma_wait3A_976 = arith.constant 0 : i32
      %dma_wait3A_977 = arith.constant 0 : i32
      %dma_wait3A_978 = arith.constant 0 : i32
      %dma_wait3A_979 = tpu.memref_slice %arg10[%dma_wait3A_976, %dma_wait3A_977, %dma_wait3A_978] : memref<3x80x128xf32, #tpu.memory_space<vmem>> -> memref<1x80x128xf32, #tpu.memory_space<vmem>>
      %dma_wait3A_980 = tpu.memref_squeeze %dma_wait3A_979 : memref<1x80x128xf32, #tpu.memory_space<vmem>> -> memref<80x128xf32, #tpu.memory_space<vmem>>
      %dma_wait3A_981 = arith.constant 0 : i32
      %dma_wait3A_982 = tpu.memref_slice %arg8[%dma_wait3A_975, %dma_wait3A_981] : memref<3x80xi32, #tpu.memory_space<vmem>> -> memref<1x80xi32, #tpu.memory_space<vmem>>
      %dma_wait3A_983 = tpu.memref_squeeze %dma_wait3A_982 : memref<1x80xi32, #tpu.memory_space<vmem>> -> memref<80xi32, #tpu.memory_space<vmem>>
      %dma_wait3A_984 = arith.constant 0 : i32
      %dma_wait3A_985 = arith.constant 0 : i32
      %dma_wait3A_986 = tpu.memref_slice %arg4[%dma_wait3A_984, %dma_wait3A_985] : memref<10000x128xf32, #tpu.memory_space<hbm>> -> memref<10000x128xf32, #tpu.memory_space<hbm>>
      tpu.wait_indirect_dma semaphore(%arg11 : memref<!tpu.dma_semaphore, #tpu.memory_space<semaphore_mem>>) src(%dma_wait3A_986 : memref<10000x128xf32, #tpu.memory_space<hbm>>) dst(%dma_wait3A_980 : memref<80x128xf32, #tpu.memory_space<vmem>>)
      %dma_start3A_987 = arith.constant 0 : i32
      %dma_start3A_988 = arith.constant 0 : i32
      %dma_start3A_989 = arith.constant 0 : i32
      %dma_start3A_990 = arith.constant 0 : i32
      %dma_start3A_991 = tpu.memref_slice %arg10[%dma_start3A_987, %dma_start3A_989, %dma_start3A_990] : memref<3x80x128xf32, #tpu.memory_space<vmem>> -> memref<1x80x128xf32, #tpu.memory_space<vmem>>
      %dma_start3A_992 = tpu.memref_squeeze %dma_start3A_991 : memref<1x80x128xf32, #tpu.memory_space<vmem>> -> memref<80x128xf32, #tpu.memory_space<vmem>>
      %dma_start3A_993 = arith.constant 0 : i32
      %dma_start3A_994 = tpu.memref_slice %arg9[%dma_start3A_988, %dma_start3A_993] : memref<3x80xi32, #tpu.memory_space<vmem>> -> memref<1x80xi32, #tpu.memory_space<vmem>>
      %dma_start3A_995 = tpu.memref_squeeze %dma_start3A_994 : memref<1x80xi32, #tpu.memory_space<vmem>> -> memref<80xi32, #tpu.memory_space<vmem>>
      %dma_start3A_996 = arith.constant 0 : i32
      %dma_start3A_997 = arith.constant 0 : i32
      %dma_start3A_998 = tpu.memref_slice %arg7[%dma_start3A_996, %dma_start3A_997] : memref<10000x128xf32, #tpu.memory_space<vmem_shared>> -> memref<10000x128xf32, #tpu.memory_space<vmem_shared>>
      tpu.enqueue_indirect_dma source(%dma_start3A_992 : memref<80x128xf32, #tpu.memory_space<vmem>>) target(%dma_start3A_998 : memref<10000x128xf32, #tpu.memory_space<vmem_shared>>) offsets(%dma_start3A_995 : memref<80xi32, #tpu.memory_space<vmem>>) semaphore(%arg12 : memref<!tpu.dma_semaphore, #tpu.memory_space<semaphore_mem>>) {add = true}
      %dma_wait3A_999 = arith.constant 2 : i32
      %dma_wait3A_1000 = arith.constant 2 : i32
      %dma_wait3A_1001 = arith.constant 0 : i32
      %dma_wait3A_1002 = arith.constant 0 : i32
      %dma_wait3A_1003 = tpu.memref_slice %arg10[%dma_wait3A_999, %dma_wait3A_1001, %dma_wait3A_1002] : memref<3x80x128xf32, #tpu.memory_space<vmem>> -> memref<1x80x128xf32, #tpu.memory_space<vmem>>
      %dma_wait3A_1004 = tpu.memref_squeeze %dma_wait3A_1003 : memref<1x80x128xf32, #tpu.memory_space<vmem>> -> memref<80x128xf32, #tpu.memory_space<vmem>>
      %dma_wait3A_1005 = arith.constant 0 : i32
      %dma_wait3A_1006 = tpu.memref_slice %arg9[%dma_wait3A_1000, %dma_wait3A_1005] : memref<3x80xi32, #tpu.memory_space<vmem>> -> memref<1x80xi32, #tpu.memory_space<vmem>>
      %dma_wait3A_1007 = tpu.memref_squeeze %dma_wait3A_1006 : memref<1x80xi32, #tpu.memory_space<vmem>> -> memref<80xi32, #tpu.memory_space<vmem>>
      %dma_wait3A_1008 = arith.constant 0 : i32
      %dma_wait3A_1009 = arith.constant 0 : i32
      %dma_wait3A_1010 = tpu.memref_slice %arg7[%dma_wait3A_1008, %dma_wait3A_1009] : memref<10000x128xf32, #tpu.memory_space<vmem_shared>> -> memref<10000x128xf32, #tpu.memory_space<vmem_shared>>
      tpu.wait_indirect_dma semaphore(%arg14 : memref<!tpu.dma_semaphore, #tpu.memory_space<semaphore_mem>>) src(%dma_wait3A_1004 : memref<80x128xf32, #tpu.memory_space<vmem>>) dst(%dma_wait3A_1010 : memref<10000x128xf32, #tpu.memory_space<vmem_shared>>)
      %dma_start3A_1011 = arith.constant 2 : i32
      %dma_start3A_1012 = arith.constant 0 : i32
      %dma_start3A_1013 = tpu.memref_slice %arg8[%dma_start3A_1011, %dma_start3A_1012] : memref<3x80xi32, #tpu.memory_space<vmem>> -> memref<1x80xi32, #tpu.memory_space<vmem>>
      %dma_start3A_1014 = tpu.memref_squeeze %dma_start3A_1013 : memref<1x80xi32, #tpu.memory_space<vmem>> -> memref<80xi32, #tpu.memory_space<vmem>>
      %dma_start3A_1015 = arith.constant 0 : i32
      %dma_start3A_1016 = arith.constant 0 : i32
      %dma_start3A_1017 = tpu.memref_slice %arg2[%add3A, %dma_start3A_1015, %dma_start3A_1016] : memref<32x125x80xi32, #tpu.memory_space<hbm>> -> memref<1x125x80xi32, #tpu.memory_space<hbm>>
      %dma_start3A_1018 = tpu.memref_squeeze %dma_start3A_1017 : memref<1x125x80xi32, #tpu.memory_space<hbm>> -> memref<125x80xi32, #tpu.memory_space<hbm>>
      %dma_start3A_1019 = arith.constant 0 : i32
      %dma_start3A_1020 = tpu.memref_slice %dma_start3A_1018[%add3A_972, %dma_start3A_1019] : memref<125x80xi32, #tpu.memory_space<hbm>> -> memref<1x80xi32, #tpu.memory_space<hbm>>
      %dma_start3A_1021 = tpu.memref_squeeze %dma_start3A_1020 : memref<1x80xi32, #tpu.memory_space<hbm>> -> memref<80xi32, #tpu.memory_space<hbm>>
      %dma_start3A_1022 = arith.constant 0 : i32
      %dma_start3A_1023 = tpu.memref_slice %arg8[%dma_start3A_1011, %dma_start3A_1022] : memref<3x80xi32, #tpu.memory_space<vmem>> -> memref<1x80xi32, #tpu.memory_space<vmem>>
      %dma_start3A_1024 = tpu.memref_squeeze %dma_start3A_1023 : memref<1x80xi32, #tpu.memory_space<vmem>> -> memref<80xi32, #tpu.memory_space<vmem>>
      %dma_start3A_1025 = arith.constant 0 : i32
      %dma_start3A_1026 = arith.constant 0 : i32
      %dma_start3A_1027 = tpu.memref_slice %arg2[%add3A, %dma_start3A_1025, %dma_start3A_1026] : memref<32x125x80xi32, #tpu.memory_space<hbm>> -> memref<1x125x80xi32, #tpu.memory_space<hbm>>
      %dma_start3A_1028 = tpu.memref_squeeze %dma_start3A_1027 : memref<1x125x80xi32, #tpu.memory_space<hbm>> -> memref<125x80xi32, #tpu.memory_space<hbm>>
      %dma_start3A_1029 = arith.constant 0 : i32
      %dma_start3A_1030 = tpu.memref_slice %dma_start3A_1028[%add3A_972, %dma_start3A_1029] : memref<125x80xi32, #tpu.memory_space<hbm>> -> memref<1x80xi32, #tpu.memory_space<hbm>>
      %dma_start3A_1031 = tpu.memref_squeeze %dma_start3A_1030 : memref<1x80xi32, #tpu.memory_space<hbm>> -> memref<80xi32, #tpu.memory_space<hbm>>
      tpu.enqueue_dma source(%dma_start3A_1031 : memref<80xi32, #tpu.memory_space<hbm>>) target(%dma_start3A_1024 : memref<80xi32, #tpu.memory_space<vmem>>) target_semaphore(%arg17 : memref<!tpu.dma_semaphore, #tpu.memory_space<semaphore_mem>>)
      %dma_start3A_1032 = arith.constant 2 : i32
      %dma_start3A_1033 = arith.constant 0 : i32
      %dma_start3A_1034 = tpu.memref_slice %arg9[%dma_start3A_1032, %dma_start3A_1033] : memref<3x80xi32, #tpu.memory_space<vmem>> -> memref<1x80xi32, #tpu.memory_space<vmem>>
      %dma_start3A_1035 = tpu.memref_squeeze %dma_start3A_1034 : memref<1x80xi32, #tpu.memory_space<vmem>> -> memref<80xi32, #tpu.memory_space<vmem>>
      %dma_start3A_1036 = arith.constant 0 : i32
      %dma_start3A_1037 = arith.constant 0 : i32
      %dma_start3A_1038 = tpu.memref_slice %arg3[%add3A, %dma_start3A_1036, %dma_start3A_1037] : memref<32x125x80xi32, #tpu.memory_space<hbm>> -> memref<1x125x80xi32, #tpu.memory_space<hbm>>
      %dma_start3A_1039 = tpu.memref_squeeze %dma_start3A_1038 : memref<1x125x80xi32, #tpu.memory_space<hbm>> -> memref<125x80xi32, #tpu.memory_space<hbm>>
      %dma_start3A_1040 = arith.constant 0 : i32
      %dma_start3A_1041 = tpu.memref_slice %dma_start3A_1039[%add3A_972, %dma_start3A_1040] : memref<125x80xi32, #tpu.memory_space<hbm>> -> memref<1x80xi32, #tpu.memory_space<hbm>>
      %dma_start3A_1042 = tpu.memref_squeeze %dma_start3A_1041 : memref<1x80xi32, #tpu.memory_space<hbm>> -> memref<80xi32, #tpu.memory_space<hbm>>
      %dma_start3A_1043 = arith.constant 0 : i32
      %dma_start3A_1044 = tpu.memref_slice %arg9[%dma_start3A_1032, %dma_start3A_1043] : memref<3x80xi32, #tpu.memory_space<vmem>> -> memref<1x80xi32, #tpu.memory_space<vmem>>
      %dma_start3A_1045 = tpu.memref_squeeze %dma_start3A_1044 : memref<1x80xi32, #tpu.memory_space<vmem>> -> memref<80xi32, #tpu.memory_space<vmem>>
      %dma_start3A_1046 = arith.constant 0 : i32
      %dma_start3A_1047 = arith.constant 0 : i32
      %dma_start3A_1048 = tpu.memref_slice %arg3[%add3A, %dma_start3A_1046, %dma_start3A_1047] : memref<32x125x80xi32, #tpu.memory_space<hbm>> -> memref<1x125x80xi32, #tpu.memory_space<hbm>>
      %dma_start3A_1049 = tpu.memref_squeeze %dma_start3A_1048 : memref<1x125x80xi32, #tpu.memory_space<hbm>> -> memref<125x80xi32, #tpu.memory_space<hbm>>
      %dma_start3A_1050 = arith.constant 0 : i32
      %dma_start3A_1051 = tpu.memref_slice %dma_start3A_1049[%add3A_972, %dma_start3A_1050] : memref<125x80xi32, #tpu.memory_space<hbm>> -> memref<1x80xi32, #tpu.memory_space<hbm>>
      %dma_start3A_1052 = tpu.memref_squeeze %dma_start3A_1051 : memref<1x80xi32, #tpu.memory_space<hbm>> -> memref<80xi32, #tpu.memory_space<hbm>>
      tpu.enqueue_dma source(%dma_start3A_1052 : memref<80xi32, #tpu.memory_space<hbm>>) target(%dma_start3A_1045 : memref<80xi32, #tpu.memory_space<vmem>>) target_semaphore(%arg17 : memref<!tpu.dma_semaphore, #tpu.memory_space<semaphore_mem>>)
      %dma_wait3A_1053 = arith.constant 1 : i32
      %dma_wait3A_1054 = arith.constant 0 : i32
      %dma_wait3A_1055 = tpu.memref_slice %arg8[%dma_wait3A_1053, %dma_wait3A_1054] : memref<3x80xi32, #tpu.memory_space<vmem>> -> memref<1x80xi32, #tpu.memory_space<vmem>>
      %dma_wait3A_1056 = tpu.memref_squeeze %dma_wait3A_1055 : memref<1x80xi32, #tpu.memory_space<vmem>> -> memref<80xi32, #tpu.memory_space<vmem>>
      %dma_wait3A_1057 = arith.constant 0 : i32
      %dma_wait3A_1058 = arith.constant 0 : i32
      %dma_wait3A_1059 = tpu.memref_slice %arg2[%add3A, %dma_wait3A_1057, %dma_wait3A_1058] : memref<32x125x80xi32, #tpu.memory_space<hbm>> -> memref<1x125x80xi32, #tpu.memory_space<hbm>>
      %dma_wait3A_1060 = tpu.memref_squeeze %dma_wait3A_1059 : memref<1x125x80xi32, #tpu.memory_space<hbm>> -> memref<125x80xi32, #tpu.memory_space<hbm>>
      %dma_wait3A_1061 = arith.constant 0 : i32
      %dma_wait3A_1062 = tpu.memref_slice %dma_wait3A_1060[%add3A_974, %dma_wait3A_1061] : memref<125x80xi32, #tpu.memory_space<hbm>> -> memref<1x80xi32, #tpu.memory_space<hbm>>
      %dma_wait3A_1063 = tpu.memref_squeeze %dma_wait3A_1062 : memref<1x80xi32, #tpu.memory_space<hbm>> -> memref<80xi32, #tpu.memory_space<hbm>>
      %dma_wait3A_1064 = arith.constant 0 : i32
      %dma_wait3A_1065 = tpu.memref_slice %arg8[%dma_wait3A_1053, %dma_wait3A_1064] : memref<3x80xi32, #tpu.memory_space<vmem>> -> memref<1x80xi32, #tpu.memory_space<vmem>>
      %dma_wait3A_1066 = tpu.memref_squeeze %dma_wait3A_1065 : memref<1x80xi32, #tpu.memory_space<vmem>> -> memref<80xi32, #tpu.memory_space<vmem>>
      %dma_wait3A_1067 = arith.constant 0 : i32
      %dma_wait3A_1068 = arith.constant 0 : i32
      %dma_wait3A_1069 = tpu.memref_slice %arg2[%add3A, %dma_wait3A_1067, %dma_wait3A_1068] : memref<32x125x80xi32, #tpu.memory_space<hbm>> -> memref<1x125x80xi32, #tpu.memory_space<hbm>>
      %dma_wait3A_1070 = tpu.memref_squeeze %dma_wait3A_1069 : memref<1x125x80xi32, #tpu.memory_space<hbm>> -> memref<125x80xi32, #tpu.memory_space<hbm>>
      %dma_wait3A_1071 = arith.constant 0 : i32
      %dma_wait3A_1072 = tpu.memref_slice %dma_wait3A_1070[%add3A_974, %dma_wait3A_1071] : memref<125x80xi32, #tpu.memory_space<hbm>> -> memref<1x80xi32, #tpu.memory_space<hbm>>
      %dma_wait3A_1073 = tpu.memref_squeeze %dma_wait3A_1072 : memref<1x80xi32, #tpu.memory_space<hbm>> -> memref<80xi32, #tpu.memory_space<hbm>>
      tpu.wait_dma2 semaphore(%arg16 : memref<!tpu.dma_semaphore, #tpu.memory_space<semaphore_mem>>) src(%dma_wait3A_1073 : memref<80xi32, #tpu.memory_space<hbm>>) dst(%dma_wait3A_1066 : memref<80xi32, #tpu.memory_space<vmem>>)
      %dma_wait3A_1074 = arith.constant 1 : i32
      %dma_wait3A_1075 = arith.constant 0 : i32
      %dma_wait3A_1076 = tpu.memref_slice %arg9[%dma_wait3A_1074, %dma_wait3A_1075] : memref<3x80xi32, #tpu.memory_space<vmem>> -> memref<1x80xi32, #tpu.memory_space<vmem>>
      %dma_wait3A_1077 = tpu.memref_squeeze %dma_wait3A_1076 : memref<1x80xi32, #tpu.memory_space<vmem>> -> memref<80xi32, #tpu.memory_space<vmem>>
      %dma_wait3A_1078 = arith.constant 0 : i32
      %dma_wait3A_1079 = arith.constant 0 : i32
      %dma_wait3A_1080 = tpu.memref_slice %arg3[%add3A, %dma_wait3A_1078, %dma_wait3A_1079] : memref<32x125x80xi32, #tpu.memory_space<hbm>> -> memref<1x125x80xi32, #tpu.memory_space<hbm>>
      %dma_wait3A_1081 = tpu.memref_squeeze %dma_wait3A_1080 : memref<1x125x80xi32, #tpu.memory_space<hbm>> -> memref<125x80xi32, #tpu.memory_space<hbm>>
      %dma_wait3A_1082 = arith.constant 0 : i32
      %dma_wait3A_1083 = tpu.memref_slice %dma_wait3A_1081[%add3A_974, %dma_wait3A_1082] : memref<125x80xi32, #tpu.memory_space<hbm>> -> memref<1x80xi32, #tpu.memory_space<hbm>>
      %dma_wait3A_1084 = tpu.memref_squeeze %dma_wait3A_1083 : memref<1x80xi32, #tpu.memory_space<hbm>> -> memref<80xi32, #tpu.memory_space<hbm>>
      %dma_wait3A_1085 = arith.constant 0 : i32
      %dma_wait3A_1086 = tpu.memref_slice %arg9[%dma_wait3A_1074, %dma_wait3A_1085] : memref<3x80xi32, #tpu.memory_space<vmem>> -> memref<1x80xi32, #tpu.memory_space<vmem>>
      %dma_wait3A_1087 = tpu.memref_squeeze %dma_wait3A_1086 : memref<1x80xi32, #tpu.memory_space<vmem>> -> memref<80xi32, #tpu.memory_space<vmem>>
      %dma_wait3A_1088 = arith.constant 0 : i32
      %dma_wait3A_1089 = arith.constant 0 : i32
      %dma_wait3A_1090 = tpu.memref_slice %arg3[%add3A, %dma_wait3A_1088, %dma_wait3A_1089] : memref<32x125x80xi32, #tpu.memory_space<hbm>> -> memref<1x125x80xi32, #tpu.memory_space<hbm>>
      %dma_wait3A_1091 = tpu.memref_squeeze %dma_wait3A_1090 : memref<1x125x80xi32, #tpu.memory_space<hbm>> -> memref<125x80xi32, #tpu.memory_space<hbm>>
      %dma_wait3A_1092 = arith.constant 0 : i32
      %dma_wait3A_1093 = tpu.memref_slice %dma_wait3A_1091[%add3A_974, %dma_wait3A_1092] : memref<125x80xi32, #tpu.memory_space<hbm>> -> memref<1x80xi32, #tpu.memory_space<hbm>>
      %dma_wait3A_1094 = tpu.memref_squeeze %dma_wait3A_1093 : memref<1x80xi32, #tpu.memory_space<hbm>> -> memref<80xi32, #tpu.memory_space<hbm>>
      tpu.wait_dma2 semaphore(%arg16 : memref<!tpu.dma_semaphore, #tpu.memory_space<semaphore_mem>>) src(%dma_wait3A_1094 : memref<80xi32, #tpu.memory_space<hbm>>) dst(%dma_wait3A_1087 : memref<80xi32, #tpu.memory_space<vmem>>)
      %dma_start3A_1095 = arith.constant 1 : i32
      %dma_start3A_1096 = arith.constant 1 : i32
      %dma_start3A_1097 = arith.constant 0 : i32
      %dma_start3A_1098 = arith.constant 0 : i32
      %dma_start3A_1099 = tpu.memref_slice %arg10[%dma_start3A_1096, %dma_start3A_1097, %dma_start3A_1098] : memref<3x80x128xf32, #tpu.memory_space<vmem>> -> memref<1x80x128xf32, #tpu.memory_space<vmem>>
      %dma_start3A_1100 = tpu.memref_squeeze %dma_start3A_1099 : memref<1x80x128xf32, #tpu.memory_space<vmem>> -> memref<80x128xf32, #tpu.memory_space<vmem>>
      %dma_start3A_1101 = arith.constant 0 : i32
      %dma_start3A_1102 = tpu.memref_slice %arg8[%dma_start3A_1095, %dma_start3A_1101] : memref<3x80xi32, #tpu.memory_space<vmem>> -> memref<1x80xi32, #tpu.memory_space<vmem>>
      %dma_start3A_1103 = tpu.memref_squeeze %dma_start3A_1102 : memref<1x80xi32, #tpu.memory_space<vmem>> -> memref<80xi32, #tpu.memory_space<vmem>>
      %dma_start3A_1104 = arith.constant 0 : i32
      %dma_start3A_1105 = arith.constant 0 : i32
      %dma_start3A_1106 = tpu.memref_slice %arg4[%dma_start3A_1104, %dma_start3A_1105] : memref<10000x128xf32, #tpu.memory_space<hbm>> -> memref<10000x128xf32, #tpu.memory_space<hbm>>
      tpu.enqueue_indirect_dma source(%dma_start3A_1106 : memref<10000x128xf32, #tpu.memory_space<hbm>>) target(%dma_start3A_1100 : memref<80x128xf32, #tpu.memory_space<vmem>>) offsets(%dma_start3A_1103 : memref<80xi32, #tpu.memory_space<vmem>>) semaphore(%arg11 : memref<!tpu.dma_semaphore, #tpu.memory_space<semaphore_mem>>)
    }
    %scan3A_273 = arith.constant 40 : i32
    %dma_wait3A_274 = arith.constant 1 : i32
    %dma_wait3A_275 = arith.constant 1 : i32
    %dma_wait3A_276 = arith.constant 0 : i32
    %dma_wait3A_277 = arith.constant 0 : i32
    %dma_wait3A_278 = tpu.memref_slice %arg10[%dma_wait3A_275, %dma_wait3A_276, %dma_wait3A_277] : memref<3x80x128xf32, #tpu.memory_space<vmem>> -> memref<1x80x128xf32, #tpu.memory_space<vmem>>
    %dma_wait3A_279 = tpu.memref_squeeze %dma_wait3A_278 : memref<1x80x128xf32, #tpu.memory_space<vmem>> -> memref<80x128xf32, #tpu.memory_space<vmem>>
    %dma_wait3A_280 = arith.constant 0 : i32
    %dma_wait3A_281 = tpu.memref_slice %arg8[%dma_wait3A_274, %dma_wait3A_280] : memref<3x80xi32, #tpu.memory_space<vmem>> -> memref<1x80xi32, #tpu.memory_space<vmem>>
    %dma_wait3A_282 = tpu.memref_squeeze %dma_wait3A_281 : memref<1x80xi32, #tpu.memory_space<vmem>> -> memref<80xi32, #tpu.memory_space<vmem>>
    %dma_wait3A_283 = arith.constant 0 : i32
    %dma_wait3A_284 = arith.constant 0 : i32
    %dma_wait3A_285 = tpu.memref_slice %arg4[%dma_wait3A_283, %dma_wait3A_284] : memref<10000x128xf32, #tpu.memory_space<hbm>> -> memref<10000x128xf32, #tpu.memory_space<hbm>>
    tpu.wait_indirect_dma semaphore(%arg11 : memref<!tpu.dma_semaphore, #tpu.memory_space<semaphore_mem>>) src(%dma_wait3A_285 : memref<10000x128xf32, #tpu.memory_space<hbm>>) dst(%dma_wait3A_279 : memref<80x128xf32, #tpu.memory_space<vmem>>)
    %dma_start3A_286 = arith.constant 1 : i32
    %dma_start3A_287 = arith.constant 1 : i32
    %dma_start3A_288 = arith.constant 0 : i32
    %dma_start3A_289 = arith.constant 0 : i32
    %dma_start3A_290 = tpu.memref_slice %arg10[%dma_start3A_286, %dma_start3A_288, %dma_start3A_289] : memref<3x80x128xf32, #tpu.memory_space<vmem>> -> memref<1x80x128xf32, #tpu.memory_space<vmem>>
    %dma_start3A_291 = tpu.memref_squeeze %dma_start3A_290 : memref<1x80x128xf32, #tpu.memory_space<vmem>> -> memref<80x128xf32, #tpu.memory_space<vmem>>
    %dma_start3A_292 = arith.constant 0 : i32
    %dma_start3A_293 = tpu.memref_slice %arg9[%dma_start3A_287, %dma_start3A_292] : memref<3x80xi32, #tpu.memory_space<vmem>> -> memref<1x80xi32, #tpu.memory_space<vmem>>
    %dma_start3A_294 = tpu.memref_squeeze %dma_start3A_293 : memref<1x80xi32, #tpu.memory_space<vmem>> -> memref<80xi32, #tpu.memory_space<vmem>>
    %dma_start3A_295 = arith.constant 0 : i32
    %dma_start3A_296 = arith.constant 0 : i32
    %dma_start3A_297 = tpu.memref_slice %arg7[%dma_start3A_295, %dma_start3A_296] : memref<10000x128xf32, #tpu.memory_space<vmem_shared>> -> memref<10000x128xf32, #tpu.memory_space<vmem_shared>>
    tpu.enqueue_indirect_dma source(%dma_start3A_291 : memref<80x128xf32, #tpu.memory_space<vmem>>) target(%dma_start3A_297 : memref<10000x128xf32, #tpu.memory_space<vmem_shared>>) offsets(%dma_start3A_294 : memref<80xi32, #tpu.memory_space<vmem>>) semaphore(%arg13 : memref<!tpu.dma_semaphore, #tpu.memory_space<semaphore_mem>>) {add = true}
    %dma_wait3A_298 = arith.constant 0 : i32
    %dma_wait3A_299 = arith.constant 0 : i32
    %dma_wait3A_300 = arith.constant 0 : i32
    %dma_wait3A_301 = arith.constant 0 : i32
    %dma_wait3A_302 = tpu.memref_slice %arg10[%dma_wait3A_298, %dma_wait3A_300, %dma_wait3A_301] : memref<3x80x128xf32, #tpu.memory_space<vmem>> -> memref<1x80x128xf32, #tpu.memory_space<vmem>>
    %dma_wait3A_303 = tpu.memref_squeeze %dma_wait3A_302 : memref<1x80x128xf32, #tpu.memory_space<vmem>> -> memref<80x128xf32, #tpu.memory_space<vmem>>
    %dma_wait3A_304 = arith.constant 0 : i32
    %dma_wait3A_305 = tpu.memref_slice %arg9[%dma_wait3A_299, %dma_wait3A_304] : memref<3x80xi32, #tpu.memory_space<vmem>> -> memref<1x80xi32, #tpu.memory_space<vmem>>
    %dma_wait3A_306 = tpu.memref_squeeze %dma_wait3A_305 : memref<1x80xi32, #tpu.memory_space<vmem>> -> memref<80xi32, #tpu.memory_space<vmem>>
    %dma_wait3A_307 = arith.constant 0 : i32
    %dma_wait3A_308 = arith.constant 0 : i32
    %dma_wait3A_309 = tpu.memref_slice %arg7[%dma_wait3A_307, %dma_wait3A_308] : memref<10000x128xf32, #tpu.memory_space<vmem_shared>> -> memref<10000x128xf32, #tpu.memory_space<vmem_shared>>
    tpu.wait_indirect_dma semaphore(%arg12 : memref<!tpu.dma_semaphore, #tpu.memory_space<semaphore_mem>>) src(%dma_wait3A_303 : memref<80x128xf32, #tpu.memory_space<vmem>>) dst(%dma_wait3A_309 : memref<10000x128xf32, #tpu.memory_space<vmem_shared>>)
    %dma_start3A_310 = arith.constant 123 : i32
    %dma_start3A_311 = arith.constant 0 : i32
    %dma_start3A_312 = arith.constant 0 : i32
    %dma_start3A_313 = tpu.memref_slice %arg8[%dma_start3A_311, %dma_start3A_312] : memref<3x80xi32, #tpu.memory_space<vmem>> -> memref<1x80xi32, #tpu.memory_space<vmem>>
    %dma_start3A_314 = tpu.memref_squeeze %dma_start3A_313 : memref<1x80xi32, #tpu.memory_space<vmem>> -> memref<80xi32, #tpu.memory_space<vmem>>
    %dma_start3A_315 = arith.constant 0 : i32
    %dma_start3A_316 = arith.constant 0 : i32
    %dma_start3A_317 = tpu.memref_slice %arg2[%add3A, %dma_start3A_315, %dma_start3A_316] : memref<32x125x80xi32, #tpu.memory_space<hbm>> -> memref<1x125x80xi32, #tpu.memory_space<hbm>>
    %dma_start3A_318 = tpu.memref_squeeze %dma_start3A_317 : memref<1x125x80xi32, #tpu.memory_space<hbm>> -> memref<125x80xi32, #tpu.memory_space<hbm>>
    %dma_start3A_319 = arith.constant 0 : i32
    %dma_start3A_320 = tpu.memref_slice %dma_start3A_318[%dma_start3A_310, %dma_start3A_319] : memref<125x80xi32, #tpu.memory_space<hbm>> -> memref<1x80xi32, #tpu.memory_space<hbm>>
    %dma_start3A_321 = tpu.memref_squeeze %dma_start3A_320 : memref<1x80xi32, #tpu.memory_space<hbm>> -> memref<80xi32, #tpu.memory_space<hbm>>
    %dma_start3A_322 = arith.constant 0 : i32
    %dma_start3A_323 = tpu.memref_slice %arg8[%dma_start3A_311, %dma_start3A_322] : memref<3x80xi32, #tpu.memory_space<vmem>> -> memref<1x80xi32, #tpu.memory_space<vmem>>
    %dma_start3A_324 = tpu.memref_squeeze %dma_start3A_323 : memref<1x80xi32, #tpu.memory_space<vmem>> -> memref<80xi32, #tpu.memory_space<vmem>>
    %dma_start3A_325 = arith.constant 0 : i32
    %dma_start3A_326 = arith.constant 0 : i32
    %dma_start3A_327 = tpu.memref_slice %arg2[%add3A, %dma_start3A_325, %dma_start3A_326] : memref<32x125x80xi32, #tpu.memory_space<hbm>> -> memref<1x125x80xi32, #tpu.memory_space<hbm>>
    %dma_start3A_328 = tpu.memref_squeeze %dma_start3A_327 : memref<1x125x80xi32, #tpu.memory_space<hbm>> -> memref<125x80xi32, #tpu.memory_space<hbm>>
    %dma_start3A_329 = arith.constant 0 : i32
    %dma_start3A_330 = tpu.memref_slice %dma_start3A_328[%dma_start3A_310, %dma_start3A_329] : memref<125x80xi32, #tpu.memory_space<hbm>> -> memref<1x80xi32, #tpu.memory_space<hbm>>
    %dma_start3A_331 = tpu.memref_squeeze %dma_start3A_330 : memref<1x80xi32, #tpu.memory_space<hbm>> -> memref<80xi32, #tpu.memory_space<hbm>>
    tpu.enqueue_dma source(%dma_start3A_331 : memref<80xi32, #tpu.memory_space<hbm>>) target(%dma_start3A_324 : memref<80xi32, #tpu.memory_space<vmem>>) target_semaphore(%arg15 : memref<!tpu.dma_semaphore, #tpu.memory_space<semaphore_mem>>)
    %dma_start3A_332 = arith.constant 123 : i32
    %dma_start3A_333 = arith.constant 0 : i32
    %dma_start3A_334 = arith.constant 0 : i32
    %dma_start3A_335 = tpu.memref_slice %arg9[%dma_start3A_333, %dma_start3A_334] : memref<3x80xi32, #tpu.memory_space<vmem>> -> memref<1x80xi32, #tpu.memory_space<vmem>>
    %dma_start3A_336 = tpu.memref_squeeze %dma_start3A_335 : memref<1x80xi32, #tpu.memory_space<vmem>> -> memref<80xi32, #tpu.memory_space<vmem>>
    %dma_start3A_337 = arith.constant 0 : i32
    %dma_start3A_338 = arith.constant 0 : i32
    %dma_start3A_339 = tpu.memref_slice %arg3[%add3A, %dma_start3A_337, %dma_start3A_338] : memref<32x125x80xi32, #tpu.memory_space<hbm>> -> memref<1x125x80xi32, #tpu.memory_space<hbm>>
    %dma_start3A_340 = tpu.memref_squeeze %dma_start3A_339 : memref<1x125x80xi32, #tpu.memory_space<hbm>> -> memref<125x80xi32, #tpu.memory_space<hbm>>
    %dma_start3A_341 = arith.constant 0 : i32
    %dma_start3A_342 = tpu.memref_slice %dma_start3A_340[%dma_start3A_332, %dma_start3A_341] : memref<125x80xi32, #tpu.memory_space<hbm>> -> memref<1x80xi32, #tpu.memory_space<hbm>>
    %dma_start3A_343 = tpu.memref_squeeze %dma_start3A_342 : memref<1x80xi32, #tpu.memory_space<hbm>> -> memref<80xi32, #tpu.memory_space<hbm>>
    %dma_start3A_344 = arith.constant 0 : i32
    %dma_start3A_345 = tpu.memref_slice %arg9[%dma_start3A_333, %dma_start3A_344] : memref<3x80xi32, #tpu.memory_space<vmem>> -> memref<1x80xi32, #tpu.memory_space<vmem>>
    %dma_start3A_346 = tpu.memref_squeeze %dma_start3A_345 : memref<1x80xi32, #tpu.memory_space<vmem>> -> memref<80xi32, #tpu.memory_space<vmem>>
    %dma_start3A_347 = arith.constant 0 : i32
    %dma_start3A_348 = arith.constant 0 : i32
    %dma_start3A_349 = tpu.memref_slice %arg3[%add3A, %dma_start3A_347, %dma_start3A_348] : memref<32x125x80xi32, #tpu.memory_space<hbm>> -> memref<1x125x80xi32, #tpu.memory_space<hbm>>
    %dma_start3A_350 = tpu.memref_squeeze %dma_start3A_349 : memref<1x125x80xi32, #tpu.memory_space<hbm>> -> memref<125x80xi32, #tpu.memory_space<hbm>>
    %dma_start3A_351 = arith.constant 0 : i32
    %dma_start3A_352 = tpu.memref_slice %dma_start3A_350[%dma_start3A_332, %dma_start3A_351] : memref<125x80xi32, #tpu.memory_space<hbm>> -> memref<1x80xi32, #tpu.memory_space<hbm>>
    %dma_start3A_353 = tpu.memref_squeeze %dma_start3A_352 : memref<1x80xi32, #tpu.memory_space<hbm>> -> memref<80xi32, #tpu.memory_space<hbm>>
    tpu.enqueue_dma source(%dma_start3A_353 : memref<80xi32, #tpu.memory_space<hbm>>) target(%dma_start3A_346 : memref<80xi32, #tpu.memory_space<vmem>>) target_semaphore(%arg15 : memref<!tpu.dma_semaphore, #tpu.memory_space<semaphore_mem>>)
    %dma_wait3A_354 = arith.constant 122 : i32
    %dma_wait3A_355 = arith.constant 2 : i32
    %dma_wait3A_356 = arith.constant 0 : i32
    %dma_wait3A_357 = tpu.memref_slice %arg8[%dma_wait3A_355, %dma_wait3A_356] : memref<3x80xi32, #tpu.memory_space<vmem>> -> memref<1x80xi32, #tpu.memory_space<vmem>>
    %dma_wait3A_358 = tpu.memref_squeeze %dma_wait3A_357 : memref<1x80xi32, #tpu.memory_space<vmem>> -> memref<80xi32, #tpu.memory_space<vmem>>
    %dma_wait3A_359 = arith.constant 0 : i32
    %dma_wait3A_360 = arith.constant 0 : i32
    %dma_wait3A_361 = tpu.memref_slice %arg2[%add3A, %dma_wait3A_359, %dma_wait3A_360] : memref<32x125x80xi32, #tpu.memory_space<hbm>> -> memref<1x125x80xi32, #tpu.memory_space<hbm>>
    %dma_wait3A_362 = tpu.memref_squeeze %dma_wait3A_361 : memref<1x125x80xi32, #tpu.memory_space<hbm>> -> memref<125x80xi32, #tpu.memory_space<hbm>>
    %dma_wait3A_363 = arith.constant 0 : i32
    %dma_wait3A_364 = tpu.memref_slice %dma_wait3A_362[%dma_wait3A_354, %dma_wait3A_363] : memref<125x80xi32, #tpu.memory_space<hbm>> -> memref<1x80xi32, #tpu.memory_space<hbm>>
    %dma_wait3A_365 = tpu.memref_squeeze %dma_wait3A_364 : memref<1x80xi32, #tpu.memory_space<hbm>> -> memref<80xi32, #tpu.memory_space<hbm>>
    %dma_wait3A_366 = arith.constant 0 : i32
    %dma_wait3A_367 = tpu.memref_slice %arg8[%dma_wait3A_355, %dma_wait3A_366] : memref<3x80xi32, #tpu.memory_space<vmem>> -> memref<1x80xi32, #tpu.memory_space<vmem>>
    %dma_wait3A_368 = tpu.memref_squeeze %dma_wait3A_367 : memref<1x80xi32, #tpu.memory_space<vmem>> -> memref<80xi32, #tpu.memory_space<vmem>>
    %dma_wait3A_369 = arith.constant 0 : i32
    %dma_wait3A_370 = arith.constant 0 : i32
    %dma_wait3A_371 = tpu.memref_slice %arg2[%add3A, %dma_wait3A_369, %dma_wait3A_370] : memref<32x125x80xi32, #tpu.memory_space<hbm>> -> memref<1x125x80xi32, #tpu.memory_space<hbm>>
    %dma_wait3A_372 = tpu.memref_squeeze %dma_wait3A_371 : memref<1x125x80xi32, #tpu.memory_space<hbm>> -> memref<125x80xi32, #tpu.memory_space<hbm>>
    %dma_wait3A_373 = arith.constant 0 : i32
    %dma_wait3A_374 = tpu.memref_slice %dma_wait3A_372[%dma_wait3A_354, %dma_wait3A_373] : memref<125x80xi32, #tpu.memory_space<hbm>> -> memref<1x80xi32, #tpu.memory_space<hbm>>
    %dma_wait3A_375 = tpu.memref_squeeze %dma_wait3A_374 : memref<1x80xi32, #tpu.memory_space<hbm>> -> memref<80xi32, #tpu.memory_space<hbm>>
    tpu.wait_dma2 semaphore(%arg17 : memref<!tpu.dma_semaphore, #tpu.memory_space<semaphore_mem>>) src(%dma_wait3A_375 : memref<80xi32, #tpu.memory_space<hbm>>) dst(%dma_wait3A_368 : memref<80xi32, #tpu.memory_space<vmem>>)
    %dma_wait3A_376 = arith.constant 122 : i32
    %dma_wait3A_377 = arith.constant 2 : i32
    %dma_wait3A_378 = arith.constant 0 : i32
    %dma_wait3A_379 = tpu.memref_slice %arg9[%dma_wait3A_377, %dma_wait3A_378] : memref<3x80xi32, #tpu.memory_space<vmem>> -> memref<1x80xi32, #tpu.memory_space<vmem>>
    %dma_wait3A_380 = tpu.memref_squeeze %dma_wait3A_379 : memref<1x80xi32, #tpu.memory_space<vmem>> -> memref<80xi32, #tpu.memory_space<vmem>>
    %dma_wait3A_381 = arith.constant 0 : i32
    %dma_wait3A_382 = arith.constant 0 : i32
    %dma_wait3A_383 = tpu.memref_slice %arg3[%add3A, %dma_wait3A_381, %dma_wait3A_382] : memref<32x125x80xi32, #tpu.memory_space<hbm>> -> memref<1x125x80xi32, #tpu.memory_space<hbm>>
    %dma_wait3A_384 = tpu.memref_squeeze %dma_wait3A_383 : memref<1x125x80xi32, #tpu.memory_space<hbm>> -> memref<125x80xi32, #tpu.memory_space<hbm>>
    %dma_wait3A_385 = arith.constant 0 : i32
    %dma_wait3A_386 = tpu.memref_slice %dma_wait3A_384[%dma_wait3A_376, %dma_wait3A_385] : memref<125x80xi32, #tpu.memory_space<hbm>> -> memref<1x80xi32, #tpu.memory_space<hbm>>
    %dma_wait3A_387 = tpu.memref_squeeze %dma_wait3A_386 : memref<1x80xi32, #tpu.memory_space<hbm>> -> memref<80xi32, #tpu.memory_space<hbm>>
    %dma_wait3A_388 = arith.constant 0 : i32
    %dma_wait3A_389 = tpu.memref_slice %arg9[%dma_wait3A_377, %dma_wait3A_388] : memref<3x80xi32, #tpu.memory_space<vmem>> -> memref<1x80xi32, #tpu.memory_space<vmem>>
    %dma_wait3A_390 = tpu.memref_squeeze %dma_wait3A_389 : memref<1x80xi32, #tpu.memory_space<vmem>> -> memref<80xi32, #tpu.memory_space<vmem>>
    %dma_wait3A_391 = arith.constant 0 : i32
    %dma_wait3A_392 = arith.constant 0 : i32
    %dma_wait3A_393 = tpu.memref_slice %arg3[%add3A, %dma_wait3A_391, %dma_wait3A_392] : memref<32x125x80xi32, #tpu.memory_space<hbm>> -> memref<1x125x80xi32, #tpu.memory_space<hbm>>
    %dma_wait3A_394 = tpu.memref_squeeze %dma_wait3A_393 : memref<1x125x80xi32, #tpu.memory_space<hbm>> -> memref<125x80xi32, #tpu.memory_space<hbm>>
    %dma_wait3A_395 = arith.constant 0 : i32
    %dma_wait3A_396 = tpu.memref_slice %dma_wait3A_394[%dma_wait3A_376, %dma_wait3A_395] : memref<125x80xi32, #tpu.memory_space<hbm>> -> memref<1x80xi32, #tpu.memory_space<hbm>>
    %dma_wait3A_397 = tpu.memref_squeeze %dma_wait3A_396 : memref<1x80xi32, #tpu.memory_space<hbm>> -> memref<80xi32, #tpu.memory_space<hbm>>
    tpu.wait_dma2 semaphore(%arg17 : memref<!tpu.dma_semaphore, #tpu.memory_space<semaphore_mem>>) src(%dma_wait3A_397 : memref<80xi32, #tpu.memory_space<hbm>>) dst(%dma_wait3A_390 : memref<80xi32, #tpu.memory_space<vmem>>)
    %dma_start3A_398 = arith.constant 2 : i32
    %dma_start3A_399 = arith.constant 2 : i32
    %dma_start3A_400 = arith.constant 0 : i32
    %dma_start3A_401 = arith.constant 0 : i32
    %dma_start3A_402 = tpu.memref_slice %arg10[%dma_start3A_399, %dma_start3A_400, %dma_start3A_401] : memref<3x80x128xf32, #tpu.memory_space<vmem>> -> memref<1x80x128xf32, #tpu.memory_space<vmem>>
    %dma_start3A_403 = tpu.memref_squeeze %dma_start3A_402 : memref<1x80x128xf32, #tpu.memory_space<vmem>> -> memref<80x128xf32, #tpu.memory_space<vmem>>
    %dma_start3A_404 = arith.constant 0 : i32
    %dma_start3A_405 = tpu.memref_slice %arg8[%dma_start3A_398, %dma_start3A_404] : memref<3x80xi32, #tpu.memory_space<vmem>> -> memref<1x80xi32, #tpu.memory_space<vmem>>
    %dma_start3A_406 = tpu.memref_squeeze %dma_start3A_405 : memref<1x80xi32, #tpu.memory_space<vmem>> -> memref<80xi32, #tpu.memory_space<vmem>>
    %dma_start3A_407 = arith.constant 0 : i32
    %dma_start3A_408 = arith.constant 0 : i32
    %dma_start3A_409 = tpu.memref_slice %arg4[%dma_start3A_407, %dma_start3A_408] : memref<10000x128xf32, #tpu.memory_space<hbm>> -> memref<10000x128xf32, #tpu.memory_space<hbm>>
    tpu.enqueue_indirect_dma source(%dma_start3A_409 : memref<10000x128xf32, #tpu.memory_space<hbm>>) target(%dma_start3A_403 : memref<80x128xf32, #tpu.memory_space<vmem>>) offsets(%dma_start3A_406 : memref<80xi32, #tpu.memory_space<vmem>>) semaphore(%arg11 : memref<!tpu.dma_semaphore, #tpu.memory_space<semaphore_mem>>)
    %dma_wait3A_410 = arith.constant 2 : i32
    %dma_wait3A_411 = arith.constant 2 : i32
    %dma_wait3A_412 = arith.constant 0 : i32
    %dma_wait3A_413 = arith.constant 0 : i32
    %dma_wait3A_414 = tpu.memref_slice %arg10[%dma_wait3A_411, %dma_wait3A_412, %dma_wait3A_413] : memref<3x80x128xf32, #tpu.memory_space<vmem>> -> memref<1x80x128xf32, #tpu.memory_space<vmem>>
    %dma_wait3A_415 = tpu.memref_squeeze %dma_wait3A_414 : memref<1x80x128xf32, #tpu.memory_space<vmem>> -> memref<80x128xf32, #tpu.memory_space<vmem>>
    %dma_wait3A_416 = arith.constant 0 : i32
    %dma_wait3A_417 = tpu.memref_slice %arg8[%dma_wait3A_410, %dma_wait3A_416] : memref<3x80xi32, #tpu.memory_space<vmem>> -> memref<1x80xi32, #tpu.memory_space<vmem>>
    %dma_wait3A_418 = tpu.memref_squeeze %dma_wait3A_417 : memref<1x80xi32, #tpu.memory_space<vmem>> -> memref<80xi32, #tpu.memory_space<vmem>>
    %dma_wait3A_419 = arith.constant 0 : i32
    %dma_wait3A_420 = arith.constant 0 : i32
    %dma_wait3A_421 = tpu.memref_slice %arg4[%dma_wait3A_419, %dma_wait3A_420] : memref<10000x128xf32, #tpu.memory_space<hbm>> -> memref<10000x128xf32, #tpu.memory_space<hbm>>
    tpu.wait_indirect_dma semaphore(%arg11 : memref<!tpu.dma_semaphore, #tpu.memory_space<semaphore_mem>>) src(%dma_wait3A_421 : memref<10000x128xf32, #tpu.memory_space<hbm>>) dst(%dma_wait3A_415 : memref<80x128xf32, #tpu.memory_space<vmem>>)
    %dma_start3A_422 = arith.constant 2 : i32
    %dma_start3A_423 = arith.constant 2 : i32
    %dma_start3A_424 = arith.constant 0 : i32
    %dma_start3A_425 = arith.constant 0 : i32
    %dma_start3A_426 = tpu.memref_slice %arg10[%dma_start3A_422, %dma_start3A_424, %dma_start3A_425] : memref<3x80x128xf32, #tpu.memory_space<vmem>> -> memref<1x80x128xf32, #tpu.memory_space<vmem>>
    %dma_start3A_427 = tpu.memref_squeeze %dma_start3A_426 : memref<1x80x128xf32, #tpu.memory_space<vmem>> -> memref<80x128xf32, #tpu.memory_space<vmem>>
    %dma_start3A_428 = arith.constant 0 : i32
    %dma_start3A_429 = tpu.memref_slice %arg9[%dma_start3A_423, %dma_start3A_428] : memref<3x80xi32, #tpu.memory_space<vmem>> -> memref<1x80xi32, #tpu.memory_space<vmem>>
    %dma_start3A_430 = tpu.memref_squeeze %dma_start3A_429 : memref<1x80xi32, #tpu.memory_space<vmem>> -> memref<80xi32, #tpu.memory_space<vmem>>
    %dma_start3A_431 = arith.constant 0 : i32
    %dma_start3A_432 = arith.constant 0 : i32
    %dma_start3A_433 = tpu.memref_slice %arg7[%dma_start3A_431, %dma_start3A_432] : memref<10000x128xf32, #tpu.memory_space<vmem_shared>> -> memref<10000x128xf32, #tpu.memory_space<vmem_shared>>
    tpu.enqueue_indirect_dma source(%dma_start3A_427 : memref<80x128xf32, #tpu.memory_space<vmem>>) target(%dma_start3A_433 : memref<10000x128xf32, #tpu.memory_space<vmem_shared>>) offsets(%dma_start3A_430 : memref<80xi32, #tpu.memory_space<vmem>>) semaphore(%arg14 : memref<!tpu.dma_semaphore, #tpu.memory_space<semaphore_mem>>) {add = true}
    %dma_wait3A_434 = arith.constant 1 : i32
    %dma_wait3A_435 = arith.constant 1 : i32
    %dma_wait3A_436 = arith.constant 0 : i32
    %dma_wait3A_437 = arith.constant 0 : i32
    %dma_wait3A_438 = tpu.memref_slice %arg10[%dma_wait3A_434, %dma_wait3A_436, %dma_wait3A_437] : memref<3x80x128xf32, #tpu.memory_space<vmem>> -> memref<1x80x128xf32, #tpu.memory_space<vmem>>
    %dma_wait3A_439 = tpu.memref_squeeze %dma_wait3A_438 : memref<1x80x128xf32, #tpu.memory_space<vmem>> -> memref<80x128xf32, #tpu.memory_space<vmem>>
    %dma_wait3A_440 = arith.constant 0 : i32
    %dma_wait3A_441 = tpu.memref_slice %arg9[%dma_wait3A_435, %dma_wait3A_440] : memref<3x80xi32, #tpu.memory_space<vmem>> -> memref<1x80xi32, #tpu.memory_space<vmem>>
    %dma_wait3A_442 = tpu.memref_squeeze %dma_wait3A_441 : memref<1x80xi32, #tpu.memory_space<vmem>> -> memref<80xi32, #tpu.memory_space<vmem>>
    %dma_wait3A_443 = arith.constant 0 : i32
    %dma_wait3A_444 = arith.constant 0 : i32
    %dma_wait3A_445 = tpu.memref_slice %arg7[%dma_wait3A_443, %dma_wait3A_444] : memref<10000x128xf32, #tpu.memory_space<vmem_shared>> -> memref<10000x128xf32, #tpu.memory_space<vmem_shared>>
    tpu.wait_indirect_dma semaphore(%arg13 : memref<!tpu.dma_semaphore, #tpu.memory_space<semaphore_mem>>) src(%dma_wait3A_439 : memref<80x128xf32, #tpu.memory_space<vmem>>) dst(%dma_wait3A_445 : memref<10000x128xf32, #tpu.memory_space<vmem_shared>>)
    %dma_start3A_446 = arith.constant 124 : i32
    %dma_start3A_447 = arith.constant 1 : i32
    %dma_start3A_448 = arith.constant 0 : i32
    %dma_start3A_449 = tpu.memref_slice %arg8[%dma_start3A_447, %dma_start3A_448] : memref<3x80xi32, #tpu.memory_space<vmem>> -> memref<1x80xi32, #tpu.memory_space<vmem>>
    %dma_start3A_450 = tpu.memref_squeeze %dma_start3A_449 : memref<1x80xi32, #tpu.memory_space<vmem>> -> memref<80xi32, #tpu.memory_space<vmem>>
    %dma_start3A_451 = arith.constant 0 : i32
    %dma_start3A_452 = arith.constant 0 : i32
    %dma_start3A_453 = tpu.memref_slice %arg2[%add3A, %dma_start3A_451, %dma_start3A_452] : memref<32x125x80xi32, #tpu.memory_space<hbm>> -> memref<1x125x80xi32, #tpu.memory_space<hbm>>
    %dma_start3A_454 = tpu.memref_squeeze %dma_start3A_453 : memref<1x125x80xi32, #tpu.memory_space<hbm>> -> memref<125x80xi32, #tpu.memory_space<hbm>>
    %dma_start3A_455 = arith.constant 0 : i32
    %dma_start3A_456 = tpu.memref_slice %dma_start3A_454[%dma_start3A_446, %dma_start3A_455] : memref<125x80xi32, #tpu.memory_space<hbm>> -> memref<1x80xi32, #tpu.memory_space<hbm>>
    %dma_start3A_457 = tpu.memref_squeeze %dma_start3A_456 : memref<1x80xi32, #tpu.memory_space<hbm>> -> memref<80xi32, #tpu.memory_space<hbm>>
    %dma_start3A_458 = arith.constant 0 : i32
    %dma_start3A_459 = tpu.memref_slice %arg8[%dma_start3A_447, %dma_start3A_458] : memref<3x80xi32, #tpu.memory_space<vmem>> -> memref<1x80xi32, #tpu.memory_space<vmem>>
    %dma_start3A_460 = tpu.memref_squeeze %dma_start3A_459 : memref<1x80xi32, #tpu.memory_space<vmem>> -> memref<80xi32, #tpu.memory_space<vmem>>
    %dma_start3A_461 = arith.constant 0 : i32
    %dma_start3A_462 = arith.constant 0 : i32
    %dma_start3A_463 = tpu.memref_slice %arg2[%add3A, %dma_start3A_461, %dma_start3A_462] : memref<32x125x80xi32, #tpu.memory_space<hbm>> -> memref<1x125x80xi32, #tpu.memory_space<hbm>>
    %dma_start3A_464 = tpu.memref_squeeze %dma_start3A_463 : memref<1x125x80xi32, #tpu.memory_space<hbm>> -> memref<125x80xi32, #tpu.memory_space<hbm>>
    %dma_start3A_465 = arith.constant 0 : i32
    %dma_start3A_466 = tpu.memref_slice %dma_start3A_464[%dma_start3A_446, %dma_start3A_465] : memref<125x80xi32, #tpu.memory_space<hbm>> -> memref<1x80xi32, #tpu.memory_space<hbm>>
    %dma_start3A_467 = tpu.memref_squeeze %dma_start3A_466 : memref<1x80xi32, #tpu.memory_space<hbm>> -> memref<80xi32, #tpu.memory_space<hbm>>
    tpu.enqueue_dma source(%dma_start3A_467 : memref<80xi32, #tpu.memory_space<hbm>>) target(%dma_start3A_460 : memref<80xi32, #tpu.memory_space<vmem>>) target_semaphore(%arg16 : memref<!tpu.dma_semaphore, #tpu.memory_space<semaphore_mem>>)
    %dma_start3A_468 = arith.constant 124 : i32
    %dma_start3A_469 = arith.constant 1 : i32
    %dma_start3A_470 = arith.constant 0 : i32
    %dma_start3A_471 = tpu.memref_slice %arg9[%dma_start3A_469, %dma_start3A_470] : memref<3x80xi32, #tpu.memory_space<vmem>> -> memref<1x80xi32, #tpu.memory_space<vmem>>
    %dma_start3A_472 = tpu.memref_squeeze %dma_start3A_471 : memref<1x80xi32, #tpu.memory_space<vmem>> -> memref<80xi32, #tpu.memory_space<vmem>>
    %dma_start3A_473 = arith.constant 0 : i32
    %dma_start3A_474 = arith.constant 0 : i32
    %dma_start3A_475 = tpu.memref_slice %arg3[%add3A, %dma_start3A_473, %dma_start3A_474] : memref<32x125x80xi32, #tpu.memory_space<hbm>> -> memref<1x125x80xi32, #tpu.memory_space<hbm>>
    %dma_start3A_476 = tpu.memref_squeeze %dma_start3A_475 : memref<1x125x80xi32, #tpu.memory_space<hbm>> -> memref<125x80xi32, #tpu.memory_space<hbm>>
    %dma_start3A_477 = arith.constant 0 : i32
    %dma_start3A_478 = tpu.memref_slice %dma_start3A_476[%dma_start3A_468, %dma_start3A_477] : memref<125x80xi32, #tpu.memory_space<hbm>> -> memref<1x80xi32, #tpu.memory_space<hbm>>
    %dma_start3A_479 = tpu.memref_squeeze %dma_start3A_478 : memref<1x80xi32, #tpu.memory_space<hbm>> -> memref<80xi32, #tpu.memory_space<hbm>>
    %dma_start3A_480 = arith.constant 0 : i32
    %dma_start3A_481 = tpu.memref_slice %arg9[%dma_start3A_469, %dma_start3A_480] : memref<3x80xi32, #tpu.memory_space<vmem>> -> memref<1x80xi32, #tpu.memory_space<vmem>>
    %dma_start3A_482 = tpu.memref_squeeze %dma_start3A_481 : memref<1x80xi32, #tpu.memory_space<vmem>> -> memref<80xi32, #tpu.memory_space<vmem>>
    %dma_start3A_483 = arith.constant 0 : i32
    %dma_start3A_484 = arith.constant 0 : i32
    %dma_start3A_485 = tpu.memref_slice %arg3[%add3A, %dma_start3A_483, %dma_start3A_484] : memref<32x125x80xi32, #tpu.memory_space<hbm>> -> memref<1x125x80xi32, #tpu.memory_space<hbm>>
    %dma_start3A_486 = tpu.memref_squeeze %dma_start3A_485 : memref<1x125x80xi32, #tpu.memory_space<hbm>> -> memref<125x80xi32, #tpu.memory_space<hbm>>
    %dma_start3A_487 = arith.constant 0 : i32
    %dma_start3A_488 = tpu.memref_slice %dma_start3A_486[%dma_start3A_468, %dma_start3A_487] : memref<125x80xi32, #tpu.memory_space<hbm>> -> memref<1x80xi32, #tpu.memory_space<hbm>>
    %dma_start3A_489 = tpu.memref_squeeze %dma_start3A_488 : memref<1x80xi32, #tpu.memory_space<hbm>> -> memref<80xi32, #tpu.memory_space<hbm>>
    tpu.enqueue_dma source(%dma_start3A_489 : memref<80xi32, #tpu.memory_space<hbm>>) target(%dma_start3A_482 : memref<80xi32, #tpu.memory_space<vmem>>) target_semaphore(%arg16 : memref<!tpu.dma_semaphore, #tpu.memory_space<semaphore_mem>>)
    %dma_wait3A_490 = arith.constant 123 : i32
    %dma_wait3A_491 = arith.constant 0 : i32
    %dma_wait3A_492 = arith.constant 0 : i32
    %dma_wait3A_493 = tpu.memref_slice %arg8[%dma_wait3A_491, %dma_wait3A_492] : memref<3x80xi32, #tpu.memory_space<vmem>> -> memref<1x80xi32, #tpu.memory_space<vmem>>
    %dma_wait3A_494 = tpu.memref_squeeze %dma_wait3A_493 : memref<1x80xi32, #tpu.memory_space<vmem>> -> memref<80xi32, #tpu.memory_space<vmem>>
    %dma_wait3A_495 = arith.constant 0 : i32
    %dma_wait3A_496 = arith.constant 0 : i32
    %dma_wait3A_497 = tpu.memref_slice %arg2[%add3A, %dma_wait3A_495, %dma_wait3A_496] : memref<32x125x80xi32, #tpu.memory_space<hbm>> -> memref<1x125x80xi32, #tpu.memory_space<hbm>>
    %dma_wait3A_498 = tpu.memref_squeeze %dma_wait3A_497 : memref<1x125x80xi32, #tpu.memory_space<hbm>> -> memref<125x80xi32, #tpu.memory_space<hbm>>
    %dma_wait3A_499 = arith.constant 0 : i32
    %dma_wait3A_500 = tpu.memref_slice %dma_wait3A_498[%dma_wait3A_490, %dma_wait3A_499] : memref<125x80xi32, #tpu.memory_space<hbm>> -> memref<1x80xi32, #tpu.memory_space<hbm>>
    %dma_wait3A_501 = tpu.memref_squeeze %dma_wait3A_500 : memref<1x80xi32, #tpu.memory_space<hbm>> -> memref<80xi32, #tpu.memory_space<hbm>>
    %dma_wait3A_502 = arith.constant 0 : i32
    %dma_wait3A_503 = tpu.memref_slice %arg8[%dma_wait3A_491, %dma_wait3A_502] : memref<3x80xi32, #tpu.memory_space<vmem>> -> memref<1x80xi32, #tpu.memory_space<vmem>>
    %dma_wait3A_504 = tpu.memref_squeeze %dma_wait3A_503 : memref<1x80xi32, #tpu.memory_space<vmem>> -> memref<80xi32, #tpu.memory_space<vmem>>
    %dma_wait3A_505 = arith.constant 0 : i32
    %dma_wait3A_506 = arith.constant 0 : i32
    %dma_wait3A_507 = tpu.memref_slice %arg2[%add3A, %dma_wait3A_505, %dma_wait3A_506] : memref<32x125x80xi32, #tpu.memory_space<hbm>> -> memref<1x125x80xi32, #tpu.memory_space<hbm>>
    %dma_wait3A_508 = tpu.memref_squeeze %dma_wait3A_507 : memref<1x125x80xi32, #tpu.memory_space<hbm>> -> memref<125x80xi32, #tpu.memory_space<hbm>>
    %dma_wait3A_509 = arith.constant 0 : i32
    %dma_wait3A_510 = tpu.memref_slice %dma_wait3A_508[%dma_wait3A_490, %dma_wait3A_509] : memref<125x80xi32, #tpu.memory_space<hbm>> -> memref<1x80xi32, #tpu.memory_space<hbm>>
    %dma_wait3A_511 = tpu.memref_squeeze %dma_wait3A_510 : memref<1x80xi32, #tpu.memory_space<hbm>> -> memref<80xi32, #tpu.memory_space<hbm>>
    tpu.wait_dma2 semaphore(%arg15 : memref<!tpu.dma_semaphore, #tpu.memory_space<semaphore_mem>>) src(%dma_wait3A_511 : memref<80xi32, #tpu.memory_space<hbm>>) dst(%dma_wait3A_504 : memref<80xi32, #tpu.memory_space<vmem>>)
    %dma_wait3A_512 = arith.constant 123 : i32
    %dma_wait3A_513 = arith.constant 0 : i32
    %dma_wait3A_514 = arith.constant 0 : i32
    %dma_wait3A_515 = tpu.memref_slice %arg9[%dma_wait3A_513, %dma_wait3A_514] : memref<3x80xi32, #tpu.memory_space<vmem>> -> memref<1x80xi32, #tpu.memory_space<vmem>>
    %dma_wait3A_516 = tpu.memref_squeeze %dma_wait3A_515 : memref<1x80xi32, #tpu.memory_space<vmem>> -> memref<80xi32, #tpu.memory_space<vmem>>
    %dma_wait3A_517 = arith.constant 0 : i32
    %dma_wait3A_518 = arith.constant 0 : i32
    %dma_wait3A_519 = tpu.memref_slice %arg3[%add3A, %dma_wait3A_517, %dma_wait3A_518] : memref<32x125x80xi32, #tpu.memory_space<hbm>> -> memref<1x125x80xi32, #tpu.memory_space<hbm>>
    %dma_wait3A_520 = tpu.memref_squeeze %dma_wait3A_519 : memref<1x125x80xi32, #tpu.memory_space<hbm>> -> memref<125x80xi32, #tpu.memory_space<hbm>>
    %dma_wait3A_521 = arith.constant 0 : i32
    %dma_wait3A_522 = tpu.memref_slice %dma_wait3A_520[%dma_wait3A_512, %dma_wait3A_521] : memref<125x80xi32, #tpu.memory_space<hbm>> -> memref<1x80xi32, #tpu.memory_space<hbm>>
    %dma_wait3A_523 = tpu.memref_squeeze %dma_wait3A_522 : memref<1x80xi32, #tpu.memory_space<hbm>> -> memref<80xi32, #tpu.memory_space<hbm>>
    %dma_wait3A_524 = arith.constant 0 : i32
    %dma_wait3A_525 = tpu.memref_slice %arg9[%dma_wait3A_513, %dma_wait3A_524] : memref<3x80xi32, #tpu.memory_space<vmem>> -> memref<1x80xi32, #tpu.memory_space<vmem>>
    %dma_wait3A_526 = tpu.memref_squeeze %dma_wait3A_525 : memref<1x80xi32, #tpu.memory_space<vmem>> -> memref<80xi32, #tpu.memory_space<vmem>>
    %dma_wait3A_527 = arith.constant 0 : i32
    %dma_wait3A_528 = arith.constant 0 : i32
    %dma_wait3A_529 = tpu.memref_slice %arg3[%add3A, %dma_wait3A_527, %dma_wait3A_528] : memref<32x125x80xi32, #tpu.memory_space<hbm>> -> memref<1x125x80xi32, #tpu.memory_space<hbm>>
    %dma_wait3A_530 = tpu.memref_squeeze %dma_wait3A_529 : memref<1x125x80xi32, #tpu.memory_space<hbm>> -> memref<125x80xi32, #tpu.memory_space<hbm>>
    %dma_wait3A_531 = arith.constant 0 : i32
    %dma_wait3A_532 = tpu.memref_slice %dma_wait3A_530[%dma_wait3A_512, %dma_wait3A_531] : memref<125x80xi32, #tpu.memory_space<hbm>> -> memref<1x80xi32, #tpu.memory_space<hbm>>
    %dma_wait3A_533 = tpu.memref_squeeze %dma_wait3A_532 : memref<1x80xi32, #tpu.memory_space<hbm>> -> memref<80xi32, #tpu.memory_space<hbm>>
    tpu.wait_dma2 semaphore(%arg15 : memref<!tpu.dma_semaphore, #tpu.memory_space<semaphore_mem>>) src(%dma_wait3A_533 : memref<80xi32, #tpu.memory_space<hbm>>) dst(%dma_wait3A_526 : memref<80xi32, #tpu.memory_space<vmem>>)
    %dma_start3A_534 = arith.constant 0 : i32
    %dma_start3A_535 = arith.constant 0 : i32
    %dma_start3A_536 = arith.constant 0 : i32
    %dma_start3A_537 = arith.constant 0 : i32
    %dma_start3A_538 = tpu.memref_slice %arg10[%dma_start3A_535, %dma_start3A_536, %dma_start3A_537] : memref<3x80x128xf32, #tpu.memory_space<vmem>> -> memref<1x80x128xf32, #tpu.memory_space<vmem>>
    %dma_start3A_539 = tpu.memref_squeeze %dma_start3A_538 : memref<1x80x128xf32, #tpu.memory_space<vmem>> -> memref<80x128xf32, #tpu.memory_space<vmem>>
    %dma_start3A_540 = arith.constant 0 : i32
    %dma_start3A_541 = tpu.memref_slice %arg8[%dma_start3A_534, %dma_start3A_540] : memref<3x80xi32, #tpu.memory_space<vmem>> -> memref<1x80xi32, #tpu.memory_space<vmem>>
    %dma_start3A_542 = tpu.memref_squeeze %dma_start3A_541 : memref<1x80xi32, #tpu.memory_space<vmem>> -> memref<80xi32, #tpu.memory_space<vmem>>
    %dma_start3A_543 = arith.constant 0 : i32
    %dma_start3A_544 = arith.constant 0 : i32
    %dma_start3A_545 = tpu.memref_slice %arg4[%dma_start3A_543, %dma_start3A_544] : memref<10000x128xf32, #tpu.memory_space<hbm>> -> memref<10000x128xf32, #tpu.memory_space<hbm>>
    tpu.enqueue_indirect_dma source(%dma_start3A_545 : memref<10000x128xf32, #tpu.memory_space<hbm>>) target(%dma_start3A_539 : memref<80x128xf32, #tpu.memory_space<vmem>>) offsets(%dma_start3A_542 : memref<80xi32, #tpu.memory_space<vmem>>) semaphore(%arg11 : memref<!tpu.dma_semaphore, #tpu.memory_space<semaphore_mem>>)
    %dma_wait3A_546 = arith.constant 0 : i32
    %dma_wait3A_547 = arith.constant 0 : i32
    %dma_wait3A_548 = arith.constant 0 : i32
    %dma_wait3A_549 = arith.constant 0 : i32
    %dma_wait3A_550 = tpu.memref_slice %arg10[%dma_wait3A_547, %dma_wait3A_548, %dma_wait3A_549] : memref<3x80x128xf32, #tpu.memory_space<vmem>> -> memref<1x80x128xf32, #tpu.memory_space<vmem>>
    %dma_wait3A_551 = tpu.memref_squeeze %dma_wait3A_550 : memref<1x80x128xf32, #tpu.memory_space<vmem>> -> memref<80x128xf32, #tpu.memory_space<vmem>>
    %dma_wait3A_552 = arith.constant 0 : i32
    %dma_wait3A_553 = tpu.memref_slice %arg8[%dma_wait3A_546, %dma_wait3A_552] : memref<3x80xi32, #tpu.memory_space<vmem>> -> memref<1x80xi32, #tpu.memory_space<vmem>>
    %dma_wait3A_554 = tpu.memref_squeeze %dma_wait3A_553 : memref<1x80xi32, #tpu.memory_space<vmem>> -> memref<80xi32, #tpu.memory_space<vmem>>
    %dma_wait3A_555 = arith.constant 0 : i32
    %dma_wait3A_556 = arith.constant 0 : i32
    %dma_wait3A_557 = tpu.memref_slice %arg4[%dma_wait3A_555, %dma_wait3A_556] : memref<10000x128xf32, #tpu.memory_space<hbm>> -> memref<10000x128xf32, #tpu.memory_space<hbm>>
    tpu.wait_indirect_dma semaphore(%arg11 : memref<!tpu.dma_semaphore, #tpu.memory_space<semaphore_mem>>) src(%dma_wait3A_557 : memref<10000x128xf32, #tpu.memory_space<hbm>>) dst(%dma_wait3A_551 : memref<80x128xf32, #tpu.memory_space<vmem>>)
    %dma_start3A_558 = arith.constant 0 : i32
    %dma_start3A_559 = arith.constant 0 : i32
    %dma_start3A_560 = arith.constant 0 : i32
    %dma_start3A_561 = arith.constant 0 : i32
    %dma_start3A_562 = tpu.memref_slice %arg10[%dma_start3A_558, %dma_start3A_560, %dma_start3A_561] : memref<3x80x128xf32, #tpu.memory_space<vmem>> -> memref<1x80x128xf32, #tpu.memory_space<vmem>>
    %dma_start3A_563 = tpu.memref_squeeze %dma_start3A_562 : memref<1x80x128xf32, #tpu.memory_space<vmem>> -> memref<80x128xf32, #tpu.memory_space<vmem>>
    %dma_start3A_564 = arith.constant 0 : i32
    %dma_start3A_565 = tpu.memref_slice %arg9[%dma_start3A_559, %dma_start3A_564] : memref<3x80xi32, #tpu.memory_space<vmem>> -> memref<1x80xi32, #tpu.memory_space<vmem>>
    %dma_start3A_566 = tpu.memref_squeeze %dma_start3A_565 : memref<1x80xi32, #tpu.memory_space<vmem>> -> memref<80xi32, #tpu.memory_space<vmem>>
    %dma_start3A_567 = arith.constant 0 : i32
    %dma_start3A_568 = arith.constant 0 : i32
    %dma_start3A_569 = tpu.memref_slice %arg7[%dma_start3A_567, %dma_start3A_568] : memref<10000x128xf32, #tpu.memory_space<vmem_shared>> -> memref<10000x128xf32, #tpu.memory_space<vmem_shared>>
    tpu.enqueue_indirect_dma source(%dma_start3A_563 : memref<80x128xf32, #tpu.memory_space<vmem>>) target(%dma_start3A_569 : memref<10000x128xf32, #tpu.memory_space<vmem_shared>>) offsets(%dma_start3A_566 : memref<80xi32, #tpu.memory_space<vmem>>) semaphore(%arg12 : memref<!tpu.dma_semaphore, #tpu.memory_space<semaphore_mem>>) {add = true}
    %dma_wait3A_570 = arith.constant 2 : i32
    %dma_wait3A_571 = arith.constant 2 : i32
    %dma_wait3A_572 = arith.constant 0 : i32
    %dma_wait3A_573 = arith.constant 0 : i32
    %dma_wait3A_574 = tpu.memref_slice %arg10[%dma_wait3A_570, %dma_wait3A_572, %dma_wait3A_573] : memref<3x80x128xf32, #tpu.memory_space<vmem>> -> memref<1x80x128xf32, #tpu.memory_space<vmem>>
    %dma_wait3A_575 = tpu.memref_squeeze %dma_wait3A_574 : memref<1x80x128xf32, #tpu.memory_space<vmem>> -> memref<80x128xf32, #tpu.memory_space<vmem>>
    %dma_wait3A_576 = arith.constant 0 : i32
    %dma_wait3A_577 = tpu.memref_slice %arg9[%dma_wait3A_571, %dma_wait3A_576] : memref<3x80xi32, #tpu.memory_space<vmem>> -> memref<1x80xi32, #tpu.memory_space<vmem>>
    %dma_wait3A_578 = tpu.memref_squeeze %dma_wait3A_577 : memref<1x80xi32, #tpu.memory_space<vmem>> -> memref<80xi32, #tpu.memory_space<vmem>>
    %dma_wait3A_579 = arith.constant 0 : i32
    %dma_wait3A_580 = arith.constant 0 : i32
    %dma_wait3A_581 = tpu.memref_slice %arg7[%dma_wait3A_579, %dma_wait3A_580] : memref<10000x128xf32, #tpu.memory_space<vmem_shared>> -> memref<10000x128xf32, #tpu.memory_space<vmem_shared>>
    tpu.wait_indirect_dma semaphore(%arg14 : memref<!tpu.dma_semaphore, #tpu.memory_space<semaphore_mem>>) src(%dma_wait3A_575 : memref<80x128xf32, #tpu.memory_space<vmem>>) dst(%dma_wait3A_581 : memref<10000x128xf32, #tpu.memory_space<vmem_shared>>)
    %dma_wait3A_582 = arith.constant 124 : i32
    %dma_wait3A_583 = arith.constant 1 : i32
    %dma_wait3A_584 = arith.constant 0 : i32
    %dma_wait3A_585 = tpu.memref_slice %arg8[%dma_wait3A_583, %dma_wait3A_584] : memref<3x80xi32, #tpu.memory_space<vmem>> -> memref<1x80xi32, #tpu.memory_space<vmem>>
    %dma_wait3A_586 = tpu.memref_squeeze %dma_wait3A_585 : memref<1x80xi32, #tpu.memory_space<vmem>> -> memref<80xi32, #tpu.memory_space<vmem>>
    %dma_wait3A_587 = arith.constant 0 : i32
    %dma_wait3A_588 = arith.constant 0 : i32
    %dma_wait3A_589 = tpu.memref_slice %arg2[%add3A, %dma_wait3A_587, %dma_wait3A_588] : memref<32x125x80xi32, #tpu.memory_space<hbm>> -> memref<1x125x80xi32, #tpu.memory_space<hbm>>
    %dma_wait3A_590 = tpu.memref_squeeze %dma_wait3A_589 : memref<1x125x80xi32, #tpu.memory_space<hbm>> -> memref<125x80xi32, #tpu.memory_space<hbm>>
    %dma_wait3A_591 = arith.constant 0 : i32
    %dma_wait3A_592 = tpu.memref_slice %dma_wait3A_590[%dma_wait3A_582, %dma_wait3A_591] : memref<125x80xi32, #tpu.memory_space<hbm>> -> memref<1x80xi32, #tpu.memory_space<hbm>>
    %dma_wait3A_593 = tpu.memref_squeeze %dma_wait3A_592 : memref<1x80xi32, #tpu.memory_space<hbm>> -> memref<80xi32, #tpu.memory_space<hbm>>
    %dma_wait3A_594 = arith.constant 0 : i32
    %dma_wait3A_595 = tpu.memref_slice %arg8[%dma_wait3A_583, %dma_wait3A_594] : memref<3x80xi32, #tpu.memory_space<vmem>> -> memref<1x80xi32, #tpu.memory_space<vmem>>
    %dma_wait3A_596 = tpu.memref_squeeze %dma_wait3A_595 : memref<1x80xi32, #tpu.memory_space<vmem>> -> memref<80xi32, #tpu.memory_space<vmem>>
    %dma_wait3A_597 = arith.constant 0 : i32
    %dma_wait3A_598 = arith.constant 0 : i32
    %dma_wait3A_599 = tpu.memref_slice %arg2[%add3A, %dma_wait3A_597, %dma_wait3A_598] : memref<32x125x80xi32, #tpu.memory_space<hbm>> -> memref<1x125x80xi32, #tpu.memory_space<hbm>>
    %dma_wait3A_600 = tpu.memref_squeeze %dma_wait3A_599 : memref<1x125x80xi32, #tpu.memory_space<hbm>> -> memref<125x80xi32, #tpu.memory_space<hbm>>
    %dma_wait3A_601 = arith.constant 0 : i32
    %dma_wait3A_602 = tpu.memref_slice %dma_wait3A_600[%dma_wait3A_582, %dma_wait3A_601] : memref<125x80xi32, #tpu.memory_space<hbm>> -> memref<1x80xi32, #tpu.memory_space<hbm>>
    %dma_wait3A_603 = tpu.memref_squeeze %dma_wait3A_602 : memref<1x80xi32, #tpu.memory_space<hbm>> -> memref<80xi32, #tpu.memory_space<hbm>>
    tpu.wait_dma2 semaphore(%arg16 : memref<!tpu.dma_semaphore, #tpu.memory_space<semaphore_mem>>) src(%dma_wait3A_603 : memref<80xi32, #tpu.memory_space<hbm>>) dst(%dma_wait3A_596 : memref<80xi32, #tpu.memory_space<vmem>>)
    %dma_wait3A_604 = arith.constant 124 : i32
    %dma_wait3A_605 = arith.constant 1 : i32
    %dma_wait3A_606 = arith.constant 0 : i32
    %dma_wait3A_607 = tpu.memref_slice %arg9[%dma_wait3A_605, %dma_wait3A_606] : memref<3x80xi32, #tpu.memory_space<vmem>> -> memref<1x80xi32, #tpu.memory_space<vmem>>
    %dma_wait3A_608 = tpu.memref_squeeze %dma_wait3A_607 : memref<1x80xi32, #tpu.memory_space<vmem>> -> memref<80xi32, #tpu.memory_space<vmem>>
    %dma_wait3A_609 = arith.constant 0 : i32
    %dma_wait3A_610 = arith.constant 0 : i32
    %dma_wait3A_611 = tpu.memref_slice %arg3[%add3A, %dma_wait3A_609, %dma_wait3A_610] : memref<32x125x80xi32, #tpu.memory_space<hbm>> -> memref<1x125x80xi32, #tpu.memory_space<hbm>>
    %dma_wait3A_612 = tpu.memref_squeeze %dma_wait3A_611 : memref<1x125x80xi32, #tpu.memory_space<hbm>> -> memref<125x80xi32, #tpu.memory_space<hbm>>
    %dma_wait3A_613 = arith.constant 0 : i32
    %dma_wait3A_614 = tpu.memref_slice %dma_wait3A_612[%dma_wait3A_604, %dma_wait3A_613] : memref<125x80xi32, #tpu.memory_space<hbm>> -> memref<1x80xi32, #tpu.memory_space<hbm>>
    %dma_wait3A_615 = tpu.memref_squeeze %dma_wait3A_614 : memref<1x80xi32, #tpu.memory_space<hbm>> -> memref<80xi32, #tpu.memory_space<hbm>>
    %dma_wait3A_616 = arith.constant 0 : i32
    %dma_wait3A_617 = tpu.memref_slice %arg9[%dma_wait3A_605, %dma_wait3A_616] : memref<3x80xi32, #tpu.memory_space<vmem>> -> memref<1x80xi32, #tpu.memory_space<vmem>>
    %dma_wait3A_618 = tpu.memref_squeeze %dma_wait3A_617 : memref<1x80xi32, #tpu.memory_space<vmem>> -> memref<80xi32, #tpu.memory_space<vmem>>
    %dma_wait3A_619 = arith.constant 0 : i32
    %dma_wait3A_620 = arith.constant 0 : i32
    %dma_wait3A_621 = tpu.memref_slice %arg3[%add3A, %dma_wait3A_619, %dma_wait3A_620] : memref<32x125x80xi32, #tpu.memory_space<hbm>> -> memref<1x125x80xi32, #tpu.memory_space<hbm>>
    %dma_wait3A_622 = tpu.memref_squeeze %dma_wait3A_621 : memref<1x125x80xi32, #tpu.memory_space<hbm>> -> memref<125x80xi32, #tpu.memory_space<hbm>>
    %dma_wait3A_623 = arith.constant 0 : i32
    %dma_wait3A_624 = tpu.memref_slice %dma_wait3A_622[%dma_wait3A_604, %dma_wait3A_623] : memref<125x80xi32, #tpu.memory_space<hbm>> -> memref<1x80xi32, #tpu.memory_space<hbm>>
    %dma_wait3A_625 = tpu.memref_squeeze %dma_wait3A_624 : memref<1x80xi32, #tpu.memory_space<hbm>> -> memref<80xi32, #tpu.memory_space<hbm>>
    tpu.wait_dma2 semaphore(%arg16 : memref<!tpu.dma_semaphore, #tpu.memory_space<semaphore_mem>>) src(%dma_wait3A_625 : memref<80xi32, #tpu.memory_space<hbm>>) dst(%dma_wait3A_618 : memref<80xi32, #tpu.memory_space<vmem>>)
    %dma_start3A_626 = arith.constant 1 : i32
    %dma_start3A_627 = arith.constant 1 : i32
    %dma_start3A_628 = arith.constant 0 : i32
    %dma_start3A_629 = arith.constant 0 : i32
    %dma_start3A_630 = tpu.memref_slice %arg10[%dma_start3A_627, %dma_start3A_628, %dma_start3A_629] : memref<3x80x128xf32, #tpu.memory_space<vmem>> -> memref<1x80x128xf32, #tpu.memory_space<vmem>>
    %dma_start3A_631 = tpu.memref_squeeze %dma_start3A_630 : memref<1x80x128xf32, #tpu.memory_space<vmem>> -> memref<80x128xf32, #tpu.memory_space<vmem>>
    %dma_start3A_632 = arith.constant 0 : i32
    %dma_start3A_633 = tpu.memref_slice %arg8[%dma_start3A_626, %dma_start3A_632] : memref<3x80xi32, #tpu.memory_space<vmem>> -> memref<1x80xi32, #tpu.memory_space<vmem>>
    %dma_start3A_634 = tpu.memref_squeeze %dma_start3A_633 : memref<1x80xi32, #tpu.memory_space<vmem>> -> memref<80xi32, #tpu.memory_space<vmem>>
    %dma_start3A_635 = arith.constant 0 : i32
    %dma_start3A_636 = arith.constant 0 : i32
    %dma_start3A_637 = tpu.memref_slice %arg4[%dma_start3A_635, %dma_start3A_636] : memref<10000x128xf32, #tpu.memory_space<hbm>> -> memref<10000x128xf32, #tpu.memory_space<hbm>>
    tpu.enqueue_indirect_dma source(%dma_start3A_637 : memref<10000x128xf32, #tpu.memory_space<hbm>>) target(%dma_start3A_631 : memref<80x128xf32, #tpu.memory_space<vmem>>) offsets(%dma_start3A_634 : memref<80xi32, #tpu.memory_space<vmem>>) semaphore(%arg11 : memref<!tpu.dma_semaphore, #tpu.memory_space<semaphore_mem>>)
    %dma_wait3A_638 = arith.constant 1 : i32
    %dma_wait3A_639 = arith.constant 1 : i32
    %dma_wait3A_640 = arith.constant 0 : i32
    %dma_wait3A_641 = arith.constant 0 : i32
    %dma_wait3A_642 = tpu.memref_slice %arg10[%dma_wait3A_639, %dma_wait3A_640, %dma_wait3A_641] : memref<3x80x128xf32, #tpu.memory_space<vmem>> -> memref<1x80x128xf32, #tpu.memory_space<vmem>>
    %dma_wait3A_643 = tpu.memref_squeeze %dma_wait3A_642 : memref<1x80x128xf32, #tpu.memory_space<vmem>> -> memref<80x128xf32, #tpu.memory_space<vmem>>
    %dma_wait3A_644 = arith.constant 0 : i32
    %dma_wait3A_645 = tpu.memref_slice %arg8[%dma_wait3A_638, %dma_wait3A_644] : memref<3x80xi32, #tpu.memory_space<vmem>> -> memref<1x80xi32, #tpu.memory_space<vmem>>
    %dma_wait3A_646 = tpu.memref_squeeze %dma_wait3A_645 : memref<1x80xi32, #tpu.memory_space<vmem>> -> memref<80xi32, #tpu.memory_space<vmem>>
    %dma_wait3A_647 = arith.constant 0 : i32
    %dma_wait3A_648 = arith.constant 0 : i32
    %dma_wait3A_649 = tpu.memref_slice %arg4[%dma_wait3A_647, %dma_wait3A_648] : memref<10000x128xf32, #tpu.memory_space<hbm>> -> memref<10000x128xf32, #tpu.memory_space<hbm>>
    tpu.wait_indirect_dma semaphore(%arg11 : memref<!tpu.dma_semaphore, #tpu.memory_space<semaphore_mem>>) src(%dma_wait3A_649 : memref<10000x128xf32, #tpu.memory_space<hbm>>) dst(%dma_wait3A_643 : memref<80x128xf32, #tpu.memory_space<vmem>>)
    %dma_start3A_650 = arith.constant 1 : i32
    %dma_start3A_651 = arith.constant 1 : i32
    %dma_start3A_652 = arith.constant 0 : i32
    %dma_start3A_653 = arith.constant 0 : i32
    %dma_start3A_654 = tpu.memref_slice %arg10[%dma_start3A_650, %dma_start3A_652, %dma_start3A_653] : memref<3x80x128xf32, #tpu.memory_space<vmem>> -> memref<1x80x128xf32, #tpu.memory_space<vmem>>
    %dma_start3A_655 = tpu.memref_squeeze %dma_start3A_654 : memref<1x80x128xf32, #tpu.memory_space<vmem>> -> memref<80x128xf32, #tpu.memory_space<vmem>>
    %dma_start3A_656 = arith.constant 0 : i32
    %dma_start3A_657 = tpu.memref_slice %arg9[%dma_start3A_651, %dma_start3A_656] : memref<3x80xi32, #tpu.memory_space<vmem>> -> memref<1x80xi32, #tpu.memory_space<vmem>>
    %dma_start3A_658 = tpu.memref_squeeze %dma_start3A_657 : memref<1x80xi32, #tpu.memory_space<vmem>> -> memref<80xi32, #tpu.memory_space<vmem>>
    %dma_start3A_659 = arith.constant 0 : i32
    %dma_start3A_660 = arith.constant 0 : i32
    %dma_start3A_661 = tpu.memref_slice %arg7[%dma_start3A_659, %dma_start3A_660] : memref<10000x128xf32, #tpu.memory_space<vmem_shared>> -> memref<10000x128xf32, #tpu.memory_space<vmem_shared>>
    tpu.enqueue_indirect_dma source(%dma_start3A_655 : memref<80x128xf32, #tpu.memory_space<vmem>>) target(%dma_start3A_661 : memref<10000x128xf32, #tpu.memory_space<vmem_shared>>) offsets(%dma_start3A_658 : memref<80xi32, #tpu.memory_space<vmem>>) semaphore(%arg13 : memref<!tpu.dma_semaphore, #tpu.memory_space<semaphore_mem>>) {add = true}
    %dma_wait3A_662 = arith.constant 0 : i32
    %dma_wait3A_663 = arith.constant 0 : i32
    %dma_wait3A_664 = arith.constant 0 : i32
    %dma_wait3A_665 = arith.constant 0 : i32
    %dma_wait3A_666 = tpu.memref_slice %arg10[%dma_wait3A_662, %dma_wait3A_664, %dma_wait3A_665] : memref<3x80x128xf32, #tpu.memory_space<vmem>> -> memref<1x80x128xf32, #tpu.memory_space<vmem>>
    %dma_wait3A_667 = tpu.memref_squeeze %dma_wait3A_666 : memref<1x80x128xf32, #tpu.memory_space<vmem>> -> memref<80x128xf32, #tpu.memory_space<vmem>>
    %dma_wait3A_668 = arith.constant 0 : i32
    %dma_wait3A_669 = tpu.memref_slice %arg9[%dma_wait3A_663, %dma_wait3A_668] : memref<3x80xi32, #tpu.memory_space<vmem>> -> memref<1x80xi32, #tpu.memory_space<vmem>>
    %dma_wait3A_670 = tpu.memref_squeeze %dma_wait3A_669 : memref<1x80xi32, #tpu.memory_space<vmem>> -> memref<80xi32, #tpu.memory_space<vmem>>
    %dma_wait3A_671 = arith.constant 0 : i32
    %dma_wait3A_672 = arith.constant 0 : i32
    %dma_wait3A_673 = tpu.memref_slice %arg7[%dma_wait3A_671, %dma_wait3A_672] : memref<10000x128xf32, #tpu.memory_space<vmem_shared>> -> memref<10000x128xf32, #tpu.memory_space<vmem_shared>>
    tpu.wait_indirect_dma semaphore(%arg12 : memref<!tpu.dma_semaphore, #tpu.memory_space<semaphore_mem>>) src(%dma_wait3A_667 : memref<80x128xf32, #tpu.memory_space<vmem>>) dst(%dma_wait3A_673 : memref<10000x128xf32, #tpu.memory_space<vmem_shared>>)
    %dma_wait3A_674 = arith.constant 1 : i32
    %dma_wait3A_675 = arith.constant 1 : i32
    %dma_wait3A_676 = arith.constant 0 : i32
    %dma_wait3A_677 = arith.constant 0 : i32
    %dma_wait3A_678 = tpu.memref_slice %arg10[%dma_wait3A_674, %dma_wait3A_676, %dma_wait3A_677] : memref<3x80x128xf32, #tpu.memory_space<vmem>> -> memref<1x80x128xf32, #tpu.memory_space<vmem>>
    %dma_wait3A_679 = tpu.memref_squeeze %dma_wait3A_678 : memref<1x80x128xf32, #tpu.memory_space<vmem>> -> memref<80x128xf32, #tpu.memory_space<vmem>>
    %dma_wait3A_680 = arith.constant 0 : i32
    %dma_wait3A_681 = tpu.memref_slice %arg9[%dma_wait3A_675, %dma_wait3A_680] : memref<3x80xi32, #tpu.memory_space<vmem>> -> memref<1x80xi32, #tpu.memory_space<vmem>>
    %dma_wait3A_682 = tpu.memref_squeeze %dma_wait3A_681 : memref<1x80xi32, #tpu.memory_space<vmem>> -> memref<80xi32, #tpu.memory_space<vmem>>
    %dma_wait3A_683 = arith.constant 0 : i32
    %dma_wait3A_684 = arith.constant 0 : i32
    %dma_wait3A_685 = tpu.memref_slice %arg7[%dma_wait3A_683, %dma_wait3A_684] : memref<10000x128xf32, #tpu.memory_space<vmem_shared>> -> memref<10000x128xf32, #tpu.memory_space<vmem_shared>>
    tpu.wait_indirect_dma semaphore(%arg13 : memref<!tpu.dma_semaphore, #tpu.memory_space<semaphore_mem>>) src(%dma_wait3A_679 : memref<80x128xf32, #tpu.memory_space<vmem>>) dst(%dma_wait3A_685 : memref<10000x128xf32, #tpu.memory_space<vmem_shared>>)
    %barrier3A_686 = arith.constant 0 : index
    tpu.barrier barrier_id(%barrier3A_686)
    %mul3A_687 = arith.constant 10000 : i32
    %mul3A_688 = arith.muli %arg0, %mul3A_687 : i32
    %add3A_689 = arith.addi %mul3A_688, %mul3A_2 : i32
    "tpu.region"() ({
      %run_scoped3A = tpu.sem_alloc : memref<!tpu.dma_semaphore, #tpu.memory_space<semaphore_mem>>
      %dma_start3A_690 = arith.constant 0 : i32
      %dma_start3A_691 = tpu.memref_slice %arg6[%add3A_689, %dma_start3A_690] : memref<20000x128xf32, #tpu.memory_space<hbm>> -> memref<625x128xf32, #tpu.memory_space<hbm>>
      %dma_start3A_692 = arith.constant 0 : i32
      %dma_start3A_693 = tpu.memref_slice %arg7[%mul3A_2, %dma_start3A_692] : memref<10000x128xf32, #tpu.memory_space<vmem_shared>> -> memref<625x128xf32, #tpu.memory_space<vmem_shared>>
      tpu.enqueue_dma source(%dma_start3A_693 : memref<625x128xf32, #tpu.memory_space<vmem_shared>>) target(%dma_start3A_691 : memref<625x128xf32, #tpu.memory_space<hbm>>) target_semaphore(%run_scoped3A : memref<!tpu.dma_semaphore, #tpu.memory_space<semaphore_mem>>)
      %dma_wait3A_694 = arith.constant 0 : i32
      %dma_wait3A_695 = tpu.memref_slice %arg6[%add3A_689, %dma_wait3A_694] : memref<20000x128xf32, #tpu.memory_space<hbm>> -> memref<625x128xf32, #tpu.memory_space<hbm>>
      %dma_wait3A_696 = arith.constant 0 : i32
      %dma_wait3A_697 = tpu.memref_slice %arg7[%mul3A_2, %dma_wait3A_696] : memref<10000x128xf32, #tpu.memory_space<vmem_shared>> -> memref<625x128xf32, #tpu.memory_space<vmem_shared>>
      tpu.wait_dma2 semaphore(%run_scoped3A : memref<!tpu.dma_semaphore, #tpu.memory_space<semaphore_mem>>) src(%dma_wait3A_697 : memref<625x128xf32, #tpu.memory_space<vmem_shared>>) dst(%dma_wait3A_695 : memref<625x128xf32, #tpu.memory_space<hbm>>)
      tpu.yield
    }) : () -> ()
    return
  }
}

module attributes {stable_mosaic.version = 14 : i64} {
  func.func @_post1_body(%arg0: i32, %arg1: memref<2x2000x128xf32, #tpu.memory_space<vmem>>, %arg2: memref<1x32x2000xf32, #tpu.memory_space<vmem>>, %arg3: memref<2000x128xf32, #tpu.memory_space<vmem>>, %arg4: memref<128x128xf32, #tpu.memory_space<vmem>>, %arg5: memref<128x128xf32, #tpu.memory_space<vmem>>, %arg6: memref<1x128xf32, #tpu.memory_space<vmem>>, %arg7: memref<128x128xf32, #tpu.memory_space<vmem>>, %arg8: memref<1x128xf32, #tpu.memory_space<vmem>>, %arg9: memref<2000x128xf32, #tpu.memory_space<vmem>>, %arg10: memref<2000x128xf32, #tpu.memory_space<vmem>>, %arg11: memref<2000x8xf32, #tpu.memory_space<vmem>>) attributes {dimension_semantics = [#tpu.dimension_semantics<arbitrary>], iteration_bounds = array<i64: 5>, scalar_prefetch = 0 : i64, scratch_operands = 0 : i64, tpu.core_type = #tpu.core_type<tc>, window_params = [{transform_indices = @transform_0, window_bounds = array<i64: 2, 2000, 128>}, {transform_indices = @transform_1, window_bounds = array<i64: 1, 32, 2000>}, {transform_indices = @transform_2, window_bounds = array<i64: 2000, 128>}, {pipeline_mode = #tpu.pipeline_mode<synchronous>, transform_indices = @transform_3, window_bounds = array<i64: 128, 128>}, {pipeline_mode = #tpu.pipeline_mode<synchronous>, transform_indices = @transform_4, window_bounds = array<i64: 128, 128>}, {pipeline_mode = #tpu.pipeline_mode<synchronous>, transform_indices = @transform_5, window_bounds = array<i64: 1, 128>}, {pipeline_mode = #tpu.pipeline_mode<synchronous>, transform_indices = @transform_6, window_bounds = array<i64: 128, 128>}, {pipeline_mode = #tpu.pipeline_mode<synchronous>, transform_indices = @transform_7, window_bounds = array<i64: 1, 128>}, {transform_indices = @transform_8, window_bounds = array<i64: 2000, 128>}, {transform_indices = @transform_9, window_bounds = array<i64: 2000, 128>}, {transform_indices = @transform_10, window_bounds = array<i64: 2000, 8>}]} {
    %get3A = arith.constant 0 : index
    %get3A_0 = arith.constant 0 : index
    %get3A_1 = arith.constant 0 : index
    %get3A_2 = vector.load %arg1[%get3A, %get3A_0, %get3A_1] : memref<2x2000x128xf32, #tpu.memory_space<vmem>>, vector<1x2000x128xf32>
    %get3A_3 = vector.shape_cast %get3A_2 : vector<1x2000x128xf32> to vector<2000x128xf32>
    %get3A_4 = arith.constant 1 : index
    %get3A_5 = arith.constant 0 : index
    %get3A_6 = arith.constant 0 : index
    %get3A_7 = vector.load %arg1[%get3A_4, %get3A_5, %get3A_6] : memref<2x2000x128xf32, #tpu.memory_space<vmem>>, vector<1x2000x128xf32>
    %get3A_8 = vector.shape_cast %get3A_7 : vector<1x2000x128xf32> to vector<2000x128xf32>
    %add3A = arith.addf %get3A_3, %get3A_8 : vector<2000x128xf32>
    %get3A_9 = arith.constant 0 : index
    %get3A_10 = arith.constant 0 : index
    %get3A_11 = arith.constant 0 : index
    %get3A_12 = vector.load %arg2[%get3A_9, %get3A_10, %get3A_11] : memref<1x32x2000xf32, #tpu.memory_space<vmem>>, vector<1x32x2000xf32>
    %get3A_13 = vector.shape_cast %get3A_12 : vector<1x32x2000xf32> to vector<32x2000xf32>
    %reduce_sum3A = arith.constant dense<0.000000e+00> : vector<2000xf32>
    %reduce_sum3A_14 = vector.multi_reduction <add>, %get3A_13, %reduce_sum3A [0] : vector<32x2000xf32> to vector<2000xf32>
    %reshape3A = vector.shape_cast %reduce_sum3A_14 : vector<2000xf32> to vector<2000x1xf32>
    %max3A = arith.constant 1.000000e+00 : f32
    %max3A_15 = vector.broadcast %max3A : f32 to vector<2000x1xf32>
    %max3A_16 = arith.maximumf %reshape3A, %max3A_15 : vector<2000x1xf32>
    %div3A = arith.constant 1.000000e+00 : f32
    %div3A_17 = vector.broadcast %div3A : f32 to vector<2000x1xf32>
    %div3A_18 = arith.divf %div3A_17, %max3A_16 : vector<2000x1xf32>
    %mul3A = vector.broadcast %div3A_18 : vector<2000x1xf32> to vector<2000x128xf32>
    %mul3A_19 = arith.mulf %add3A, %mul3A : vector<2000x128xf32>
    %get3A_20 = arith.constant 0 : index
    %get3A_21 = arith.constant 0 : index
    %get3A_22 = vector.load %arg4[%get3A_20, %get3A_21] : memref<128x128xf32, #tpu.memory_space<vmem>>, vector<128x128xf32>
    %dot_general3A = arith.constant dense<0.000000e+00> : vector<2000x128xf32>
    %dot_general3A_23 = tpu.matmul %mul3A_19, %get3A_22, %dot_general3A {dimension_numbers = #tpu.dot_dimension_numbers<[1], [0], [0], [1], [0, 0, 1, 1], [], []>, transpose_lhs_hint = false} : vector<2000x128xf32>, vector<128x128xf32>, vector<2000x128xf32> -> vector<2000x128xf32>
    %get3A_24 = arith.constant 0 : index
    %get3A_25 = arith.constant 0 : index
    %get3A_26 = vector.load %arg3[%get3A_24, %get3A_25] : memref<2000x128xf32, #tpu.memory_space<vmem>>, vector<2000x128xf32>
    %get3A_27 = arith.constant 0 : index
    %get3A_28 = arith.constant 0 : index
    %get3A_29 = vector.load %arg5[%get3A_27, %get3A_28] : memref<128x128xf32, #tpu.memory_space<vmem>>, vector<128x128xf32>
    %dot_general3A_30 = arith.constant dense<0.000000e+00> : vector<2000x128xf32>
    %dot_general3A_31 = tpu.matmul %get3A_26, %get3A_29, %dot_general3A_30 {dimension_numbers = #tpu.dot_dimension_numbers<[1], [0], [0], [1], [0, 0, 1, 1], [], []>, transpose_lhs_hint = false} : vector<2000x128xf32>, vector<128x128xf32>, vector<2000x128xf32> -> vector<2000x128xf32>
    %add3A_32 = arith.addf %dot_general3A_23, %dot_general3A_31 : vector<2000x128xf32>
    %get3A_33 = arith.constant 0 : index
    %get3A_34 = arith.constant 0 : index
    %get3A_35 = vector.load %arg6[%get3A_33, %get3A_34] : memref<1x128xf32, #tpu.memory_space<vmem>>, vector<1x128xf32>
    %add3A_36 = vector.broadcast %get3A_35 : vector<1x128xf32> to vector<2000x128xf32>
    %add3A_37 = arith.addf %add3A_32, %add3A_36 : vector<2000x128xf32>
    %max3A_38 = arith.constant 0.000000e+00 : f32
    %max3A_39 = vector.broadcast %max3A_38 : f32 to vector<2000x128xf32>
    %max3A_40 = arith.maximumf %add3A_37, %max3A_39 : vector<2000x128xf32>
    %swap3A = arith.constant 0 : index
    %swap3A_41 = arith.constant 0 : index
    %swap3A_42 = vector.load %arg9[%swap3A, %swap3A_41] : memref<2000x128xf32, #tpu.memory_space<vmem>>, vector<2000x128xf32>
    tpu.vector_store %arg9[%swap3A, %swap3A_41], %max3A_40 {strides = array<i32>} : memref<2000x128xf32, #tpu.memory_space<vmem>>, vector<2000x128xf32>,
    %get3A_43 = arith.constant 0 : index
    %get3A_44 = arith.constant 0 : index
    %get3A_45 = vector.load %arg7[%get3A_43, %get3A_44] : memref<128x128xf32, #tpu.memory_space<vmem>>, vector<128x128xf32>
    %dot_general3A_46 = arith.constant dense<0.000000e+00> : vector<2000x128xf32>
    %dot_general3A_47 = tpu.matmul %max3A_40, %get3A_45, %dot_general3A_46 {dimension_numbers = #tpu.dot_dimension_numbers<[1], [0], [0], [1], [0, 0, 1, 1], [], []>, transpose_lhs_hint = false} : vector<2000x128xf32>, vector<128x128xf32>, vector<2000x128xf32> -> vector<2000x128xf32>
    %get3A_48 = arith.constant 0 : index
    %get3A_49 = arith.constant 0 : index
    %get3A_50 = vector.load %arg8[%get3A_48, %get3A_49] : memref<1x128xf32, #tpu.memory_space<vmem>>, vector<1x128xf32>
    %add3A_51 = vector.broadcast %get3A_50 : vector<1x128xf32> to vector<2000x128xf32>
    %add3A_52 = arith.addf %dot_general3A_47, %add3A_51 : vector<2000x128xf32>
    %swap3A_53 = arith.constant 0 : index
    %swap3A_54 = arith.constant 0 : index
    %swap3A_55 = vector.load %arg10[%swap3A_53, %swap3A_54] : memref<2000x128xf32, #tpu.memory_space<vmem>>, vector<2000x128xf32>
    tpu.vector_store %arg10[%swap3A_53, %swap3A_54], %add3A_52 {strides = array<i32>} : memref<2000x128xf32, #tpu.memory_space<vmem>>, vector<2000x128xf32>,
    %broadcast_in_dim3A = vector.shape_cast %reshape3A : vector<2000x1xf32> to vector<2000x1xf32>
    %broadcast_in_dim3A_56 = vector.broadcast %broadcast_in_dim3A : vector<2000x1xf32> to vector<2000x8xf32>
    %swap3A_57 = arith.constant 0 : index
    %swap3A_58 = arith.constant 0 : index
    %swap3A_59 = vector.load %arg11[%swap3A_57, %swap3A_58] : memref<2000x8xf32, #tpu.memory_space<vmem>>, vector<2000x8xf32>
    tpu.vector_store %arg11[%swap3A_57, %swap3A_58], %broadcast_in_dim3A_56 {strides = array<i32>} : memref<2000x8xf32, #tpu.memory_space<vmem>>, vector<2000x8xf32>,
    return
  }
  func.func @transform_0(%arg0: i32) -> (i32, i32, i32) {
    %c0_i32 = arith.constant 0 : i32
    %c0_i32_0 = arith.constant 0 : i32
    %c0_i32_1 = arith.constant 0 : i32
    return %c0_i32, %arg0, %c0_i32_0 : i32, i32, i32
  }
  func.func @transform_1(%arg0: i32) -> (i32, i32, i32) {
    %c0_i32 = arith.constant 0 : i32
    %c0_i32_0 = arith.constant 0 : i32
    %c0_i32_1 = arith.constant 0 : i32
    return %arg0, %c0_i32, %c0_i32_0 : i32, i32, i32
  }
  func.func @transform_2(%arg0: i32) -> (i32, i32) {
    %c0_i32 = arith.constant 0 : i32
    %c0_i32_0 = arith.constant 0 : i32
    return %arg0, %c0_i32 : i32, i32
  }
  func.func @transform_3(%arg0: i32) -> (i32, i32) {
    %c0_i32 = arith.constant 0 : i32
    %c0_i32_0 = arith.constant 0 : i32
    %c0_i32_1 = arith.constant 0 : i32
    return %c0_i32, %c0_i32_0 : i32, i32
  }
  func.func @transform_4(%arg0: i32) -> (i32, i32) {
    %c0_i32 = arith.constant 0 : i32
    %c0_i32_0 = arith.constant 0 : i32
    %c0_i32_1 = arith.constant 0 : i32
    return %c0_i32, %c0_i32_0 : i32, i32
  }
  func.func @transform_5(%arg0: i32) -> (i32, i32) {
    %c0_i32 = arith.constant 0 : i32
    %c0_i32_0 = arith.constant 0 : i32
    %c0_i32_1 = arith.constant 0 : i32
    return %c0_i32, %c0_i32_0 : i32, i32
  }
  func.func @transform_6(%arg0: i32) -> (i32, i32) {
    %c0_i32 = arith.constant 0 : i32
    %c0_i32_0 = arith.constant 0 : i32
    %c0_i32_1 = arith.constant 0 : i32
    return %c0_i32, %c0_i32_0 : i32, i32
  }
  func.func @transform_7(%arg0: i32) -> (i32, i32) {
    %c0_i32 = arith.constant 0 : i32
    %c0_i32_0 = arith.constant 0 : i32
    %c0_i32_1 = arith.constant 0 : i32
    return %c0_i32, %c0_i32_0 : i32, i32
  }
  func.func @transform_8(%arg0: i32) -> (i32, i32) {
    %c0_i32 = arith.constant 0 : i32
    %c0_i32_0 = arith.constant 0 : i32
    return %arg0, %c0_i32 : i32, i32
  }
  func.func @transform_9(%arg0: i32) -> (i32, i32) {
    %c0_i32 = arith.constant 0 : i32
    %c0_i32_0 = arith.constant 0 : i32
    return %arg0, %c0_i32 : i32, i32
  }
  func.func @transform_10(%arg0: i32) -> (i32, i32) {
    %c0_i32 = arith.constant 0 : i32
    %c0_i32_0 = arith.constant 0 : i32
    return %arg0, %c0_i32 : i32, i32
  }
}

module attributes {stable_mosaic.version = 14 : i64} {
  func.func @_post2_body(%arg0: i32, %arg1: memref<2x2000x128xf32, #tpu.memory_space<vmem>>, %arg2: memref<2000x128xf32, #tpu.memory_space<vmem>>, %arg3: memref<2000x8xf32, #tpu.memory_space<vmem>>, %arg4: memref<128x128xf32, #tpu.memory_space<vmem>>, %arg5: memref<128x128xf32, #tpu.memory_space<vmem>>, %arg6: memref<1x128xf32, #tpu.memory_space<vmem>>, %arg7: memref<128x64xf32, #tpu.memory_space<vmem>>, %arg8: memref<1x64xf32, #tpu.memory_space<vmem>>, %arg9: memref<2000x64xf32, #tpu.memory_space<vmem>>) attributes {dimension_semantics = [#tpu.dimension_semantics<arbitrary>], iteration_bounds = array<i64: 5>, scalar_prefetch = 0 : i64, scratch_operands = 0 : i64, tpu.core_type = #tpu.core_type<tc>, window_params = [{transform_indices = @transform_0, window_bounds = array<i64: 2, 2000, 128>}, {transform_indices = @transform_1, window_bounds = array<i64: 2000, 128>}, {transform_indices = @transform_2, window_bounds = array<i64: 2000, 8>}, {pipeline_mode = #tpu.pipeline_mode<synchronous>, transform_indices = @transform_3, window_bounds = array<i64: 128, 128>}, {pipeline_mode = #tpu.pipeline_mode<synchronous>, transform_indices = @transform_4, window_bounds = array<i64: 128, 128>}, {pipeline_mode = #tpu.pipeline_mode<synchronous>, transform_indices = @transform_5, window_bounds = array<i64: 1, 128>}, {pipeline_mode = #tpu.pipeline_mode<synchronous>, transform_indices = @transform_6, window_bounds = array<i64: 128, 64>}, {pipeline_mode = #tpu.pipeline_mode<synchronous>, transform_indices = @transform_7, window_bounds = array<i64: 1, 64>}, {transform_indices = @transform_8, window_bounds = array<i64: 2000, 64>}]} {
    %get3A = arith.constant 0 : index
    %get3A_0 = arith.constant 0 : index
    %get3A_1 = arith.constant 0 : index
    %get3A_2 = vector.load %arg1[%get3A, %get3A_0, %get3A_1] : memref<2x2000x128xf32, #tpu.memory_space<vmem>>, vector<1x2000x128xf32>
    %get3A_3 = vector.shape_cast %get3A_2 : vector<1x2000x128xf32> to vector<2000x128xf32>
    %get3A_4 = arith.constant 1 : index
    %get3A_5 = arith.constant 0 : index
    %get3A_6 = arith.constant 0 : index
    %get3A_7 = vector.load %arg1[%get3A_4, %get3A_5, %get3A_6] : memref<2x2000x128xf32, #tpu.memory_space<vmem>>, vector<1x2000x128xf32>
    %get3A_8 = vector.shape_cast %get3A_7 : vector<1x2000x128xf32> to vector<2000x128xf32>
    %add3A = arith.addf %get3A_3, %get3A_8 : vector<2000x128xf32>
    %get3A_9 = arith.constant 0 : index
    %get3A_10 = arith.constant 0 : index
    %get3A_11 = vector.load %arg3[%get3A_9, %get3A_10] : memref<2000x8xf32, #tpu.memory_space<vmem>>, vector<2000x8xf32>
    %slice3A = vector.extract_strided_slice %get3A_11 {offsets = [0, 0], sizes = [2000, 1], strides = [1, 1]} : vector<2000x8xf32> to vector<2000x1xf32>
    %max3A = arith.constant 1.000000e+00 : f32
    %max3A_12 = vector.broadcast %max3A : f32 to vector<2000x1xf32>
    %max3A_13 = arith.maximumf %slice3A, %max3A_12 : vector<2000x1xf32>
    %div3A = arith.constant 1.000000e+00 : f32
    %div3A_14 = vector.broadcast %div3A : f32 to vector<2000x1xf32>
    %div3A_15 = arith.divf %div3A_14, %max3A_13 : vector<2000x1xf32>
    %mul3A = vector.broadcast %div3A_15 : vector<2000x1xf32> to vector<2000x128xf32>
    %mul3A_16 = arith.mulf %add3A, %mul3A : vector<2000x128xf32>
    %get3A_17 = arith.constant 0 : index
    %get3A_18 = arith.constant 0 : index
    %get3A_19 = vector.load %arg4[%get3A_17, %get3A_18] : memref<128x128xf32, #tpu.memory_space<vmem>>, vector<128x128xf32>
    %dot_general3A = arith.constant dense<0.000000e+00> : vector<2000x128xf32>
    %dot_general3A_20 = tpu.matmul %mul3A_16, %get3A_19, %dot_general3A {dimension_numbers = #tpu.dot_dimension_numbers<[1], [0], [0], [1], [0, 0, 1, 1], [], []>, transpose_lhs_hint = false} : vector<2000x128xf32>, vector<128x128xf32>, vector<2000x128xf32> -> vector<2000x128xf32>
    %get3A_21 = arith.constant 0 : index
    %get3A_22 = arith.constant 0 : index
    %get3A_23 = vector.load %arg2[%get3A_21, %get3A_22] : memref<2000x128xf32, #tpu.memory_space<vmem>>, vector<2000x128xf32>
    %add3A_24 = arith.addf %dot_general3A_20, %get3A_23 : vector<2000x128xf32>
    %max3A_25 = arith.constant 0.000000e+00 : f32
    %max3A_26 = vector.broadcast %max3A_25 : f32 to vector<2000x128xf32>
    %max3A_27 = arith.maximumf %add3A_24, %max3A_26 : vector<2000x128xf32>
    %get3A_28 = arith.constant 0 : index
    %get3A_29 = arith.constant 0 : index
    %get3A_30 = vector.load %arg5[%get3A_28, %get3A_29] : memref<128x128xf32, #tpu.memory_space<vmem>>, vector<128x128xf32>
    %dot_general3A_31 = arith.constant dense<0.000000e+00> : vector<2000x128xf32>
    %dot_general3A_32 = tpu.matmul %max3A_27, %get3A_30, %dot_general3A_31 {dimension_numbers = #tpu.dot_dimension_numbers<[1], [0], [0], [1], [0, 0, 1, 1], [], []>, transpose_lhs_hint = false} : vector<2000x128xf32>, vector<128x128xf32>, vector<2000x128xf32> -> vector<2000x128xf32>
    %get3A_33 = arith.constant 0 : index
    %get3A_34 = arith.constant 0 : index
    %get3A_35 = vector.load %arg6[%get3A_33, %get3A_34] : memref<1x128xf32, #tpu.memory_space<vmem>>, vector<1x128xf32>
    %add3A_36 = vector.broadcast %get3A_35 : vector<1x128xf32> to vector<2000x128xf32>
    %add3A_37 = arith.addf %dot_general3A_32, %add3A_36 : vector<2000x128xf32>
    %max3A_38 = arith.constant 0.000000e+00 : f32
    %max3A_39 = vector.broadcast %max3A_38 : f32 to vector<2000x128xf32>
    %max3A_40 = arith.maximumf %add3A_37, %max3A_39 : vector<2000x128xf32>
    %get3A_41 = arith.constant 0 : index
    %get3A_42 = arith.constant 0 : index
    %get3A_43 = vector.load %arg7[%get3A_41, %get3A_42] : memref<128x64xf32, #tpu.memory_space<vmem>>, vector<128x64xf32>
    %dot_general3A_44 = arith.constant dense<0.000000e+00> : vector<2000x64xf32>
    %dot_general3A_45 = tpu.matmul %max3A_40, %get3A_43, %dot_general3A_44 {dimension_numbers = #tpu.dot_dimension_numbers<[1], [0], [0], [1], [0, 0, 1, 1], [], []>, transpose_lhs_hint = false} : vector<2000x128xf32>, vector<128x64xf32>, vector<2000x64xf32> -> vector<2000x64xf32>
    %get3A_46 = arith.constant 0 : index
    %get3A_47 = arith.constant 0 : index
    %get3A_48 = vector.load %arg8[%get3A_46, %get3A_47] : memref<1x64xf32, #tpu.memory_space<vmem>>, vector<1x64xf32>
    %add3A_49 = vector.broadcast %get3A_48 : vector<1x64xf32> to vector<2000x64xf32>
    %add3A_50 = arith.addf %dot_general3A_45, %add3A_49 : vector<2000x64xf32>
    %swap3A = arith.constant 0 : index
    %swap3A_51 = arith.constant 0 : index
    %swap3A_52 = vector.load %arg9[%swap3A, %swap3A_51] : memref<2000x64xf32, #tpu.memory_space<vmem>>, vector<2000x64xf32>
    tpu.vector_store %arg9[%swap3A, %swap3A_51], %add3A_50 {strides = array<i32>} : memref<2000x64xf32, #tpu.memory_space<vmem>>, vector<2000x64xf32>,
    return
  }
  func.func @transform_0(%arg0: i32) -> (i32, i32, i32) {
    %c0_i32 = arith.constant 0 : i32
    %c0_i32_0 = arith.constant 0 : i32
    %c0_i32_1 = arith.constant 0 : i32
    return %c0_i32, %arg0, %c0_i32_0 : i32, i32, i32
  }
  func.func @transform_1(%arg0: i32) -> (i32, i32) {
    %c0_i32 = arith.constant 0 : i32
    %c0_i32_0 = arith.constant 0 : i32
    return %arg0, %c0_i32 : i32, i32
  }
  func.func @transform_2(%arg0: i32) -> (i32, i32) {
    %c0_i32 = arith.constant 0 : i32
    %c0_i32_0 = arith.constant 0 : i32
    return %arg0, %c0_i32 : i32, i32
  }
  func.func @transform_3(%arg0: i32) -> (i32, i32) {
    %c0_i32 = arith.constant 0 : i32
    %c0_i32_0 = arith.constant 0 : i32
    %c0_i32_1 = arith.constant 0 : i32
    return %c0_i32, %c0_i32_0 : i32, i32
  }
  func.func @transform_4(%arg0: i32) -> (i32, i32) {
    %c0_i32 = arith.constant 0 : i32
    %c0_i32_0 = arith.constant 0 : i32
    %c0_i32_1 = arith.constant 0 : i32
    return %c0_i32, %c0_i32_0 : i32, i32
  }
  func.func @transform_5(%arg0: i32) -> (i32, i32) {
    %c0_i32 = arith.constant 0 : i32
    %c0_i32_0 = arith.constant 0 : i32
    %c0_i32_1 = arith.constant 0 : i32
    return %c0_i32, %c0_i32_0 : i32, i32
  }
  func.func @transform_6(%arg0: i32) -> (i32, i32) {
    %c0_i32 = arith.constant 0 : i32
    %c0_i32_0 = arith.constant 0 : i32
    %c0_i32_1 = arith.constant 0 : i32
    return %c0_i32, %c0_i32_0 : i32, i32
  }
  func.func @transform_7(%arg0: i32) -> (i32, i32) {
    %c0_i32 = arith.constant 0 : i32
    %c0_i32_0 = arith.constant 0 : i32
    %c0_i32_1 = arith.constant 0 : i32
    return %c0_i32, %c0_i32_0 : i32, i32
  }
  func.func @transform_8(%arg0: i32) -> (i32, i32) {
    %c0_i32 = arith.constant 0 : i32
    %c0_i32_0 = arith.constant 0 : i32
    return %arg0, %c0_i32 : i32, i32
  }
}

</mosaic_0001>

<sc_bundles>
// kernel: kernel.6.cloned.1.call-start
scs
__scs_entry_jumppad:
0x0: {  	(pc) =	sbr.rel $0x88, $3  }
0x1: {  	(tag) =	ssettag $0x0;
	lr =	simm.s32 $0x1  }
0x2: {  	[smem:$0x3F95] =	sst lr;
	_ =	strace $0xD0000000  }
0x3: {  	_ = 	snop  }
0x4: {  	_ = 	snop  }
0x5: {  	_ = 	snop  }
0x6: {  	_ = 	snop  }
0x7: {  	_ = 	snop  }
__scs_overlays_trampoline_lowered:
0x8: {  	[smem:$0x3FA4] =	sst s0  }
0x9: {  	[smem:$0x3FA5] =	sst s1  }
0xa: {  	[smem:$0x3FA6] =	sst s2  }
0xb: {  	[smem:$0x3FA7] =	sst s3  }
0xc: {  	[smem:$0x3FA8] =	sst s4  }
0xd: {  	[smem:$0x3FA9] =	sst s5  }
0xe: {  	[smem:$0x3FAA] =	sst s6  }
0xf: {  	[smem:$0x3FAB] =	sst s7  }
0x10: {  	[smem:$0x3FAC] =	sst s8  }
0x11: {  	[smem:$0x3FAD] =	sst s9;
	s0 =	simm.s32 @!p0 $0x0  }
0x12: {  	s1 =	sld [smem:$0x3F93];
	s0 =	simm.s32 @p0 $0x1  }
0x13: {  	[smem:$0x3FAE] =	sst s0;
	s0 =	simm.s32 @!p1 $0x0  }
0x14: {  	s2 =	sld [smem:$0x3F92];
	s0 =	simm.s32 @p1 $0x1  }
0x15: {  	[smem:$0x3FAF] =	sst s0;
	s0 =	simm.s32 @!p2 $0x0  }
0x16: {  	s3 =	sld [smem:$0x3FDB];
	s0 =	simm.s32 @p2 $0x1  }
0x17: {  	s4 =	simm.s32 $0x1BF5;
	[smem:$0x3FB1] =	sst s0  }
0x18: {  	s0 =	sld [smem:$0x3F94];
	_ =	swait.ge [sflag:s4], $0x0  }
0x19: {  	s7 =	sld [smem:$0x3F95]  }
0x1a: {  	s8 =	sadd.s32 $0xFFFFE003, lr  }
0x1b: {  	s9 =	sadd.s32 $0xFFFFFEF7, lr;
	s5 =	simm.s32 $0xFFFFFFFF;
	p2 =	slt.u32 s8, $0xFFFFF086  }
0x1c: {  	p1 =	slt.u32 s9, $0xF7A;
	s5 =	simm.s32 @!p2 $0x0  }
0x1d: {  	s5 =	simm.s32 @p1 $0x1;
	p0 =	seq.s32 s7, s2  }
0x1e: {  	s7 =	smul.u32 @!p0 $0xF7A, s2;
	p2 =	seq.s32 @!p0 s5, $0x0  }
0x1f: {  	s9 =	smul.u32 $0xF7A, s1;
	s8 =	simm.s32 @!p0 $0x1BF5;
	p2 =	por !p2, p0  }
0x20: {  	[sflag:s8] =	ssyncset.s32 @!p0 $0xFFFFF086;
	s6 =	sadd.s32 @!p0 s3, s7;
	s7 =	simm.s32 @!p0 $0x108  }
0x21: {  	s3 =	sadd.s32 s3, s9;
	s6 =	sadd.s32 @!p0 $0x88, s6;
	s7 =	simm.s32 @p2 $0x1082  }
0x22: {  	[simem:s7], [sflag:s8] =	dma.local @!p0 [hbm:s6], $0xF7A  }
0x23: {  	s9 =	sor.u32 $0xD0000000, s2;
	s6 =	simm.s32 $0x108;
	_ =	swait.ge @!p0 [sflag:s8], $0x0  }
0x24: {  	s3 =	sadd.s32 $0x88, s3;
	s6 =	simm.s32 @!p1 $0x1082;
	[sflag:s4] =	ssyncset.s32 $0xFFFFF086  }
0x25: {  	[simem:s6], [sflag:s4] =	dma.local [hbm:s3], $0xF7A  }
0x26: {  	[smem:$0x3F95] =	sst s1;
	(tag) =	ssettag s2;
	_ =	strace s9  }
0x27: {  	s1 =	sld [smem:$0x3FA5]  }
0x28: {  	s2 =	sld [smem:$0x3FA6]  }
0x29: {  	s4 =	sld [smem:$0x3FA8]  }
0x2a: {  	p0 =	seq.s32 s5, $0x0;
	s5 =	sld [smem:$0x3FA9]  }
0x2b: {  	s6 =	sld [smem:$0x3FAA]  }
0x2c: {  	s7 =	sld [smem:$0x3FAB]  }
0x2d: {  	s3 =	simm.s32 $0x108;
	s8 =	sld [smem:$0x3FAC]  }
0x2e: {  	s3 =	simm.s32 @!p0 $0x1082;
	s9 =	sld [smem:$0x3FAD]  }
0x2f: {  	lr =	sadd.s32 s0, s3;
	s0 =	sld [smem:$0x3FA4]  }
0x30: {  	s3 =	sld [smem:$0x3FA7]  }
0x31: {  	[smem:$0x3FB0] =	sst s10  }
0x32: {  	s10 =	sld [smem:$0x3FAE];
	_ =	sdelay $0x3  }
0x33: {  	p0 =	seq.s32 s10, $0x1;
	s10 =	sld [smem:$0x3FB0];
	_ =	sdelay $0x3  }
0x34: {  	[smem:$0x3FB0] =	sst s10  }
0x35: {  	s10 =	sld [smem:$0x3FAF];
	_ =	sdelay $0x3  }
0x36: {  	p1 =	seq.s32 s10, $0x1;
	s10 =	sld [smem:$0x3FB0];
	_ =	sdelay $0x3  }
0x37: {  	[smem:$0x3FB0] =	sst s10  }
0x38: {  	s10 =	sld [smem:$0x3FB1]  }
0x39: {  	_ = 	snop;
	(pc) =	sbr.ind lr, $3  }
0x3a: {  	_ = 	snop  }
0x3b: {  	_ = 	snop  }
0x3c: {  	p2 =	seq.s32 s10, $0x1;
	s10 =	sld [smem:$0x3FB0]  }
0x3d: {  	_ =	shalt  }
0x3e: {  	_ =	shalt  }
0x3f: {  	_ =	shalt  }
0x40: {  	_ =	shalt  }
0x41: {  	_ =	shalt  }
0x42: {  	_ =	shalt  }
0x43: {  	_ =	shalt  }
0x44: {  	_ =	shalt  }
0x45: {  	_ =	shalt  }
0x46: {  	_ =	shalt  }
0x47: {  	_ =	shalt  }
0x48: {  	_ =	shalt  }
0x49: {  	_ =	shalt  }
0x4a: {  	_ =	shalt  }
0x4b: {  	_ =	shalt  }
0x4c: {  	_ =	shalt  }
0x4d: {  	_ =	shalt  }
0x4e: {  	_ =	shalt  }
0x4f: {  	_ =	shalt  }
0x50: {  	_ =	shalt  }
0x51: {  	_ =	shalt  }
0x52: {  	_ =	shalt  }
0x53: {  	_ =	shalt  }
0x54: {  	_ =	shalt  }
0x55: {  	_ =	shalt  }
0x56: {  	_ =	shalt  }
0x57: {  	_ =	shalt  }
0x58: {  	_ =	shalt  }
0x59: {  	_ =	shalt  }
0x5a: {  	_ =	shalt  }
0x5b: {  	_ =	shalt  }
0x5c: {  	_ =	shalt  }
0x5d: {  	_ =	shalt  }
0x5e: {  	_ =	shalt  }
0x5f: {  	_ =	shalt  }
0x60: {  	_ =	shalt  }
0x61: {  	_ =	shalt  }
0x62: {  	_ =	shalt  }
0x63: {  	_ =	shalt  }
0x64: {  	_ =	shalt  }
0x65: {  	_ =	shalt  }
0x66: {  	_ =	shalt  }
0x67: {  	_ =	shalt  }
0x68: {  	_ =	shalt  }
0x69: {  	_ =	shalt  }
0x6a: {  	_ =	shalt  }
0x6b: {  	_ =	shalt  }
0x6c: {  	_ =	shalt  }
0x6d: {  	_ =	shalt  }
0x6e: {  	_ =	shalt  }
0x6f: {  	_ =	shalt  }
0x70: {  	_ =	shalt  }
0x71: {  	_ =	shalt  }
0x72: {  	_ =	shalt  }
0x73: {  	_ =	shalt  }
0x74: {  	_ =	shalt  }
0x75: {  	_ =	shalt  }
0x76: {  	_ =	shalt  }
0x77: {  	_ =	shalt  }
0x78: {  	_ =	shalt  }
0x79: {  	_ =	shalt  }
0x7a: {  	_ =	shalt  }
0x7b: {  	_ =	shalt  }
0x7c: {  	_ =	shalt  }
0x7d: {  	_ =	shalt  }
0x7e: {  	_ =	shalt  }
0x7f: {  	_ =	shalt  }
0x80: {  	_ =	shalt  }
0x81: {  	_ =	shalt  }
0x82: {  	_ =	shalt  }
0x83: {  	_ =	shalt  }
0x84: {  	_ =	shalt  }
0x85: {  	_ =	shalt  }
0x86: {  	_ =	shalt  }
0x87: {  	_ =	shalt  }
.Lfunc_end0:
.L_simem_size_0:
called_computation_lowered:
.L_overlay_start_0:
0x88: {  	s2 =	sld [smem:$0x3FD9]  }
0x89: {  	s3 =	sld [smem:$0x3FFE];
	_ =	sdelay $0x1  }
0x8a: {  	s1 =	srdreg.scid  }
0x8b: {  	s0 =	sand.u32 $0x1, s1  }
0x8c: {  	s17 =	sshll.u32 s0, $0xA;
	s2 =	sadd.s32 s3, s2  }
0x8d: {  	s2 =	sadd.s32 s2, s17  }
0x8e: {  	[smem:$0x3FBC] =	sst s2  }
0x8f: {  	_ = 	snop  }
0x90: {  	s2 =	sld [smem:$0x3FC9]  }
0x91: {  	s18 =	sld [smem:$0x3FD0];
	(tm) =	ssettm $0x1  }
0x92: {  	s4 =	sld [smem:$0x3FFB];
	_ =	sdelay $0x3  }
0x93: {  	_ =	strace s4  }
0x94: {  	s4 =	sld [smem:$0x3FFC];
	_ =	sdelay $0x3  }
0x95: {  	_ =	strace s4  }
0x96: {  	s4 =	sld [smem:$0x3FFD];
	_ =	sdelay $0x3  }
0x97: {  	_ =	strace s4  }
0x98: {  	_ =	strace $0x8FFFFFFF  }
0x99: {  	s19 =	sld [smem:$0x3FDB];
	_ =	sdelay $0x1  }
0x9a: {  	s5 =	simm.s32 $_scs_section_size  }
0x9b: {  	s6 =	simm.s32 $_size__tile_overlayer_lowered;
	s7 =	simm.s32 $_tile_overlayer_lowered  }
0x9c: {  	s22 =	simm.s32 $0x1BFF;
	s21 =	sshll.u32 s7, $0x1;
	s4 =	sadd.s32 s5, s19  }
0x9d: {  	s8 =	simm.s32 $0x0;
	s20 =	sshll.u32 s6, $0x1;
	s6 =	sadd.s32 s21, s4  }
0x9e: {  	[timem:s8], [sflag:s22] =	dma.local [hbm:s6], s20  }
0x9f: {  	_ =	swait.ge [sflag:s22], s20  }
0xa0: {  	s5 =	ssub.s32 $0x0, s20;
	[sflag:s22] =	ssyncset.done $0x0  }
0xa1: {  	[sflag:s22] =	ssyncadd.s32 s5;
	_ =	sdelay $0x1  }
0xa2: {  	s23 =	simm.s32 $0x1B8B  }
0xa3: {  	_ =	swait.ge [sflag:s23], $0x1  }
0xa4: {  	[sflag:s23] =	ssyncset.done $0x0  }
0xa5: {  	s25 =	simm.s32 $0x1B8E;
	s24 =	sld [smem:$0x3FFE];
	[sflag:s23] =	ssyncadd.s32 $0xFFFFFFFF  }
0xa6: {  	s26 =	simm.s32 $execute0_lowered;
	[smem:$0x3FD2] =	sst s25  }
0xa7: {  	s6 =	sshll.u32 s26, $0x1;
	_ =	strace $0x80000046;
	[dreg:$0x1] =	wrdreg $0xFFFFFFFF  }
0xa8: {  	s28 =	simm.s32 $_size_execute0_lowered;
	s4 =	sadd.s32 s4, s6;
	[dreg:$0x0] =	wrdreg $0x0  }
0xa9: {  	s6 =	sshll.u32 s28, $0x1;
	[dreg:$0x2] =	wrdreg s4  }
0xaa: {  	[dreg:$0x3] =	wrdreg s6  }
0xab: {  	[dreg:$0x4] =	wrdreg $0xC0  }
0xac: {  	_ =	task [dreg:s8], $0x5FFFF  }
0xad: {  	[dreg:$0x1] =	wrdreg $0xFFFFFFFF  }
0xae: {  	[dreg:$0x0] =	wrdreg $0x60  }
0xaf: {  	[dreg:$0x2] =	wrdreg s24  }
0xb0: {  	[dreg:$0x3] =	wrdreg s18  }
0xb1: {  	[dreg:$0x4] =	wrdreg s2  }
0xb2: {  	[dreg:$0x5] =	wrdreg $0x0  }
0xb3: {  	[dreg:$0x6] =	wrdreg $0x9  }
0xb4: {  	_ =	task.clear_ibuf [dreg:s8], $0x7FFFF;
	_ =	strace $0x90000046  }
0xb5: {  	s29 =	simm.s32 $0x9;
	_ =	strace $0x80000048  }
0xb6: {  	_ =	swait.ge [sflag:s29], $0x1  }
0xb7: {  	[sflag:s29] =	ssyncadd.s32 $0xFFFFFFFF  }
0xb8: {  	_ =	strace $0x90000048  }
0xb9: {  	_ =	sfence  }
0xba: {  	s30 =	sld [smem:$0x0];
	_ =	sdelay $0x2  }
0xbb: {  	s31 =	sshll.u32 s1, $0xD;
	s1 =	sshrl.u32 s1, $0x2  }
0xbc: {  	s3 =	sand.u32 $0x4000, s31;
	s1 =	sadd.s32 s1, s30  }
0xbd: {  	s0 =	sor.u32 s3, s0;
	s1 =	sshll.u32 s1, $0x11  }
0xbe: {  	s0 =	sor.u32 s1, s0  }
0xbf: {  	s0 =	sadd.s32 $0x8F2B, s0  }
0xc0: {  	[sflag:s0] =	ssyncadd.remote.s32 $0x1  }
0xc1: {  	_ =	sfence.sel $0xFFFF  }
0xc2: {  	[dreg:$0x0] =	wrdreg $0xFFFFFFFF;
	(pc) =	sbr.abs _section_cstart, $3  }
0xc3: {  	[dreg:$0x1] =	wrdreg $0xFFFFFFFF  }
0xc4: {  	_ =	task.clear_ibuf [dreg:s8], $0x2FFFF;
	_ =	strace $0x9FFFFFFF  }
0xc5: {  	(tm) =	ssettm $0x7FFFFFFF  }
tec
execute0_lowered:
.L_overlay_start_1:
0x0: {  	(tag) =	ssettag $0x1  }
0x1: {  	s1 =	rddreg [dreg:$0x0]  }
0x2: {  	s0 =	srdreg.scid;
	s5 =	rddreg [dreg:$0x1]  }
0x3: {  	s14 =	stileid.u32;
	s3 =	rddreg [dreg:$0x3]  }
0x4: {  	s4 =	simm.s32 $0x0;
	s15 =	simm.s32 $0x13970;
	s17 =	simm.s32 $0x138D0  }
0x5: {  	s18 =	simm.s32 $0x139C0;
	s19 =	simm.s32 $0x5;
	s20 =	simm.s32 $0x50  }
0x6: {  	s28 =	simm.s32 $0x13920;
	s29 =	simm.s32 $0x13A10;
	s30 =	simm.s32 $0x6  }
0x7: {  	s31 =	simm.s32 $0x16260;
	s0 =	sand.u32 $0x1, s0;
	s7 =	smul.u32 $0x13880, s14  }
0x8: {  	s2 =	sshll.u32 s14, $0x1;
	s9 =	smul.u32 $0x2710, s14;
	[smem:$0x7FF] =	sst s4  }
0x9: {  	s24 =	sshll.u32 s14, $0x6;
	s16 =	sadd.s32 $0x37280, s1;
	s21 =	sadd.s32 $0x391C0, s1  }
0xa: {  	s14 =	simm.s32 $0x13880;
	s6 =	sor.u32 s0, s2;
	s2 =	rddreg [dreg:$0x2]  }
0xb: {  	s10 =	smul.u32 $0x27100, s0;
	_ =	strace $0x80000047;
	s0 =	ssub.s32 $0x2, s0  }
0xc: {  	s8 =	smul.u32 $0x4E2, s6;
	s12 =	sshrl.u32 s7, $0x3;
	s23 =	sshrl.u32 s0, $0x1  }
0xd: {  	s25 =	sadd.s32 s7, s3;
	s9 =	sadd.s32 s9, s10;
	s10 =	smul.u32 $0xFA, s6  }
0xe: {  	s22 =	sadd.s32 s12, s1;
	s0 =	ssub.s32 s0, s23;
	s12 =	sshrl.u32 s25, $0x3  }
0xf: {  	s11 =	sadd.s32 s8, s1;
	s9 =	sadd.s32 s9, s1;
	s6 =	sadd.s32 $0xC200, s22  }
0x10: {  	s8 =	sadd.s32 s5, s8;
	s0 =	smax.u32 s0, $0x1;
	s5 =	simm.s32 $0x7  }
0x11: {  	s13 =	sadd.s32 s10, s1;
	[dreg:$0x5] =	wrdreg s6;
	s6 =	sor.u32 $0x1C08, s24  }
0x12: {  	s7 =	sadd.s32 $0x2400, s11;
	s26 =	sadd.s32 $0x3D200, s9;
	s11 =	sadd.s32 $0x35340, s1  }
0x13: {  	s1 =	sadd.s32 $0x3B100, s1;
	[dreg:$0x8] =	wrdreg s0;
	s24 =	sadd.s32 s10, s16  }
0x14: {  	s25 =	sadd.s32 s10, s21;
	s0 =	simm.s32 $0x2;
	[dreg:$0x6] =	wrdreg s26  }
0x15: {  	s16 =	simm.s32 $0x0;
	s9 =	sadd.s32 $0x33400, s13;
	[dreg:$0xb] =	wrdreg s24  }
0x16: {  	s13 =	simm.s32 $0x8;
	s22 =	sadd.s32 $0xA, s7;
	[dreg:$0xc] =	wrdreg s25  }
0x17: {  	s23 =	sadd.s32 s10, s11;
	s26 =	sadd.s32 s10, s1;
	[dreg:$0x7] =	wrdreg s9  }
0x18: {  	s25 =	simm.s32 $0x13A60;
	s1 =	simm.s32 $0x1B260;
	[dreg:$0x9] =	wrdreg s22  }
0x19: {  	s10 =	simm.s32 $0x3;
	s11 =	simm.s32 $0x4;
	[dreg:$0xa] =	wrdreg s23  }
0x1a: {  	v0 =	vimm.f32 $0.0e+00;
	v1 =	vimm.f32 $1.000000000e+00;
	[dreg:$0xd] =	wrdreg s26;
	s26 =	simm.s32 $0x1;
	s9 =	simm.s32 $0x18A60  }
.LBB2_1:
0x1b: {  	s21 =	rddreg [dreg:$0x5]  }
0x1c: {  	[spmem:s12], [sflag:s6] =	dma.local [hbm:s21], $0x2710  }
0x1d: {  	_ =	swait.ge [sflag:s13], $0x2710  }
0x1e: {  	[sflag:s13] =	ssyncset.done $0x0  }
0x1f: {  	s22 =	simm.s32 $0x0;
	s21 =	simm.s32 $0x40;
	[sflag:s13] =	ssyncadd.s32 $0xFFFFD8F0  }
.LBB2_2:
0x20: {  	p0 =	sne.s32 s21, $0x9C00;
	[tilespmem:s22+$0x1B260] =	vst v0;
	s22 =	smov.u32 s21;
	s21 =	sadd.s32 $0x40, s21  }
.Ltmp0:
0x21: {  	(pc) =	sbr.rel @p0 .LBB2_2-.Ltmp0, $2  }
0x22: {  	_ =	sdelay $0x2  }
0x23: {  	s22 =	sshra.s32 s22, $0x2  }
0x24: {  	[tilespmem:s22+$0x1B260] =	vst v0  }
0x25: {  	s21 =	simm.s32 $0x0;
	[bflag:$0x0] =	sbarrier.arrive $0xFFFF  }
0x26: {  	[tilespmem:s14], [sflag:$0x5] =	stream.linear.gather [hbm4b:s7+s21], $0x50, $0x38;
	[tilespmem:$0x1D970] =	vst v63  }
0x27: {  	_ = 	snop  }
0x28: {  	[tilespmem:s15], [sflag:$0x5] =	stream.linear.gather [hbm4b:s8+s21], $0x50, $0x38;
	[tilespmem:$0x1D970] =	vst v63  }
0x29: {  	s23 =	rddreg [dreg:$0x9]  }
0x2a: {  	[tilespmem:s17], [sflag:$0x6] =	stream.linear.gather [hbm4b:s23+s21], $0x50, $0x38;
	[tilespmem:$0x1D970] =	vst v63  }
0x2b: {  	s24 =	sadd.s32 $0xA, s8  }
0x2c: {  	[tilespmem:s18], [sflag:$0x6] =	stream.linear.gather [hbm4b:s24+s21], $0x50, $0x38;
	[tilespmem:$0x1D970] =	vst v63  }
0x2d: {  	_ =	swait.ge [sflag:s19], $0x50  }
0x2e: {  	[sflag:s19] =	ssyncset.done $0x0  }
0x2f: {  	[sflag:s19] =	ssyncadd.s32 $0xFFFFFFB0  }
0x30: {  	_ =	swait.ge [sflag:s19], $0x50  }
0x31: {  	[sflag:s19] =	ssyncset.done $0x0  }
0x32: {  	[sflag:s19] =	ssyncadd.s32 $0xFFFFFFB0  }
0x33: {  	[tilespmem:s25], [sflag:$0x1] =	stream.indirect.gather [hbm4b:s2+s20], $0x80, s14, s20, $0xb8;
	[tilespmem:$0x1D970] =	vst v63  }
0x34: {  	_ =	swait.ge [sflag:s26], $0x2800  }
0x35: {  	[sflag:s26] =	ssyncset.done $0x0  }
0x36: {  	[sflag:s26] =	ssyncadd.s32 $0xFFFFD800  }
0x37: {  	[spmem:s3] =	stream.indirect.scatter.add.f32 [tilespmem:s25], [sflag:$0x2], $0x80, s15, s20, $0xb8;
	[tilespmem:$0x1D970] =	vst v63  }
0x38: {  	s23 =	sadd.s32 $0x14, s7  }
0x39: {  	[tilespmem:s28], [sflag:$0x7] =	stream.linear.gather [hbm4b:s23+s21], $0x50, $0x38;
	[tilespmem:$0x1D970] =	vst v63  }
0x3a: {  	s24 =	sadd.s32 $0x14, s8  }
0x3b: {  	[tilespmem:s29], [sflag:$0x7] =	stream.linear.gather [hbm4b:s24+s21], $0x50, $0x38;
	[tilespmem:$0x1D970] =	vst v63  }
0x3c: {  	_ =	swait.ge [sflag:s30], $0x50  }
0x3d: {  	[sflag:s30] =	ssyncset.done $0x0  }
0x3e: {  	[sflag:s30] =	ssyncadd.s32 $0xFFFFFFB0  }
0x3f: {  	_ =	swait.ge [sflag:s30], $0x50  }
0x40: {  	[sflag:s30] =	ssyncset.done $0x0  }
0x41: {  	[sflag:s30] =	ssyncadd.s32 $0xFFFFFFB0  }
0x42: {  	[tilespmem:s31], [sflag:$0x1] =	stream.indirect.gather [hbm4b:s2+s20], $0x80, s17, s20, $0xb8;
	[tilespmem:$0x1D970] =	vst v63  }
0x43: {  	v2 =	vld [tilespmem:$0x13970];
	_ =	sdelay $0x7  }
0x44: {  	[tilespmem:v2+s1+$0x0] =	vst.idx.add.f32.msk $0xffff, v1  }
0x45: {  	v2 =	vld [tilespmem:$0x13980];
	_ =	sdelay $0x7  }
0x46: {  	[tilespmem:v2+s1+$0x0] =	vst.idx.add.f32.msk $0xffff, v1  }
0x47: {  	v2 =	vld [tilespmem:$0x13990];
	_ =	sdelay $0x7  }
0x48: {  	[tilespmem:v2+s1+$0x0] =	vst.idx.add.f32.msk $0xffff, v1  }
0x49: {  	v2 =	vld [tilespmem:$0x139A0];
	_ =	sdelay $0x7  }
0x4a: {  	[tilespmem:v2+s1+$0x0] =	vst.idx.add.f32.msk $0xffff, v1  }
0x4b: {  	v2 =	vld [tilespmem:$0x139B0];
	_ =	sdelay $0x7  }
0x4c: {  	[tilespmem:v2+s1+$0x0] =	vst.idx.add.f32.msk $0xffff, v1  }
.LBB2_4:
0x4d: {  	_ =	swait.ge [sflag:s26], $0x2800  }
0x4e: {  	[sflag:s26] =	ssyncset.done $0x0  }
0x4f: {  	[sflag:s26] =	ssyncadd.s32 $0xFFFFD800  }
0x50: {  	[spmem:s3] =	stream.indirect.scatter.add.f32 [tilespmem:s31], [sflag:$0x3], $0x80, s18, s20, $0xb8;
	[tilespmem:$0x1D970] =	vst v63  }
0x51: {  	_ =	swait.ge [sflag:s0], $0x2800  }
0x52: {  	s22 =	sadd.s32 s21, s7;
	[sflag:s0] =	ssyncset.done $0x0  }
0x53: {  	s23 =	sadd.s32 $0x1E, s22;
	[sflag:s0] =	ssyncadd.s32 $0xFFFFD800  }
0x54: {  	[tilespmem:s14], [sflag:$0x5] =	stream.linear.gather [hbm4b:s23+s4], $0x50, $0x38;
	[tilespmem:$0x1D970] =	vst v63  }
0x55: {  	s23 =	sadd.s32 s21, s8  }
0x56: {  	s24 =	sadd.s32 $0x1E, s23  }
0x57: {  	[tilespmem:s15], [sflag:$0x5] =	stream.linear.gather [hbm4b:s24+s4], $0x50, $0x38;
	[tilespmem:$0x1D970] =	vst v63  }
0x58: {  	_ =	swait.ge [sflag:s5], $0x50  }
0x59: {  	[sflag:s5] =	ssyncset.done $0x0  }
0x5a: {  	[sflag:s5] =	ssyncadd.s32 $0xFFFFFFB0  }
0x5b: {  	_ =	swait.ge [sflag:s5], $0x50  }
0x5c: {  	[sflag:s5] =	ssyncset.done $0x0  }
0x5d: {  	[sflag:s5] =	ssyncadd.s32 $0xFFFFFFB0  }
0x5e: {  	[tilespmem:s9], [sflag:$0x1] =	stream.indirect.gather [hbm4b:s2+s20], $0x80, s28, s20, $0xb8;
	[tilespmem:$0x1D970] =	vst v63  }
0x5f: {  	v2 =	vld [tilespmem:$0x139C0];
	_ =	sdelay $0x7  }
0x60: {  	[tilespmem:v2+s1+$0x0] =	vst.idx.add.f32.msk $0xffff, v1  }
0x61: {  	v2 =	vld [tilespmem:$0x139D0];
	_ =	sdelay $0x7  }
0x62: {  	[tilespmem:v2+s1+$0x0] =	vst.idx.add.f32.msk $0xffff, v1  }
0x63: {  	v2 =	vld [tilespmem:$0x139E0];
	_ =	sdelay $0x7  }
0x64: {  	[tilespmem:v2+s1+$0x0] =	vst.idx.add.f32.msk $0xffff, v1  }
0x65: {  	v2 =	vld [tilespmem:$0x139F0];
	_ =	sdelay $0x7  }
0x66: {  	[tilespmem:v2+s1+$0x0] =	vst.idx.add.f32.msk $0xffff, v1  }
0x67: {  	v2 =	vld [tilespmem:$0x13A00];
	_ =	sdelay $0x7  }
0x68: {  	[tilespmem:v2+s1+$0x0] =	vst.idx.add.f32.msk $0xffff, v1  }
0x69: {  	_ =	swait.ge [sflag:s26], $0x2800  }
0x6a: {  	[sflag:s26] =	ssyncset.done $0x0  }
0x6b: {  	[sflag:s26] =	ssyncadd.s32 $0xFFFFD800  }
0x6c: {  	[spmem:s3] =	stream.indirect.scatter.add.f32 [tilespmem:s9], [sflag:$0x4], $0x80, s29, s20, $0xb8;
	[tilespmem:$0x1D970] =	vst v63  }
0x6d: {  	_ =	swait.ge [sflag:s10], $0x2800  }
0x6e: {  	[sflag:s10] =	ssyncset.done $0x0  }
0x6f: {  	s24 =	sadd.s32 $0x28, s22;
	[sflag:s10] =	ssyncadd.s32 $0xFFFFD800  }
0x70: {  	[tilespmem:s17], [sflag:$0x6] =	stream.linear.gather [hbm4b:s24+s4], $0x50, $0x38;
	[tilespmem:$0x1D970] =	vst v63  }
0x71: {  	s24 =	sadd.s32 $0x28, s23  }
0x72: {  	[tilespmem:s18], [sflag:$0x6] =	stream.linear.gather [hbm4b:s24+s4], $0x50, $0x38;
	[tilespmem:$0x1D970] =	vst v63  }
0x73: {  	_ =	swait.ge [sflag:s19], $0x50  }
0x74: {  	[sflag:s19] =	ssyncset.done $0x0  }
0x75: {  	[sflag:s19] =	ssyncadd.s32 $0xFFFFFFB0  }
0x76: {  	_ =	swait.ge [sflag:s19], $0x50  }
0x77: {  	[sflag:s19] =	ssyncset.done $0x0  }
0x78: {  	[sflag:s19] =	ssyncadd.s32 $0xFFFFFFB0  }
0x79: {  	[tilespmem:s25], [sflag:$0x1] =	stream.indirect.gather [hbm4b:s2+s20], $0x80, s14, s20, $0xb8;
	[tilespmem:$0x1D970] =	vst v63  }
0x7a: {  	v2 =	vld [tilespmem:$0x13A10];
	_ =	sdelay $0x7  }
0x7b: {  	[tilespmem:v2+s1+$0x0] =	vst.idx.add.f32.msk $0xffff, v1  }
0x7c: {  	v2 =	vld [tilespmem:$0x13A20];
	_ =	sdelay $0x7  }
0x7d: {  	[tilespmem:v2+s1+$0x0] =	vst.idx.add.f32.msk $0xffff, v1  }
0x7e: {  	v2 =	vld [tilespmem:$0x13A30];
	_ =	sdelay $0x7  }
0x7f: {  	[tilespmem:v2+s1+$0x0] =	vst.idx.add.f32.msk $0xffff, v1  }
0x80: {  	v2 =	vld [tilespmem:$0x13A40];
	_ =	sdelay $0x7  }
0x81: {  	[tilespmem:v2+s1+$0x0] =	vst.idx.add.f32.msk $0xffff, v1  }
0x82: {  	v2 =	vld [tilespmem:$0x13A50];
	_ =	sdelay $0x7  }
0x83: {  	[tilespmem:v2+s1+$0x0] =	vst.idx.add.f32.msk $0xffff, v1  }
0x84: {  	_ =	swait.ge [sflag:s26], $0x2800  }
0x85: {  	[sflag:s26] =	ssyncset.done $0x0  }
0x86: {  	[sflag:s26] =	ssyncadd.s32 $0xFFFFD800  }
0x87: {  	[spmem:s3] =	stream.indirect.scatter.add.f32 [tilespmem:s25], [sflag:$0x2], $0x80, s15, s20, $0xb8;
	[tilespmem:$0x1D970] =	vst v63  }
0x88: {  	_ =	swait.ge [sflag:s11], $0x2800  }
0x89: {  	[sflag:s11] =	ssyncset.done $0x0  }
0x8a: {  	s22 =	sadd.s32 $0x32, s22;
	[sflag:s11] =	ssyncadd.s32 $0xFFFFD800  }
0x8b: {  	[tilespmem:s28], [sflag:$0x7] =	stream.linear.gather [hbm4b:s22+s4], $0x50, $0x38;
	[tilespmem:$0x1D970] =	vst v63  }
0x8c: {  	s24 =	sadd.s32 $0x32, s23  }
0x8d: {  	[tilespmem:s29], [sflag:$0x7] =	stream.linear.gather [hbm4b:s24+s4], $0x50, $0x38;
	[tilespmem:$0x1D970] =	vst v63  }
0x8e: {  	_ =	swait.ge [sflag:s30], $0x50  }
0x8f: {  	[sflag:s30] =	ssyncset.done $0x0  }
0x90: {  	[sflag:s30] =	ssyncadd.s32 $0xFFFFFFB0  }
0x91: {  	_ =	swait.ge [sflag:s30], $0x50  }
0x92: {  	[sflag:s30] =	ssyncset.done $0x0  }
0x93: {  	[sflag:s30] =	ssyncadd.s32 $0xFFFFFFB0  }
0x94: {  	[tilespmem:s31], [sflag:$0x1] =	stream.indirect.gather [hbm4b:s2+s20], $0x80, s17, s20, $0xb8;
	[tilespmem:$0x1D970] =	vst v63  }
0x95: {  	v2 =	vld [tilespmem:$0x13970];
	_ =	sdelay $0x7  }
0x96: {  	[tilespmem:v2+s1+$0x0] =	vst.idx.add.f32.msk $0xffff, v1  }
0x97: {  	v2 =	vld [tilespmem:$0x13980];
	_ =	sdelay $0x7  }
0x98: {  	[tilespmem:v2+s1+$0x0] =	vst.idx.add.f32.msk $0xffff, v1  }
0x99: {  	v2 =	vld [tilespmem:$0x13990];
	_ =	sdelay $0x7  }
0x9a: {  	[tilespmem:v2+s1+$0x0] =	vst.idx.add.f32.msk $0xffff, v1  }
0x9b: {  	v2 =	vld [tilespmem:$0x139A0];
	_ =	sdelay $0x7  }
0x9c: {  	[tilespmem:v2+s1+$0x0] =	vst.idx.add.f32.msk $0xffff, v1  }
0x9d: {  	v2 =	vld [tilespmem:$0x139B0];
	_ =	sdelay $0x2  }
0x9e: {  	p0 =	sne.s32 s21, $0x492  }
.Ltmp1:
0x9f: {  	_ = 	snop;
	(pc) =	sbr.rel @p0 .LBB2_4-.Ltmp1, $2  }
0xa0: {  	_ =	sdelay $0x2  }
0xa1: {  	s21 =	sadd.s32 $0x1E, s21;
	[tilespmem:v2+s1+$0x0] =	vst.idx.add.f32.msk $0xffff, v1  }
0xa2: {  	_ =	swait.ge [sflag:s26], $0x2800  }
0xa3: {  	[sflag:s26] =	ssyncset.done $0x0  }
0xa4: {  	[sflag:s26] =	ssyncadd.s32 $0xFFFFD800  }
0xa5: {  	[spmem:s3] =	stream.indirect.scatter.add.f32 [tilespmem:s31], [sflag:$0x3], $0x80, s18, s20, $0xb8;
	[tilespmem:$0x1D970] =	vst v63  }
0xa6: {  	_ =	swait.ge [sflag:s0], $0x2800  }
0xa7: {  	[sflag:s0] =	ssyncset.done $0x0  }
0xa8: {  	s21 =	sadd.s32 $0x4CE, s7;
	[sflag:s0] =	ssyncadd.s32 $0xFFFFD800  }
0xa9: {  	[tilespmem:s14], [sflag:$0x5] =	stream.linear.gather [hbm4b:s21+s4], $0x50, $0x38;
	[tilespmem:$0x1D970] =	vst v63  }
0xaa: {  	s22 =	sadd.s32 $0x4CE, s8  }
0xab: {  	[tilespmem:s15], [sflag:$0x5] =	stream.linear.gather [hbm4b:s22+s4], $0x50, $0x38;
	[tilespmem:$0x1D970] =	vst v63  }
0xac: {  	_ =	swait.ge [sflag:s5], $0x50  }
0xad: {  	[sflag:s5] =	ssyncset.done $0x0  }
0xae: {  	[sflag:s5] =	ssyncadd.s32 $0xFFFFFFB0  }
0xaf: {  	_ =	swait.ge [sflag:s5], $0x50  }
0xb0: {  	[sflag:s5] =	ssyncset.done $0x0  }
0xb1: {  	[sflag:s5] =	ssyncadd.s32 $0xFFFFFFB0  }
0xb2: {  	[tilespmem:s9], [sflag:$0x1] =	stream.indirect.gather [hbm4b:s2+s20], $0x80, s28, s20, $0xb8;
	[tilespmem:$0x1D970] =	vst v63  }
0xb3: {  	v2 =	vld [tilespmem:$0x139C0];
	_ =	sdelay $0x7  }
0xb4: {  	[tilespmem:v2+s1+$0x0] =	vst.idx.add.f32.msk $0xffff, v1  }
0xb5: {  	v2 =	vld [tilespmem:$0x139D0];
	_ =	sdelay $0x7  }
0xb6: {  	[tilespmem:v2+s1+$0x0] =	vst.idx.add.f32.msk $0xffff, v1  }
0xb7: {  	v2 =	vld [tilespmem:$0x139E0];
	_ =	sdelay $0x7  }
0xb8: {  	[tilespmem:v2+s1+$0x0] =	vst.idx.add.f32.msk $0xffff, v1  }
0xb9: {  	v2 =	vld [tilespmem:$0x139F0];
	_ =	sdelay $0x7  }
0xba: {  	[tilespmem:v2+s1+$0x0] =	vst.idx.add.f32.msk $0xffff, v1  }
0xbb: {  	v2 =	vld [tilespmem:$0x13A00];
	_ =	sdelay $0x7  }
0xbc: {  	[tilespmem:v2+s1+$0x0] =	vst.idx.add.f32.msk $0xffff, v1  }
0xbd: {  	_ =	swait.ge [sflag:s26], $0x2800  }
0xbe: {  	[sflag:s26] =	ssyncset.done $0x0  }
0xbf: {  	[sflag:s26] =	ssyncadd.s32 $0xFFFFD800  }
0xc0: {  	[spmem:s3] =	stream.indirect.scatter.add.f32 [tilespmem:s9], [sflag:$0x4], $0x80, s29, s20, $0xb8;
	[tilespmem:$0x1D970] =	vst v63  }
0xc1: {  	_ =	swait.ge [sflag:s10], $0x2800  }
0xc2: {  	[sflag:s10] =	ssyncset.done $0x0  }
0xc3: {  	s23 =	sadd.s32 $0x4D8, s7;
	[sflag:s10] =	ssyncadd.s32 $0xFFFFD800  }
0xc4: {  	[tilespmem:s17], [sflag:$0x6] =	stream.linear.gather [hbm4b:s23+s4], $0x50, $0x38;
	[tilespmem:$0x1D970] =	vst v63  }
0xc5: {  	s24 =	sadd.s32 $0x4D8, s8  }
0xc6: {  	[tilespmem:s18], [sflag:$0x6] =	stream.linear.gather [hbm4b:s24+s4], $0x50, $0x38;
	[tilespmem:$0x1D970] =	vst v63  }
0xc7: {  	_ =	swait.ge [sflag:s19], $0x50  }
0xc8: {  	[sflag:s19] =	ssyncset.done $0x0  }
0xc9: {  	[sflag:s19] =	ssyncadd.s32 $0xFFFFFFB0  }
0xca: {  	_ =	swait.ge [sflag:s19], $0x50  }
0xcb: {  	[sflag:s19] =	ssyncset.done $0x0  }
0xcc: {  	[sflag:s19] =	ssyncadd.s32 $0xFFFFFFB0  }
0xcd: {  	[tilespmem:s25], [sflag:$0x1] =	stream.indirect.gather [hbm4b:s2+s20], $0x80, s14, s20, $0xb8;
	[tilespmem:$0x1D970] =	vst v63  }
0xce: {  	v2 =	vld [tilespmem:$0x13A10];
	_ =	sdelay $0x7  }
0xcf: {  	[tilespmem:v2+s1+$0x0] =	vst.idx.add.f32.msk $0xffff, v1  }
0xd0: {  	v2 =	vld [tilespmem:$0x13A20];
	_ =	sdelay $0x7  }
0xd1: {  	[tilespmem:v2+s1+$0x0] =	vst.idx.add.f32.msk $0xffff, v1  }
0xd2: {  	v2 =	vld [tilespmem:$0x13A30];
	_ =	sdelay $0x7  }
0xd3: {  	[tilespmem:v2+s1+$0x0] =	vst.idx.add.f32.msk $0xffff, v1  }
0xd4: {  	v2 =	vld [tilespmem:$0x13A40];
	_ =	sdelay $0x7  }
0xd5: {  	[tilespmem:v2+s1+$0x0] =	vst.idx.add.f32.msk $0xffff, v1  }
0xd6: {  	v2 =	vld [tilespmem:$0x13A50];
	_ =	sdelay $0x7  }
0xd7: {  	[tilespmem:v2+s1+$0x0] =	vst.idx.add.f32.msk $0xffff, v1  }
0xd8: {  	_ =	swait.ge [sflag:s26], $0x2800  }
0xd9: {  	[sflag:s26] =	ssyncset.done $0x0  }
0xda: {  	[sflag:s26] =	ssyncadd.s32 $0xFFFFD800  }
0xdb: {  	[spmem:s3] =	stream.indirect.scatter.add.f32 [tilespmem:s25], [sflag:$0x2], $0x80, s15, s20, $0xb8;
	[tilespmem:$0x1D970] =	vst v63  }
0xdc: {  	_ =	swait.ge [sflag:s11], $0x2800  }
0xdd: {  	[sflag:s11] =	ssyncset.done $0x0  }
0xde: {  	[sflag:s11] =	ssyncadd.s32 $0xFFFFD800  }
0xdf: {  	_ =	swait.ge [sflag:s30], $0x50  }
0xe0: {  	[sflag:s30] =	ssyncset.done $0x0  }
0xe1: {  	[sflag:s30] =	ssyncadd.s32 $0xFFFFFFB0  }
0xe2: {  	_ =	swait.ge [sflag:s30], $0x50  }
0xe3: {  	[sflag:s30] =	ssyncset.done $0x0  }
0xe4: {  	[sflag:s30] =	ssyncadd.s32 $0xFFFFFFB0  }
0xe5: {  	[tilespmem:s31], [sflag:$0x1] =	stream.indirect.gather [hbm4b:s2+s20], $0x80, s17, s20, $0xb8;
	[tilespmem:$0x1D970] =	vst v63  }
0xe6: {  	v2 =	vld [tilespmem:$0x13970];
	_ =	sdelay $0x7  }
0xe7: {  	[tilespmem:v2+s1+$0x0] =	vst.idx.add.f32.msk $0xffff, v1  }
0xe8: {  	v2 =	vld [tilespmem:$0x13980];
	_ =	sdelay $0x7  }
0xe9: {  	[tilespmem:v2+s1+$0x0] =	vst.idx.add.f32.msk $0xffff, v1  }
0xea: {  	v2 =	vld [tilespmem:$0x13990];
	_ =	sdelay $0x7  }
0xeb: {  	[tilespmem:v2+s1+$0x0] =	vst.idx.add.f32.msk $0xffff, v1  }
0xec: {  	v2 =	vld [tilespmem:$0x139A0];
	_ =	sdelay $0x7  }
0xed: {  	[tilespmem:v2+s1+$0x0] =	vst.idx.add.f32.msk $0xffff, v1  }
0xee: {  	v2 =	vld [tilespmem:$0x139B0];
	_ =	sdelay $0x7  }
0xef: {  	[tilespmem:v2+s1+$0x0] =	vst.idx.add.f32.msk $0xffff, v1  }
0xf0: {  	_ =	swait.ge [sflag:s26], $0x2800  }
0xf1: {  	[sflag:s26] =	ssyncset.done $0x0  }
0xf2: {  	[sflag:s26] =	ssyncadd.s32 $0xFFFFD800  }
0xf3: {  	[spmem:s3] =	stream.indirect.scatter.add.f32 [tilespmem:s31], [sflag:$0x3], $0x80, s18, s20, $0xb8;
	[tilespmem:$0x1D970] =	vst v63  }
0xf4: {  	_ =	swait.ge [sflag:s0], $0x2800  }
0xf5: {  	[sflag:s0] =	ssyncset.done $0x0  }
0xf6: {  	[sflag:s0] =	ssyncadd.s32 $0xFFFFD800  }
0xf7: {  	v2 =	vld [tilespmem:$0x139C0];
	_ =	sdelay $0x7  }
0xf8: {  	[tilespmem:v2+s1+$0x0] =	vst.idx.add.f32.msk $0xffff, v1  }
0xf9: {  	v2 =	vld [tilespmem:$0x139D0];
	_ =	sdelay $0x7  }
0xfa: {  	[tilespmem:v2+s1+$0x0] =	vst.idx.add.f32.msk $0xffff, v1  }
0xfb: {  	v2 =	vld [tilespmem:$0x139E0];
	_ =	sdelay $0x7  }
0xfc: {  	[tilespmem:v2+s1+$0x0] =	vst.idx.add.f32.msk $0xffff, v1  }
0xfd: {  	v2 =	vld [tilespmem:$0x139F0];
	_ =	sdelay $0x7  }
0xfe: {  	[tilespmem:v2+s1+$0x0] =	vst.idx.add.f32.msk $0xffff, v1  }
0xff: {  	v2 =	vld [tilespmem:$0x13A00];
	_ =	sdelay $0x7  }
0x100: {  	[tilespmem:v2+s1+$0x0] =	vst.idx.add.f32.msk $0xffff, v1  }
0x101: {  	_ =	swait.ge [sflag:s10], $0x2800  }
0x102: {  	[sflag:s10] =	ssyncset.done $0x0  }
0x103: {  	[sflag:s10] =	ssyncadd.s32 $0xFFFFD800  }
0x104: {  	[bflag:$0x0] =	sbarrier.arrive $0xFFFF  }
0x105: {  	s22 =	rddreg [dreg:$0x6]  }
0x106: {  	[hbm:s22], [sflag:s6] =	dma.local [spmem:s12], $0x2710  }
0x107: {  	_ =	swait.ge [sflag:s13], $0x2710  }
0x108: {  	[sflag:s13] =	ssyncset.done $0x0  }
0x109: {  	s23 =	rddreg [dreg:$0x7];
	[sflag:s13] =	ssyncadd.s32 $0xFFFFD8F0  }
0x10a: {  	[hbm4b:s23+s4] =	stream.linear.scatter [tilespmem:s1], [sflag:$0x8], $0x7D0, $0x38;
	[tilespmem:$0x1D970] =	vst v63  }
0x10b: {  	_ =	swait.ge [sflag:s13], $0x7D0  }
0x10c: {  	[sflag:s13] =	ssyncset.done $0x0  }
0x10d: {  	s22 =	simm.s32 $0x1BA30;
	s24 =	rddreg [dreg:$0xa];
	[sflag:s13] =	ssyncadd.s32 $0xFFFFF830  }
0x10e: {  	[hbm4b:s24+s4] =	stream.linear.scatter [tilespmem:s22], [sflag:$0x8], $0x7D0, $0x38;
	[tilespmem:$0x1D970] =	vst v63  }
0x10f: {  	_ =	swait.ge [sflag:s13], $0x7D0  }
0x110: {  	[sflag:s13] =	ssyncset.done $0x0  }
0x111: {  	s24 =	simm.s32 $0x1C200;
	s23 =	rddreg [dreg:$0xb];
	[sflag:s13] =	ssyncadd.s32 $0xFFFFF830  }
0x112: {  	[hbm4b:s23+s4] =	stream.linear.scatter [tilespmem:s24], [sflag:$0x8], $0x7D0, $0x38;
	[tilespmem:$0x1D970] =	vst v63  }
0x113: {  	_ =	swait.ge [sflag:s13], $0x7D0  }
0x114: {  	[sflag:s13] =	ssyncset.done $0x0  }
0x115: {  	s24 =	simm.s32 $0x1C9D0;
	s23 =	rddreg [dreg:$0xc];
	[sflag:s13] =	ssyncadd.s32 $0xFFFFF830  }
0x116: {  	[hbm4b:s23+s4] =	stream.linear.scatter [tilespmem:s24], [sflag:$0x8], $0x7D0, $0x38;
	[tilespmem:$0x1D970] =	vst v63  }
0x117: {  	_ =	swait.ge [sflag:s13], $0x7D0  }
0x118: {  	[sflag:s13] =	ssyncset.done $0x0  }
0x119: {  	s23 =	simm.s32 $0x1D1A0;
	s22 =	rddreg [dreg:$0xd];
	[sflag:s13] =	ssyncadd.s32 $0xFFFFF830  }
0x11a: {  	[hbm4b:s22+s4] =	stream.linear.scatter [tilespmem:s23], [sflag:$0x8], $0x7D0, $0x38;
	[tilespmem:$0x1D970] =	vst v63  }
0x11b: {  	_ =	swait.ge [sflag:s13], $0x7D0  }
0x11c: {  	s16 =	sadd.s32 $0x1, s16;
	s24 =	rddreg [dreg:$0x8]  }
0x11d: {  	p0 =	sne.s32 s16, s24  }
.Ltmp2:
0x11e: {  	_ = 	snop;
	(pc) =	sbr.rel @p0 .LBB2_1-.Ltmp2, $3  }
0x11f: {  	_ =	sdelay $0x1  }
0x120: {  	[sflag:s13] =	ssyncset.done $0x0  }
0x121: {  	[sflag:s13] =	ssyncadd.s32 $0xFFFFF830  }
0x122: {  	_ =	sfence.sel $0x180000  }
0x123: {  	[bflag:$0x0] =	sbarrier.arrive $0xFFFF  }
0x124: {  	_ =	strace $0x90000047  }
0x125: {  	s0 =	stileid.u32;
	[bflag:$0x2] =	sbarrier.arrive $0xFFFF  }
0x126: {  	p0 =	sne.s32 s0, $0x0;
	s0 =	rddreg [dreg:$0x4]  }
0x127: {  	s0 =	sadd.s32 @!p0 $0x100000, s0  }
0x128: {  	[sflag:s0] =	ssyncadd.tile.s32 @!p0 $0x1;
	_ =	shalt  }
.Lfunc_end2:
_tile_overlayer_lowered:
.L_overlay_start_2:
0x129: {  	(tag) =	ssettag $0x2  }
0x12a: {  	s0 =	rddreg [dreg:$0x0];
	s2 =	stileid.u32  }
0x12b: {  	s1 =	rddreg [dreg:$0x1];
	p0 =	sne.s32 s2, $0x0  }
0x12c: {  	s3 =	rddreg [dreg:$0x2];
	[bflag:$0x3] =	sbarrier.arrive $0xFFFF;
	s2 =	simm.s32 @!p0 $0x1C08  }
0x12d: {  	[timem:s3], [sflag:s2] =	dma.local @!p0 [hbm:s0], s1  }
0x12e: {  	s0 =	simm.s32 @!p0 $0x8  }
0x12f: {  	_ =	swait.ge @!p0 [sflag:s0], s1  }
0x130: {  	s1 =	ssub.s32 @!p0 $0x0, s1;
	[sflag:s0] =	ssyncset.done @!p0 $0x0  }
0x131: {  	[sflag:s0] =	ssyncadd.s32 @!p0 s1  }
0x132: {  	[bflag:$0x3] =	sbarrier.arrive $0xFFFF  }
0x133: {  	_ =	shalt  }

// kernel: kernel.9.cloned.1.call-start
scs
__scs_entry_jumppad:
0x0: {  	(pc) =	sbr.rel $0x88, $3  }
0x1: {  	(tag) =	ssettag $0x0;
	lr =	simm.s32 $0x1  }
0x2: {  	[smem:$0x3F95] =	sst lr;
	_ =	strace $0xD0000000  }
0x3: {  	_ = 	snop  }
0x4: {  	_ = 	snop  }
0x5: {  	_ = 	snop  }
0x6: {  	_ = 	snop  }
0x7: {  	_ = 	snop  }
__scs_overlays_trampoline_lowered:
0x8: {  	[smem:$0x3FA4] =	sst s0  }
0x9: {  	[smem:$0x3FA5] =	sst s1  }
0xa: {  	[smem:$0x3FA6] =	sst s2  }
0xb: {  	[smem:$0x3FA7] =	sst s3  }
0xc: {  	[smem:$0x3FA8] =	sst s4  }
0xd: {  	[smem:$0x3FA9] =	sst s5  }
0xe: {  	[smem:$0x3FAA] =	sst s6  }
0xf: {  	[smem:$0x3FAB] =	sst s7  }
0x10: {  	[smem:$0x3FAC] =	sst s8  }
0x11: {  	[smem:$0x3FAD] =	sst s9;
	s0 =	simm.s32 @!p0 $0x0  }
0x12: {  	s1 =	sld [smem:$0x3F93];
	s0 =	simm.s32 @p0 $0x1  }
0x13: {  	[smem:$0x3FAE] =	sst s0;
	s0 =	simm.s32 @!p1 $0x0  }
0x14: {  	s2 =	sld [smem:$0x3F92];
	s0 =	simm.s32 @p1 $0x1  }
0x15: {  	[smem:$0x3FAF] =	sst s0;
	s0 =	simm.s32 @!p2 $0x0  }
0x16: {  	s3 =	sld [smem:$0x3FDB];
	s0 =	simm.s32 @p2 $0x1  }
0x17: {  	s4 =	simm.s32 $0x1BF5;
	[smem:$0x3FB1] =	sst s0  }
0x18: {  	s0 =	sld [smem:$0x3F94];
	_ =	swait.ge [sflag:s4], $0x0  }
0x19: {  	s7 =	sld [smem:$0x3F95]  }
0x1a: {  	s8 =	sadd.s32 $0xFFFFE003, lr  }
0x1b: {  	s9 =	sadd.s32 $0xFFFFFEF7, lr;
	s5 =	simm.s32 $0xFFFFFFFF;
	p2 =	slt.u32 s8, $0xFFFFF086  }
0x1c: {  	p1 =	slt.u32 s9, $0xF7A;
	s5 =	simm.s32 @!p2 $0x0  }
0x1d: {  	s5 =	simm.s32 @p1 $0x1;
	p0 =	seq.s32 s7, s2  }
0x1e: {  	s7 =	smul.u32 @!p0 $0xF7A, s2;
	p2 =	seq.s32 @!p0 s5, $0x0  }
0x1f: {  	s9 =	smul.u32 $0xF7A, s1;
	s8 =	simm.s32 @!p0 $0x1BF5;
	p2 =	por !p2, p0  }
0x20: {  	[sflag:s8] =	ssyncset.s32 @!p0 $0xFFFFF086;
	s6 =	sadd.s32 @!p0 s3, s7;
	s7 =	simm.s32 @!p0 $0x108  }
0x21: {  	s3 =	sadd.s32 s3, s9;
	s6 =	sadd.s32 @!p0 $0x88, s6;
	s7 =	simm.s32 @p2 $0x1082  }
0x22: {  	[simem:s7], [sflag:s8] =	dma.local @!p0 [hbm:s6], $0xF7A  }
0x23: {  	s9 =	sor.u32 $0xD0000000, s2;
	s6 =	simm.s32 $0x108;
	_ =	swait.ge @!p0 [sflag:s8], $0x0  }
0x24: {  	s3 =	sadd.s32 $0x88, s3;
	s6 =	simm.s32 @!p1 $0x1082;
	[sflag:s4] =	ssyncset.s32 $0xFFFFF086  }
0x25: {  	[simem:s6], [sflag:s4] =	dma.local [hbm:s3], $0xF7A  }
0x26: {  	[smem:$0x3F95] =	sst s1;
	(tag) =	ssettag s2;
	_ =	strace s9  }
0x27: {  	s1 =	sld [smem:$0x3FA5]  }
0x28: {  	s2 =	sld [smem:$0x3FA6]  }
0x29: {  	s4 =	sld [smem:$0x3FA8]  }
0x2a: {  	p0 =	seq.s32 s5, $0x0;
	s5 =	sld [smem:$0x3FA9]  }
0x2b: {  	s6 =	sld [smem:$0x3FAA]  }
0x2c: {  	s7 =	sld [smem:$0x3FAB]  }
0x2d: {  	s3 =	simm.s32 $0x108;
	s8 =	sld [smem:$0x3FAC]  }
0x2e: {  	s3 =	simm.s32 @!p0 $0x1082;
	s9 =	sld [smem:$0x3FAD]  }
0x2f: {  	lr =	sadd.s32 s0, s3;
	s0 =	sld [smem:$0x3FA4]  }
0x30: {  	s3 =	sld [smem:$0x3FA7]  }
0x31: {  	[smem:$0x3FB0] =	sst s10  }
0x32: {  	s10 =	sld [smem:$0x3FAE];
	_ =	sdelay $0x3  }
0x33: {  	p0 =	seq.s32 s10, $0x1;
	s10 =	sld [smem:$0x3FB0];
	_ =	sdelay $0x3  }
0x34: {  	[smem:$0x3FB0] =	sst s10  }
0x35: {  	s10 =	sld [smem:$0x3FAF];
	_ =	sdelay $0x3  }
0x36: {  	p1 =	seq.s32 s10, $0x1;
	s10 =	sld [smem:$0x3FB0];
	_ =	sdelay $0x3  }
0x37: {  	[smem:$0x3FB0] =	sst s10  }
0x38: {  	s10 =	sld [smem:$0x3FB1]  }
0x39: {  	_ = 	snop;
	(pc) =	sbr.ind lr, $3  }
0x3a: {  	_ = 	snop  }
0x3b: {  	_ = 	snop  }
0x3c: {  	p2 =	seq.s32 s10, $0x1;
	s10 =	sld [smem:$0x3FB0]  }
0x3d: {  	_ =	shalt  }
0x3e: {  	_ =	shalt  }
0x3f: {  	_ =	shalt  }
0x40: {  	_ =	shalt  }
0x41: {  	_ =	shalt  }
0x42: {  	_ =	shalt  }
0x43: {  	_ =	shalt  }
0x44: {  	_ =	shalt  }
0x45: {  	_ =	shalt  }
0x46: {  	_ =	shalt  }
0x47: {  	_ =	shalt  }
0x48: {  	_ =	shalt  }
0x49: {  	_ =	shalt  }
0x4a: {  	_ =	shalt  }
0x4b: {  	_ =	shalt  }
0x4c: {  	_ =	shalt  }
0x4d: {  	_ =	shalt  }
0x4e: {  	_ =	shalt  }
0x4f: {  	_ =	shalt  }
0x50: {  	_ =	shalt  }
0x51: {  	_ =	shalt  }
0x52: {  	_ =	shalt  }
0x53: {  	_ =	shalt  }
0x54: {  	_ =	shalt  }
0x55: {  	_ =	shalt  }
0x56: {  	_ =	shalt  }
0x57: {  	_ =	shalt  }
0x58: {  	_ =	shalt  }
0x59: {  	_ =	shalt  }
0x5a: {  	_ =	shalt  }
0x5b: {  	_ =	shalt  }
0x5c: {  	_ =	shalt  }
0x5d: {  	_ =	shalt  }
0x5e: {  	_ =	shalt  }
0x5f: {  	_ =	shalt  }
0x60: {  	_ =	shalt  }
0x61: {  	_ =	shalt  }
0x62: {  	_ =	shalt  }
0x63: {  	_ =	shalt  }
0x64: {  	_ =	shalt  }
0x65: {  	_ =	shalt  }
0x66: {  	_ =	shalt  }
0x67: {  	_ =	shalt  }
0x68: {  	_ =	shalt  }
0x69: {  	_ =	shalt  }
0x6a: {  	_ =	shalt  }
0x6b: {  	_ =	shalt  }
0x6c: {  	_ =	shalt  }
0x6d: {  	_ =	shalt  }
0x6e: {  	_ =	shalt  }
0x6f: {  	_ =	shalt  }
0x70: {  	_ =	shalt  }
0x71: {  	_ =	shalt  }
0x72: {  	_ =	shalt  }
0x73: {  	_ =	shalt  }
0x74: {  	_ =	shalt  }
0x75: {  	_ =	shalt  }
0x76: {  	_ =	shalt  }
0x77: {  	_ =	shalt  }
0x78: {  	_ =	shalt  }
0x79: {  	_ =	shalt  }
0x7a: {  	_ =	shalt  }
0x7b: {  	_ =	shalt  }
0x7c: {  	_ =	shalt  }
0x7d: {  	_ =	shalt  }
0x7e: {  	_ =	shalt  }
0x7f: {  	_ =	shalt  }
0x80: {  	_ =	shalt  }
0x81: {  	_ =	shalt  }
0x82: {  	_ =	shalt  }
0x83: {  	_ =	shalt  }
0x84: {  	_ =	shalt  }
0x85: {  	_ =	shalt  }
0x86: {  	_ =	shalt  }
0x87: {  	_ =	shalt  }
.Lfunc_end0:
.L_simem_size_0:
called_computation.1_lowered:
.L_overlay_start_0:
0x88: {  	s2 =	sld [smem:$0x3FD9]  }
0x89: {  	s3 =	sld [smem:$0x3FFE];
	_ =	sdelay $0x1  }
0x8a: {  	s1 =	srdreg.scid  }
0x8b: {  	s0 =	sand.u32 $0x1, s1  }
0x8c: {  	s17 =	sshll.u32 s0, $0xA;
	s2 =	sadd.s32 s3, s2  }
0x8d: {  	s2 =	sadd.s32 s2, s17  }
0x8e: {  	[smem:$0x3FBC] =	sst s2  }
0x8f: {  	_ = 	snop  }
0x90: {  	s2 =	sld [smem:$0x3FD0];
	(tm) =	ssettm $0x1  }
0x91: {  	s18 =	sld [smem:$0x3FFB];
	_ =	sdelay $0x3  }
0x92: {  	_ =	strace s18  }
0x93: {  	s3 =	sld [smem:$0x3FFC];
	_ =	sdelay $0x3  }
0x94: {  	_ =	strace s3  }
0x95: {  	s3 =	sld [smem:$0x3FFD];
	_ =	sdelay $0x3  }
0x96: {  	_ =	strace s3  }
0x97: {  	_ =	strace $0x8FFFFFFF  }
0x98: {  	s19 =	sld [smem:$0x3FDB];
	_ =	sdelay $0x1  }
0x99: {  	s4 =	simm.s32 $_scs_section_size  }
0x9a: {  	s5 =	simm.s32 $_size__tile_overlayer_lowered;
	s6 =	simm.s32 $_tile_overlayer_lowered  }
0x9b: {  	s22 =	simm.s32 $0x1BFF;
	s21 =	sshll.u32 s6, $0x1;
	s3 =	sadd.s32 s4, s19  }
0x9c: {  	s7 =	simm.s32 $0x0;
	s20 =	sshll.u32 s5, $0x1;
	s5 =	sadd.s32 s21, s3  }
0x9d: {  	[timem:s7], [sflag:s22] =	dma.local [hbm:s5], s20  }
0x9e: {  	_ =	swait.ge [sflag:s22], s20  }
0x9f: {  	s4 =	ssub.s32 $0x0, s20;
	[sflag:s22] =	ssyncset.done $0x0  }
0xa0: {  	[sflag:s22] =	ssyncadd.s32 s4;
	_ =	sdelay $0x1  }
0xa1: {  	s23 =	simm.s32 $0x1B8B  }
0xa2: {  	_ =	swait.ge [sflag:s23], $0x1  }
0xa3: {  	[sflag:s23] =	ssyncset.done $0x0  }
0xa4: {  	s25 =	simm.s32 $0x1B8E;
	s24 =	sld [smem:$0x3FFE];
	[sflag:s23] =	ssyncadd.s32 $0xFFFFFFFF  }
0xa5: {  	s26 =	simm.s32 $execute0_lowered;
	[smem:$0x3FD2] =	sst s25  }
0xa6: {  	s5 =	sshll.u32 s26, $0x1;
	_ =	strace $0x80000049;
	[dreg:$0x1] =	wrdreg $0xFFFFFFFF  }
0xa7: {  	s28 =	simm.s32 $_size_execute0_lowered;
	s3 =	sadd.s32 s3, s5;
	[dreg:$0x0] =	wrdreg $0x0  }
0xa8: {  	s5 =	sshll.u32 s28, $0x1;
	[dreg:$0x2] =	wrdreg s3  }
0xa9: {  	[dreg:$0x3] =	wrdreg s5  }
0xaa: {  	[dreg:$0x4] =	wrdreg $0xC0  }
0xab: {  	_ =	task [dreg:s7], $0x5FFFF  }
0xac: {  	[dreg:$0x1] =	wrdreg $0xFFFFFFFF  }
0xad: {  	[dreg:$0x0] =	wrdreg $0x60  }
0xae: {  	[dreg:$0x2] =	wrdreg s24  }
0xaf: {  	[dreg:$0x3] =	wrdreg s2  }
0xb0: {  	[dreg:$0x4] =	wrdreg $0x0  }
0xb1: {  	[dreg:$0x5] =	wrdreg $0x9  }
0xb2: {  	_ =	task.clear_ibuf [dreg:s7], $0x6FFFF;
	_ =	strace $0x90000049  }
0xb3: {  	s29 =	simm.s32 $0x9;
	_ =	strace $0x8000004B  }
0xb4: {  	_ =	swait.ge [sflag:s29], $0x1  }
0xb5: {  	[sflag:s29] =	ssyncadd.s32 $0xFFFFFFFF  }
0xb6: {  	_ =	strace $0x9000004B  }
0xb7: {  	_ =	sfence  }
0xb8: {  	s30 =	sld [smem:$0x0];
	_ =	sdelay $0x2  }
0xb9: {  	s31 =	sshll.u32 s1, $0xD;
	s1 =	sshrl.u32 s1, $0x2  }
0xba: {  	s3 =	sand.u32 $0x4000, s31;
	s1 =	sadd.s32 s1, s30  }
0xbb: {  	s0 =	sor.u32 s3, s0;
	s1 =	sshll.u32 s1, $0x11  }
0xbc: {  	s0 =	sor.u32 s1, s0  }
0xbd: {  	s0 =	sadd.s32 $0x8F2B, s0  }
0xbe: {  	[sflag:s0] =	ssyncadd.remote.s32 $0x1  }
0xbf: {  	_ =	sfence.sel $0xFFFF  }
0xc0: {  	[dreg:$0x0] =	wrdreg $0xFFFFFFFF;
	(pc) =	sbr.abs _section_cstart, $3  }
0xc1: {  	[dreg:$0x1] =	wrdreg $0xFFFFFFFF  }
0xc2: {  	_ =	task.clear_ibuf [dreg:s7], $0x2FFFF;
	_ =	strace $0x9FFFFFFF  }
0xc3: {  	(tm) =	ssettm $0x7FFFFFFF  }
tec
execute0_lowered:
.L_overlay_start_1:
0x0: {  	(tag) =	ssettag $0x1  }
0x1: {  	s0 =	srdreg.scid  }
0x2: {  	s12 =	stileid.u32;
	s1 =	rddreg [dreg:$0x0]  }
0x3: {  	s5 =	rddreg [dreg:$0x1];
	s13 =	simm.s32 $0x13880;
	s14 =	simm.s32 $0x13970  }
0x4: {  	s16 =	simm.s32 $0x138D0;
	s18 =	simm.s32 $0x139C0;
	s19 =	simm.s32 $0x5  }
0x5: {  	s20 =	simm.s32 $0x50;
	s28 =	simm.s32 $0x16260;
	s29 =	simm.s32 $0x2  }
0x6: {  	s30 =	simm.s32 $0x7;
	s31 =	simm.s32 $0x18A60;
	s6 =	smul.u32 $0x13880, s12  }
0x7: {  	s0 =	sand.u32 $0x1, s0;
	s2 =	sshll.u32 s12, $0x1;
	s7 =	smul.u32 $0x2710, s12  }
0x8: {  	s4 =	sadd.s32 $0x33400, s1;
	s22 =	sshll.u32 s12, $0x6;
	s12 =	simm.s32 $0x8  }
0x9: {  	s3 =	sor.u32 s0, s2;
	s2 =	rddreg [dreg:$0x2];
	s10 =	smul.u32 $0x27100, s0  }
0xa: {  	s0 =	ssub.s32 $0x2, s0;
	s8 =	smul.u32 $0x4E2, s3;
	s3 =	simm.s32 $0x0  }
0xb: {  	s11 =	sshrl.u32 s6, $0x3;
	s21 =	sshrl.u32 s0, $0x1;
	s23 =	sadd.s32 s6, s2  }
0xc: {  	s6 =	sor.u32 $0x1C08, s22;
	s22 =	simm.s32 $0x1;
	[smem:$0x7FF] =	sst s3  }
0xd: {  	s11 =	sadd.s32 s11, s1;
	s7 =	sadd.s32 s7, s10;
	s0 =	ssub.s32 s0, s21  }
0xe: {  	s21 =	simm.s32 $0x13A60;
	_ =	strace $0x8000004A;
	s9 =	sadd.s32 s8, s1  }
0xf: {  	s1 =	sadd.s32 s7, s1;
	s24 =	sadd.s32 $0xC200, s11;
	s8 =	sadd.s32 s5, s8  }
0x10: {  	s0 =	smax.u32 s0, $0x1;
	s11 =	sshrl.u32 s23, $0x3;
	s5 =	simm.s32 $0x0  }
0x11: {  	[dreg:$0x4] =	wrdreg s24;
	s7 =	sadd.s32 $0x2400, s9;
	s1 =	sadd.s32 $0x5A600, s1  }
0x12: {  	[dreg:$0x6] =	wrdreg s0;
	s26 =	sadd.s32 $0xA, s8;
	s24 =	simm.s32 $0x13920  }
0x13: {  	s0 =	simm.s32 $0x4;
	[dreg:$0x5] =	wrdreg s1;
	s25 =	sadd.s32 $0xA, s7  }
0x14: {  	[dreg:$0x8] =	wrdreg s26;
	s23 =	sadd.s32 $0x14, s7;
	s26 =	simm.s32 $0x6  }
0x15: {  	s1 =	simm.s32 $0x3;
	[dreg:$0x7] =	wrdreg s25;
	s25 =	simm.s32 $0x13A10  }
.LBB2_1:
0x16: {  	s9 =	rddreg [dreg:$0x4]  }
0x17: {  	[spmem:s11], [sflag:s6] =	dma.local [hbm:s9], $0x2710  }
0x18: {  	_ =	swait.ge [sflag:s12], $0x2710  }
0x19: {  	[sflag:s12] =	ssyncset.done $0x0  }
0x1a: {  	[sflag:s12] =	ssyncadd.s32 $0xFFFFD8F0  }
0x1b: {  	[bflag:$0x0] =	sbarrier.arrive $0xFFFF  }
0x1c: {  	[tilespmem:s13], [sflag:$0x5] =	stream.linear.gather [hbm4b:s7+s3], $0x50, $0x38;
	[tilespmem:$0x1B260] =	vst v63  }
0x1d: {  	_ = 	snop  }
0x1e: {  	[tilespmem:s14], [sflag:$0x5] =	stream.linear.gather [hbm4b:s8+s3], $0x50, $0x38;
	[tilespmem:$0x1B260] =	vst v63  }
0x1f: {  	s17 =	rddreg [dreg:$0x7]  }
0x20: {  	[tilespmem:s16], [sflag:$0x6] =	stream.linear.gather [hbm4b:s17+s3], $0x50, $0x38;
	[tilespmem:$0x1B260] =	vst v63  }
0x21: {  	s10 =	rddreg [dreg:$0x8]  }
0x22: {  	[tilespmem:s18], [sflag:$0x6] =	stream.linear.gather [hbm4b:s10+s3], $0x50, $0x38;
	[tilespmem:$0x1B260] =	vst v63  }
0x23: {  	_ =	swait.ge [sflag:s19], $0x50  }
0x24: {  	[sflag:s19] =	ssyncset.done $0x0  }
0x25: {  	[sflag:s19] =	ssyncadd.s32 $0xFFFFFFB0  }
0x26: {  	_ =	swait.ge [sflag:s19], $0x50  }
0x27: {  	[sflag:s19] =	ssyncset.done $0x0  }
0x28: {  	[sflag:s19] =	ssyncadd.s32 $0xFFFFFFB0  }
0x29: {  	[tilespmem:s21], [sflag:$0x1] =	stream.indirect.gather [hbm4b:s4+s20], $0x80, s13, s20, $0xb8;
	[tilespmem:$0x1B260] =	vst v63  }
0x2a: {  	_ =	swait.ge [sflag:s22], $0x2800  }
0x2b: {  	[sflag:s22] =	ssyncset.done $0x0  }
0x2c: {  	[sflag:s22] =	ssyncadd.s32 $0xFFFFD800  }
0x2d: {  	[spmem:s2] =	stream.indirect.scatter.add.f32 [tilespmem:s21], [sflag:$0x2], $0x80, s14, s20, $0xb8;
	[tilespmem:$0x1B260] =	vst v63  }
0x2e: {  	_ = 	snop  }
0x2f: {  	[tilespmem:s24], [sflag:$0x7] =	stream.linear.gather [hbm4b:s23+s3], $0x50, $0x38;
	[tilespmem:$0x1B260] =	vst v63  }
0x30: {  	s15 =	sadd.s32 $0x14, s8  }
0x31: {  	[tilespmem:s25], [sflag:$0x7] =	stream.linear.gather [hbm4b:s15+s3], $0x50, $0x38;
	[tilespmem:$0x1B260] =	vst v63  }
0x32: {  	_ =	swait.ge [sflag:s26], $0x50  }
0x33: {  	[sflag:s26] =	ssyncset.done $0x0  }
0x34: {  	[sflag:s26] =	ssyncadd.s32 $0xFFFFFFB0  }
0x35: {  	_ =	swait.ge [sflag:s26], $0x50  }
0x36: {  	[sflag:s26] =	ssyncset.done $0x0  }
0x37: {  	[sflag:s26] =	ssyncadd.s32 $0xFFFFFFB0  }
0x38: {  	[tilespmem:s28], [sflag:$0x1] =	stream.indirect.gather [hbm4b:s4+s20], $0x80, s16, s20, $0xb8;
	[tilespmem:$0x1B260] =	vst v63  }
0x39: {  	_ =	swait.ge [sflag:s22], $0x2800  }
0x3a: {  	[sflag:s22] =	ssyncset.done $0x0  }
0x3b: {  	[sflag:s22] =	ssyncadd.s32 $0xFFFFD800  }
0x3c: {  	[spmem:s2] =	stream.indirect.scatter.add.f32 [tilespmem:s28], [sflag:$0x3], $0x80, s18, s20, $0xb8;
	[tilespmem:$0x1B260] =	vst v63  }
0x3d: {  	_ =	swait.ge [sflag:s29], $0x2800  }
0x3e: {  	s9 =	sadd.s32 $0x0, s7;
	[sflag:s29] =	ssyncset.done $0x0  }
0x3f: {  	s10 =	sadd.s32 $0x1E, s9;
	s15 =	sadd.s32 $0x0, s8;
	[sflag:s29] =	ssyncadd.s32 $0xFFFFD800  }
0x40: {  	[tilespmem:s13], [sflag:$0x5] =	stream.linear.gather [hbm4b:s10+s3], $0x50, $0x38;
	[tilespmem:$0x1B260] =	vst v63  }
0x41: {  	s17 =	sadd.s32 $0x1E, s15  }
0x42: {  	[tilespmem:s14], [sflag:$0x5] =	stream.linear.gather [hbm4b:s17+s3], $0x50, $0x38;
	[tilespmem:$0x1B260] =	vst v63  }
0x43: {  	_ =	swait.ge [sflag:s30], $0x50  }
0x44: {  	[sflag:s30] =	ssyncset.done $0x0  }
0x45: {  	[sflag:s30] =	ssyncadd.s32 $0xFFFFFFB0  }
0x46: {  	_ =	swait.ge [sflag:s30], $0x50  }
0x47: {  	[sflag:s30] =	ssyncset.done $0x0  }
0x48: {  	[sflag:s30] =	ssyncadd.s32 $0xFFFFFFB0  }
0x49: {  	[tilespmem:s31], [sflag:$0x1] =	stream.indirect.gather [hbm4b:s4+s20], $0x80, s24, s20, $0xb8;
	[tilespmem:$0x1B260] =	vst v63  }
0x4a: {  	_ =	swait.ge [sflag:s22], $0x2800  }
0x4b: {  	[sflag:s22] =	ssyncset.done $0x0  }
0x4c: {  	[sflag:s22] =	ssyncadd.s32 $0xFFFFD800  }
0x4d: {  	[spmem:s2] =	stream.indirect.scatter.add.f32 [tilespmem:s31], [sflag:$0x4], $0x80, s25, s20, $0xb8;
	[tilespmem:$0x1B260] =	vst v63  }
0x4e: {  	_ =	swait.ge [sflag:s1], $0x2800  }
0x4f: {  	[sflag:s1] =	ssyncset.done $0x0  }
0x50: {  	s17 =	sadd.s32 $0x28, s9;
	[sflag:s1] =	ssyncadd.s32 $0xFFFFD800  }
0x51: {  	[tilespmem:s16], [sflag:$0x6] =	stream.linear.gather [hbm4b:s17+s3], $0x50, $0x38;
	[tilespmem:$0x1B260] =	vst v63  }
0x52: {  	s17 =	sadd.s32 $0x28, s15  }
0x53: {  	[tilespmem:s18], [sflag:$0x6] =	stream.linear.gather [hbm4b:s17+s3], $0x50, $0x38;
	[tilespmem:$0x1B260] =	vst v63  }
0x54: {  	_ =	swait.ge [sflag:s19], $0x50  }
0x55: {  	[sflag:s19] =	ssyncset.done $0x0  }
0x56: {  	[sflag:s19] =	ssyncadd.s32 $0xFFFFFFB0  }
0x57: {  	_ =	swait.ge [sflag:s19], $0x50  }
0x58: {  	[sflag:s19] =	ssyncset.done $0x0  }
0x59: {  	[sflag:s19] =	ssyncadd.s32 $0xFFFFFFB0  }
0x5a: {  	[tilespmem:s21], [sflag:$0x1] =	stream.indirect.gather [hbm4b:s4+s20], $0x80, s13, s20, $0xb8;
	[tilespmem:$0x1B260] =	vst v63  }
0x5b: {  	_ =	swait.ge [sflag:s22], $0x2800  }
0x5c: {  	[sflag:s22] =	ssyncset.done $0x0  }
0x5d: {  	[sflag:s22] =	ssyncadd.s32 $0xFFFFD800  }
0x5e: {  	[spmem:s2] =	stream.indirect.scatter.add.f32 [tilespmem:s21], [sflag:$0x2], $0x80, s14, s20, $0xb8;
	[tilespmem:$0x1B260] =	vst v63  }
0x5f: {  	_ =	swait.ge [sflag:s0], $0x2800  }
0x60: {  	[sflag:s0] =	ssyncset.done $0x0  }
0x61: {  	s9 =	sadd.s32 $0x32, s9;
	[sflag:s0] =	ssyncadd.s32 $0xFFFFD800  }
0x62: {  	[tilespmem:s24], [sflag:$0x7] =	stream.linear.gather [hbm4b:s9+s3], $0x50, $0x38;
	[tilespmem:$0x1B260] =	vst v63  }
0x63: {  	s17 =	sadd.s32 $0x32, s15  }
0x64: {  	[tilespmem:s25], [sflag:$0x7] =	stream.linear.gather [hbm4b:s17+s3], $0x50, $0x38;
	[tilespmem:$0x1B260] =	vst v63  }
0x65: {  	_ =	swait.ge [sflag:s26], $0x50  }
0x66: {  	[sflag:s26] =	ssyncset.done $0x0  }
0x67: {  	[sflag:s26] =	ssyncadd.s32 $0xFFFFFFB0  }
0x68: {  	_ =	swait.ge [sflag:s26], $0x50  }
0x69: {  	[sflag:s26] =	ssyncset.done $0x0  }
0x6a: {  	s9 =	simm.s32 $0x1E;
	[sflag:s26] =	ssyncadd.s32 $0xFFFFFFB0  }
.LBB2_2:
0x6b: {  	[tilespmem:s28], [sflag:$0x1] =	stream.indirect.gather [hbm4b:s4+s20], $0x80, s16, s20, $0xb8;
	[tilespmem:$0x1B260] =	vst v63  }
0x6c: {  	s15 =	smov.u32 s9  }
0x6d: {  	p0 =	sne.s32 s9, $0x492;
	s9 =	sadd.s32 $0x1E, s9;
	_ =	swait.ge [sflag:s22], $0x2800  }
0x6e: {  	[sflag:s22] =	ssyncset.done $0x0  }
0x6f: {  	[sflag:s22] =	ssyncadd.s32 $0xFFFFD800  }
0x70: {  	[spmem:s2] =	stream.indirect.scatter.add.f32 [tilespmem:s28], [sflag:$0x3], $0x80, s18, s20, $0xb8;
	[tilespmem:$0x1B260] =	vst v63  }
0x71: {  	_ =	swait.ge [sflag:s29], $0x2800  }
0x72: {  	s10 =	sadd.s32 s15, s7;
	[sflag:s29] =	ssyncset.done $0x0  }
0x73: {  	s15 =	sadd.s32 s15, s8;
	s17 =	sadd.s32 $0x1E, s10;
	[sflag:s29] =	ssyncadd.s32 $0xFFFFD800  }
0x74: {  	[tilespmem:s13], [sflag:$0x5] =	stream.linear.gather [hbm4b:s17+s3], $0x50, $0x38;
	[tilespmem:$0x1B260] =	vst v63  }
0x75: {  	s17 =	sadd.s32 $0x1E, s15  }
0x76: {  	[tilespmem:s14], [sflag:$0x5] =	stream.linear.gather [hbm4b:s17+s3], $0x50, $0x38;
	[tilespmem:$0x1B260] =	vst v63  }
0x77: {  	_ =	swait.ge [sflag:s30], $0x50  }
0x78: {  	[sflag:s30] =	ssyncset.done $0x0  }
0x79: {  	[sflag:s30] =	ssyncadd.s32 $0xFFFFFFB0  }
0x7a: {  	_ =	swait.ge [sflag:s30], $0x50  }
0x7b: {  	[sflag:s30] =	ssyncset.done $0x0  }
0x7c: {  	[sflag:s30] =	ssyncadd.s32 $0xFFFFFFB0  }
0x7d: {  	[tilespmem:s31], [sflag:$0x1] =	stream.indirect.gather [hbm4b:s4+s20], $0x80, s24, s20, $0xb8;
	[tilespmem:$0x1B260] =	vst v63  }
0x7e: {  	_ =	swait.ge [sflag:s22], $0x2800  }
0x7f: {  	[sflag:s22] =	ssyncset.done $0x0  }
0x80: {  	[sflag:s22] =	ssyncadd.s32 $0xFFFFD800  }
0x81: {  	[spmem:s2] =	stream.indirect.scatter.add.f32 [tilespmem:s31], [sflag:$0x4], $0x80, s25, s20, $0xb8;
	[tilespmem:$0x1B260] =	vst v63  }
0x82: {  	_ =	swait.ge [sflag:s1], $0x2800  }
0x83: {  	[sflag:s1] =	ssyncset.done $0x0  }
0x84: {  	s17 =	sadd.s32 $0x28, s10;
	[sflag:s1] =	ssyncadd.s32 $0xFFFFD800  }
0x85: {  	[tilespmem:s16], [sflag:$0x6] =	stream.linear.gather [hbm4b:s17+s3], $0x50, $0x38;
	[tilespmem:$0x1B260] =	vst v63  }
0x86: {  	s17 =	sadd.s32 $0x28, s15  }
0x87: {  	[tilespmem:s18], [sflag:$0x6] =	stream.linear.gather [hbm4b:s17+s3], $0x50, $0x38;
	[tilespmem:$0x1B260] =	vst v63  }
0x88: {  	_ =	swait.ge [sflag:s19], $0x50  }
0x89: {  	[sflag:s19] =	ssyncset.done $0x0  }
0x8a: {  	[sflag:s19] =	ssyncadd.s32 $0xFFFFFFB0  }
0x8b: {  	_ =	swait.ge [sflag:s19], $0x50  }
0x8c: {  	[sflag:s19] =	ssyncset.done $0x0  }
0x8d: {  	[sflag:s19] =	ssyncadd.s32 $0xFFFFFFB0  }
0x8e: {  	[tilespmem:s21], [sflag:$0x1] =	stream.indirect.gather [hbm4b:s4+s20], $0x80, s13, s20, $0xb8;
	[tilespmem:$0x1B260] =	vst v63  }
0x8f: {  	_ =	swait.ge [sflag:s22], $0x2800  }
0x90: {  	[sflag:s22] =	ssyncset.done $0x0  }
0x91: {  	[sflag:s22] =	ssyncadd.s32 $0xFFFFD800  }
0x92: {  	[spmem:s2] =	stream.indirect.scatter.add.f32 [tilespmem:s21], [sflag:$0x2], $0x80, s14, s20, $0xb8;
	[tilespmem:$0x1B260] =	vst v63  }
0x93: {  	_ =	swait.ge [sflag:s0], $0x2800  }
0x94: {  	[sflag:s0] =	ssyncset.done $0x0  }
0x95: {  	s10 =	sadd.s32 $0x32, s10;
	[sflag:s0] =	ssyncadd.s32 $0xFFFFD800  }
0x96: {  	[tilespmem:s24], [sflag:$0x7] =	stream.linear.gather [hbm4b:s10+s3], $0x50, $0x38;
	[tilespmem:$0x1B260] =	vst v63  }
0x97: {  	s10 =	sadd.s32 $0x32, s15  }
0x98: {  	[tilespmem:s25], [sflag:$0x7] =	stream.linear.gather [hbm4b:s10+s3], $0x50, $0x38;
	[tilespmem:$0x1B260] =	vst v63  }
0x99: {  	_ =	swait.ge [sflag:s26], $0x50  }
.Ltmp0:
0x9a: {  	[sflag:s26] =	ssyncset.done $0x0;
	(pc) =	sbr.rel @p0 .LBB2_2-.Ltmp0, $4  }
0x9b: {  	[sflag:s26] =	ssyncadd.s32 $0xFFFFFFB0  }
0x9c: {  	_ =	swait.ge [sflag:s26], $0x50  }
0x9d: {  	[sflag:s26] =	ssyncset.done $0x0  }
0x9e: {  	[sflag:s26] =	ssyncadd.s32 $0xFFFFFFB0  }
0x9f: {  	[tilespmem:s28], [sflag:$0x1] =	stream.indirect.gather [hbm4b:s4+s20], $0x80, s16, s20, $0xb8;
	[tilespmem:$0x1B260] =	vst v63  }
0xa0: {  	_ =	swait.ge [sflag:s22], $0x2800  }
0xa1: {  	[sflag:s22] =	ssyncset.done $0x0  }
0xa2: {  	[sflag:s22] =	ssyncadd.s32 $0xFFFFD800  }
0xa3: {  	[spmem:s2] =	stream.indirect.scatter.add.f32 [tilespmem:s28], [sflag:$0x3], $0x80, s18, s20, $0xb8;
	[tilespmem:$0x1B260] =	vst v63  }
0xa4: {  	_ =	swait.ge [sflag:s29], $0x2800  }
0xa5: {  	[sflag:s29] =	ssyncset.done $0x0  }
0xa6: {  	s9 =	sadd.s32 $0x4CE, s7;
	[sflag:s29] =	ssyncadd.s32 $0xFFFFD800  }
0xa7: {  	[tilespmem:s13], [sflag:$0x5] =	stream.linear.gather [hbm4b:s9+s3], $0x50, $0x38;
	[tilespmem:$0x1B260] =	vst v63  }
0xa8: {  	s15 =	sadd.s32 $0x4CE, s8  }
0xa9: {  	[tilespmem:s14], [sflag:$0x5] =	stream.linear.gather [hbm4b:s15+s3], $0x50, $0x38;
	[tilespmem:$0x1B260] =	vst v63  }
0xaa: {  	_ =	swait.ge [sflag:s30], $0x50  }
0xab: {  	[sflag:s30] =	ssyncset.done $0x0  }
0xac: {  	[sflag:s30] =	ssyncadd.s32 $0xFFFFFFB0  }
0xad: {  	_ =	swait.ge [sflag:s30], $0x50  }
0xae: {  	[sflag:s30] =	ssyncset.done $0x0  }
0xaf: {  	[sflag:s30] =	ssyncadd.s32 $0xFFFFFFB0  }
0xb0: {  	[tilespmem:s31], [sflag:$0x1] =	stream.indirect.gather [hbm4b:s4+s20], $0x80, s24, s20, $0xb8;
	[tilespmem:$0x1B260] =	vst v63  }
0xb1: {  	_ =	swait.ge [sflag:s22], $0x2800  }
0xb2: {  	[sflag:s22] =	ssyncset.done $0x0  }
0xb3: {  	[sflag:s22] =	ssyncadd.s32 $0xFFFFD800  }
0xb4: {  	[spmem:s2] =	stream.indirect.scatter.add.f32 [tilespmem:s31], [sflag:$0x4], $0x80, s25, s20, $0xb8;
	[tilespmem:$0x1B260] =	vst v63  }
0xb5: {  	_ =	swait.ge [sflag:s1], $0x2800  }
0xb6: {  	[sflag:s1] =	ssyncset.done $0x0  }
0xb7: {  	s17 =	sadd.s32 $0x4D8, s7;
	[sflag:s1] =	ssyncadd.s32 $0xFFFFD800  }
0xb8: {  	[tilespmem:s16], [sflag:$0x6] =	stream.linear.gather [hbm4b:s17+s3], $0x50, $0x38;
	[tilespmem:$0x1B260] =	vst v63  }
0xb9: {  	s10 =	sadd.s32 $0x4D8, s8  }
0xba: {  	[tilespmem:s18], [sflag:$0x6] =	stream.linear.gather [hbm4b:s10+s3], $0x50, $0x38;
	[tilespmem:$0x1B260] =	vst v63  }
0xbb: {  	_ =	swait.ge [sflag:s19], $0x50  }
0xbc: {  	[sflag:s19] =	ssyncset.done $0x0  }
0xbd: {  	[sflag:s19] =	ssyncadd.s32 $0xFFFFFFB0  }
0xbe: {  	_ =	swait.ge [sflag:s19], $0x50  }
0xbf: {  	[sflag:s19] =	ssyncset.done $0x0  }
0xc0: {  	[sflag:s19] =	ssyncadd.s32 $0xFFFFFFB0  }
0xc1: {  	[tilespmem:s21], [sflag:$0x1] =	stream.indirect.gather [hbm4b:s4+s20], $0x80, s13, s20, $0xb8;
	[tilespmem:$0x1B260] =	vst v63  }
0xc2: {  	_ =	swait.ge [sflag:s22], $0x2800  }
0xc3: {  	[sflag:s22] =	ssyncset.done $0x0  }
0xc4: {  	[sflag:s22] =	ssyncadd.s32 $0xFFFFD800  }
0xc5: {  	[spmem:s2] =	stream.indirect.scatter.add.f32 [tilespmem:s21], [sflag:$0x2], $0x80, s14, s20, $0xb8;
	[tilespmem:$0x1B260] =	vst v63  }
0xc6: {  	_ =	swait.ge [sflag:s0], $0x2800  }
0xc7: {  	[sflag:s0] =	ssyncset.done $0x0  }
0xc8: {  	[sflag:s0] =	ssyncadd.s32 $0xFFFFD800  }
0xc9: {  	_ =	swait.ge [sflag:s26], $0x50  }
0xca: {  	[sflag:s26] =	ssyncset.done $0x0  }
0xcb: {  	[sflag:s26] =	ssyncadd.s32 $0xFFFFFFB0  }
0xcc: {  	_ =	swait.ge [sflag:s26], $0x50  }
0xcd: {  	[sflag:s26] =	ssyncset.done $0x0  }
0xce: {  	[sflag:s26] =	ssyncadd.s32 $0xFFFFFFB0  }
0xcf: {  	[tilespmem:s28], [sflag:$0x1] =	stream.indirect.gather [hbm4b:s4+s20], $0x80, s16, s20, $0xb8;
	[tilespmem:$0x1B260] =	vst v63  }
0xd0: {  	_ =	swait.ge [sflag:s22], $0x2800  }
0xd1: {  	[sflag:s22] =	ssyncset.done $0x0  }
0xd2: {  	[sflag:s22] =	ssyncadd.s32 $0xFFFFD800  }
0xd3: {  	[spmem:s2] =	stream.indirect.scatter.add.f32 [tilespmem:s28], [sflag:$0x3], $0x80, s18, s20, $0xb8;
	[tilespmem:$0x1B260] =	vst v63  }
0xd4: {  	_ =	swait.ge [sflag:s29], $0x2800  }
0xd5: {  	[sflag:s29] =	ssyncset.done $0x0  }
0xd6: {  	[sflag:s29] =	ssyncadd.s32 $0xFFFFD800  }
0xd7: {  	_ =	swait.ge [sflag:s1], $0x2800  }
0xd8: {  	[sflag:s1] =	ssyncset.done $0x0  }
0xd9: {  	[sflag:s1] =	ssyncadd.s32 $0xFFFFD800  }
0xda: {  	[bflag:$0x0] =	sbarrier.arrive $0xFFFF  }
0xdb: {  	s15 =	rddreg [dreg:$0x5]  }
0xdc: {  	[hbm:s15], [sflag:s6] =	dma.local [spmem:s11], $0x2710  }
0xdd: {  	_ =	swait.ge [sflag:s12], $0x2710  }
0xde: {  	s5 =	sadd.s32 $0x1, s5;
	s17 =	rddreg [dreg:$0x6]  }
0xdf: {  	p0 =	sne.s32 s5, s17  }
.Ltmp1:
0xe0: {  	_ = 	snop;
	(pc) =	sbr.rel @p0 .LBB2_1-.Ltmp1, $3  }
0xe1: {  	_ =	sdelay $0x1  }
0xe2: {  	[sflag:s12] =	ssyncset.done $0x0  }
0xe3: {  	[sflag:s12] =	ssyncadd.s32 $0xFFFFD8F0  }
0xe4: {  	_ =	sfence.sel $0x180000  }
0xe5: {  	[bflag:$0x0] =	sbarrier.arrive $0xFFFF  }
0xe6: {  	_ =	strace $0x9000004A  }
0xe7: {  	s0 =	stileid.u32;
	[bflag:$0x2] =	sbarrier.arrive $0xFFFF  }
0xe8: {  	p0 =	sne.s32 s0, $0x0;
	s0 =	rddreg [dreg:$0x3]  }
0xe9: {  	s0 =	sadd.s32 @!p0 $0x100000, s0  }
0xea: {  	[sflag:s0] =	ssyncadd.tile.s32 @!p0 $0x1;
	_ =	shalt  }
.Lfunc_end2:
_tile_overlayer_lowered:
.L_overlay_start_2:
0xeb: {  	(tag) =	ssettag $0x2  }
0xec: {  	s0 =	rddreg [dreg:$0x0];
	s2 =	stileid.u32  }
0xed: {  	s1 =	rddreg [dreg:$0x1];
	p0 =	sne.s32 s2, $0x0  }
0xee: {  	s3 =	rddreg [dreg:$0x2];
	[bflag:$0x3] =	sbarrier.arrive $0xFFFF;
	s2 =	simm.s32 @!p0 $0x1C08  }
0xef: {  	[timem:s3], [sflag:s2] =	dma.local @!p0 [hbm:s0], s1  }
0xf0: {  	s0 =	simm.s32 @!p0 $0x8  }
0xf1: {  	_ =	swait.ge @!p0 [sflag:s0], s1  }
0xf2: {  	s1 =	ssub.s32 @!p0 $0x0, s1;
	[sflag:s0] =	ssyncset.done @!p0 $0x0  }
0xf3: {  	[sflag:s0] =	ssyncadd.s32 @!p0 s1  }
0xf4: {  	[bflag:$0x3] =	sbarrier.arrive $0xFFFF  }
0xf5: {  	_ =	shalt  }

</sc_bundles>
